<compile_context>
chip_gen: v7x
topology: tpu7x:2x2x1
jax: 0.10.2.dev20260603
libtpu: 0.0.44.dev20260713+nightly
codegen_flags: <defaults>
</compile_context>

<pallas_src>
import functools

import jax
import jax.numpy as jnp
from jax import lax
from jax.experimental import pallas as pl
from jax.experimental.pallas import tpu as pltpu
from jax.experimental.pallas import tpu_sc as plsc

_BATCH = 16384
_EMBED_DIM = 16
_GLOBAL_MEAN = 3.5

_info = plsc.get_sparse_core_info()
_NC, _NS, _L = _info.num_cores, _info.num_subcores, _info.num_lanes
_NW = _NC * _NS
_BPW = _BATCH // _NW
_G = 8
_NG = _BPW // _G


def _sc_body(idx_hbm, utab_hbm, itab_hbm, ubias_hbm, ibias_hbm,
             out_hbm, uidx_v, iidx_v, ublk_v, iblk_v, ubb_v, ibb_v, out_v,
             sem0, sem1):
    wid = lax.axis_index("s") * _NC + lax.axis_index("c")
    base = wid * _BPW

    pltpu.sync_copy(idx_hbm.at[0].at[pl.ds(base, _BPW)],
                    uidx_v.at[pl.ds(0, _BPW)])
    pltpu.sync_copy(idx_hbm.at[1].at[pl.ds(base, _BPW)],
                    iidx_v.at[pl.ds(0, _BPW)])

    def fire(g, p, sem):
        gs = g * _G
        uvec = uidx_v[pl.ds(gs, _L)]
        ivec = iidx_v[pl.ds(gs, _L)]
        for k in range(_G):
            r = uvec[k]
            s = ivec[k]
            ru = pl.multiple_of((r >> 7) << 7, 128)
            si = pl.multiple_of((s >> 7) << 7, 128)
            pltpu.async_copy(
                utab_hbm.at[pl.ds(0, 8), pl.ds(ru, 128)],
                ublk_v.at[p, k, pl.ds(0, 8), :], sem)
            pltpu.async_copy(
                utab_hbm.at[pl.ds(8, 8), pl.ds(ru, 128)],
                ublk_v.at[p, k, pl.ds(8, 8), :], sem)
            pltpu.async_copy(
                itab_hbm.at[pl.ds(0, 8), pl.ds(si, 128)],
                iblk_v.at[p, k, pl.ds(0, 8), :], sem)
            pltpu.async_copy(
                itab_hbm.at[pl.ds(8, 8), pl.ds(si, 128)],
                iblk_v.at[p, k, pl.ds(8, 8), :], sem)
            pltpu.async_copy(
                ubias_hbm.at[:, pl.ds(ru, 128)],
                ubb_v.at[p, pl.ds(k, 1), :], sem)
            pltpu.async_copy(
                ibias_hbm.at[:, pl.ds(si, 128)],
                ibb_v.at[p, pl.ds(k, 1), :], sem)

    def drain(p, sem):
        for k in range(_G):
            pltpu.make_async_copy(
                utab_hbm.at[:, pl.ds(0, 128)], ublk_v.at[p, k], sem).wait()
            pltpu.make_async_copy(
                itab_hbm.at[:, pl.ds(0, 128)], iblk_v.at[p, k], sem).wait()
            pltpu.make_async_copy(
                ubias_hbm.at[:, pl.ds(0, 128)],
                ubb_v.at[p, pl.ds(k, 1), :], sem).wait()
            pltpu.make_async_copy(
                ibias_hbm.at[:, pl.ds(0, 128)],
                ibb_v.at[p, pl.ds(k, 1), :], sem).wait()

    kvec = lax.bitwise_and(lax.iota(jnp.int32, _L), jnp.int32(_G - 1))

    def compute(g, p):
        gs = g * _G
        uvec = uidx_v[pl.ds(gs, _L)]
        ivec = iidx_v[pl.ds(gs, _L)]
        ulane = lax.bitwise_and(uvec, jnp.int32(127))
        ilane = lax.bitwise_and(ivec, jnp.int32(127))
        pvec = jnp.full((_L,), p, jnp.int32)
        acc = plsc.load_gather(ubb_v, [pvec, kvec, ulane])
        acc = acc + plsc.load_gather(ibb_v, [pvec, kvec, ilane])
        acc = acc + jnp.float32(_GLOBAL_MEAN)
        for d in range(_EMBED_DIM):
            dvec = jnp.full((_L,), d, jnp.int32)
            u = plsc.load_gather(ublk_v, [pvec, kvec, dvec, ulane])
            v = plsc.load_gather(iblk_v, [pvec, kvec, dvec, ilane])
            acc = acc + u * v
        out_v[pl.ds(gs, _L)] = 1.0 / (1.0 + jnp.exp(-acc))

    fire(0, 0, sem0)

    def step(i, carry):
        g0 = i * 2
        g1 = g0 + 1
        fire(g1, 1, sem1)
        drain(0, sem0)
        compute(g0, 0)

        @pl.when(i < _NG // 2 - 1)
        def _():
            fire(g0 + 2, 0, sem0)

        drain(1, sem1)
        compute(g1, 1)
        return carry

    lax.fori_loop(0, _NG // 2, step, 0)

    pltpu.sync_copy(out_v.at[pl.ds(0, _BPW)], out_hbm.at[pl.ds(base, _BPW)])


@jax.jit
def _sc_call(inputs_t, user_embedding_t, item_embedding_t,
             user_bias_t, item_bias_t):
    mesh = plsc.VectorSubcoreMesh(core_axis_name="c", subcore_axis_name="s")
    f = functools.partial(
        pl.kernel,
        out_type=jax.ShapeDtypeStruct((_BATCH,), jnp.float32),
        mesh=mesh,
        scratch_types=[
            pltpu.VMEM((_BPW + _L,), jnp.int32),
            pltpu.VMEM((_BPW + _L,), jnp.int32),
            pltpu.VMEM((2, _G, _EMBED_DIM, 128), jnp.float32),
            pltpu.VMEM((2, _G, _EMBED_DIM, 128), jnp.float32),
            pltpu.VMEM((2, _G, 128), jnp.float32),
            pltpu.VMEM((2, _G, 128), jnp.float32),
            pltpu.VMEM((_BPW + _L,), jnp.float32),
            pltpu.SemaphoreType.DMA,
            pltpu.SemaphoreType.DMA,
        ],
        compiler_params=pltpu.CompilerParams(needs_layout_passes=False),
    )(_sc_body)
    return f(inputs_t, user_embedding_t, item_embedding_t,
             user_bias_t, item_bias_t)


def kernel(inputs, user_embedding, item_embedding, user_bias, item_bias):
    out = _sc_call(inputs.T, user_embedding.T, item_embedding.T,
                   user_bias.T, item_bias.T)
    return out.reshape(_BATCH, 1)

# --- scband reference (transcript-rebuilt; emitter-appended) ---
"""Pipeline reference for scband-svd-53085795779147 (READ-ONLY COPY).

The authoritative reference and input builder live on the scoring server;
editing this copy changes nothing except your own understanding.
"""

import jax, jax.numpy as jnp
import numpy as np

N_USERS = 1000000
N_ITEMS = 1000000
EMBED_DIM = 16
BATCH = 16384
GLOBAL_MEAN = np.float32(3.5)


def setup_inputs(seed: int = 0) -> dict:
    key = jax.random.key(seed)
    k1, k2, k3 = jax.random.split(key, 3)
    inputs = jax.random.randint(k1, (BATCH, 2), 0, N_USERS, dtype=jnp.int64 if jax.config.jax_enable_x64 else jnp.int32).astype(jnp.int32)
    # Learned parameters (RandomNormal init with default stddev=0.05 like keras)
    user_embedding = jax.random.normal(k2, (N_USERS, EMBED_DIM), dtype=jnp.float32) * 0.05
    item_embedding = jax.random.normal(k3, (N_ITEMS, EMBED_DIM), dtype=jnp.float32) * 0.05
    user_bias = jnp.zeros((N_USERS, 1), dtype=jnp.float32)
    item_bias = jnp.zeros((N_ITEMS, 1), dtype=jnp.float32)
    return {
        "inputs": inputs,
        "user_embedding": user_embedding,
        "item_embedding": item_embedding,
        "user_bias": user_bias,
        "item_bias": item_bias,
    }


def reference(inputs, user_embedding, item_embedding, user_bias, item_bias):
    user = inputs[:, 0]
    item = inputs[:, 1]
    user_embed = jnp.take(user_embedding, user, axis=0)  # [B, D]
    item_embed = jnp.take(item_embedding, item, axis=0)  # [B, D]
    rating = jnp.sum(user_embed * item_embed, axis=1, keepdims=True)  # [B, 1]
    u_bias = jnp.take(user_bias, user, axis=0)  # [B, 1]
    i_bias = jnp.take(item_bias, item, axis=0)  # [B, 1]
    rating = rating + (GLOBAL_MEAN + (u_bias + i_bias))
    return jax.nn.sigmoid(rating)

if __name__ == "__main__":
    import jax
    _d = setup_inputs()
    print(jax.jit(kernel)(*tuple(_d.values())))

</pallas_src>

<mosaic_0001>
#map = affine_map<(d0, d1) -> (0, 0)>
#map1 = affine_map<(d0, d1) -> (0)>
module attributes {stable_mosaic.version = 14 : i64} {
  func.func @_sc_body(%arg0: i32, %arg1: i32, %arg2: memref<2x16384xi32, #tpu.memory_space<hbm>>, %arg3: memref<16x1000000xf32, #tpu.memory_space<hbm>>, %arg4: memref<16x1000000xf32, #tpu.memory_space<hbm>>, %arg5: memref<1x1000000xf32, #tpu.memory_space<hbm>>, %arg6: memref<1x1000000xf32, #tpu.memory_space<hbm>>, %arg7: memref<16384xf32, #tpu.memory_space<hbm>>, %arg8: memref<528xi32, #tpu.memory_space<vmem>>, %arg9: memref<528xi32, #tpu.memory_space<vmem>>, %arg10: memref<2x8x16x128xf32, #tpu.memory_space<vmem>>, %arg11: memref<2x8x16x128xf32, #tpu.memory_space<vmem>>, %arg12: memref<2x8x128xf32, #tpu.memory_space<vmem>>, %arg13: memref<2x8x128xf32, #tpu.memory_space<vmem>>, %arg14: memref<528xf32, #tpu.memory_space<vmem>>, %arg15: memref<!tpu.dma_semaphore, #tpu.memory_space<semaphore_mem>>, %arg16: memref<!tpu.dma_semaphore, #tpu.memory_space<semaphore_mem>>) attributes {dimension_semantics = [#tpu.dimension_semantics<core_parallel>, #tpu.dimension_semantics<subcore_parallel>], iteration_bounds = array<i64: 2, 16>, scalar_prefetch = 0 : i64, scratch_operands = 9 : i64, tpu.core_type = #tpu.core_type<sc_vector_subcore>, window_params = [{transform_indices = #map}, {transform_indices = #map}, {transform_indices = #map}, {transform_indices = #map}, {transform_indices = #map}, {transform_indices = #map1}]} {
    %mul3A = arith.constant 2 : i32
    %mul3A_0 = arith.muli %arg1, %mul3A : i32
    %add3A = arith.addi %mul3A_0, %arg0 : i32
    %mul3A_1 = arith.constant 512 : i32
    %mul3A_2 = arith.muli %add3A, %mul3A_1 : i32
    %run_scoped3A = arith.constant 0 : i32
    "tpu.region"() ({
      %run_scoped3A_776 = tpu.sem_alloc : memref<!tpu.dma_semaphore, #tpu.memory_space<semaphore_mem>>
      %dma_start3A_777 = arith.constant 0 : i32
      %dma_start3A_778 = tpu.memref_slice %arg8[%dma_start3A_777] : memref<528xi32, #tpu.memory_space<vmem>> -> memref<512xi32, #tpu.memory_space<vmem>>
      %dma_start3A_779 = arith.constant 0 : i32
      %dma_start3A_780 = tpu.memref_slice %arg2[%run_scoped3A, %dma_start3A_779] : memref<2x16384xi32, #tpu.memory_space<hbm>> -> memref<1x16384xi32, #tpu.memory_space<hbm>>
      %dma_start3A_781 = tpu.memref_squeeze %dma_start3A_780 : memref<1x16384xi32, #tpu.memory_space<hbm>> -> memref<16384xi32, #tpu.memory_space<hbm>>
      %dma_start3A_782 = tpu.memref_slice %dma_start3A_781[%mul3A_2] : memref<16384xi32, #tpu.memory_space<hbm>> -> memref<512xi32, #tpu.memory_space<hbm>>
      %dma_start3A_783 = arith.constant 0 : i32
      %dma_start3A_784 = tpu.memref_slice %arg8[%dma_start3A_783] : memref<528xi32, #tpu.memory_space<vmem>> -> memref<512xi32, #tpu.memory_space<vmem>>
      %dma_start3A_785 = arith.constant 0 : i32
      %dma_start3A_786 = tpu.memref_slice %arg2[%run_scoped3A, %dma_start3A_785] : memref<2x16384xi32, #tpu.memory_space<hbm>> -> memref<1x16384xi32, #tpu.memory_space<hbm>>
      %dma_start3A_787 = tpu.memref_squeeze %dma_start3A_786 : memref<1x16384xi32, #tpu.memory_space<hbm>> -> memref<16384xi32, #tpu.memory_space<hbm>>
      %dma_start3A_788 = tpu.memref_slice %dma_start3A_787[%mul3A_2] : memref<16384xi32, #tpu.memory_space<hbm>> -> memref<512xi32, #tpu.memory_space<hbm>>
      tpu.enqueue_dma source(%dma_start3A_788 : memref<512xi32, #tpu.memory_space<hbm>>) target(%dma_start3A_784 : memref<512xi32, #tpu.memory_space<vmem>>) target_semaphore(%run_scoped3A_776 : memref<!tpu.dma_semaphore, #tpu.memory_space<semaphore_mem>>)
      %dma_wait3A = arith.constant 0 : i32
      %dma_wait3A_789 = tpu.memref_slice %arg8[%dma_wait3A] : memref<528xi32, #tpu.memory_space<vmem>> -> memref<512xi32, #tpu.memory_space<vmem>>
      %dma_wait3A_790 = arith.constant 0 : i32
      %dma_wait3A_791 = tpu.memref_slice %arg2[%run_scoped3A, %dma_wait3A_790] : memref<2x16384xi32, #tpu.memory_space<hbm>> -> memref<1x16384xi32, #tpu.memory_space<hbm>>
      %dma_wait3A_792 = tpu.memref_squeeze %dma_wait3A_791 : memref<1x16384xi32, #tpu.memory_space<hbm>> -> memref<16384xi32, #tpu.memory_space<hbm>>
      %dma_wait3A_793 = tpu.memref_slice %dma_wait3A_792[%mul3A_2] : memref<16384xi32, #tpu.memory_space<hbm>> -> memref<512xi32, #tpu.memory_space<hbm>>
      %dma_wait3A_794 = arith.constant 0 : i32
      %dma_wait3A_795 = tpu.memref_slice %arg8[%dma_wait3A_794] : memref<528xi32, #tpu.memory_space<vmem>> -> memref<512xi32, #tpu.memory_space<vmem>>
      %dma_wait3A_796 = arith.constant 0 : i32
      %dma_wait3A_797 = tpu.memref_slice %arg2[%run_scoped3A, %dma_wait3A_796] : memref<2x16384xi32, #tpu.memory_space<hbm>> -> memref<1x16384xi32, #tpu.memory_space<hbm>>
      %dma_wait3A_798 = tpu.memref_squeeze %dma_wait3A_797 : memref<1x16384xi32, #tpu.memory_space<hbm>> -> memref<16384xi32, #tpu.memory_space<hbm>>
      %dma_wait3A_799 = tpu.memref_slice %dma_wait3A_798[%mul3A_2] : memref<16384xi32, #tpu.memory_space<hbm>> -> memref<512xi32, #tpu.memory_space<hbm>>
      tpu.wait_dma2 semaphore(%run_scoped3A_776 : memref<!tpu.dma_semaphore, #tpu.memory_space<semaphore_mem>>) src(%dma_wait3A_799 : memref<512xi32, #tpu.memory_space<hbm>>) dst(%dma_wait3A_795 : memref<512xi32, #tpu.memory_space<vmem>>)
      tpu.yield
    }) : () -> ()
    %run_scoped3A_3 = arith.constant 1 : i32
    "tpu.region"() ({
      %run_scoped3A_776 = tpu.sem_alloc : memref<!tpu.dma_semaphore, #tpu.memory_space<semaphore_mem>>
      %dma_start3A_777 = arith.constant 0 : i32
      %dma_start3A_778 = tpu.memref_slice %arg9[%dma_start3A_777] : memref<528xi32, #tpu.memory_space<vmem>> -> memref<512xi32, #tpu.memory_space<vmem>>
      %dma_start3A_779 = arith.constant 0 : i32
      %dma_start3A_780 = tpu.memref_slice %arg2[%run_scoped3A_3, %dma_start3A_779] : memref<2x16384xi32, #tpu.memory_space<hbm>> -> memref<1x16384xi32, #tpu.memory_space<hbm>>
      %dma_start3A_781 = tpu.memref_squeeze %dma_start3A_780 : memref<1x16384xi32, #tpu.memory_space<hbm>> -> memref<16384xi32, #tpu.memory_space<hbm>>
      %dma_start3A_782 = tpu.memref_slice %dma_start3A_781[%mul3A_2] : memref<16384xi32, #tpu.memory_space<hbm>> -> memref<512xi32, #tpu.memory_space<hbm>>
      %dma_start3A_783 = arith.constant 0 : i32
      %dma_start3A_784 = tpu.memref_slice %arg9[%dma_start3A_783] : memref<528xi32, #tpu.memory_space<vmem>> -> memref<512xi32, #tpu.memory_space<vmem>>
      %dma_start3A_785 = arith.constant 0 : i32
      %dma_start3A_786 = tpu.memref_slice %arg2[%run_scoped3A_3, %dma_start3A_785] : memref<2x16384xi32, #tpu.memory_space<hbm>> -> memref<1x16384xi32, #tpu.memory_space<hbm>>
      %dma_start3A_787 = tpu.memref_squeeze %dma_start3A_786 : memref<1x16384xi32, #tpu.memory_space<hbm>> -> memref<16384xi32, #tpu.memory_space<hbm>>
      %dma_start3A_788 = tpu.memref_slice %dma_start3A_787[%mul3A_2] : memref<16384xi32, #tpu.memory_space<hbm>> -> memref<512xi32, #tpu.memory_space<hbm>>
      tpu.enqueue_dma source(%dma_start3A_788 : memref<512xi32, #tpu.memory_space<hbm>>) target(%dma_start3A_784 : memref<512xi32, #tpu.memory_space<vmem>>) target_semaphore(%run_scoped3A_776 : memref<!tpu.dma_semaphore, #tpu.memory_space<semaphore_mem>>)
      %dma_wait3A = arith.constant 0 : i32
      %dma_wait3A_789 = tpu.memref_slice %arg9[%dma_wait3A] : memref<528xi32, #tpu.memory_space<vmem>> -> memref<512xi32, #tpu.memory_space<vmem>>
      %dma_wait3A_790 = arith.constant 0 : i32
      %dma_wait3A_791 = tpu.memref_slice %arg2[%run_scoped3A_3, %dma_wait3A_790] : memref<2x16384xi32, #tpu.memory_space<hbm>> -> memref<1x16384xi32, #tpu.memory_space<hbm>>
      %dma_wait3A_792 = tpu.memref_squeeze %dma_wait3A_791 : memref<1x16384xi32, #tpu.memory_space<hbm>> -> memref<16384xi32, #tpu.memory_space<hbm>>
      %dma_wait3A_793 = tpu.memref_slice %dma_wait3A_792[%mul3A_2] : memref<16384xi32, #tpu.memory_space<hbm>> -> memref<512xi32, #tpu.memory_space<hbm>>
      %dma_wait3A_794 = arith.constant 0 : i32
      %dma_wait3A_795 = tpu.memref_slice %arg9[%dma_wait3A_794] : memref<528xi32, #tpu.memory_space<vmem>> -> memref<512xi32, #tpu.memory_space<vmem>>
      %dma_wait3A_796 = arith.constant 0 : i32
      %dma_wait3A_797 = tpu.memref_slice %arg2[%run_scoped3A_3, %dma_wait3A_796] : memref<2x16384xi32, #tpu.memory_space<hbm>> -> memref<1x16384xi32, #tpu.memory_space<hbm>>
      %dma_wait3A_798 = tpu.memref_squeeze %dma_wait3A_797 : memref<1x16384xi32, #tpu.memory_space<hbm>> -> memref<16384xi32, #tpu.memory_space<hbm>>
      %dma_wait3A_799 = tpu.memref_slice %dma_wait3A_798[%mul3A_2] : memref<16384xi32, #tpu.memory_space<hbm>> -> memref<512xi32, #tpu.memory_space<hbm>>
      tpu.wait_dma2 semaphore(%run_scoped3A_776 : memref<!tpu.dma_semaphore, #tpu.memory_space<semaphore_mem>>) src(%dma_wait3A_799 : memref<512xi32, #tpu.memory_space<hbm>>) dst(%dma_wait3A_795 : memref<512xi32, #tpu.memory_space<vmem>>)
      tpu.yield
    }) : () -> ()
    %iota3A = tpu.iota {dimensions = array<i32: 0>} : vector<16xi32>
    %and3A = arith.constant 7 : i32
    %and3A_4 = vector.broadcast %and3A : i32 to vector<16xi32>
    %and3A_5 = arith.andi %iota3A, %and3A_4 : vector<16xi32>
    %get3A = arith.constant 0 : index
    %get3A_6 = tpu.vector_load %arg8[%get3A] {strides = array<i32>} : memref<528xi32, #tpu.memory_space<vmem>>, vector<16xi32>,
    %get3A_7 = arith.constant 0 : index
    %get3A_8 = tpu.vector_load %arg9[%get3A_7] {strides = array<i32>} : memref<528xi32, #tpu.memory_space<vmem>>, vector<16xi32>,
    %slice3A = vector.extract_strided_slice %get3A_6 {offsets = [0], sizes = [1], strides = [1]} : vector<16xi32> to vector<1xi32>
    %squeeze3A = vector.extract %slice3A[0] : i32 from vector<1xi32>
    %slice3A_9 = vector.extract_strided_slice %get3A_8 {offsets = [0], sizes = [1], strides = [1]} : vector<16xi32> to vector<1xi32>
    %squeeze3A_10 = vector.extract %slice3A_9[0] : i32 from vector<1xi32>
    %shift_right_arithmetic3A = arith.constant 7 : i32
    %shift_right_arithmetic3A_11 = arith.shrsi %squeeze3A, %shift_right_arithmetic3A : i32
    %shift_left3A = arith.constant 7 : i32
    %shift_left3A_12 = arith.shli %shift_right_arithmetic3A_11, %shift_left3A : i32
    %multiple_of3A = tpu.assume_multiple %shift_left3A_12, 128 : i32
    %shift_right_arithmetic3A_13 = arith.constant 7 : i32
    %shift_right_arithmetic3A_14 = arith.shrsi %squeeze3A_10, %shift_right_arithmetic3A_13 : i32
    %shift_left3A_15 = arith.constant 7 : i32
    %shift_left3A_16 = arith.shli %shift_right_arithmetic3A_14, %shift_left3A_15 : i32
    %multiple_of3A_17 = tpu.assume_multiple %shift_left3A_16, 128 : i32
    %dma_start3A = arith.constant 0 : i32
    %dma_start3A_18 = arith.constant 0 : i32
    %dma_start3A_19 = arith.constant 0 : i32
    %dma_start3A_20 = arith.constant 0 : i32
    %dma_start3A_21 = tpu.memref_slice %arg10[%dma_start3A, %dma_start3A_18, %dma_start3A_19, %dma_start3A_20] : memref<2x8x16x128xf32, #tpu.memory_space<vmem>> -> memref<1x1x8x128xf32, #tpu.memory_space<vmem>>
    %dma_start3A_22 = tpu.memref_squeeze %dma_start3A_21 : memref<1x1x8x128xf32, #tpu.memory_space<vmem>> -> memref<8x128xf32, #tpu.memory_space<vmem>>
    %dma_start3A_23 = arith.constant 0 : i32
    %dma_start3A_24 = tpu.memref_slice %arg3[%dma_start3A_23, %multiple_of3A] : memref<16x1000000xf32, #tpu.memory_space<hbm>> -> memref<8x128xf32, #tpu.memory_space<hbm>>
    %dma_start3A_25 = arith.constant 0 : i32
    %dma_start3A_26 = arith.constant 0 : i32
    %dma_start3A_27 = tpu.memref_slice %arg10[%dma_start3A, %dma_start3A_18, %dma_start3A_25, %dma_start3A_26] : memref<2x8x16x128xf32, #tpu.memory_space<vmem>> -> memref<1x1x8x128xf32, #tpu.memory_space<vmem>>
    %dma_start3A_28 = tpu.memref_squeeze %dma_start3A_27 : memref<1x1x8x128xf32, #tpu.memory_space<vmem>> -> memref<8x128xf32, #tpu.memory_space<vmem>>
    %dma_start3A_29 = arith.constant 0 : i32
    %dma_start3A_30 = tpu.memref_slice %arg3[%dma_start3A_29, %multiple_of3A] : memref<16x1000000xf32, #tpu.memory_space<hbm>> -> memref<8x128xf32, #tpu.memory_space<hbm>>
    tpu.enqueue_dma source(%dma_start3A_30 : memref<8x128xf32, #tpu.memory_space<hbm>>) target(%dma_start3A_28 : memref<8x128xf32, #tpu.memory_space<vmem>>) target_semaphore(%arg15 : memref<!tpu.dma_semaphore, #tpu.memory_space<semaphore_mem>>)
    %dma_start3A_31 = arith.constant 0 : i32
    %dma_start3A_32 = arith.constant 0 : i32
    %dma_start3A_33 = arith.constant 8 : i32
    %dma_start3A_34 = arith.constant 0 : i32
    %dma_start3A_35 = tpu.memref_slice %arg10[%dma_start3A_31, %dma_start3A_32, %dma_start3A_33, %dma_start3A_34] : memref<2x8x16x128xf32, #tpu.memory_space<vmem>> -> memref<1x1x8x128xf32, #tpu.memory_space<vmem>>
    %dma_start3A_36 = tpu.memref_squeeze %dma_start3A_35 : memref<1x1x8x128xf32, #tpu.memory_space<vmem>> -> memref<8x128xf32, #tpu.memory_space<vmem>>
    %dma_start3A_37 = arith.constant 8 : i32
    %dma_start3A_38 = tpu.memref_slice %arg3[%dma_start3A_37, %multiple_of3A] : memref<16x1000000xf32, #tpu.memory_space<hbm>> -> memref<8x128xf32, #tpu.memory_space<hbm>>
    %dma_start3A_39 = arith.constant 8 : i32
    %dma_start3A_40 = arith.constant 0 : i32
    %dma_start3A_41 = tpu.memref_slice %arg10[%dma_start3A_31, %dma_start3A_32, %dma_start3A_39, %dma_start3A_40] : memref<2x8x16x128xf32, #tpu.memory_space<vmem>> -> memref<1x1x8x128xf32, #tpu.memory_space<vmem>>
    %dma_start3A_42 = tpu.memref_squeeze %dma_start3A_41 : memref<1x1x8x128xf32, #tpu.memory_space<vmem>> -> memref<8x128xf32, #tpu.memory_space<vmem>>
    %dma_start3A_43 = arith.constant 8 : i32
    %dma_start3A_44 = tpu.memref_slice %arg3[%dma_start3A_43, %multiple_of3A] : memref<16x1000000xf32, #tpu.memory_space<hbm>> -> memref<8x128xf32, #tpu.memory_space<hbm>>
    tpu.enqueue_dma source(%dma_start3A_44 : memref<8x128xf32, #tpu.memory_space<hbm>>) target(%dma_start3A_42 : memref<8x128xf32, #tpu.memory_space<vmem>>) target_semaphore(%arg15 : memref<!tpu.dma_semaphore, #tpu.memory_space<semaphore_mem>>)
    %dma_start3A_45 = arith.constant 0 : i32
    %dma_start3A_46 = arith.constant 0 : i32
    %dma_start3A_47 = arith.constant 0 : i32
    %dma_start3A_48 = arith.constant 0 : i32
    %dma_start3A_49 = tpu.memref_slice %arg11[%dma_start3A_45, %dma_start3A_46, %dma_start3A_47, %dma_start3A_48] : memref<2x8x16x128xf32, #tpu.memory_space<vmem>> -> memref<1x1x8x128xf32, #tpu.memory_space<vmem>>
    %dma_start3A_50 = tpu.memref_squeeze %dma_start3A_49 : memref<1x1x8x128xf32, #tpu.memory_space<vmem>> -> memref<8x128xf32, #tpu.memory_space<vmem>>
    %dma_start3A_51 = arith.constant 0 : i32
    %dma_start3A_52 = tpu.memref_slice %arg4[%dma_start3A_51, %multiple_of3A_17] : memref<16x1000000xf32, #tpu.memory_space<hbm>> -> memref<8x128xf32, #tpu.memory_space<hbm>>
    %dma_start3A_53 = arith.constant 0 : i32
    %dma_start3A_54 = arith.constant 0 : i32
    %dma_start3A_55 = tpu.memref_slice %arg11[%dma_start3A_45, %dma_start3A_46, %dma_start3A_53, %dma_start3A_54] : memref<2x8x16x128xf32, #tpu.memory_space<vmem>> -> memref<1x1x8x128xf32, #tpu.memory_space<vmem>>
    %dma_start3A_56 = tpu.memref_squeeze %dma_start3A_55 : memref<1x1x8x128xf32, #tpu.memory_space<vmem>> -> memref<8x128xf32, #tpu.memory_space<vmem>>
    %dma_start3A_57 = arith.constant 0 : i32
    %dma_start3A_58 = tpu.memref_slice %arg4[%dma_start3A_57, %multiple_of3A_17] : memref<16x1000000xf32, #tpu.memory_space<hbm>> -> memref<8x128xf32, #tpu.memory_space<hbm>>
    tpu.enqueue_dma source(%dma_start3A_58 : memref<8x128xf32, #tpu.memory_space<hbm>>) target(%dma_start3A_56 : memref<8x128xf32, #tpu.memory_space<vmem>>) target_semaphore(%arg15 : memref<!tpu.dma_semaphore, #tpu.memory_space<semaphore_mem>>)
    %dma_start3A_59 = arith.constant 0 : i32
    %dma_start3A_60 = arith.constant 0 : i32
    %dma_start3A_61 = arith.constant 8 : i32
    %dma_start3A_62 = arith.constant 0 : i32
    %dma_start3A_63 = tpu.memref_slice %arg11[%dma_start3A_59, %dma_start3A_60, %dma_start3A_61, %dma_start3A_62] : memref<2x8x16x128xf32, #tpu.memory_space<vmem>> -> memref<1x1x8x128xf32, #tpu.memory_space<vmem>>
    %dma_start3A_64 = tpu.memref_squeeze %dma_start3A_63 : memref<1x1x8x128xf32, #tpu.memory_space<vmem>> -> memref<8x128xf32, #tpu.memory_space<vmem>>
    %dma_start3A_65 = arith.constant 8 : i32
    %dma_start3A_66 = tpu.memref_slice %arg4[%dma_start3A_65, %multiple_of3A_17] : memref<16x1000000xf32, #tpu.memory_space<hbm>> -> memref<8x128xf32, #tpu.memory_space<hbm>>
    %dma_start3A_67 = arith.constant 8 : i32
    %dma_start3A_68 = arith.constant 0 : i32
    %dma_start3A_69 = tpu.memref_slice %arg11[%dma_start3A_59, %dma_start3A_60, %dma_start3A_67, %dma_start3A_68] : memref<2x8x16x128xf32, #tpu.memory_space<vmem>> -> memref<1x1x8x128xf32, #tpu.memory_space<vmem>>
    %dma_start3A_70 = tpu.memref_squeeze %dma_start3A_69 : memref<1x1x8x128xf32, #tpu.memory_space<vmem>> -> memref<8x128xf32, #tpu.memory_space<vmem>>
    %dma_start3A_71 = arith.constant 8 : i32
    %dma_start3A_72 = tpu.memref_slice %arg4[%dma_start3A_71, %multiple_of3A_17] : memref<16x1000000xf32, #tpu.memory_space<hbm>> -> memref<8x128xf32, #tpu.memory_space<hbm>>
    tpu.enqueue_dma source(%dma_start3A_72 : memref<8x128xf32, #tpu.memory_space<hbm>>) target(%dma_start3A_70 : memref<8x128xf32, #tpu.memory_space<vmem>>) target_semaphore(%arg15 : memref<!tpu.dma_semaphore, #tpu.memory_space<semaphore_mem>>)
    %dma_start3A_73 = arith.constant 0 : i32
    %dma_start3A_74 = arith.constant 0 : i32
    %dma_start3A_75 = arith.constant 0 : i32
    %dma_start3A_76 = tpu.memref_slice %arg12[%dma_start3A_73, %dma_start3A_74, %dma_start3A_75] : memref<2x8x128xf32, #tpu.memory_space<vmem>> -> memref<1x1x128xf32, #tpu.memory_space<vmem>>
    %dma_start3A_77 = tpu.memref_squeeze %dma_start3A_76 : memref<1x1x128xf32, #tpu.memory_space<vmem>> -> memref<1x128xf32, #tpu.memory_space<vmem>>
    %dma_start3A_78 = arith.constant 0 : i32
    %dma_start3A_79 = tpu.memref_slice %arg5[%dma_start3A_78, %multiple_of3A] : memref<1x1000000xf32, #tpu.memory_space<hbm>> -> memref<1x128xf32, #tpu.memory_space<hbm>>
    %dma_start3A_80 = arith.constant 0 : i32
    %dma_start3A_81 = arith.constant 0 : i32
    %dma_start3A_82 = tpu.memref_slice %arg12[%dma_start3A_73, %dma_start3A_80, %dma_start3A_81] : memref<2x8x128xf32, #tpu.memory_space<vmem>> -> memref<1x1x128xf32, #tpu.memory_space<vmem>>
    %dma_start3A_83 = tpu.memref_squeeze %dma_start3A_82 : memref<1x1x128xf32, #tpu.memory_space<vmem>> -> memref<1x128xf32, #tpu.memory_space<vmem>>
    %dma_start3A_84 = arith.constant 0 : i32
    %dma_start3A_85 = tpu.memref_slice %arg5[%dma_start3A_84, %multiple_of3A] : memref<1x1000000xf32, #tpu.memory_space<hbm>> -> memref<1x128xf32, #tpu.memory_space<hbm>>
    tpu.enqueue_dma source(%dma_start3A_85 : memref<1x128xf32, #tpu.memory_space<hbm>>) target(%dma_start3A_83 : memref<1x128xf32, #tpu.memory_space<vmem>>) target_semaphore(%arg15 : memref<!tpu.dma_semaphore, #tpu.memory_space<semaphore_mem>>)
    %dma_start3A_86 = arith.constant 0 : i32
    %dma_start3A_87 = arith.constant 0 : i32
    %dma_start3A_88 = arith.constant 0 : i32
    %dma_start3A_89 = tpu.memref_slice %arg13[%dma_start3A_86, %dma_start3A_87, %dma_start3A_88] : memref<2x8x128xf32, #tpu.memory_space<vmem>> -> memref<1x1x128xf32, #tpu.memory_space<vmem>>
    %dma_start3A_90 = tpu.memref_squeeze %dma_start3A_89 : memref<1x1x128xf32, #tpu.memory_space<vmem>> -> memref<1x128xf32, #tpu.memory_space<vmem>>
    %dma_start3A_91 = arith.constant 0 : i32
    %dma_start3A_92 = tpu.memref_slice %arg6[%dma_start3A_91, %multiple_of3A_17] : memref<1x1000000xf32, #tpu.memory_space<hbm>> -> memref<1x128xf32, #tpu.memory_space<hbm>>
    %dma_start3A_93 = arith.constant 0 : i32
    %dma_start3A_94 = arith.constant 0 : i32
    %dma_start3A_95 = tpu.memref_slice %arg13[%dma_start3A_86, %dma_start3A_93, %dma_start3A_94] : memref<2x8x128xf32, #tpu.memory_space<vmem>> -> memref<1x1x128xf32, #tpu.memory_space<vmem>>
    %dma_start3A_96 = tpu.memref_squeeze %dma_start3A_95 : memref<1x1x128xf32, #tpu.memory_space<vmem>> -> memref<1x128xf32, #tpu.memory_space<vmem>>
    %dma_start3A_97 = arith.constant 0 : i32
    %dma_start3A_98 = tpu.memref_slice %arg6[%dma_start3A_97, %multiple_of3A_17] : memref<1x1000000xf32, #tpu.memory_space<hbm>> -> memref<1x128xf32, #tpu.memory_space<hbm>>
    tpu.enqueue_dma source(%dma_start3A_98 : memref<1x128xf32, #tpu.memory_space<hbm>>) target(%dma_start3A_96 : memref<1x128xf32, #tpu.memory_space<vmem>>) target_semaphore(%arg15 : memref<!tpu.dma_semaphore, #tpu.memory_space<semaphore_mem>>)
    %slice3A_99 = vector.extract_strided_slice %get3A_6 {offsets = [1], sizes = [1], strides = [1]} : vector<16xi32> to vector<1xi32>
    %squeeze3A_100 = vector.extract %slice3A_99[0] : i32 from vector<1xi32>
    %slice3A_101 = vector.extract_strided_slice %get3A_8 {offsets = [1], sizes = [1], strides = [1]} : vector<16xi32> to vector<1xi32>
    %squeeze3A_102 = vector.extract %slice3A_101[0] : i32 from vector<1xi32>
    %shift_right_arithmetic3A_103 = arith.constant 7 : i32
    %shift_right_arithmetic3A_104 = arith.shrsi %squeeze3A_100, %shift_right_arithmetic3A_103 : i32
    %shift_left3A_105 = arith.constant 7 : i32
    %shift_left3A_106 = arith.shli %shift_right_arithmetic3A_104, %shift_left3A_105 : i32
    %multiple_of3A_107 = tpu.assume_multiple %shift_left3A_106, 128 : i32
    %shift_right_arithmetic3A_108 = arith.constant 7 : i32
    %shift_right_arithmetic3A_109 = arith.shrsi %squeeze3A_102, %shift_right_arithmetic3A_108 : i32
    %shift_left3A_110 = arith.constant 7 : i32
    %shift_left3A_111 = arith.shli %shift_right_arithmetic3A_109, %shift_left3A_110 : i32
    %multiple_of3A_112 = tpu.assume_multiple %shift_left3A_111, 128 : i32
    %dma_start3A_113 = arith.constant 0 : i32
    %dma_start3A_114 = arith.constant 1 : i32
    %dma_start3A_115 = arith.constant 0 : i32
    %dma_start3A_116 = arith.constant 0 : i32
    %dma_start3A_117 = tpu.memref_slice %arg10[%dma_start3A_113, %dma_start3A_114, %dma_start3A_115, %dma_start3A_116] : memref<2x8x16x128xf32, #tpu.memory_space<vmem>> -> memref<1x1x8x128xf32, #tpu.memory_space<vmem>>
    %dma_start3A_118 = tpu.memref_squeeze %dma_start3A_117 : memref<1x1x8x128xf32, #tpu.memory_space<vmem>> -> memref<8x128xf32, #tpu.memory_space<vmem>>
    %dma_start3A_119 = arith.constant 0 : i32
    %dma_start3A_120 = tpu.memref_slice %arg3[%dma_start3A_119, %multiple_of3A_107] : memref<16x1000000xf32, #tpu.memory_space<hbm>> -> memref<8x128xf32, #tpu.memory_space<hbm>>
    %dma_start3A_121 = arith.constant 0 : i32
    %dma_start3A_122 = arith.constant 0 : i32
    %dma_start3A_123 = tpu.memref_slice %arg10[%dma_start3A_113, %dma_start3A_114, %dma_start3A_121, %dma_start3A_122] : memref<2x8x16x128xf32, #tpu.memory_space<vmem>> -> memref<1x1x8x128xf32, #tpu.memory_space<vmem>>
    %dma_start3A_124 = tpu.memref_squeeze %dma_start3A_123 : memref<1x1x8x128xf32, #tpu.memory_space<vmem>> -> memref<8x128xf32, #tpu.memory_space<vmem>>
    %dma_start3A_125 = arith.constant 0 : i32
    %dma_start3A_126 = tpu.memref_slice %arg3[%dma_start3A_125, %multiple_of3A_107] : memref<16x1000000xf32, #tpu.memory_space<hbm>> -> memref<8x128xf32, #tpu.memory_space<hbm>>
    tpu.enqueue_dma source(%dma_start3A_126 : memref<8x128xf32, #tpu.memory_space<hbm>>) target(%dma_start3A_124 : memref<8x128xf32, #tpu.memory_space<vmem>>) target_semaphore(%arg15 : memref<!tpu.dma_semaphore, #tpu.memory_space<semaphore_mem>>)
    %dma_start3A_127 = arith.constant 0 : i32
    %dma_start3A_128 = arith.constant 1 : i32
    %dma_start3A_129 = arith.constant 8 : i32
    %dma_start3A_130 = arith.constant 0 : i32
    %dma_start3A_131 = tpu.memref_slice %arg10[%dma_start3A_127, %dma_start3A_128, %dma_start3A_129, %dma_start3A_130] : memref<2x8x16x128xf32, #tpu.memory_space<vmem>> -> memref<1x1x8x128xf32, #tpu.memory_space<vmem>>
    %dma_start3A_132 = tpu.memref_squeeze %dma_start3A_131 : memref<1x1x8x128xf32, #tpu.memory_space<vmem>> -> memref<8x128xf32, #tpu.memory_space<vmem>>
    %dma_start3A_133 = arith.constant 8 : i32
    %dma_start3A_134 = tpu.memref_slice %arg3[%dma_start3A_133, %multiple_of3A_107] : memref<16x1000000xf32, #tpu.memory_space<hbm>> -> memref<8x128xf32, #tpu.memory_space<hbm>>
    %dma_start3A_135 = arith.constant 8 : i32
    %dma_start3A_136 = arith.constant 0 : i32
    %dma_start3A_137 = tpu.memref_slice %arg10[%dma_start3A_127, %dma_start3A_128, %dma_start3A_135, %dma_start3A_136] : memref<2x8x16x128xf32, #tpu.memory_space<vmem>> -> memref<1x1x8x128xf32, #tpu.memory_space<vmem>>
    %dma_start3A_138 = tpu.memref_squeeze %dma_start3A_137 : memref<1x1x8x128xf32, #tpu.memory_space<vmem>> -> memref<8x128xf32, #tpu.memory_space<vmem>>
    %dma_start3A_139 = arith.constant 8 : i32
    %dma_start3A_140 = tpu.memref_slice %arg3[%dma_start3A_139, %multiple_of3A_107] : memref<16x1000000xf32, #tpu.memory_space<hbm>> -> memref<8x128xf32, #tpu.memory_space<hbm>>
    tpu.enqueue_dma source(%dma_start3A_140 : memref<8x128xf32, #tpu.memory_space<hbm>>) target(%dma_start3A_138 : memref<8x128xf32, #tpu.memory_space<vmem>>) target_semaphore(%arg15 : memref<!tpu.dma_semaphore, #tpu.memory_space<semaphore_mem>>)
    %dma_start3A_141 = arith.constant 0 : i32
    %dma_start3A_142 = arith.constant 1 : i32
    %dma_start3A_143 = arith.constant 0 : i32
    %dma_start3A_144 = arith.constant 0 : i32
    %dma_start3A_145 = tpu.memref_slice %arg11[%dma_start3A_141, %dma_start3A_142, %dma_start3A_143, %dma_start3A_144] : memref<2x8x16x128xf32, #tpu.memory_space<vmem>> -> memref<1x1x8x128xf32, #tpu.memory_space<vmem>>
    %dma_start3A_146 = tpu.memref_squeeze %dma_start3A_145 : memref<1x1x8x128xf32, #tpu.memory_space<vmem>> -> memref<8x128xf32, #tpu.memory_space<vmem>>
    %dma_start3A_147 = arith.constant 0 : i32
    %dma_start3A_148 = tpu.memref_slice %arg4[%dma_start3A_147, %multiple_of3A_112] : memref<16x1000000xf32, #tpu.memory_space<hbm>> -> memref<8x128xf32, #tpu.memory_space<hbm>>
    %dma_start3A_149 = arith.constant 0 : i32
    %dma_start3A_150 = arith.constant 0 : i32
    %dma_start3A_151 = tpu.memref_slice %arg11[%dma_start3A_141, %dma_start3A_142, %dma_start3A_149, %dma_start3A_150] : memref<2x8x16x128xf32, #tpu.memory_space<vmem>> -> memref<1x1x8x128xf32, #tpu.memory_space<vmem>>
    %dma_start3A_152 = tpu.memref_squeeze %dma_start3A_151 : memref<1x1x8x128xf32, #tpu.memory_space<vmem>> -> memref<8x128xf32, #tpu.memory_space<vmem>>
    %dma_start3A_153 = arith.constant 0 : i32
    %dma_start3A_154 = tpu.memref_slice %arg4[%dma_start3A_153, %multiple_of3A_112] : memref<16x1000000xf32, #tpu.memory_space<hbm>> -> memref<8x128xf32, #tpu.memory_space<hbm>>
    tpu.enqueue_dma source(%dma_start3A_154 : memref<8x128xf32, #tpu.memory_space<hbm>>) target(%dma_start3A_152 : memref<8x128xf32, #tpu.memory_space<vmem>>) target_semaphore(%arg15 : memref<!tpu.dma_semaphore, #tpu.memory_space<semaphore_mem>>)
    %dma_start3A_155 = arith.constant 0 : i32
    %dma_start3A_156 = arith.constant 1 : i32
    %dma_start3A_157 = arith.constant 8 : i32
    %dma_start3A_158 = arith.constant 0 : i32
    %dma_start3A_159 = tpu.memref_slice %arg11[%dma_start3A_155, %dma_start3A_156, %dma_start3A_157, %dma_start3A_158] : memref<2x8x16x128xf32, #tpu.memory_space<vmem>> -> memref<1x1x8x128xf32, #tpu.memory_space<vmem>>
    %dma_start3A_160 = tpu.memref_squeeze %dma_start3A_159 : memref<1x1x8x128xf32, #tpu.memory_space<vmem>> -> memref<8x128xf32, #tpu.memory_space<vmem>>
    %dma_start3A_161 = arith.constant 8 : i32
    %dma_start3A_162 = tpu.memref_slice %arg4[%dma_start3A_161, %multiple_of3A_112] : memref<16x1000000xf32, #tpu.memory_space<hbm>> -> memref<8x128xf32, #tpu.memory_space<hbm>>
    %dma_start3A_163 = arith.constant 8 : i32
    %dma_start3A_164 = arith.constant 0 : i32
    %dma_start3A_165 = tpu.memref_slice %arg11[%dma_start3A_155, %dma_start3A_156, %dma_start3A_163, %dma_start3A_164] : memref<2x8x16x128xf32, #tpu.memory_space<vmem>> -> memref<1x1x8x128xf32, #tpu.memory_space<vmem>>
    %dma_start3A_166 = tpu.memref_squeeze %dma_start3A_165 : memref<1x1x8x128xf32, #tpu.memory_space<vmem>> -> memref<8x128xf32, #tpu.memory_space<vmem>>
    %dma_start3A_167 = arith.constant 8 : i32
    %dma_start3A_168 = tpu.memref_slice %arg4[%dma_start3A_167, %multiple_of3A_112] : memref<16x1000000xf32, #tpu.memory_space<hbm>> -> memref<8x128xf32, #tpu.memory_space<hbm>>
    tpu.enqueue_dma source(%dma_start3A_168 : memref<8x128xf32, #tpu.memory_space<hbm>>) target(%dma_start3A_166 : memref<8x128xf32, #tpu.memory_space<vmem>>) target_semaphore(%arg15 : memref<!tpu.dma_semaphore, #tpu.memory_space<semaphore_mem>>)
    %dma_start3A_169 = arith.constant 0 : i32
    %dma_start3A_170 = arith.constant 1 : i32
    %dma_start3A_171 = arith.constant 0 : i32
    %dma_start3A_172 = tpu.memref_slice %arg12[%dma_start3A_169, %dma_start3A_170, %dma_start3A_171] : memref<2x8x128xf32, #tpu.memory_space<vmem>> -> memref<1x1x128xf32, #tpu.memory_space<vmem>>
    %dma_start3A_173 = tpu.memref_squeeze %dma_start3A_172 : memref<1x1x128xf32, #tpu.memory_space<vmem>> -> memref<1x128xf32, #tpu.memory_space<vmem>>
    %dma_start3A_174 = arith.constant 0 : i32
    %dma_start3A_175 = tpu.memref_slice %arg5[%dma_start3A_174, %multiple_of3A_107] : memref<1x1000000xf32, #tpu.memory_space<hbm>> -> memref<1x128xf32, #tpu.memory_space<hbm>>
    %dma_start3A_176 = arith.constant 1 : i32
    %dma_start3A_177 = arith.constant 0 : i32
    %dma_start3A_178 = tpu.memref_slice %arg12[%dma_start3A_169, %dma_start3A_176, %dma_start3A_177] : memref<2x8x128xf32, #tpu.memory_space<vmem>> -> memref<1x1x128xf32, #tpu.memory_space<vmem>>
    %dma_start3A_179 = tpu.memref_squeeze %dma_start3A_178 : memref<1x1x128xf32, #tpu.memory_space<vmem>> -> memref<1x128xf32, #tpu.memory_space<vmem>>
    %dma_start3A_180 = arith.constant 0 : i32
    %dma_start3A_181 = tpu.memref_slice %arg5[%dma_start3A_180, %multiple_of3A_107] : memref<1x1000000xf32, #tpu.memory_space<hbm>> -> memref<1x128xf32, #tpu.memory_space<hbm>>
    tpu.enqueue_dma source(%dma_start3A_181 : memref<1x128xf32, #tpu.memory_space<hbm>>) target(%dma_start3A_179 : memref<1x128xf32, #tpu.memory_space<vmem>>) target_semaphore(%arg15 : memref<!tpu.dma_semaphore, #tpu.memory_space<semaphore_mem>>)
    %dma_start3A_182 = arith.constant 0 : i32
    %dma_start3A_183 = arith.constant 1 : i32
    %dma_start3A_184 = arith.constant 0 : i32
    %dma_start3A_185 = tpu.memref_slice %arg13[%dma_start3A_182, %dma_start3A_183, %dma_start3A_184] : memref<2x8x128xf32, #tpu.memory_space<vmem>> -> memref<1x1x128xf32, #tpu.memory_space<vmem>>
    %dma_start3A_186 = tpu.memref_squeeze %dma_start3A_185 : memref<1x1x128xf32, #tpu.memory_space<vmem>> -> memref<1x128xf32, #tpu.memory_space<vmem>>
    %dma_start3A_187 = arith.constant 0 : i32
    %dma_start3A_188 = tpu.memref_slice %arg6[%dma_start3A_187, %multiple_of3A_112] : memref<1x1000000xf32, #tpu.memory_space<hbm>> -> memref<1x128xf32, #tpu.memory_space<hbm>>
    %dma_start3A_189 = arith.constant 1 : i32
    %dma_start3A_190 = arith.constant 0 : i32
    %dma_start3A_191 = tpu.memref_slice %arg13[%dma_start3A_182, %dma_start3A_189, %dma_start3A_190] : memref<2x8x128xf32, #tpu.memory_space<vmem>> -> memref<1x1x128xf32, #tpu.memory_space<vmem>>
    %dma_start3A_192 = tpu.memref_squeeze %dma_start3A_191 : memref<1x1x128xf32, #tpu.memory_space<vmem>> -> memref<1x128xf32, #tpu.memory_space<vmem>>
    %dma_start3A_193 = arith.constant 0 : i32
    %dma_start3A_194 = tpu.memref_slice %arg6[%dma_start3A_193, %multiple_of3A_112] : memref<1x1000000xf32, #tpu.memory_space<hbm>> -> memref<1x128xf32, #tpu.memory_space<hbm>>
    tpu.enqueue_dma source(%dma_start3A_194 : memref<1x128xf32, #tpu.memory_space<hbm>>) target(%dma_start3A_192 : memref<1x128xf32, #tpu.memory_space<vmem>>) target_semaphore(%arg15 : memref<!tpu.dma_semaphore, #tpu.memory_space<semaphore_mem>>)
    %slice3A_195 = vector.extract_strided_slice %get3A_6 {offsets = [2], sizes = [1], strides = [1]} : vector<16xi32> to vector<1xi32>
    %squeeze3A_196 = vector.extract %slice3A_195[0] : i32 from vector<1xi32>
    %slice3A_197 = vector.extract_strided_slice %get3A_8 {offsets = [2], sizes = [1], strides = [1]} : vector<16xi32> to vector<1xi32>
    %squeeze3A_198 = vector.extract %slice3A_197[0] : i32 from vector<1xi32>
    %shift_right_arithmetic3A_199 = arith.constant 7 : i32
    %shift_right_arithmetic3A_200 = arith.shrsi %squeeze3A_196, %shift_right_arithmetic3A_199 : i32
    %shift_left3A_201 = arith.constant 7 : i32
    %shift_left3A_202 = arith.shli %shift_right_arithmetic3A_200, %shift_left3A_201 : i32
    %multiple_of3A_203 = tpu.assume_multiple %shift_left3A_202, 128 : i32
    %shift_right_arithmetic3A_204 = arith.constant 7 : i32
    %shift_right_arithmetic3A_205 = arith.shrsi %squeeze3A_198, %shift_right_arithmetic3A_204 : i32
    %shift_left3A_206 = arith.constant 7 : i32
    %shift_left3A_207 = arith.shli %shift_right_arithmetic3A_205, %shift_left3A_206 : i32
    %multiple_of3A_208 = tpu.assume_multiple %shift_left3A_207, 128 : i32
    %dma_start3A_209 = arith.constant 0 : i32
    %dma_start3A_210 = arith.constant 2 : i32
    %dma_start3A_211 = arith.constant 0 : i32
    %dma_start3A_212 = arith.constant 0 : i32
    %dma_start3A_213 = tpu.memref_slice %arg10[%dma_start3A_209, %dma_start3A_210, %dma_start3A_211, %dma_start3A_212] : memref<2x8x16x128xf32, #tpu.memory_space<vmem>> -> memref<1x1x8x128xf32, #tpu.memory_space<vmem>>
    %dma_start3A_214 = tpu.memref_squeeze %dma_start3A_213 : memref<1x1x8x128xf32, #tpu.memory_space<vmem>> -> memref<8x128xf32, #tpu.memory_space<vmem>>
    %dma_start3A_215 = arith.constant 0 : i32
    %dma_start3A_216 = tpu.memref_slice %arg3[%dma_start3A_215, %multiple_of3A_203] : memref<16x1000000xf32, #tpu.memory_space<hbm>> -> memref<8x128xf32, #tpu.memory_space<hbm>>
    %dma_start3A_217 = arith.constant 0 : i32
    %dma_start3A_218 = arith.constant 0 : i32
    %dma_start3A_219 = tpu.memref_slice %arg10[%dma_start3A_209, %dma_start3A_210, %dma_start3A_217, %dma_start3A_218] : memref<2x8x16x128xf32, #tpu.memory_space<vmem>> -> memref<1x1x8x128xf32, #tpu.memory_space<vmem>>
    %dma_start3A_220 = tpu.memref_squeeze %dma_start3A_219 : memref<1x1x8x128xf32, #tpu.memory_space<vmem>> -> memref<8x128xf32, #tpu.memory_space<vmem>>
    %dma_start3A_221 = arith.constant 0 : i32
    %dma_start3A_222 = tpu.memref_slice %arg3[%dma_start3A_221, %multiple_of3A_203] : memref<16x1000000xf32, #tpu.memory_space<hbm>> -> memref<8x128xf32, #tpu.memory_space<hbm>>
    tpu.enqueue_dma source(%dma_start3A_222 : memref<8x128xf32, #tpu.memory_space<hbm>>) target(%dma_start3A_220 : memref<8x128xf32, #tpu.memory_space<vmem>>) target_semaphore(%arg15 : memref<!tpu.dma_semaphore, #tpu.memory_space<semaphore_mem>>)
    %dma_start3A_223 = arith.constant 0 : i32
    %dma_start3A_224 = arith.constant 2 : i32
    %dma_start3A_225 = arith.constant 8 : i32
    %dma_start3A_226 = arith.constant 0 : i32
    %dma_start3A_227 = tpu.memref_slice %arg10[%dma_start3A_223, %dma_start3A_224, %dma_start3A_225, %dma_start3A_226] : memref<2x8x16x128xf32, #tpu.memory_space<vmem>> -> memref<1x1x8x128xf32, #tpu.memory_space<vmem>>
    %dma_start3A_228 = tpu.memref_squeeze %dma_start3A_227 : memref<1x1x8x128xf32, #tpu.memory_space<vmem>> -> memref<8x128xf32, #tpu.memory_space<vmem>>
    %dma_start3A_229 = arith.constant 8 : i32
    %dma_start3A_230 = tpu.memref_slice %arg3[%dma_start3A_229, %multiple_of3A_203] : memref<16x1000000xf32, #tpu.memory_space<hbm>> -> memref<8x128xf32, #tpu.memory_space<hbm>>
    %dma_start3A_231 = arith.constant 8 : i32
    %dma_start3A_232 = arith.constant 0 : i32
    %dma_start3A_233 = tpu.memref_slice %arg10[%dma_start3A_223, %dma_start3A_224, %dma_start3A_231, %dma_start3A_232] : memref<2x8x16x128xf32, #tpu.memory_space<vmem>> -> memref<1x1x8x128xf32, #tpu.memory_space<vmem>>
    %dma_start3A_234 = tpu.memref_squeeze %dma_start3A_233 : memref<1x1x8x128xf32, #tpu.memory_space<vmem>> -> memref<8x128xf32, #tpu.memory_space<vmem>>
    %dma_start3A_235 = arith.constant 8 : i32
    %dma_start3A_236 = tpu.memref_slice %arg3[%dma_start3A_235, %multiple_of3A_203] : memref<16x1000000xf32, #tpu.memory_space<hbm>> -> memref<8x128xf32, #tpu.memory_space<hbm>>
    tpu.enqueue_dma source(%dma_start3A_236 : memref<8x128xf32, #tpu.memory_space<hbm>>) target(%dma_start3A_234 : memref<8x128xf32, #tpu.memory_space<vmem>>) target_semaphore(%arg15 : memref<!tpu.dma_semaphore, #tpu.memory_space<semaphore_mem>>)
    %dma_start3A_237 = arith.constant 0 : i32
    %dma_start3A_238 = arith.constant 2 : i32
    %dma_start3A_239 = arith.constant 0 : i32
    %dma_start3A_240 = arith.constant 0 : i32
    %dma_start3A_241 = tpu.memref_slice %arg11[%dma_start3A_237, %dma_start3A_238, %dma_start3A_239, %dma_start3A_240] : memref<2x8x16x128xf32, #tpu.memory_space<vmem>> -> memref<1x1x8x128xf32, #tpu.memory_space<vmem>>
    %dma_start3A_242 = tpu.memref_squeeze %dma_start3A_241 : memref<1x1x8x128xf32, #tpu.memory_space<vmem>> -> memref<8x128xf32, #tpu.memory_space<vmem>>
    %dma_start3A_243 = arith.constant 0 : i32
    %dma_start3A_244 = tpu.memref_slice %arg4[%dma_start3A_243, %multiple_of3A_208] : memref<16x1000000xf32, #tpu.memory_space<hbm>> -> memref<8x128xf32, #tpu.memory_space<hbm>>
    %dma_start3A_245 = arith.constant 0 : i32
    %dma_start3A_246 = arith.constant 0 : i32
    %dma_start3A_247 = tpu.memref_slice %arg11[%dma_start3A_237, %dma_start3A_238, %dma_start3A_245, %dma_start3A_246] : memref<2x8x16x128xf32, #tpu.memory_space<vmem>> -> memref<1x1x8x128xf32, #tpu.memory_space<vmem>>
    %dma_start3A_248 = tpu.memref_squeeze %dma_start3A_247 : memref<1x1x8x128xf32, #tpu.memory_space<vmem>> -> memref<8x128xf32, #tpu.memory_space<vmem>>
    %dma_start3A_249 = arith.constant 0 : i32
    %dma_start3A_250 = tpu.memref_slice %arg4[%dma_start3A_249, %multiple_of3A_208] : memref<16x1000000xf32, #tpu.memory_space<hbm>> -> memref<8x128xf32, #tpu.memory_space<hbm>>
    tpu.enqueue_dma source(%dma_start3A_250 : memref<8x128xf32, #tpu.memory_space<hbm>>) target(%dma_start3A_248 : memref<8x128xf32, #tpu.memory_space<vmem>>) target_semaphore(%arg15 : memref<!tpu.dma_semaphore, #tpu.memory_space<semaphore_mem>>)
    %dma_start3A_251 = arith.constant 0 : i32
    %dma_start3A_252 = arith.constant 2 : i32
    %dma_start3A_253 = arith.constant 8 : i32
    %dma_start3A_254 = arith.constant 0 : i32
    %dma_start3A_255 = tpu.memref_slice %arg11[%dma_start3A_251, %dma_start3A_252, %dma_start3A_253, %dma_start3A_254] : memref<2x8x16x128xf32, #tpu.memory_space<vmem>> -> memref<1x1x8x128xf32, #tpu.memory_space<vmem>>
    %dma_start3A_256 = tpu.memref_squeeze %dma_start3A_255 : memref<1x1x8x128xf32, #tpu.memory_space<vmem>> -> memref<8x128xf32, #tpu.memory_space<vmem>>
    %dma_start3A_257 = arith.constant 8 : i32
    %dma_start3A_258 = tpu.memref_slice %arg4[%dma_start3A_257, %multiple_of3A_208] : memref<16x1000000xf32, #tpu.memory_space<hbm>> -> memref<8x128xf32, #tpu.memory_space<hbm>>
    %dma_start3A_259 = arith.constant 8 : i32
    %dma_start3A_260 = arith.constant 0 : i32
    %dma_start3A_261 = tpu.memref_slice %arg11[%dma_start3A_251, %dma_start3A_252, %dma_start3A_259, %dma_start3A_260] : memref<2x8x16x128xf32, #tpu.memory_space<vmem>> -> memref<1x1x8x128xf32, #tpu.memory_space<vmem>>
    %dma_start3A_262 = tpu.memref_squeeze %dma_start3A_261 : memref<1x1x8x128xf32, #tpu.memory_space<vmem>> -> memref<8x128xf32, #tpu.memory_space<vmem>>
    %dma_start3A_263 = arith.constant 8 : i32
    %dma_start3A_264 = tpu.memref_slice %arg4[%dma_start3A_263, %multiple_of3A_208] : memref<16x1000000xf32, #tpu.memory_space<hbm>> -> memref<8x128xf32, #tpu.memory_space<hbm>>
    tpu.enqueue_dma source(%dma_start3A_264 : memref<8x128xf32, #tpu.memory_space<hbm>>) target(%dma_start3A_262 : memref<8x128xf32, #tpu.memory_space<vmem>>) target_semaphore(%arg15 : memref<!tpu.dma_semaphore, #tpu.memory_space<semaphore_mem>>)
    %dma_start3A_265 = arith.constant 0 : i32
    %dma_start3A_266 = arith.constant 2 : i32
    %dma_start3A_267 = arith.constant 0 : i32
    %dma_start3A_268 = tpu.memref_slice %arg12[%dma_start3A_265, %dma_start3A_266, %dma_start3A_267] : memref<2x8x128xf32, #tpu.memory_space<vmem>> -> memref<1x1x128xf32, #tpu.memory_space<vmem>>
    %dma_start3A_269 = tpu.memref_squeeze %dma_start3A_268 : memref<1x1x128xf32, #tpu.memory_space<vmem>> -> memref<1x128xf32, #tpu.memory_space<vmem>>
    %dma_start3A_270 = arith.constant 0 : i32
    %dma_start3A_271 = tpu.memref_slice %arg5[%dma_start3A_270, %multiple_of3A_203] : memref<1x1000000xf32, #tpu.memory_space<hbm>> -> memref<1x128xf32, #tpu.memory_space<hbm>>
    %dma_start3A_272 = arith.constant 2 : i32
    %dma_start3A_273 = arith.constant 0 : i32
    %dma_start3A_274 = tpu.memref_slice %arg12[%dma_start3A_265, %dma_start3A_272, %dma_start3A_273] : memref<2x8x128xf32, #tpu.memory_space<vmem>> -> memref<1x1x128xf32, #tpu.memory_space<vmem>>
    %dma_start3A_275 = tpu.memref_squeeze %dma_start3A_274 : memref<1x1x128xf32, #tpu.memory_space<vmem>> -> memref<1x128xf32, #tpu.memory_space<vmem>>
    %dma_start3A_276 = arith.constant 0 : i32
    %dma_start3A_277 = tpu.memref_slice %arg5[%dma_start3A_276, %multiple_of3A_203] : memref<1x1000000xf32, #tpu.memory_space<hbm>> -> memref<1x128xf32, #tpu.memory_space<hbm>>
    tpu.enqueue_dma source(%dma_start3A_277 : memref<1x128xf32, #tpu.memory_space<hbm>>) target(%dma_start3A_275 : memref<1x128xf32, #tpu.memory_space<vmem>>) target_semaphore(%arg15 : memref<!tpu.dma_semaphore, #tpu.memory_space<semaphore_mem>>)
    %dma_start3A_278 = arith.constant 0 : i32
    %dma_start3A_279 = arith.constant 2 : i32
    %dma_start3A_280 = arith.constant 0 : i32
    %dma_start3A_281 = tpu.memref_slice %arg13[%dma_start3A_278, %dma_start3A_279, %dma_start3A_280] : memref<2x8x128xf32, #tpu.memory_space<vmem>> -> memref<1x1x128xf32, #tpu.memory_space<vmem>>
    %dma_start3A_282 = tpu.memref_squeeze %dma_start3A_281 : memref<1x1x128xf32, #tpu.memory_space<vmem>> -> memref<1x128xf32, #tpu.memory_space<vmem>>
    %dma_start3A_283 = arith.constant 0 : i32
    %dma_start3A_284 = tpu.memref_slice %arg6[%dma_start3A_283, %multiple_of3A_208] : memref<1x1000000xf32, #tpu.memory_space<hbm>> -> memref<1x128xf32, #tpu.memory_space<hbm>>
    %dma_start3A_285 = arith.constant 2 : i32
    %dma_start3A_286 = arith.constant 0 : i32
    %dma_start3A_287 = tpu.memref_slice %arg13[%dma_start3A_278, %dma_start3A_285, %dma_start3A_286] : memref<2x8x128xf32, #tpu.memory_space<vmem>> -> memref<1x1x128xf32, #tpu.memory_space<vmem>>
    %dma_start3A_288 = tpu.memref_squeeze %dma_start3A_287 : memref<1x1x128xf32, #tpu.memory_space<vmem>> -> memref<1x128xf32, #tpu.memory_space<vmem>>
    %dma_start3A_289 = arith.constant 0 : i32
    %dma_start3A_290 = tpu.memref_slice %arg6[%dma_start3A_289, %multiple_of3A_208] : memref<1x1000000xf32, #tpu.memory_space<hbm>> -> memref<1x128xf32, #tpu.memory_space<hbm>>
    tpu.enqueue_dma source(%dma_start3A_290 : memref<1x128xf32, #tpu.memory_space<hbm>>) target(%dma_start3A_288 : memref<1x128xf32, #tpu.memory_space<vmem>>) target_semaphore(%arg15 : memref<!tpu.dma_semaphore, #tpu.memory_space<semaphore_mem>>)
    %slice3A_291 = vector.extract_strided_slice %get3A_6 {offsets = [3], sizes = [1], strides = [1]} : vector<16xi32> to vector<1xi32>
    %squeeze3A_292 = vector.extract %slice3A_291[0] : i32 from vector<1xi32>
    %slice3A_293 = vector.extract_strided_slice %get3A_8 {offsets = [3], sizes = [1], strides = [1]} : vector<16xi32> to vector<1xi32>
    %squeeze3A_294 = vector.extract %slice3A_293[0] : i32 from vector<1xi32>
    %shift_right_arithmetic3A_295 = arith.constant 7 : i32
    %shift_right_arithmetic3A_296 = arith.shrsi %squeeze3A_292, %shift_right_arithmetic3A_295 : i32
    %shift_left3A_297 = arith.constant 7 : i32
    %shift_left3A_298 = arith.shli %shift_right_arithmetic3A_296, %shift_left3A_297 : i32
    %multiple_of3A_299 = tpu.assume_multiple %shift_left3A_298, 128 : i32
    %shift_right_arithmetic3A_300 = arith.constant 7 : i32
    %shift_right_arithmetic3A_301 = arith.shrsi %squeeze3A_294, %shift_right_arithmetic3A_300 : i32
    %shift_left3A_302 = arith.constant 7 : i32
    %shift_left3A_303 = arith.shli %shift_right_arithmetic3A_301, %shift_left3A_302 : i32
    %multiple_of3A_304 = tpu.assume_multiple %shift_left3A_303, 128 : i32
    %dma_start3A_305 = arith.constant 0 : i32
    %dma_start3A_306 = arith.constant 3 : i32
    %dma_start3A_307 = arith.constant 0 : i32
    %dma_start3A_308 = arith.constant 0 : i32
    %dma_start3A_309 = tpu.memref_slice %arg10[%dma_start3A_305, %dma_start3A_306, %dma_start3A_307, %dma_start3A_308] : memref<2x8x16x128xf32, #tpu.memory_space<vmem>> -> memref<1x1x8x128xf32, #tpu.memory_space<vmem>>
    %dma_start3A_310 = tpu.memref_squeeze %dma_start3A_309 : memref<1x1x8x128xf32, #tpu.memory_space<vmem>> -> memref<8x128xf32, #tpu.memory_space<vmem>>
    %dma_start3A_311 = arith.constant 0 : i32
    %dma_start3A_312 = tpu.memref_slice %arg3[%dma_start3A_311, %multiple_of3A_299] : memref<16x1000000xf32, #tpu.memory_space<hbm>> -> memref<8x128xf32, #tpu.memory_space<hbm>>
    %dma_start3A_313 = arith.constant 0 : i32
    %dma_start3A_314 = arith.constant 0 : i32
    %dma_start3A_315 = tpu.memref_slice %arg10[%dma_start3A_305, %dma_start3A_306, %dma_start3A_313, %dma_start3A_314] : memref<2x8x16x128xf32, #tpu.memory_space<vmem>> -> memref<1x1x8x128xf32, #tpu.memory_space<vmem>>
    %dma_start3A_316 = tpu.memref_squeeze %dma_start3A_315 : memref<1x1x8x128xf32, #tpu.memory_space<vmem>> -> memref<8x128xf32, #tpu.memory_space<vmem>>
    %dma_start3A_317 = arith.constant 0 : i32
    %dma_start3A_318 = tpu.memref_slice %arg3[%dma_start3A_317, %multiple_of3A_299] : memref<16x1000000xf32, #tpu.memory_space<hbm>> -> memref<8x128xf32, #tpu.memory_space<hbm>>
    tpu.enqueue_dma source(%dma_start3A_318 : memref<8x128xf32, #tpu.memory_space<hbm>>) target(%dma_start3A_316 : memref<8x128xf32, #tpu.memory_space<vmem>>) target_semaphore(%arg15 : memref<!tpu.dma_semaphore, #tpu.memory_space<semaphore_mem>>)
    %dma_start3A_319 = arith.constant 0 : i32
    %dma_start3A_320 = arith.constant 3 : i32
    %dma_start3A_321 = arith.constant 8 : i32
    %dma_start3A_322 = arith.constant 0 : i32
    %dma_start3A_323 = tpu.memref_slice %arg10[%dma_start3A_319, %dma_start3A_320, %dma_start3A_321, %dma_start3A_322] : memref<2x8x16x128xf32, #tpu.memory_space<vmem>> -> memref<1x1x8x128xf32, #tpu.memory_space<vmem>>
    %dma_start3A_324 = tpu.memref_squeeze %dma_start3A_323 : memref<1x1x8x128xf32, #tpu.memory_space<vmem>> -> memref<8x128xf32, #tpu.memory_space<vmem>>
    %dma_start3A_325 = arith.constant 8 : i32
    %dma_start3A_326 = tpu.memref_slice %arg3[%dma_start3A_325, %multiple_of3A_299] : memref<16x1000000xf32, #tpu.memory_space<hbm>> -> memref<8x128xf32, #tpu.memory_space<hbm>>
    %dma_start3A_327 = arith.constant 8 : i32
    %dma_start3A_328 = arith.constant 0 : i32
    %dma_start3A_329 = tpu.memref_slice %arg10[%dma_start3A_319, %dma_start3A_320, %dma_start3A_327, %dma_start3A_328] : memref<2x8x16x128xf32, #tpu.memory_space<vmem>> -> memref<1x1x8x128xf32, #tpu.memory_space<vmem>>
    %dma_start3A_330 = tpu.memref_squeeze %dma_start3A_329 : memref<1x1x8x128xf32, #tpu.memory_space<vmem>> -> memref<8x128xf32, #tpu.memory_space<vmem>>
    %dma_start3A_331 = arith.constant 8 : i32
    %dma_start3A_332 = tpu.memref_slice %arg3[%dma_start3A_331, %multiple_of3A_299] : memref<16x1000000xf32, #tpu.memory_space<hbm>> -> memref<8x128xf32, #tpu.memory_space<hbm>>
    tpu.enqueue_dma source(%dma_start3A_332 : memref<8x128xf32, #tpu.memory_space<hbm>>) target(%dma_start3A_330 : memref<8x128xf32, #tpu.memory_space<vmem>>) target_semaphore(%arg15 : memref<!tpu.dma_semaphore, #tpu.memory_space<semaphore_mem>>)
    %dma_start3A_333 = arith.constant 0 : i32
    %dma_start3A_334 = arith.constant 3 : i32
    %dma_start3A_335 = arith.constant 0 : i32
    %dma_start3A_336 = arith.constant 0 : i32
    %dma_start3A_337 = tpu.memref_slice %arg11[%dma_start3A_333, %dma_start3A_334, %dma_start3A_335, %dma_start3A_336] : memref<2x8x16x128xf32, #tpu.memory_space<vmem>> -> memref<1x1x8x128xf32, #tpu.memory_space<vmem>>
    %dma_start3A_338 = tpu.memref_squeeze %dma_start3A_337 : memref<1x1x8x128xf32, #tpu.memory_space<vmem>> -> memref<8x128xf32, #tpu.memory_space<vmem>>
    %dma_start3A_339 = arith.constant 0 : i32
    %dma_start3A_340 = tpu.memref_slice %arg4[%dma_start3A_339, %multiple_of3A_304] : memref<16x1000000xf32, #tpu.memory_space<hbm>> -> memref<8x128xf32, #tpu.memory_space<hbm>>
    %dma_start3A_341 = arith.constant 0 : i32
    %dma_start3A_342 = arith.constant 0 : i32
    %dma_start3A_343 = tpu.memref_slice %arg11[%dma_start3A_333, %dma_start3A_334, %dma_start3A_341, %dma_start3A_342] : memref<2x8x16x128xf32, #tpu.memory_space<vmem>> -> memref<1x1x8x128xf32, #tpu.memory_space<vmem>>
    %dma_start3A_344 = tpu.memref_squeeze %dma_start3A_343 : memref<1x1x8x128xf32, #tpu.memory_space<vmem>> -> memref<8x128xf32, #tpu.memory_space<vmem>>
    %dma_start3A_345 = arith.constant 0 : i32
    %dma_start3A_346 = tpu.memref_slice %arg4[%dma_start3A_345, %multiple_of3A_304] : memref<16x1000000xf32, #tpu.memory_space<hbm>> -> memref<8x128xf32, #tpu.memory_space<hbm>>
    tpu.enqueue_dma source(%dma_start3A_346 : memref<8x128xf32, #tpu.memory_space<hbm>>) target(%dma_start3A_344 : memref<8x128xf32, #tpu.memory_space<vmem>>) target_semaphore(%arg15 : memref<!tpu.dma_semaphore, #tpu.memory_space<semaphore_mem>>)
    %dma_start3A_347 = arith.constant 0 : i32
    %dma_start3A_348 = arith.constant 3 : i32
    %dma_start3A_349 = arith.constant 8 : i32
    %dma_start3A_350 = arith.constant 0 : i32
    %dma_start3A_351 = tpu.memref_slice %arg11[%dma_start3A_347, %dma_start3A_348, %dma_start3A_349, %dma_start3A_350] : memref<2x8x16x128xf32, #tpu.memory_space<vmem>> -> memref<1x1x8x128xf32, #tpu.memory_space<vmem>>
    %dma_start3A_352 = tpu.memref_squeeze %dma_start3A_351 : memref<1x1x8x128xf32, #tpu.memory_space<vmem>> -> memref<8x128xf32, #tpu.memory_space<vmem>>
    %dma_start3A_353 = arith.constant 8 : i32
    %dma_start3A_354 = tpu.memref_slice %arg4[%dma_start3A_353, %multiple_of3A_304] : memref<16x1000000xf32, #tpu.memory_space<hbm>> -> memref<8x128xf32, #tpu.memory_space<hbm>>
    %dma_start3A_355 = arith.constant 8 : i32
    %dma_start3A_356 = arith.constant 0 : i32
    %dma_start3A_357 = tpu.memref_slice %arg11[%dma_start3A_347, %dma_start3A_348, %dma_start3A_355, %dma_start3A_356] : memref<2x8x16x128xf32, #tpu.memory_space<vmem>> -> memref<1x1x8x128xf32, #tpu.memory_space<vmem>>
    %dma_start3A_358 = tpu.memref_squeeze %dma_start3A_357 : memref<1x1x8x128xf32, #tpu.memory_space<vmem>> -> memref<8x128xf32, #tpu.memory_space<vmem>>
    %dma_start3A_359 = arith.constant 8 : i32
    %dma_start3A_360 = tpu.memref_slice %arg4[%dma_start3A_359, %multiple_of3A_304] : memref<16x1000000xf32, #tpu.memory_space<hbm>> -> memref<8x128xf32, #tpu.memory_space<hbm>>
    tpu.enqueue_dma source(%dma_start3A_360 : memref<8x128xf32, #tpu.memory_space<hbm>>) target(%dma_start3A_358 : memref<8x128xf32, #tpu.memory_space<vmem>>) target_semaphore(%arg15 : memref<!tpu.dma_semaphore, #tpu.memory_space<semaphore_mem>>)
    %dma_start3A_361 = arith.constant 0 : i32
    %dma_start3A_362 = arith.constant 3 : i32
    %dma_start3A_363 = arith.constant 0 : i32
    %dma_start3A_364 = tpu.memref_slice %arg12[%dma_start3A_361, %dma_start3A_362, %dma_start3A_363] : memref<2x8x128xf32, #tpu.memory_space<vmem>> -> memref<1x1x128xf32, #tpu.memory_space<vmem>>
    %dma_start3A_365 = tpu.memref_squeeze %dma_start3A_364 : memref<1x1x128xf32, #tpu.memory_space<vmem>> -> memref<1x128xf32, #tpu.memory_space<vmem>>
    %dma_start3A_366 = arith.constant 0 : i32
    %dma_start3A_367 = tpu.memref_slice %arg5[%dma_start3A_366, %multiple_of3A_299] : memref<1x1000000xf32, #tpu.memory_space<hbm>> -> memref<1x128xf32, #tpu.memory_space<hbm>>
    %dma_start3A_368 = arith.constant 3 : i32
    %dma_start3A_369 = arith.constant 0 : i32
    %dma_start3A_370 = tpu.memref_slice %arg12[%dma_start3A_361, %dma_start3A_368, %dma_start3A_369] : memref<2x8x128xf32, #tpu.memory_space<vmem>> -> memref<1x1x128xf32, #tpu.memory_space<vmem>>
    %dma_start3A_371 = tpu.memref_squeeze %dma_start3A_370 : memref<1x1x128xf32, #tpu.memory_space<vmem>> -> memref<1x128xf32, #tpu.memory_space<vmem>>
    %dma_start3A_372 = arith.constant 0 : i32
    %dma_start3A_373 = tpu.memref_slice %arg5[%dma_start3A_372, %multiple_of3A_299] : memref<1x1000000xf32, #tpu.memory_space<hbm>> -> memref<1x128xf32, #tpu.memory_space<hbm>>
    tpu.enqueue_dma source(%dma_start3A_373 : memref<1x128xf32, #tpu.memory_space<hbm>>) target(%dma_start3A_371 : memref<1x128xf32, #tpu.memory_space<vmem>>) target_semaphore(%arg15 : memref<!tpu.dma_semaphore, #tpu.memory_space<semaphore_mem>>)
    %dma_start3A_374 = arith.constant 0 : i32
    %dma_start3A_375 = arith.constant 3 : i32
    %dma_start3A_376 = arith.constant 0 : i32
    %dma_start3A_377 = tpu.memref_slice %arg13[%dma_start3A_374, %dma_start3A_375, %dma_start3A_376] : memref<2x8x128xf32, #tpu.memory_space<vmem>> -> memref<1x1x128xf32, #tpu.memory_space<vmem>>
    %dma_start3A_378 = tpu.memref_squeeze %dma_start3A_377 : memref<1x1x128xf32, #tpu.memory_space<vmem>> -> memref<1x128xf32, #tpu.memory_space<vmem>>
    %dma_start3A_379 = arith.constant 0 : i32
    %dma_start3A_380 = tpu.memref_slice %arg6[%dma_start3A_379, %multiple_of3A_304] : memref<1x1000000xf32, #tpu.memory_space<hbm>> -> memref<1x128xf32, #tpu.memory_space<hbm>>
    %dma_start3A_381 = arith.constant 3 : i32
    %dma_start3A_382 = arith.constant 0 : i32
    %dma_start3A_383 = tpu.memref_slice %arg13[%dma_start3A_374, %dma_start3A_381, %dma_start3A_382] : memref<2x8x128xf32, #tpu.memory_space<vmem>> -> memref<1x1x128xf32, #tpu.memory_space<vmem>>
    %dma_start3A_384 = tpu.memref_squeeze %dma_start3A_383 : memref<1x1x128xf32, #tpu.memory_space<vmem>> -> memref<1x128xf32, #tpu.memory_space<vmem>>
    %dma_start3A_385 = arith.constant 0 : i32
    %dma_start3A_386 = tpu.memref_slice %arg6[%dma_start3A_385, %multiple_of3A_304] : memref<1x1000000xf32, #tpu.memory_space<hbm>> -> memref<1x128xf32, #tpu.memory_space<hbm>>
    tpu.enqueue_dma source(%dma_start3A_386 : memref<1x128xf32, #tpu.memory_space<hbm>>) target(%dma_start3A_384 : memref<1x128xf32, #tpu.memory_space<vmem>>) target_semaphore(%arg15 : memref<!tpu.dma_semaphore, #tpu.memory_space<semaphore_mem>>)
    %slice3A_387 = vector.extract_strided_slice %get3A_6 {offsets = [4], sizes = [1], strides = [1]} : vector<16xi32> to vector<1xi32>
    %squeeze3A_388 = vector.extract %slice3A_387[0] : i32 from vector<1xi32>
    %slice3A_389 = vector.extract_strided_slice %get3A_8 {offsets = [4], sizes = [1], strides = [1]} : vector<16xi32> to vector<1xi32>
    %squeeze3A_390 = vector.extract %slice3A_389[0] : i32 from vector<1xi32>
    %shift_right_arithmetic3A_391 = arith.constant 7 : i32
    %shift_right_arithmetic3A_392 = arith.shrsi %squeeze3A_388, %shift_right_arithmetic3A_391 : i32
    %shift_left3A_393 = arith.constant 7 : i32
    %shift_left3A_394 = arith.shli %shift_right_arithmetic3A_392, %shift_left3A_393 : i32
    %multiple_of3A_395 = tpu.assume_multiple %shift_left3A_394, 128 : i32
    %shift_right_arithmetic3A_396 = arith.constant 7 : i32
    %shift_right_arithmetic3A_397 = arith.shrsi %squeeze3A_390, %shift_right_arithmetic3A_396 : i32
    %shift_left3A_398 = arith.constant 7 : i32
    %shift_left3A_399 = arith.shli %shift_right_arithmetic3A_397, %shift_left3A_398 : i32
    %multiple_of3A_400 = tpu.assume_multiple %shift_left3A_399, 128 : i32
    %dma_start3A_401 = arith.constant 0 : i32
    %dma_start3A_402 = arith.constant 4 : i32
    %dma_start3A_403 = arith.constant 0 : i32
    %dma_start3A_404 = arith.constant 0 : i32
    %dma_start3A_405 = tpu.memref_slice %arg10[%dma_start3A_401, %dma_start3A_402, %dma_start3A_403, %dma_start3A_404] : memref<2x8x16x128xf32, #tpu.memory_space<vmem>> -> memref<1x1x8x128xf32, #tpu.memory_space<vmem>>
    %dma_start3A_406 = tpu.memref_squeeze %dma_start3A_405 : memref<1x1x8x128xf32, #tpu.memory_space<vmem>> -> memref<8x128xf32, #tpu.memory_space<vmem>>
    %dma_start3A_407 = arith.constant 0 : i32
    %dma_start3A_408 = tpu.memref_slice %arg3[%dma_start3A_407, %multiple_of3A_395] : memref<16x1000000xf32, #tpu.memory_space<hbm>> -> memref<8x128xf32, #tpu.memory_space<hbm>>
    %dma_start3A_409 = arith.constant 0 : i32
    %dma_start3A_410 = arith.constant 0 : i32
    %dma_start3A_411 = tpu.memref_slice %arg10[%dma_start3A_401, %dma_start3A_402, %dma_start3A_409, %dma_start3A_410] : memref<2x8x16x128xf32, #tpu.memory_space<vmem>> -> memref<1x1x8x128xf32, #tpu.memory_space<vmem>>
    %dma_start3A_412 = tpu.memref_squeeze %dma_start3A_411 : memref<1x1x8x128xf32, #tpu.memory_space<vmem>> -> memref<8x128xf32, #tpu.memory_space<vmem>>
    %dma_start3A_413 = arith.constant 0 : i32
    %dma_start3A_414 = tpu.memref_slice %arg3[%dma_start3A_413, %multiple_of3A_395] : memref<16x1000000xf32, #tpu.memory_space<hbm>> -> memref<8x128xf32, #tpu.memory_space<hbm>>
    tpu.enqueue_dma source(%dma_start3A_414 : memref<8x128xf32, #tpu.memory_space<hbm>>) target(%dma_start3A_412 : memref<8x128xf32, #tpu.memory_space<vmem>>) target_semaphore(%arg15 : memref<!tpu.dma_semaphore, #tpu.memory_space<semaphore_mem>>)
    %dma_start3A_415 = arith.constant 0 : i32
    %dma_start3A_416 = arith.constant 4 : i32
    %dma_start3A_417 = arith.constant 8 : i32
    %dma_start3A_418 = arith.constant 0 : i32
    %dma_start3A_419 = tpu.memref_slice %arg10[%dma_start3A_415, %dma_start3A_416, %dma_start3A_417, %dma_start3A_418] : memref<2x8x16x128xf32, #tpu.memory_space<vmem>> -> memref<1x1x8x128xf32, #tpu.memory_space<vmem>>
    %dma_start3A_420 = tpu.memref_squeeze %dma_start3A_419 : memref<1x1x8x128xf32, #tpu.memory_space<vmem>> -> memref<8x128xf32, #tpu.memory_space<vmem>>
    %dma_start3A_421 = arith.constant 8 : i32
    %dma_start3A_422 = tpu.memref_slice %arg3[%dma_start3A_421, %multiple_of3A_395] : memref<16x1000000xf32, #tpu.memory_space<hbm>> -> memref<8x128xf32, #tpu.memory_space<hbm>>
    %dma_start3A_423 = arith.constant 8 : i32
    %dma_start3A_424 = arith.constant 0 : i32
    %dma_start3A_425 = tpu.memref_slice %arg10[%dma_start3A_415, %dma_start3A_416, %dma_start3A_423, %dma_start3A_424] : memref<2x8x16x128xf32, #tpu.memory_space<vmem>> -> memref<1x1x8x128xf32, #tpu.memory_space<vmem>>
    %dma_start3A_426 = tpu.memref_squeeze %dma_start3A_425 : memref<1x1x8x128xf32, #tpu.memory_space<vmem>> -> memref<8x128xf32, #tpu.memory_space<vmem>>
    %dma_start3A_427 = arith.constant 8 : i32
    %dma_start3A_428 = tpu.memref_slice %arg3[%dma_start3A_427, %multiple_of3A_395] : memref<16x1000000xf32, #tpu.memory_space<hbm>> -> memref<8x128xf32, #tpu.memory_space<hbm>>
    tpu.enqueue_dma source(%dma_start3A_428 : memref<8x128xf32, #tpu.memory_space<hbm>>) target(%dma_start3A_426 : memref<8x128xf32, #tpu.memory_space<vmem>>) target_semaphore(%arg15 : memref<!tpu.dma_semaphore, #tpu.memory_space<semaphore_mem>>)
    %dma_start3A_429 = arith.constant 0 : i32
    %dma_start3A_430 = arith.constant 4 : i32
    %dma_start3A_431 = arith.constant 0 : i32
    %dma_start3A_432 = arith.constant 0 : i32
    %dma_start3A_433 = tpu.memref_slice %arg11[%dma_start3A_429, %dma_start3A_430, %dma_start3A_431, %dma_start3A_432] : memref<2x8x16x128xf32, #tpu.memory_space<vmem>> -> memref<1x1x8x128xf32, #tpu.memory_space<vmem>>
    %dma_start3A_434 = tpu.memref_squeeze %dma_start3A_433 : memref<1x1x8x128xf32, #tpu.memory_space<vmem>> -> memref<8x128xf32, #tpu.memory_space<vmem>>
    %dma_start3A_435 = arith.constant 0 : i32
    %dma_start3A_436 = tpu.memref_slice %arg4[%dma_start3A_435, %multiple_of3A_400] : memref<16x1000000xf32, #tpu.memory_space<hbm>> -> memref<8x128xf32, #tpu.memory_space<hbm>>
    %dma_start3A_437 = arith.constant 0 : i32
    %dma_start3A_438 = arith.constant 0 : i32
    %dma_start3A_439 = tpu.memref_slice %arg11[%dma_start3A_429, %dma_start3A_430, %dma_start3A_437, %dma_start3A_438] : memref<2x8x16x128xf32, #tpu.memory_space<vmem>> -> memref<1x1x8x128xf32, #tpu.memory_space<vmem>>
    %dma_start3A_440 = tpu.memref_squeeze %dma_start3A_439 : memref<1x1x8x128xf32, #tpu.memory_space<vmem>> -> memref<8x128xf32, #tpu.memory_space<vmem>>
    %dma_start3A_441 = arith.constant 0 : i32
    %dma_start3A_442 = tpu.memref_slice %arg4[%dma_start3A_441, %multiple_of3A_400] : memref<16x1000000xf32, #tpu.memory_space<hbm>> -> memref<8x128xf32, #tpu.memory_space<hbm>>
    tpu.enqueue_dma source(%dma_start3A_442 : memref<8x128xf32, #tpu.memory_space<hbm>>) target(%dma_start3A_440 : memref<8x128xf32, #tpu.memory_space<vmem>>) target_semaphore(%arg15 : memref<!tpu.dma_semaphore, #tpu.memory_space<semaphore_mem>>)
    %dma_start3A_443 = arith.constant 0 : i32
    %dma_start3A_444 = arith.constant 4 : i32
    %dma_start3A_445 = arith.constant 8 : i32
    %dma_start3A_446 = arith.constant 0 : i32
    %dma_start3A_447 = tpu.memref_slice %arg11[%dma_start3A_443, %dma_start3A_444, %dma_start3A_445, %dma_start3A_446] : memref<2x8x16x128xf32, #tpu.memory_space<vmem>> -> memref<1x1x8x128xf32, #tpu.memory_space<vmem>>
    %dma_start3A_448 = tpu.memref_squeeze %dma_start3A_447 : memref<1x1x8x128xf32, #tpu.memory_space<vmem>> -> memref<8x128xf32, #tpu.memory_space<vmem>>
    %dma_start3A_449 = arith.constant 8 : i32
    %dma_start3A_450 = tpu.memref_slice %arg4[%dma_start3A_449, %multiple_of3A_400] : memref<16x1000000xf32, #tpu.memory_space<hbm>> -> memref<8x128xf32, #tpu.memory_space<hbm>>
    %dma_start3A_451 = arith.constant 8 : i32
    %dma_start3A_452 = arith.constant 0 : i32
    %dma_start3A_453 = tpu.memref_slice %arg11[%dma_start3A_443, %dma_start3A_444, %dma_start3A_451, %dma_start3A_452] : memref<2x8x16x128xf32, #tpu.memory_space<vmem>> -> memref<1x1x8x128xf32, #tpu.memory_space<vmem>>
    %dma_start3A_454 = tpu.memref_squeeze %dma_start3A_453 : memref<1x1x8x128xf32, #tpu.memory_space<vmem>> -> memref<8x128xf32, #tpu.memory_space<vmem>>
    %dma_start3A_455 = arith.constant 8 : i32
    %dma_start3A_456 = tpu.memref_slice %arg4[%dma_start3A_455, %multiple_of3A_400] : memref<16x1000000xf32, #tpu.memory_space<hbm>> -> memref<8x128xf32, #tpu.memory_space<hbm>>
    tpu.enqueue_dma source(%dma_start3A_456 : memref<8x128xf32, #tpu.memory_space<hbm>>) target(%dma_start3A_454 : memref<8x128xf32, #tpu.memory_space<vmem>>) target_semaphore(%arg15 : memref<!tpu.dma_semaphore, #tpu.memory_space<semaphore_mem>>)
    %dma_start3A_457 = arith.constant 0 : i32
    %dma_start3A_458 = arith.constant 4 : i32
    %dma_start3A_459 = arith.constant 0 : i32
    %dma_start3A_460 = tpu.memref_slice %arg12[%dma_start3A_457, %dma_start3A_458, %dma_start3A_459] : memref<2x8x128xf32, #tpu.memory_space<vmem>> -> memref<1x1x128xf32, #tpu.memory_space<vmem>>
    %dma_start3A_461 = tpu.memref_squeeze %dma_start3A_460 : memref<1x1x128xf32, #tpu.memory_space<vmem>> -> memref<1x128xf32, #tpu.memory_space<vmem>>
    %dma_start3A_462 = arith.constant 0 : i32
    %dma_start3A_463 = tpu.memref_slice %arg5[%dma_start3A_462, %multiple_of3A_395] : memref<1x1000000xf32, #tpu.memory_space<hbm>> -> memref<1x128xf32, #tpu.memory_space<hbm>>
    %dma_start3A_464 = arith.constant 4 : i32
    %dma_start3A_465 = arith.constant 0 : i32
    %dma_start3A_466 = tpu.memref_slice %arg12[%dma_start3A_457, %dma_start3A_464, %dma_start3A_465] : memref<2x8x128xf32, #tpu.memory_space<vmem>> -> memref<1x1x128xf32, #tpu.memory_space<vmem>>
    %dma_start3A_467 = tpu.memref_squeeze %dma_start3A_466 : memref<1x1x128xf32, #tpu.memory_space<vmem>> -> memref<1x128xf32, #tpu.memory_space<vmem>>
    %dma_start3A_468 = arith.constant 0 : i32
    %dma_start3A_469 = tpu.memref_slice %arg5[%dma_start3A_468, %multiple_of3A_395] : memref<1x1000000xf32, #tpu.memory_space<hbm>> -> memref<1x128xf32, #tpu.memory_space<hbm>>
    tpu.enqueue_dma source(%dma_start3A_469 : memref<1x128xf32, #tpu.memory_space<hbm>>) target(%dma_start3A_467 : memref<1x128xf32, #tpu.memory_space<vmem>>) target_semaphore(%arg15 : memref<!tpu.dma_semaphore, #tpu.memory_space<semaphore_mem>>)
    %dma_start3A_470 = arith.constant 0 : i32
    %dma_start3A_471 = arith.constant 4 : i32
    %dma_start3A_472 = arith.constant 0 : i32
    %dma_start3A_473 = tpu.memref_slice %arg13[%dma_start3A_470, %dma_start3A_471, %dma_start3A_472] : memref<2x8x128xf32, #tpu.memory_space<vmem>> -> memref<1x1x128xf32, #tpu.memory_space<vmem>>
    %dma_start3A_474 = tpu.memref_squeeze %dma_start3A_473 : memref<1x1x128xf32, #tpu.memory_space<vmem>> -> memref<1x128xf32, #tpu.memory_space<vmem>>
    %dma_start3A_475 = arith.constant 0 : i32
    %dma_start3A_476 = tpu.memref_slice %arg6[%dma_start3A_475, %multiple_of3A_400] : memref<1x1000000xf32, #tpu.memory_space<hbm>> -> memref<1x128xf32, #tpu.memory_space<hbm>>
    %dma_start3A_477 = arith.constant 4 : i32
    %dma_start3A_478 = arith.constant 0 : i32
    %dma_start3A_479 = tpu.memref_slice %arg13[%dma_start3A_470, %dma_start3A_477, %dma_start3A_478] : memref<2x8x128xf32, #tpu.memory_space<vmem>> -> memref<1x1x128xf32, #tpu.memory_space<vmem>>
    %dma_start3A_480 = tpu.memref_squeeze %dma_start3A_479 : memref<1x1x128xf32, #tpu.memory_space<vmem>> -> memref<1x128xf32, #tpu.memory_space<vmem>>
    %dma_start3A_481 = arith.constant 0 : i32
    %dma_start3A_482 = tpu.memref_slice %arg6[%dma_start3A_481, %multiple_of3A_400] : memref<1x1000000xf32, #tpu.memory_space<hbm>> -> memref<1x128xf32, #tpu.memory_space<hbm>>
    tpu.enqueue_dma source(%dma_start3A_482 : memref<1x128xf32, #tpu.memory_space<hbm>>) target(%dma_start3A_480 : memref<1x128xf32, #tpu.memory_space<vmem>>) target_semaphore(%arg15 : memref<!tpu.dma_semaphore, #tpu.memory_space<semaphore_mem>>)
    %slice3A_483 = vector.extract_strided_slice %get3A_6 {offsets = [5], sizes = [1], strides = [1]} : vector<16xi32> to vector<1xi32>
    %squeeze3A_484 = vector.extract %slice3A_483[0] : i32 from vector<1xi32>
    %slice3A_485 = vector.extract_strided_slice %get3A_8 {offsets = [5], sizes = [1], strides = [1]} : vector<16xi32> to vector<1xi32>
    %squeeze3A_486 = vector.extract %slice3A_485[0] : i32 from vector<1xi32>
    %shift_right_arithmetic3A_487 = arith.constant 7 : i32
    %shift_right_arithmetic3A_488 = arith.shrsi %squeeze3A_484, %shift_right_arithmetic3A_487 : i32
    %shift_left3A_489 = arith.constant 7 : i32
    %shift_left3A_490 = arith.shli %shift_right_arithmetic3A_488, %shift_left3A_489 : i32
    %multiple_of3A_491 = tpu.assume_multiple %shift_left3A_490, 128 : i32
    %shift_right_arithmetic3A_492 = arith.constant 7 : i32
    %shift_right_arithmetic3A_493 = arith.shrsi %squeeze3A_486, %shift_right_arithmetic3A_492 : i32
    %shift_left3A_494 = arith.constant 7 : i32
    %shift_left3A_495 = arith.shli %shift_right_arithmetic3A_493, %shift_left3A_494 : i32
    %multiple_of3A_496 = tpu.assume_multiple %shift_left3A_495, 128 : i32
    %dma_start3A_497 = arith.constant 0 : i32
    %dma_start3A_498 = arith.constant 5 : i32
    %dma_start3A_499 = arith.constant 0 : i32
    %dma_start3A_500 = arith.constant 0 : i32
    %dma_start3A_501 = tpu.memref_slice %arg10[%dma_start3A_497, %dma_start3A_498, %dma_start3A_499, %dma_start3A_500] : memref<2x8x16x128xf32, #tpu.memory_space<vmem>> -> memref<1x1x8x128xf32, #tpu.memory_space<vmem>>
    %dma_start3A_502 = tpu.memref_squeeze %dma_start3A_501 : memref<1x1x8x128xf32, #tpu.memory_space<vmem>> -> memref<8x128xf32, #tpu.memory_space<vmem>>
    %dma_start3A_503 = arith.constant 0 : i32
    %dma_start3A_504 = tpu.memref_slice %arg3[%dma_start3A_503, %multiple_of3A_491] : memref<16x1000000xf32, #tpu.memory_space<hbm>> -> memref<8x128xf32, #tpu.memory_space<hbm>>
    %dma_start3A_505 = arith.constant 0 : i32
    %dma_start3A_506 = arith.constant 0 : i32
    %dma_start3A_507 = tpu.memref_slice %arg10[%dma_start3A_497, %dma_start3A_498, %dma_start3A_505, %dma_start3A_506] : memref<2x8x16x128xf32, #tpu.memory_space<vmem>> -> memref<1x1x8x128xf32, #tpu.memory_space<vmem>>
    %dma_start3A_508 = tpu.memref_squeeze %dma_start3A_507 : memref<1x1x8x128xf32, #tpu.memory_space<vmem>> -> memref<8x128xf32, #tpu.memory_space<vmem>>
    %dma_start3A_509 = arith.constant 0 : i32
    %dma_start3A_510 = tpu.memref_slice %arg3[%dma_start3A_509, %multiple_of3A_491] : memref<16x1000000xf32, #tpu.memory_space<hbm>> -> memref<8x128xf32, #tpu.memory_space<hbm>>
    tpu.enqueue_dma source(%dma_start3A_510 : memref<8x128xf32, #tpu.memory_space<hbm>>) target(%dma_start3A_508 : memref<8x128xf32, #tpu.memory_space<vmem>>) target_semaphore(%arg15 : memref<!tpu.dma_semaphore, #tpu.memory_space<semaphore_mem>>)
    %dma_start3A_511 = arith.constant 0 : i32
    %dma_start3A_512 = arith.constant 5 : i32
    %dma_start3A_513 = arith.constant 8 : i32
    %dma_start3A_514 = arith.constant 0 : i32
    %dma_start3A_515 = tpu.memref_slice %arg10[%dma_start3A_511, %dma_start3A_512, %dma_start3A_513, %dma_start3A_514] : memref<2x8x16x128xf32, #tpu.memory_space<vmem>> -> memref<1x1x8x128xf32, #tpu.memory_space<vmem>>
    %dma_start3A_516 = tpu.memref_squeeze %dma_start3A_515 : memref<1x1x8x128xf32, #tpu.memory_space<vmem>> -> memref<8x128xf32, #tpu.memory_space<vmem>>
    %dma_start3A_517 = arith.constant 8 : i32
    %dma_start3A_518 = tpu.memref_slice %arg3[%dma_start3A_517, %multiple_of3A_491] : memref<16x1000000xf32, #tpu.memory_space<hbm>> -> memref<8x128xf32, #tpu.memory_space<hbm>>
    %dma_start3A_519 = arith.constant 8 : i32
    %dma_start3A_520 = arith.constant 0 : i32
    %dma_start3A_521 = tpu.memref_slice %arg10[%dma_start3A_511, %dma_start3A_512, %dma_start3A_519, %dma_start3A_520] : memref<2x8x16x128xf32, #tpu.memory_space<vmem>> -> memref<1x1x8x128xf32, #tpu.memory_space<vmem>>
    %dma_start3A_522 = tpu.memref_squeeze %dma_start3A_521 : memref<1x1x8x128xf32, #tpu.memory_space<vmem>> -> memref<8x128xf32, #tpu.memory_space<vmem>>
    %dma_start3A_523 = arith.constant 8 : i32
    %dma_start3A_524 = tpu.memref_slice %arg3[%dma_start3A_523, %multiple_of3A_491] : memref<16x1000000xf32, #tpu.memory_space<hbm>> -> memref<8x128xf32, #tpu.memory_space<hbm>>
    tpu.enqueue_dma source(%dma_start3A_524 : memref<8x128xf32, #tpu.memory_space<hbm>>) target(%dma_start3A_522 : memref<8x128xf32, #tpu.memory_space<vmem>>) target_semaphore(%arg15 : memref<!tpu.dma_semaphore, #tpu.memory_space<semaphore_mem>>)
    %dma_start3A_525 = arith.constant 0 : i32
    %dma_start3A_526 = arith.constant 5 : i32
    %dma_start3A_527 = arith.constant 0 : i32
    %dma_start3A_528 = arith.constant 0 : i32
    %dma_start3A_529 = tpu.memref_slice %arg11[%dma_start3A_525, %dma_start3A_526, %dma_start3A_527, %dma_start3A_528] : memref<2x8x16x128xf32, #tpu.memory_space<vmem>> -> memref<1x1x8x128xf32, #tpu.memory_space<vmem>>
    %dma_start3A_530 = tpu.memref_squeeze %dma_start3A_529 : memref<1x1x8x128xf32, #tpu.memory_space<vmem>> -> memref<8x128xf32, #tpu.memory_space<vmem>>
    %dma_start3A_531 = arith.constant 0 : i32
    %dma_start3A_532 = tpu.memref_slice %arg4[%dma_start3A_531, %multiple_of3A_496] : memref<16x1000000xf32, #tpu.memory_space<hbm>> -> memref<8x128xf32, #tpu.memory_space<hbm>>
    %dma_start3A_533 = arith.constant 0 : i32
    %dma_start3A_534 = arith.constant 0 : i32
    %dma_start3A_535 = tpu.memref_slice %arg11[%dma_start3A_525, %dma_start3A_526, %dma_start3A_533, %dma_start3A_534] : memref<2x8x16x128xf32, #tpu.memory_space<vmem>> -> memref<1x1x8x128xf32, #tpu.memory_space<vmem>>
    %dma_start3A_536 = tpu.memref_squeeze %dma_start3A_535 : memref<1x1x8x128xf32, #tpu.memory_space<vmem>> -> memref<8x128xf32, #tpu.memory_space<vmem>>
    %dma_start3A_537 = arith.constant 0 : i32
    %dma_start3A_538 = tpu.memref_slice %arg4[%dma_start3A_537, %multiple_of3A_496] : memref<16x1000000xf32, #tpu.memory_space<hbm>> -> memref<8x128xf32, #tpu.memory_space<hbm>>
    tpu.enqueue_dma source(%dma_start3A_538 : memref<8x128xf32, #tpu.memory_space<hbm>>) target(%dma_start3A_536 : memref<8x128xf32, #tpu.memory_space<vmem>>) target_semaphore(%arg15 : memref<!tpu.dma_semaphore, #tpu.memory_space<semaphore_mem>>)
    %dma_start3A_539 = arith.constant 0 : i32
    %dma_start3A_540 = arith.constant 5 : i32
    %dma_start3A_541 = arith.constant 8 : i32
    %dma_start3A_542 = arith.constant 0 : i32
    %dma_start3A_543 = tpu.memref_slice %arg11[%dma_start3A_539, %dma_start3A_540, %dma_start3A_541, %dma_start3A_542] : memref<2x8x16x128xf32, #tpu.memory_space<vmem>> -> memref<1x1x8x128xf32, #tpu.memory_space<vmem>>
    %dma_start3A_544 = tpu.memref_squeeze %dma_start3A_543 : memref<1x1x8x128xf32, #tpu.memory_space<vmem>> -> memref<8x128xf32, #tpu.memory_space<vmem>>
    %dma_start3A_545 = arith.constant 8 : i32
    %dma_start3A_546 = tpu.memref_slice %arg4[%dma_start3A_545, %multiple_of3A_496] : memref<16x1000000xf32, #tpu.memory_space<hbm>> -> memref<8x128xf32, #tpu.memory_space<hbm>>
    %dma_start3A_547 = arith.constant 8 : i32
    %dma_start3A_548 = arith.constant 0 : i32
    %dma_start3A_549 = tpu.memref_slice %arg11[%dma_start3A_539, %dma_start3A_540, %dma_start3A_547, %dma_start3A_548] : memref<2x8x16x128xf32, #tpu.memory_space<vmem>> -> memref<1x1x8x128xf32, #tpu.memory_space<vmem>>
    %dma_start3A_550 = tpu.memref_squeeze %dma_start3A_549 : memref<1x1x8x128xf32, #tpu.memory_space<vmem>> -> memref<8x128xf32, #tpu.memory_space<vmem>>
    %dma_start3A_551 = arith.constant 8 : i32
    %dma_start3A_552 = tpu.memref_slice %arg4[%dma_start3A_551, %multiple_of3A_496] : memref<16x1000000xf32, #tpu.memory_space<hbm>> -> memref<8x128xf32, #tpu.memory_space<hbm>>
    tpu.enqueue_dma source(%dma_start3A_552 : memref<8x128xf32, #tpu.memory_space<hbm>>) target(%dma_start3A_550 : memref<8x128xf32, #tpu.memory_space<vmem>>) target_semaphore(%arg15 : memref<!tpu.dma_semaphore, #tpu.memory_space<semaphore_mem>>)
    %dma_start3A_553 = arith.constant 0 : i32
    %dma_start3A_554 = arith.constant 5 : i32
    %dma_start3A_555 = arith.constant 0 : i32
    %dma_start3A_556 = tpu.memref_slice %arg12[%dma_start3A_553, %dma_start3A_554, %dma_start3A_555] : memref<2x8x128xf32, #tpu.memory_space<vmem>> -> memref<1x1x128xf32, #tpu.memory_space<vmem>>
    %dma_start3A_557 = tpu.memref_squeeze %dma_start3A_556 : memref<1x1x128xf32, #tpu.memory_space<vmem>> -> memref<1x128xf32, #tpu.memory_space<vmem>>
    %dma_start3A_558 = arith.constant 0 : i32
    %dma_start3A_559 = tpu.memref_slice %arg5[%dma_start3A_558, %multiple_of3A_491] : memref<1x1000000xf32, #tpu.memory_space<hbm>> -> memref<1x128xf32, #tpu.memory_space<hbm>>
    %dma_start3A_560 = arith.constant 5 : i32
    %dma_start3A_561 = arith.constant 0 : i32
    %dma_start3A_562 = tpu.memref_slice %arg12[%dma_start3A_553, %dma_start3A_560, %dma_start3A_561] : memref<2x8x128xf32, #tpu.memory_space<vmem>> -> memref<1x1x128xf32, #tpu.memory_space<vmem>>
    %dma_start3A_563 = tpu.memref_squeeze %dma_start3A_562 : memref<1x1x128xf32, #tpu.memory_space<vmem>> -> memref<1x128xf32, #tpu.memory_space<vmem>>
    %dma_start3A_564 = arith.constant 0 : i32
    %dma_start3A_565 = tpu.memref_slice %arg5[%dma_start3A_564, %multiple_of3A_491] : memref<1x1000000xf32, #tpu.memory_space<hbm>> -> memref<1x128xf32, #tpu.memory_space<hbm>>
    tpu.enqueue_dma source(%dma_start3A_565 : memref<1x128xf32, #tpu.memory_space<hbm>>) target(%dma_start3A_563 : memref<1x128xf32, #tpu.memory_space<vmem>>) target_semaphore(%arg15 : memref<!tpu.dma_semaphore, #tpu.memory_space<semaphore_mem>>)
    %dma_start3A_566 = arith.constant 0 : i32
    %dma_start3A_567 = arith.constant 5 : i32
    %dma_start3A_568 = arith.constant 0 : i32
    %dma_start3A_569 = tpu.memref_slice %arg13[%dma_start3A_566, %dma_start3A_567, %dma_start3A_568] : memref<2x8x128xf32, #tpu.memory_space<vmem>> -> memref<1x1x128xf32, #tpu.memory_space<vmem>>
    %dma_start3A_570 = tpu.memref_squeeze %dma_start3A_569 : memref<1x1x128xf32, #tpu.memory_space<vmem>> -> memref<1x128xf32, #tpu.memory_space<vmem>>
    %dma_start3A_571 = arith.constant 0 : i32
    %dma_start3A_572 = tpu.memref_slice %arg6[%dma_start3A_571, %multiple_of3A_496] : memref<1x1000000xf32, #tpu.memory_space<hbm>> -> memref<1x128xf32, #tpu.memory_space<hbm>>
    %dma_start3A_573 = arith.constant 5 : i32
    %dma_start3A_574 = arith.constant 0 : i32
    %dma_start3A_575 = tpu.memref_slice %arg13[%dma_start3A_566, %dma_start3A_573, %dma_start3A_574] : memref<2x8x128xf32, #tpu.memory_space<vmem>> -> memref<1x1x128xf32, #tpu.memory_space<vmem>>
    %dma_start3A_576 = tpu.memref_squeeze %dma_start3A_575 : memref<1x1x128xf32, #tpu.memory_space<vmem>> -> memref<1x128xf32, #tpu.memory_space<vmem>>
    %dma_start3A_577 = arith.constant 0 : i32
    %dma_start3A_578 = tpu.memref_slice %arg6[%dma_start3A_577, %multiple_of3A_496] : memref<1x1000000xf32, #tpu.memory_space<hbm>> -> memref<1x128xf32, #tpu.memory_space<hbm>>
    tpu.enqueue_dma source(%dma_start3A_578 : memref<1x128xf32, #tpu.memory_space<hbm>>) target(%dma_start3A_576 : memref<1x128xf32, #tpu.memory_space<vmem>>) target_semaphore(%arg15 : memref<!tpu.dma_semaphore, #tpu.memory_space<semaphore_mem>>)
    %slice3A_579 = vector.extract_strided_slice %get3A_6 {offsets = [6], sizes = [1], strides = [1]} : vector<16xi32> to vector<1xi32>
    %squeeze3A_580 = vector.extract %slice3A_579[0] : i32 from vector<1xi32>
    %slice3A_581 = vector.extract_strided_slice %get3A_8 {offsets = [6], sizes = [1], strides = [1]} : vector<16xi32> to vector<1xi32>
    %squeeze3A_582 = vector.extract %slice3A_581[0] : i32 from vector<1xi32>
    %shift_right_arithmetic3A_583 = arith.constant 7 : i32
    %shift_right_arithmetic3A_584 = arith.shrsi %squeeze3A_580, %shift_right_arithmetic3A_583 : i32
    %shift_left3A_585 = arith.constant 7 : i32
    %shift_left3A_586 = arith.shli %shift_right_arithmetic3A_584, %shift_left3A_585 : i32
    %multiple_of3A_587 = tpu.assume_multiple %shift_left3A_586, 128 : i32
    %shift_right_arithmetic3A_588 = arith.constant 7 : i32
    %shift_right_arithmetic3A_589 = arith.shrsi %squeeze3A_582, %shift_right_arithmetic3A_588 : i32
    %shift_left3A_590 = arith.constant 7 : i32
    %shift_left3A_591 = arith.shli %shift_right_arithmetic3A_589, %shift_left3A_590 : i32
    %multiple_of3A_592 = tpu.assume_multiple %shift_left3A_591, 128 : i32
    %dma_start3A_593 = arith.constant 0 : i32
    %dma_start3A_594 = arith.constant 6 : i32
    %dma_start3A_595 = arith.constant 0 : i32
    %dma_start3A_596 = arith.constant 0 : i32
    %dma_start3A_597 = tpu.memref_slice %arg10[%dma_start3A_593, %dma_start3A_594, %dma_start3A_595, %dma_start3A_596] : memref<2x8x16x128xf32, #tpu.memory_space<vmem>> -> memref<1x1x8x128xf32, #tpu.memory_space<vmem>>
    %dma_start3A_598 = tpu.memref_squeeze %dma_start3A_597 : memref<1x1x8x128xf32, #tpu.memory_space<vmem>> -> memref<8x128xf32, #tpu.memory_space<vmem>>
    %dma_start3A_599 = arith.constant 0 : i32
    %dma_start3A_600 = tpu.memref_slice %arg3[%dma_start3A_599, %multiple_of3A_587] : memref<16x1000000xf32, #tpu.memory_space<hbm>> -> memref<8x128xf32, #tpu.memory_space<hbm>>
    %dma_start3A_601 = arith.constant 0 : i32
    %dma_start3A_602 = arith.constant 0 : i32
    %dma_start3A_603 = tpu.memref_slice %arg10[%dma_start3A_593, %dma_start3A_594, %dma_start3A_601, %dma_start3A_602] : memref<2x8x16x128xf32, #tpu.memory_space<vmem>> -> memref<1x1x8x128xf32, #tpu.memory_space<vmem>>
    %dma_start3A_604 = tpu.memref_squeeze %dma_start3A_603 : memref<1x1x8x128xf32, #tpu.memory_space<vmem>> -> memref<8x128xf32, #tpu.memory_space<vmem>>
    %dma_start3A_605 = arith.constant 0 : i32
    %dma_start3A_606 = tpu.memref_slice %arg3[%dma_start3A_605, %multiple_of3A_587] : memref<16x1000000xf32, #tpu.memory_space<hbm>> -> memref<8x128xf32, #tpu.memory_space<hbm>>
    tpu.enqueue_dma source(%dma_start3A_606 : memref<8x128xf32, #tpu.memory_space<hbm>>) target(%dma_start3A_604 : memref<8x128xf32, #tpu.memory_space<vmem>>) target_semaphore(%arg15 : memref<!tpu.dma_semaphore, #tpu.memory_space<semaphore_mem>>)
    %dma_start3A_607 = arith.constant 0 : i32
    %dma_start3A_608 = arith.constant 6 : i32
    %dma_start3A_609 = arith.constant 8 : i32
    %dma_start3A_610 = arith.constant 0 : i32
    %dma_start3A_611 = tpu.memref_slice %arg10[%dma_start3A_607, %dma_start3A_608, %dma_start3A_609, %dma_start3A_610] : memref<2x8x16x128xf32, #tpu.memory_space<vmem>> -> memref<1x1x8x128xf32, #tpu.memory_space<vmem>>
    %dma_start3A_612 = tpu.memref_squeeze %dma_start3A_611 : memref<1x1x8x128xf32, #tpu.memory_space<vmem>> -> memref<8x128xf32, #tpu.memory_space<vmem>>
    %dma_start3A_613 = arith.constant 8 : i32
    %dma_start3A_614 = tpu.memref_slice %arg3[%dma_start3A_613, %multiple_of3A_587] : memref<16x1000000xf32, #tpu.memory_space<hbm>> -> memref<8x128xf32, #tpu.memory_space<hbm>>
    %dma_start3A_615 = arith.constant 8 : i32
    %dma_start3A_616 = arith.constant 0 : i32
    %dma_start3A_617 = tpu.memref_slice %arg10[%dma_start3A_607, %dma_start3A_608, %dma_start3A_615, %dma_start3A_616] : memref<2x8x16x128xf32, #tpu.memory_space<vmem>> -> memref<1x1x8x128xf32, #tpu.memory_space<vmem>>
    %dma_start3A_618 = tpu.memref_squeeze %dma_start3A_617 : memref<1x1x8x128xf32, #tpu.memory_space<vmem>> -> memref<8x128xf32, #tpu.memory_space<vmem>>
    %dma_start3A_619 = arith.constant 8 : i32
    %dma_start3A_620 = tpu.memref_slice %arg3[%dma_start3A_619, %multiple_of3A_587] : memref<16x1000000xf32, #tpu.memory_space<hbm>> -> memref<8x128xf32, #tpu.memory_space<hbm>>
    tpu.enqueue_dma source(%dma_start3A_620 : memref<8x128xf32, #tpu.memory_space<hbm>>) target(%dma_start3A_618 : memref<8x128xf32, #tpu.memory_space<vmem>>) target_semaphore(%arg15 : memref<!tpu.dma_semaphore, #tpu.memory_space<semaphore_mem>>)
    %dma_start3A_621 = arith.constant 0 : i32
    %dma_start3A_622 = arith.constant 6 : i32
    %dma_start3A_623 = arith.constant 0 : i32
    %dma_start3A_624 = arith.constant 0 : i32
    %dma_start3A_625 = tpu.memref_slice %arg11[%dma_start3A_621, %dma_start3A_622, %dma_start3A_623, %dma_start3A_624] : memref<2x8x16x128xf32, #tpu.memory_space<vmem>> -> memref<1x1x8x128xf32, #tpu.memory_space<vmem>>
    %dma_start3A_626 = tpu.memref_squeeze %dma_start3A_625 : memref<1x1x8x128xf32, #tpu.memory_space<vmem>> -> memref<8x128xf32, #tpu.memory_space<vmem>>
    %dma_start3A_627 = arith.constant 0 : i32
    %dma_start3A_628 = tpu.memref_slice %arg4[%dma_start3A_627, %multiple_of3A_592] : memref<16x1000000xf32, #tpu.memory_space<hbm>> -> memref<8x128xf32, #tpu.memory_space<hbm>>
    %dma_start3A_629 = arith.constant 0 : i32
    %dma_start3A_630 = arith.constant 0 : i32
    %dma_start3A_631 = tpu.memref_slice %arg11[%dma_start3A_621, %dma_start3A_622, %dma_start3A_629, %dma_start3A_630] : memref<2x8x16x128xf32, #tpu.memory_space<vmem>> -> memref<1x1x8x128xf32, #tpu.memory_space<vmem>>
    %dma_start3A_632 = tpu.memref_squeeze %dma_start3A_631 : memref<1x1x8x128xf32, #tpu.memory_space<vmem>> -> memref<8x128xf32, #tpu.memory_space<vmem>>
    %dma_start3A_633 = arith.constant 0 : i32
    %dma_start3A_634 = tpu.memref_slice %arg4[%dma_start3A_633, %multiple_of3A_592] : memref<16x1000000xf32, #tpu.memory_space<hbm>> -> memref<8x128xf32, #tpu.memory_space<hbm>>
    tpu.enqueue_dma source(%dma_start3A_634 : memref<8x128xf32, #tpu.memory_space<hbm>>) target(%dma_start3A_632 : memref<8x128xf32, #tpu.memory_space<vmem>>) target_semaphore(%arg15 : memref<!tpu.dma_semaphore, #tpu.memory_space<semaphore_mem>>)
    %dma_start3A_635 = arith.constant 0 : i32
    %dma_start3A_636 = arith.constant 6 : i32
    %dma_start3A_637 = arith.constant 8 : i32
    %dma_start3A_638 = arith.constant 0 : i32
    %dma_start3A_639 = tpu.memref_slice %arg11[%dma_start3A_635, %dma_start3A_636, %dma_start3A_637, %dma_start3A_638] : memref<2x8x16x128xf32, #tpu.memory_space<vmem>> -> memref<1x1x8x128xf32, #tpu.memory_space<vmem>>
    %dma_start3A_640 = tpu.memref_squeeze %dma_start3A_639 : memref<1x1x8x128xf32, #tpu.memory_space<vmem>> -> memref<8x128xf32, #tpu.memory_space<vmem>>
    %dma_start3A_641 = arith.constant 8 : i32
    %dma_start3A_642 = tpu.memref_slice %arg4[%dma_start3A_641, %multiple_of3A_592] : memref<16x1000000xf32, #tpu.memory_space<hbm>> -> memref<8x128xf32, #tpu.memory_space<hbm>>
    %dma_start3A_643 = arith.constant 8 : i32
    %dma_start3A_644 = arith.constant 0 : i32
    %dma_start3A_645 = tpu.memref_slice %arg11[%dma_start3A_635, %dma_start3A_636, %dma_start3A_643, %dma_start3A_644] : memref<2x8x16x128xf32, #tpu.memory_space<vmem>> -> memref<1x1x8x128xf32, #tpu.memory_space<vmem>>
    %dma_start3A_646 = tpu.memref_squeeze %dma_start3A_645 : memref<1x1x8x128xf32, #tpu.memory_space<vmem>> -> memref<8x128xf32, #tpu.memory_space<vmem>>
    %dma_start3A_647 = arith.constant 8 : i32
    %dma_start3A_648 = tpu.memref_slice %arg4[%dma_start3A_647, %multiple_of3A_592] : memref<16x1000000xf32, #tpu.memory_space<hbm>> -> memref<8x128xf32, #tpu.memory_space<hbm>>
    tpu.enqueue_dma source(%dma_start3A_648 : memref<8x128xf32, #tpu.memory_space<hbm>>) target(%dma_start3A_646 : memref<8x128xf32, #tpu.memory_space<vmem>>) target_semaphore(%arg15 : memref<!tpu.dma_semaphore, #tpu.memory_space<semaphore_mem>>)
    %dma_start3A_649 = arith.constant 0 : i32
    %dma_start3A_650 = arith.constant 6 : i32
    %dma_start3A_651 = arith.constant 0 : i32
    %dma_start3A_652 = tpu.memref_slice %arg12[%dma_start3A_649, %dma_start3A_650, %dma_start3A_651] : memref<2x8x128xf32, #tpu.memory_space<vmem>> -> memref<1x1x128xf32, #tpu.memory_space<vmem>>
    %dma_start3A_653 = tpu.memref_squeeze %dma_start3A_652 : memref<1x1x128xf32, #tpu.memory_space<vmem>> -> memref<1x128xf32, #tpu.memory_space<vmem>>
    %dma_start3A_654 = arith.constant 0 : i32
    %dma_start3A_655 = tpu.memref_slice %arg5[%dma_start3A_654, %multiple_of3A_587] : memref<1x1000000xf32, #tpu.memory_space<hbm>> -> memref<1x128xf32, #tpu.memory_space<hbm>>
    %dma_start3A_656 = arith.constant 6 : i32
    %dma_start3A_657 = arith.constant 0 : i32
    %dma_start3A_658 = tpu.memref_slice %arg12[%dma_start3A_649, %dma_start3A_656, %dma_start3A_657] : memref<2x8x128xf32, #tpu.memory_space<vmem>> -> memref<1x1x128xf32, #tpu.memory_space<vmem>>
    %dma_start3A_659 = tpu.memref_squeeze %dma_start3A_658 : memref<1x1x128xf32, #tpu.memory_space<vmem>> -> memref<1x128xf32, #tpu.memory_space<vmem>>
    %dma_start3A_660 = arith.constant 0 : i32
    %dma_start3A_661 = tpu.memref_slice %arg5[%dma_start3A_660, %multiple_of3A_587] : memref<1x1000000xf32, #tpu.memory_space<hbm>> -> memref<1x128xf32, #tpu.memory_space<hbm>>
    tpu.enqueue_dma source(%dma_start3A_661 : memref<1x128xf32, #tpu.memory_space<hbm>>) target(%dma_start3A_659 : memref<1x128xf32, #tpu.memory_space<vmem>>) target_semaphore(%arg15 : memref<!tpu.dma_semaphore, #tpu.memory_space<semaphore_mem>>)
    %dma_start3A_662 = arith.constant 0 : i32
    %dma_start3A_663 = arith.constant 6 : i32
    %dma_start3A_664 = arith.constant 0 : i32
    %dma_start3A_665 = tpu.memref_slice %arg13[%dma_start3A_662, %dma_start3A_663, %dma_start3A_664] : memref<2x8x128xf32, #tpu.memory_space<vmem>> -> memref<1x1x128xf32, #tpu.memory_space<vmem>>
    %dma_start3A_666 = tpu.memref_squeeze %dma_start3A_665 : memref<1x1x128xf32, #tpu.memory_space<vmem>> -> memref<1x128xf32, #tpu.memory_space<vmem>>
    %dma_start3A_667 = arith.constant 0 : i32
    %dma_start3A_668 = tpu.memref_slice %arg6[%dma_start3A_667, %multiple_of3A_592] : memref<1x1000000xf32, #tpu.memory_space<hbm>> -> memref<1x128xf32, #tpu.memory_space<hbm>>
    %dma_start3A_669 = arith.constant 6 : i32
    %dma_start3A_670 = arith.constant 0 : i32
    %dma_start3A_671 = tpu.memref_slice %arg13[%dma_start3A_662, %dma_start3A_669, %dma_start3A_670] : memref<2x8x128xf32, #tpu.memory_space<vmem>> -> memref<1x1x128xf32, #tpu.memory_space<vmem>>
    %dma_start3A_672 = tpu.memref_squeeze %dma_start3A_671 : memref<1x1x128xf32, #tpu.memory_space<vmem>> -> memref<1x128xf32, #tpu.memory_space<vmem>>
    %dma_start3A_673 = arith.constant 0 : i32
    %dma_start3A_674 = tpu.memref_slice %arg6[%dma_start3A_673, %multiple_of3A_592] : memref<1x1000000xf32, #tpu.memory_space<hbm>> -> memref<1x128xf32, #tpu.memory_space<hbm>>
    tpu.enqueue_dma source(%dma_start3A_674 : memref<1x128xf32, #tpu.memory_space<hbm>>) target(%dma_start3A_672 : memref<1x128xf32, #tpu.memory_space<vmem>>) target_semaphore(%arg15 : memref<!tpu.dma_semaphore, #tpu.memory_space<semaphore_mem>>)
    %slice3A_675 = vector.extract_strided_slice %get3A_6 {offsets = [7], sizes = [1], strides = [1]} : vector<16xi32> to vector<1xi32>
    %squeeze3A_676 = vector.extract %slice3A_675[0] : i32 from vector<1xi32>
    %slice3A_677 = vector.extract_strided_slice %get3A_8 {offsets = [7], sizes = [1], strides = [1]} : vector<16xi32> to vector<1xi32>
    %squeeze3A_678 = vector.extract %slice3A_677[0] : i32 from vector<1xi32>
    %shift_right_arithmetic3A_679 = arith.constant 7 : i32
    %shift_right_arithmetic3A_680 = arith.shrsi %squeeze3A_676, %shift_right_arithmetic3A_679 : i32
    %shift_left3A_681 = arith.constant 7 : i32
    %shift_left3A_682 = arith.shli %shift_right_arithmetic3A_680, %shift_left3A_681 : i32
    %multiple_of3A_683 = tpu.assume_multiple %shift_left3A_682, 128 : i32
    %shift_right_arithmetic3A_684 = arith.constant 7 : i32
    %shift_right_arithmetic3A_685 = arith.shrsi %squeeze3A_678, %shift_right_arithmetic3A_684 : i32
    %shift_left3A_686 = arith.constant 7 : i32
    %shift_left3A_687 = arith.shli %shift_right_arithmetic3A_685, %shift_left3A_686 : i32
    %multiple_of3A_688 = tpu.assume_multiple %shift_left3A_687, 128 : i32
    %dma_start3A_689 = arith.constant 0 : i32
    %dma_start3A_690 = arith.constant 7 : i32
    %dma_start3A_691 = arith.constant 0 : i32
    %dma_start3A_692 = arith.constant 0 : i32
    %dma_start3A_693 = tpu.memref_slice %arg10[%dma_start3A_689, %dma_start3A_690, %dma_start3A_691, %dma_start3A_692] : memref<2x8x16x128xf32, #tpu.memory_space<vmem>> -> memref<1x1x8x128xf32, #tpu.memory_space<vmem>>
    %dma_start3A_694 = tpu.memref_squeeze %dma_start3A_693 : memref<1x1x8x128xf32, #tpu.memory_space<vmem>> -> memref<8x128xf32, #tpu.memory_space<vmem>>
    %dma_start3A_695 = arith.constant 0 : i32
    %dma_start3A_696 = tpu.memref_slice %arg3[%dma_start3A_695, %multiple_of3A_683] : memref<16x1000000xf32, #tpu.memory_space<hbm>> -> memref<8x128xf32, #tpu.memory_space<hbm>>
    %dma_start3A_697 = arith.constant 0 : i32
    %dma_start3A_698 = arith.constant 0 : i32
    %dma_start3A_699 = tpu.memref_slice %arg10[%dma_start3A_689, %dma_start3A_690, %dma_start3A_697, %dma_start3A_698] : memref<2x8x16x128xf32, #tpu.memory_space<vmem>> -> memref<1x1x8x128xf32, #tpu.memory_space<vmem>>
    %dma_start3A_700 = tpu.memref_squeeze %dma_start3A_699 : memref<1x1x8x128xf32, #tpu.memory_space<vmem>> -> memref<8x128xf32, #tpu.memory_space<vmem>>
    %dma_start3A_701 = arith.constant 0 : i32
    %dma_start3A_702 = tpu.memref_slice %arg3[%dma_start3A_701, %multiple_of3A_683] : memref<16x1000000xf32, #tpu.memory_space<hbm>> -> memref<8x128xf32, #tpu.memory_space<hbm>>
    tpu.enqueue_dma source(%dma_start3A_702 : memref<8x128xf32, #tpu.memory_space<hbm>>) target(%dma_start3A_700 : memref<8x128xf32, #tpu.memory_space<vmem>>) target_semaphore(%arg15 : memref<!tpu.dma_semaphore, #tpu.memory_space<semaphore_mem>>)
    %dma_start3A_703 = arith.constant 0 : i32
    %dma_start3A_704 = arith.constant 7 : i32
    %dma_start3A_705 = arith.constant 8 : i32
    %dma_start3A_706 = arith.constant 0 : i32
    %dma_start3A_707 = tpu.memref_slice %arg10[%dma_start3A_703, %dma_start3A_704, %dma_start3A_705, %dma_start3A_706] : memref<2x8x16x128xf32, #tpu.memory_space<vmem>> -> memref<1x1x8x128xf32, #tpu.memory_space<vmem>>
    %dma_start3A_708 = tpu.memref_squeeze %dma_start3A_707 : memref<1x1x8x128xf32, #tpu.memory_space<vmem>> -> memref<8x128xf32, #tpu.memory_space<vmem>>
    %dma_start3A_709 = arith.constant 8 : i32
    %dma_start3A_710 = tpu.memref_slice %arg3[%dma_start3A_709, %multiple_of3A_683] : memref<16x1000000xf32, #tpu.memory_space<hbm>> -> memref<8x128xf32, #tpu.memory_space<hbm>>
    %dma_start3A_711 = arith.constant 8 : i32
    %dma_start3A_712 = arith.constant 0 : i32
    %dma_start3A_713 = tpu.memref_slice %arg10[%dma_start3A_703, %dma_start3A_704, %dma_start3A_711, %dma_start3A_712] : memref<2x8x16x128xf32, #tpu.memory_space<vmem>> -> memref<1x1x8x128xf32, #tpu.memory_space<vmem>>
    %dma_start3A_714 = tpu.memref_squeeze %dma_start3A_713 : memref<1x1x8x128xf32, #tpu.memory_space<vmem>> -> memref<8x128xf32, #tpu.memory_space<vmem>>
    %dma_start3A_715 = arith.constant 8 : i32
    %dma_start3A_716 = tpu.memref_slice %arg3[%dma_start3A_715, %multiple_of3A_683] : memref<16x1000000xf32, #tpu.memory_space<hbm>> -> memref<8x128xf32, #tpu.memory_space<hbm>>
    tpu.enqueue_dma source(%dma_start3A_716 : memref<8x128xf32, #tpu.memory_space<hbm>>) target(%dma_start3A_714 : memref<8x128xf32, #tpu.memory_space<vmem>>) target_semaphore(%arg15 : memref<!tpu.dma_semaphore, #tpu.memory_space<semaphore_mem>>)
    %dma_start3A_717 = arith.constant 0 : i32
    %dma_start3A_718 = arith.constant 7 : i32
    %dma_start3A_719 = arith.constant 0 : i32
    %dma_start3A_720 = arith.constant 0 : i32
    %dma_start3A_721 = tpu.memref_slice %arg11[%dma_start3A_717, %dma_start3A_718, %dma_start3A_719, %dma_start3A_720] : memref<2x8x16x128xf32, #tpu.memory_space<vmem>> -> memref<1x1x8x128xf32, #tpu.memory_space<vmem>>
    %dma_start3A_722 = tpu.memref_squeeze %dma_start3A_721 : memref<1x1x8x128xf32, #tpu.memory_space<vmem>> -> memref<8x128xf32, #tpu.memory_space<vmem>>
    %dma_start3A_723 = arith.constant 0 : i32
    %dma_start3A_724 = tpu.memref_slice %arg4[%dma_start3A_723, %multiple_of3A_688] : memref<16x1000000xf32, #tpu.memory_space<hbm>> -> memref<8x128xf32, #tpu.memory_space<hbm>>
    %dma_start3A_725 = arith.constant 0 : i32
    %dma_start3A_726 = arith.constant 0 : i32
    %dma_start3A_727 = tpu.memref_slice %arg11[%dma_start3A_717, %dma_start3A_718, %dma_start3A_725, %dma_start3A_726] : memref<2x8x16x128xf32, #tpu.memory_space<vmem>> -> memref<1x1x8x128xf32, #tpu.memory_space<vmem>>
    %dma_start3A_728 = tpu.memref_squeeze %dma_start3A_727 : memref<1x1x8x128xf32, #tpu.memory_space<vmem>> -> memref<8x128xf32, #tpu.memory_space<vmem>>
    %dma_start3A_729 = arith.constant 0 : i32
    %dma_start3A_730 = tpu.memref_slice %arg4[%dma_start3A_729, %multiple_of3A_688] : memref<16x1000000xf32, #tpu.memory_space<hbm>> -> memref<8x128xf32, #tpu.memory_space<hbm>>
    tpu.enqueue_dma source(%dma_start3A_730 : memref<8x128xf32, #tpu.memory_space<hbm>>) target(%dma_start3A_728 : memref<8x128xf32, #tpu.memory_space<vmem>>) target_semaphore(%arg15 : memref<!tpu.dma_semaphore, #tpu.memory_space<semaphore_mem>>)
    %dma_start3A_731 = arith.constant 0 : i32
    %dma_start3A_732 = arith.constant 7 : i32
    %dma_start3A_733 = arith.constant 8 : i32
    %dma_start3A_734 = arith.constant 0 : i32
    %dma_start3A_735 = tpu.memref_slice %arg11[%dma_start3A_731, %dma_start3A_732, %dma_start3A_733, %dma_start3A_734] : memref<2x8x16x128xf32, #tpu.memory_space<vmem>> -> memref<1x1x8x128xf32, #tpu.memory_space<vmem>>
    %dma_start3A_736 = tpu.memref_squeeze %dma_start3A_735 : memref<1x1x8x128xf32, #tpu.memory_space<vmem>> -> memref<8x128xf32, #tpu.memory_space<vmem>>
    %dma_start3A_737 = arith.constant 8 : i32
    %dma_start3A_738 = tpu.memref_slice %arg4[%dma_start3A_737, %multiple_of3A_688] : memref<16x1000000xf32, #tpu.memory_space<hbm>> -> memref<8x128xf32, #tpu.memory_space<hbm>>
    %dma_start3A_739 = arith.constant 8 : i32
    %dma_start3A_740 = arith.constant 0 : i32
    %dma_start3A_741 = tpu.memref_slice %arg11[%dma_start3A_731, %dma_start3A_732, %dma_start3A_739, %dma_start3A_740] : memref<2x8x16x128xf32, #tpu.memory_space<vmem>> -> memref<1x1x8x128xf32, #tpu.memory_space<vmem>>
    %dma_start3A_742 = tpu.memref_squeeze %dma_start3A_741 : memref<1x1x8x128xf32, #tpu.memory_space<vmem>> -> memref<8x128xf32, #tpu.memory_space<vmem>>
    %dma_start3A_743 = arith.constant 8 : i32
    %dma_start3A_744 = tpu.memref_slice %arg4[%dma_start3A_743, %multiple_of3A_688] : memref<16x1000000xf32, #tpu.memory_space<hbm>> -> memref<8x128xf32, #tpu.memory_space<hbm>>
    tpu.enqueue_dma source(%dma_start3A_744 : memref<8x128xf32, #tpu.memory_space<hbm>>) target(%dma_start3A_742 : memref<8x128xf32, #tpu.memory_space<vmem>>) target_semaphore(%arg15 : memref<!tpu.dma_semaphore, #tpu.memory_space<semaphore_mem>>)
    %dma_start3A_745 = arith.constant 0 : i32
    %dma_start3A_746 = arith.constant 7 : i32
    %dma_start3A_747 = arith.constant 0 : i32
    %dma_start3A_748 = tpu.memref_slice %arg12[%dma_start3A_745, %dma_start3A_746, %dma_start3A_747] : memref<2x8x128xf32, #tpu.memory_space<vmem>> -> memref<1x1x128xf32, #tpu.memory_space<vmem>>
    %dma_start3A_749 = tpu.memref_squeeze %dma_start3A_748 : memref<1x1x128xf32, #tpu.memory_space<vmem>> -> memref<1x128xf32, #tpu.memory_space<vmem>>
    %dma_start3A_750 = arith.constant 0 : i32
    %dma_start3A_751 = tpu.memref_slice %arg5[%dma_start3A_750, %multiple_of3A_683] : memref<1x1000000xf32, #tpu.memory_space<hbm>> -> memref<1x128xf32, #tpu.memory_space<hbm>>
    %dma_start3A_752 = arith.constant 7 : i32
    %dma_start3A_753 = arith.constant 0 : i32
    %dma_start3A_754 = tpu.memref_slice %arg12[%dma_start3A_745, %dma_start3A_752, %dma_start3A_753] : memref<2x8x128xf32, #tpu.memory_space<vmem>> -> memref<1x1x128xf32, #tpu.memory_space<vmem>>
    %dma_start3A_755 = tpu.memref_squeeze %dma_start3A_754 : memref<1x1x128xf32, #tpu.memory_space<vmem>> -> memref<1x128xf32, #tpu.memory_space<vmem>>
    %dma_start3A_756 = arith.constant 0 : i32
    %dma_start3A_757 = tpu.memref_slice %arg5[%dma_start3A_756, %multiple_of3A_683] : memref<1x1000000xf32, #tpu.memory_space<hbm>> -> memref<1x128xf32, #tpu.memory_space<hbm>>
    tpu.enqueue_dma source(%dma_start3A_757 : memref<1x128xf32, #tpu.memory_space<hbm>>) target(%dma_start3A_755 : memref<1x128xf32, #tpu.memory_space<vmem>>) target_semaphore(%arg15 : memref<!tpu.dma_semaphore, #tpu.memory_space<semaphore_mem>>)
    %dma_start3A_758 = arith.constant 0 : i32
    %dma_start3A_759 = arith.constant 7 : i32
    %dma_start3A_760 = arith.constant 0 : i32
    %dma_start3A_761 = tpu.memref_slice %arg13[%dma_start3A_758, %dma_start3A_759, %dma_start3A_760] : memref<2x8x128xf32, #tpu.memory_space<vmem>> -> memref<1x1x128xf32, #tpu.memory_space<vmem>>
    %dma_start3A_762 = tpu.memref_squeeze %dma_start3A_761 : memref<1x1x128xf32, #tpu.memory_space<vmem>> -> memref<1x128xf32, #tpu.memory_space<vmem>>
    %dma_start3A_763 = arith.constant 0 : i32
    %dma_start3A_764 = tpu.memref_slice %arg6[%dma_start3A_763, %multiple_of3A_688] : memref<1x1000000xf32, #tpu.memory_space<hbm>> -> memref<1x128xf32, #tpu.memory_space<hbm>>
    %dma_start3A_765 = arith.constant 7 : i32
    %dma_start3A_766 = arith.constant 0 : i32
    %dma_start3A_767 = tpu.memref_slice %arg13[%dma_start3A_758, %dma_start3A_765, %dma_start3A_766] : memref<2x8x128xf32, #tpu.memory_space<vmem>> -> memref<1x1x128xf32, #tpu.memory_space<vmem>>
    %dma_start3A_768 = tpu.memref_squeeze %dma_start3A_767 : memref<1x1x128xf32, #tpu.memory_space<vmem>> -> memref<1x128xf32, #tpu.memory_space<vmem>>
    %dma_start3A_769 = arith.constant 0 : i32
    %dma_start3A_770 = tpu.memref_slice %arg6[%dma_start3A_769, %multiple_of3A_688] : memref<1x1000000xf32, #tpu.memory_space<hbm>> -> memref<1x128xf32, #tpu.memory_space<hbm>>
    tpu.enqueue_dma source(%dma_start3A_770 : memref<1x128xf32, #tpu.memory_space<hbm>>) target(%dma_start3A_768 : memref<1x128xf32, #tpu.memory_space<vmem>>) target_semaphore(%arg15 : memref<!tpu.dma_semaphore, #tpu.memory_space<semaphore_mem>>)
    %scan3A = arith.constant 0 : i32
    %scan3A_771 = arith.constant 0 : i32
    %scan3A_772 = arith.constant 32 : i32
    %scan3A_773 = arith.addi %scan3A_771, %scan3A_772 : i32
    %scan3A_774 = arith.constant 1 : i32
    scf.for %scan3A_776 = %scan3A_771 to %scan3A_773 step %scan3A_774  : i32 {
      %mul3A_777 = arith.constant 2 : i32
      %mul3A_778 = arith.muli %scan3A_776, %mul3A_777 : i32
      %add3A_779 = arith.constant 1 : i32
      %add3A_780 = arith.addi %mul3A_778, %add3A_779 : i32
      %mul3A_781 = arith.constant 8 : i32
      %mul3A_782 = arith.muli %add3A_780, %mul3A_781 : i32
      %get3A_783 = arith.index_cast %mul3A_782 : i32 to index
      %get3A_784 = tpu.vector_load %arg8[%get3A_783] {strides = array<i32>} : memref<528xi32, #tpu.memory_space<vmem>>, vector<16xi32>,
      %get3A_785 = arith.index_cast %mul3A_782 : i32 to index
      %get3A_786 = tpu.vector_load %arg9[%get3A_785] {strides = array<i32>} : memref<528xi32, #tpu.memory_space<vmem>>, vector<16xi32>,
      %slice3A_787 = vector.extract_strided_slice %get3A_784 {offsets = [0], sizes = [1], strides = [1]} : vector<16xi32> to vector<1xi32>
      %squeeze3A_788 = vector.extract %slice3A_787[0] : i32 from vector<1xi32>
      %slice3A_789 = vector.extract_strided_slice %get3A_786 {offsets = [0], sizes = [1], strides = [1]} : vector<16xi32> to vector<1xi32>
      %squeeze3A_790 = vector.extract %slice3A_789[0] : i32 from vector<1xi32>
      %shift_right_arithmetic3A_791 = arith.constant 7 : i32
      %shift_right_arithmetic3A_792 = arith.shrsi %squeeze3A_788, %shift_right_arithmetic3A_791 : i32
      %shift_left3A_793 = arith.constant 7 : i32
      %shift_left3A_794 = arith.shli %shift_right_arithmetic3A_792, %shift_left3A_793 : i32
      %multiple_of3A_795 = tpu.assume_multiple %shift_left3A_794, 128 : i32
      %shift_right_arithmetic3A_796 = arith.constant 7 : i32
      %shift_right_arithmetic3A_797 = arith.shrsi %squeeze3A_790, %shift_right_arithmetic3A_796 : i32
      %shift_left3A_798 = arith.constant 7 : i32
      %shift_left3A_799 = arith.shli %shift_right_arithmetic3A_797, %shift_left3A_798 : i32
      %multiple_of3A_800 = tpu.assume_multiple %shift_left3A_799, 128 : i32
      %dma_start3A_801 = arith.constant 1 : i32
      %dma_start3A_802 = arith.constant 0 : i32
      %dma_start3A_803 = arith.constant 0 : i32
      %dma_start3A_804 = arith.constant 0 : i32
      %dma_start3A_805 = tpu.memref_slice %arg10[%dma_start3A_801, %dma_start3A_802, %dma_start3A_803, %dma_start3A_804] : memref<2x8x16x128xf32, #tpu.memory_space<vmem>> -> memref<1x1x8x128xf32, #tpu.memory_space<vmem>>
      %dma_start3A_806 = tpu.memref_squeeze %dma_start3A_805 : memref<1x1x8x128xf32, #tpu.memory_space<vmem>> -> memref<8x128xf32, #tpu.memory_space<vmem>>
      %dma_start3A_807 = arith.constant 0 : i32
      %dma_start3A_808 = tpu.memref_slice %arg3[%dma_start3A_807, %multiple_of3A_795] : memref<16x1000000xf32, #tpu.memory_space<hbm>> -> memref<8x128xf32, #tpu.memory_space<hbm>>
      %dma_start3A_809 = arith.constant 0 : i32
      %dma_start3A_810 = arith.constant 0 : i32
      %dma_start3A_811 = tpu.memref_slice %arg10[%dma_start3A_801, %dma_start3A_802, %dma_start3A_809, %dma_start3A_810] : memref<2x8x16x128xf32, #tpu.memory_space<vmem>> -> memref<1x1x8x128xf32, #tpu.memory_space<vmem>>
      %dma_start3A_812 = tpu.memref_squeeze %dma_start3A_811 : memref<1x1x8x128xf32, #tpu.memory_space<vmem>> -> memref<8x128xf32, #tpu.memory_space<vmem>>
      %dma_start3A_813 = arith.constant 0 : i32
      %dma_start3A_814 = tpu.memref_slice %arg3[%dma_start3A_813, %multiple_of3A_795] : memref<16x1000000xf32, #tpu.memory_space<hbm>> -> memref<8x128xf32, #tpu.memory_space<hbm>>
      tpu.enqueue_dma source(%dma_start3A_814 : memref<8x128xf32, #tpu.memory_space<hbm>>) target(%dma_start3A_812 : memref<8x128xf32, #tpu.memory_space<vmem>>) target_semaphore(%arg16 : memref<!tpu.dma_semaphore, #tpu.memory_space<semaphore_mem>>)
      %dma_start3A_815 = arith.constant 1 : i32
      %dma_start3A_816 = arith.constant 0 : i32
      %dma_start3A_817 = arith.constant 8 : i32
      %dma_start3A_818 = arith.constant 0 : i32
      %dma_start3A_819 = tpu.memref_slice %arg10[%dma_start3A_815, %dma_start3A_816, %dma_start3A_817, %dma_start3A_818] : memref<2x8x16x128xf32, #tpu.memory_space<vmem>> -> memref<1x1x8x128xf32, #tpu.memory_space<vmem>>
      %dma_start3A_820 = tpu.memref_squeeze %dma_start3A_819 : memref<1x1x8x128xf32, #tpu.memory_space<vmem>> -> memref<8x128xf32, #tpu.memory_space<vmem>>
      %dma_start3A_821 = arith.constant 8 : i32
      %dma_start3A_822 = tpu.memref_slice %arg3[%dma_start3A_821, %multiple_of3A_795] : memref<16x1000000xf32, #tpu.memory_space<hbm>> -> memref<8x128xf32, #tpu.memory_space<hbm>>
      %dma_start3A_823 = arith.constant 8 : i32
      %dma_start3A_824 = arith.constant 0 : i32
      %dma_start3A_825 = tpu.memref_slice %arg10[%dma_start3A_815, %dma_start3A_816, %dma_start3A_823, %dma_start3A_824] : memref<2x8x16x128xf32, #tpu.memory_space<vmem>> -> memref<1x1x8x128xf32, #tpu.memory_space<vmem>>
      %dma_start3A_826 = tpu.memref_squeeze %dma_start3A_825 : memref<1x1x8x128xf32, #tpu.memory_space<vmem>> -> memref<8x128xf32, #tpu.memory_space<vmem>>
      %dma_start3A_827 = arith.constant 8 : i32
      %dma_start3A_828 = tpu.memref_slice %arg3[%dma_start3A_827, %multiple_of3A_795] : memref<16x1000000xf32, #tpu.memory_space<hbm>> -> memref<8x128xf32, #tpu.memory_space<hbm>>
      tpu.enqueue_dma source(%dma_start3A_828 : memref<8x128xf32, #tpu.memory_space<hbm>>) target(%dma_start3A_826 : memref<8x128xf32, #tpu.memory_space<vmem>>) target_semaphore(%arg16 : memref<!tpu.dma_semaphore, #tpu.memory_space<semaphore_mem>>)
      %dma_start3A_829 = arith.constant 1 : i32
      %dma_start3A_830 = arith.constant 0 : i32
      %dma_start3A_831 = arith.constant 0 : i32
      %dma_start3A_832 = arith.constant 0 : i32
      %dma_start3A_833 = tpu.memref_slice %arg11[%dma_start3A_829, %dma_start3A_830, %dma_start3A_831, %dma_start3A_832] : memref<2x8x16x128xf32, #tpu.memory_space<vmem>> -> memref<1x1x8x128xf32, #tpu.memory_space<vmem>>
      %dma_start3A_834 = tpu.memref_squeeze %dma_start3A_833 : memref<1x1x8x128xf32, #tpu.memory_space<vmem>> -> memref<8x128xf32, #tpu.memory_space<vmem>>
      %dma_start3A_835 = arith.constant 0 : i32
      %dma_start3A_836 = tpu.memref_slice %arg4[%dma_start3A_835, %multiple_of3A_800] : memref<16x1000000xf32, #tpu.memory_space<hbm>> -> memref<8x128xf32, #tpu.memory_space<hbm>>
      %dma_start3A_837 = arith.constant 0 : i32
      %dma_start3A_838 = arith.constant 0 : i32
      %dma_start3A_839 = tpu.memref_slice %arg11[%dma_start3A_829, %dma_start3A_830, %dma_start3A_837, %dma_start3A_838] : memref<2x8x16x128xf32, #tpu.memory_space<vmem>> -> memref<1x1x8x128xf32, #tpu.memory_space<vmem>>
      %dma_start3A_840 = tpu.memref_squeeze %dma_start3A_839 : memref<1x1x8x128xf32, #tpu.memory_space<vmem>> -> memref<8x128xf32, #tpu.memory_space<vmem>>
      %dma_start3A_841 = arith.constant 0 : i32
      %dma_start3A_842 = tpu.memref_slice %arg4[%dma_start3A_841, %multiple_of3A_800] : memref<16x1000000xf32, #tpu.memory_space<hbm>> -> memref<8x128xf32, #tpu.memory_space<hbm>>
      tpu.enqueue_dma source(%dma_start3A_842 : memref<8x128xf32, #tpu.memory_space<hbm>>) target(%dma_start3A_840 : memref<8x128xf32, #tpu.memory_space<vmem>>) target_semaphore(%arg16 : memref<!tpu.dma_semaphore, #tpu.memory_space<semaphore_mem>>)
      %dma_start3A_843 = arith.constant 1 : i32
      %dma_start3A_844 = arith.constant 0 : i32
      %dma_start3A_845 = arith.constant 8 : i32
      %dma_start3A_846 = arith.constant 0 : i32
      %dma_start3A_847 = tpu.memref_slice %arg11[%dma_start3A_843, %dma_start3A_844, %dma_start3A_845, %dma_start3A_846] : memref<2x8x16x128xf32, #tpu.memory_space<vmem>> -> memref<1x1x8x128xf32, #tpu.memory_space<vmem>>
      %dma_start3A_848 = tpu.memref_squeeze %dma_start3A_847 : memref<1x1x8x128xf32, #tpu.memory_space<vmem>> -> memref<8x128xf32, #tpu.memory_space<vmem>>
      %dma_start3A_849 = arith.constant 8 : i32
      %dma_start3A_850 = tpu.memref_slice %arg4[%dma_start3A_849, %multiple_of3A_800] : memref<16x1000000xf32, #tpu.memory_space<hbm>> -> memref<8x128xf32, #tpu.memory_space<hbm>>
      %dma_start3A_851 = arith.constant 8 : i32
      %dma_start3A_852 = arith.constant 0 : i32
      %dma_start3A_853 = tpu.memref_slice %arg11[%dma_start3A_843, %dma_start3A_844, %dma_start3A_851, %dma_start3A_852] : memref<2x8x16x128xf32, #tpu.memory_space<vmem>> -> memref<1x1x8x128xf32, #tpu.memory_space<vmem>>
      %dma_start3A_854 = tpu.memref_squeeze %dma_start3A_853 : memref<1x1x8x128xf32, #tpu.memory_space<vmem>> -> memref<8x128xf32, #tpu.memory_space<vmem>>
      %dma_start3A_855 = arith.constant 8 : i32
      %dma_start3A_856 = tpu.memref_slice %arg4[%dma_start3A_855, %multiple_of3A_800] : memref<16x1000000xf32, #tpu.memory_space<hbm>> -> memref<8x128xf32, #tpu.memory_space<hbm>>
      tpu.enqueue_dma source(%dma_start3A_856 : memref<8x128xf32, #tpu.memory_space<hbm>>) target(%dma_start3A_854 : memref<8x128xf32, #tpu.memory_space<vmem>>) target_semaphore(%arg16 : memref<!tpu.dma_semaphore, #tpu.memory_space<semaphore_mem>>)
      %dma_start3A_857 = arith.constant 1 : i32
      %dma_start3A_858 = arith.constant 0 : i32
      %dma_start3A_859 = arith.constant 0 : i32
      %dma_start3A_860 = tpu.memref_slice %arg12[%dma_start3A_857, %dma_start3A_858, %dma_start3A_859] : memref<2x8x128xf32, #tpu.memory_space<vmem>> -> memref<1x1x128xf32, #tpu.memory_space<vmem>>
      %dma_start3A_861 = tpu.memref_squeeze %dma_start3A_860 : memref<1x1x128xf32, #tpu.memory_space<vmem>> -> memref<1x128xf32, #tpu.memory_space<vmem>>
      %dma_start3A_862 = arith.constant 0 : i32
      %dma_start3A_863 = tpu.memref_slice %arg5[%dma_start3A_862, %multiple_of3A_795] : memref<1x1000000xf32, #tpu.memory_space<hbm>> -> memref<1x128xf32, #tpu.memory_space<hbm>>
      %dma_start3A_864 = arith.constant 0 : i32
      %dma_start3A_865 = arith.constant 0 : i32
      %dma_start3A_866 = tpu.memref_slice %arg12[%dma_start3A_857, %dma_start3A_864, %dma_start3A_865] : memref<2x8x128xf32, #tpu.memory_space<vmem>> -> memref<1x1x128xf32, #tpu.memory_space<vmem>>
      %dma_start3A_867 = tpu.memref_squeeze %dma_start3A_866 : memref<1x1x128xf32, #tpu.memory_space<vmem>> -> memref<1x128xf32, #tpu.memory_space<vmem>>
      %dma_start3A_868 = arith.constant 0 : i32
      %dma_start3A_869 = tpu.memref_slice %arg5[%dma_start3A_868, %multiple_of3A_795] : memref<1x1000000xf32, #tpu.memory_space<hbm>> -> memref<1x128xf32, #tpu.memory_space<hbm>>
      tpu.enqueue_dma source(%dma_start3A_869 : memref<1x128xf32, #tpu.memory_space<hbm>>) target(%dma_start3A_867 : memref<1x128xf32, #tpu.memory_space<vmem>>) target_semaphore(%arg16 : memref<!tpu.dma_semaphore, #tpu.memory_space<semaphore_mem>>)
      %dma_start3A_870 = arith.constant 1 : i32
      %dma_start3A_871 = arith.constant 0 : i32
      %dma_start3A_872 = arith.constant 0 : i32
      %dma_start3A_873 = tpu.memref_slice %arg13[%dma_start3A_870, %dma_start3A_871, %dma_start3A_872] : memref<2x8x128xf32, #tpu.memory_space<vmem>> -> memref<1x1x128xf32, #tpu.memory_space<vmem>>
      %dma_start3A_874 = tpu.memref_squeeze %dma_start3A_873 : memref<1x1x128xf32, #tpu.memory_space<vmem>> -> memref<1x128xf32, #tpu.memory_space<vmem>>
      %dma_start3A_875 = arith.constant 0 : i32
      %dma_start3A_876 = tpu.memref_slice %arg6[%dma_start3A_875, %multiple_of3A_800] : memref<1x1000000xf32, #tpu.memory_space<hbm>> -> memref<1x128xf32, #tpu.memory_space<hbm>>
      %dma_start3A_877 = arith.constant 0 : i32
      %dma_start3A_878 = arith.constant 0 : i32
      %dma_start3A_879 = tpu.memref_slice %arg13[%dma_start3A_870, %dma_start3A_877, %dma_start3A_878] : memref<2x8x128xf32, #tpu.memory_space<vmem>> -> memref<1x1x128xf32, #tpu.memory_space<vmem>>
      %dma_start3A_880 = tpu.memref_squeeze %dma_start3A_879 : memref<1x1x128xf32, #tpu.memory_space<vmem>> -> memref<1x128xf32, #tpu.memory_space<vmem>>
      %dma_start3A_881 = arith.constant 0 : i32
      %dma_start3A_882 = tpu.memref_slice %arg6[%dma_start3A_881, %multiple_of3A_800] : memref<1x1000000xf32, #tpu.memory_space<hbm>> -> memref<1x128xf32, #tpu.memory_space<hbm>>
      tpu.enqueue_dma source(%dma_start3A_882 : memref<1x128xf32, #tpu.memory_space<hbm>>) target(%dma_start3A_880 : memref<1x128xf32, #tpu.memory_space<vmem>>) target_semaphore(%arg16 : memref<!tpu.dma_semaphore, #tpu.memory_space<semaphore_mem>>)
      %slice3A_883 = vector.extract_strided_slice %get3A_784 {offsets = [1], sizes = [1], strides = [1]} : vector<16xi32> to vector<1xi32>
      %squeeze3A_884 = vector.extract %slice3A_883[0] : i32 from vector<1xi32>
      %slice3A_885 = vector.extract_strided_slice %get3A_786 {offsets = [1], sizes = [1], strides = [1]} : vector<16xi32> to vector<1xi32>
      %squeeze3A_886 = vector.extract %slice3A_885[0] : i32 from vector<1xi32>
      %shift_right_arithmetic3A_887 = arith.constant 7 : i32
      %shift_right_arithmetic3A_888 = arith.shrsi %squeeze3A_884, %shift_right_arithmetic3A_887 : i32
      %shift_left3A_889 = arith.constant 7 : i32
      %shift_left3A_890 = arith.shli %shift_right_arithmetic3A_888, %shift_left3A_889 : i32
      %multiple_of3A_891 = tpu.assume_multiple %shift_left3A_890, 128 : i32
      %shift_right_arithmetic3A_892 = arith.constant 7 : i32
      %shift_right_arithmetic3A_893 = arith.shrsi %squeeze3A_886, %shift_right_arithmetic3A_892 : i32
      %shift_left3A_894 = arith.constant 7 : i32
      %shift_left3A_895 = arith.shli %shift_right_arithmetic3A_893, %shift_left3A_894 : i32
      %multiple_of3A_896 = tpu.assume_multiple %shift_left3A_895, 128 : i32
      %dma_start3A_897 = arith.constant 1 : i32
      %dma_start3A_898 = arith.constant 1 : i32
      %dma_start3A_899 = arith.constant 0 : i32
      %dma_start3A_900 = arith.constant 0 : i32
      %dma_start3A_901 = tpu.memref_slice %arg10[%dma_start3A_897, %dma_start3A_898, %dma_start3A_899, %dma_start3A_900] : memref<2x8x16x128xf32, #tpu.memory_space<vmem>> -> memref<1x1x8x128xf32, #tpu.memory_space<vmem>>
      %dma_start3A_902 = tpu.memref_squeeze %dma_start3A_901 : memref<1x1x8x128xf32, #tpu.memory_space<vmem>> -> memref<8x128xf32, #tpu.memory_space<vmem>>
      %dma_start3A_903 = arith.constant 0 : i32
      %dma_start3A_904 = tpu.memref_slice %arg3[%dma_start3A_903, %multiple_of3A_891] : memref<16x1000000xf32, #tpu.memory_space<hbm>> -> memref<8x128xf32, #tpu.memory_space<hbm>>
      %dma_start3A_905 = arith.constant 0 : i32
      %dma_start3A_906 = arith.constant 0 : i32
      %dma_start3A_907 = tpu.memref_slice %arg10[%dma_start3A_897, %dma_start3A_898, %dma_start3A_905, %dma_start3A_906] : memref<2x8x16x128xf32, #tpu.memory_space<vmem>> -> memref<1x1x8x128xf32, #tpu.memory_space<vmem>>
      %dma_start3A_908 = tpu.memref_squeeze %dma_start3A_907 : memref<1x1x8x128xf32, #tpu.memory_space<vmem>> -> memref<8x128xf32, #tpu.memory_space<vmem>>
      %dma_start3A_909 = arith.constant 0 : i32
      %dma_start3A_910 = tpu.memref_slice %arg3[%dma_start3A_909, %multiple_of3A_891] : memref<16x1000000xf32, #tpu.memory_space<hbm>> -> memref<8x128xf32, #tpu.memory_space<hbm>>
      tpu.enqueue_dma source(%dma_start3A_910 : memref<8x128xf32, #tpu.memory_space<hbm>>) target(%dma_start3A_908 : memref<8x128xf32, #tpu.memory_space<vmem>>) target_semaphore(%arg16 : memref<!tpu.dma_semaphore, #tpu.memory_space<semaphore_mem>>)
      %dma_start3A_911 = arith.constant 1 : i32
      %dma_start3A_912 = arith.constant 1 : i32
      %dma_start3A_913 = arith.constant 8 : i32
      %dma_start3A_914 = arith.constant 0 : i32
      %dma_start3A_915 = tpu.memref_slice %arg10[%dma_start3A_911, %dma_start3A_912, %dma_start3A_913, %dma_start3A_914] : memref<2x8x16x128xf32, #tpu.memory_space<vmem>> -> memref<1x1x8x128xf32, #tpu.memory_space<vmem>>
      %dma_start3A_916 = tpu.memref_squeeze %dma_start3A_915 : memref<1x1x8x128xf32, #tpu.memory_space<vmem>> -> memref<8x128xf32, #tpu.memory_space<vmem>>
      %dma_start3A_917 = arith.constant 8 : i32
      %dma_start3A_918 = tpu.memref_slice %arg3[%dma_start3A_917, %multiple_of3A_891] : memref<16x1000000xf32, #tpu.memory_space<hbm>> -> memref<8x128xf32, #tpu.memory_space<hbm>>
      %dma_start3A_919 = arith.constant 8 : i32
      %dma_start3A_920 = arith.constant 0 : i32
      %dma_start3A_921 = tpu.memref_slice %arg10[%dma_start3A_911, %dma_start3A_912, %dma_start3A_919, %dma_start3A_920] : memref<2x8x16x128xf32, #tpu.memory_space<vmem>> -> memref<1x1x8x128xf32, #tpu.memory_space<vmem>>
      %dma_start3A_922 = tpu.memref_squeeze %dma_start3A_921 : memref<1x1x8x128xf32, #tpu.memory_space<vmem>> -> memref<8x128xf32, #tpu.memory_space<vmem>>
      %dma_start3A_923 = arith.constant 8 : i32
      %dma_start3A_924 = tpu.memref_slice %arg3[%dma_start3A_923, %multiple_of3A_891] : memref<16x1000000xf32, #tpu.memory_space<hbm>> -> memref<8x128xf32, #tpu.memory_space<hbm>>
      tpu.enqueue_dma source(%dma_start3A_924 : memref<8x128xf32, #tpu.memory_space<hbm>>) target(%dma_start3A_922 : memref<8x128xf32, #tpu.memory_space<vmem>>) target_semaphore(%arg16 : memref<!tpu.dma_semaphore, #tpu.memory_space<semaphore_mem>>)
      %dma_start3A_925 = arith.constant 1 : i32
      %dma_start3A_926 = arith.constant 1 : i32
      %dma_start3A_927 = arith.constant 0 : i32
      %dma_start3A_928 = arith.constant 0 : i32
      %dma_start3A_929 = tpu.memref_slice %arg11[%dma_start3A_925, %dma_start3A_926, %dma_start3A_927, %dma_start3A_928] : memref<2x8x16x128xf32, #tpu.memory_space<vmem>> -> memref<1x1x8x128xf32, #tpu.memory_space<vmem>>
      %dma_start3A_930 = tpu.memref_squeeze %dma_start3A_929 : memref<1x1x8x128xf32, #tpu.memory_space<vmem>> -> memref<8x128xf32, #tpu.memory_space<vmem>>
      %dma_start3A_931 = arith.constant 0 : i32
      %dma_start3A_932 = tpu.memref_slice %arg4[%dma_start3A_931, %multiple_of3A_896] : memref<16x1000000xf32, #tpu.memory_space<hbm>> -> memref<8x128xf32, #tpu.memory_space<hbm>>
      %dma_start3A_933 = arith.constant 0 : i32
      %dma_start3A_934 = arith.constant 0 : i32
      %dma_start3A_935 = tpu.memref_slice %arg11[%dma_start3A_925, %dma_start3A_926, %dma_start3A_933, %dma_start3A_934] : memref<2x8x16x128xf32, #tpu.memory_space<vmem>> -> memref<1x1x8x128xf32, #tpu.memory_space<vmem>>
      %dma_start3A_936 = tpu.memref_squeeze %dma_start3A_935 : memref<1x1x8x128xf32, #tpu.memory_space<vmem>> -> memref<8x128xf32, #tpu.memory_space<vmem>>
      %dma_start3A_937 = arith.constant 0 : i32
      %dma_start3A_938 = tpu.memref_slice %arg4[%dma_start3A_937, %multiple_of3A_896] : memref<16x1000000xf32, #tpu.memory_space<hbm>> -> memref<8x128xf32, #tpu.memory_space<hbm>>
      tpu.enqueue_dma source(%dma_start3A_938 : memref<8x128xf32, #tpu.memory_space<hbm>>) target(%dma_start3A_936 : memref<8x128xf32, #tpu.memory_space<vmem>>) target_semaphore(%arg16 : memref<!tpu.dma_semaphore, #tpu.memory_space<semaphore_mem>>)
      %dma_start3A_939 = arith.constant 1 : i32
      %dma_start3A_940 = arith.constant 1 : i32
      %dma_start3A_941 = arith.constant 8 : i32
      %dma_start3A_942 = arith.constant 0 : i32
      %dma_start3A_943 = tpu.memref_slice %arg11[%dma_start3A_939, %dma_start3A_940, %dma_start3A_941, %dma_start3A_942] : memref<2x8x16x128xf32, #tpu.memory_space<vmem>> -> memref<1x1x8x128xf32, #tpu.memory_space<vmem>>
      %dma_start3A_944 = tpu.memref_squeeze %dma_start3A_943 : memref<1x1x8x128xf32, #tpu.memory_space<vmem>> -> memref<8x128xf32, #tpu.memory_space<vmem>>
      %dma_start3A_945 = arith.constant 8 : i32
      %dma_start3A_946 = tpu.memref_slice %arg4[%dma_start3A_945, %multiple_of3A_896] : memref<16x1000000xf32, #tpu.memory_space<hbm>> -> memref<8x128xf32, #tpu.memory_space<hbm>>
      %dma_start3A_947 = arith.constant 8 : i32
      %dma_start3A_948 = arith.constant 0 : i32
      %dma_start3A_949 = tpu.memref_slice %arg11[%dma_start3A_939, %dma_start3A_940, %dma_start3A_947, %dma_start3A_948] : memref<2x8x16x128xf32, #tpu.memory_space<vmem>> -> memref<1x1x8x128xf32, #tpu.memory_space<vmem>>
      %dma_start3A_950 = tpu.memref_squeeze %dma_start3A_949 : memref<1x1x8x128xf32, #tpu.memory_space<vmem>> -> memref<8x128xf32, #tpu.memory_space<vmem>>
      %dma_start3A_951 = arith.constant 8 : i32
      %dma_start3A_952 = tpu.memref_slice %arg4[%dma_start3A_951, %multiple_of3A_896] : memref<16x1000000xf32, #tpu.memory_space<hbm>> -> memref<8x128xf32, #tpu.memory_space<hbm>>
      tpu.enqueue_dma source(%dma_start3A_952 : memref<8x128xf32, #tpu.memory_space<hbm>>) target(%dma_start3A_950 : memref<8x128xf32, #tpu.memory_space<vmem>>) target_semaphore(%arg16 : memref<!tpu.dma_semaphore, #tpu.memory_space<semaphore_mem>>)
      %dma_start3A_953 = arith.constant 1 : i32
      %dma_start3A_954 = arith.constant 1 : i32
      %dma_start3A_955 = arith.constant 0 : i32
      %dma_start3A_956 = tpu.memref_slice %arg12[%dma_start3A_953, %dma_start3A_954, %dma_start3A_955] : memref<2x8x128xf32, #tpu.memory_space<vmem>> -> memref<1x1x128xf32, #tpu.memory_space<vmem>>
      %dma_start3A_957 = tpu.memref_squeeze %dma_start3A_956 : memref<1x1x128xf32, #tpu.memory_space<vmem>> -> memref<1x128xf32, #tpu.memory_space<vmem>>
      %dma_start3A_958 = arith.constant 0 : i32
      %dma_start3A_959 = tpu.memref_slice %arg5[%dma_start3A_958, %multiple_of3A_891] : memref<1x1000000xf32, #tpu.memory_space<hbm>> -> memref<1x128xf32, #tpu.memory_space<hbm>>
      %dma_start3A_960 = arith.constant 1 : i32
      %dma_start3A_961 = arith.constant 0 : i32
      %dma_start3A_962 = tpu.memref_slice %arg12[%dma_start3A_953, %dma_start3A_960, %dma_start3A_961] : memref<2x8x128xf32, #tpu.memory_space<vmem>> -> memref<1x1x128xf32, #tpu.memory_space<vmem>>
      %dma_start3A_963 = tpu.memref_squeeze %dma_start3A_962 : memref<1x1x128xf32, #tpu.memory_space<vmem>> -> memref<1x128xf32, #tpu.memory_space<vmem>>
      %dma_start3A_964 = arith.constant 0 : i32
      %dma_start3A_965 = tpu.memref_slice %arg5[%dma_start3A_964, %multiple_of3A_891] : memref<1x1000000xf32, #tpu.memory_space<hbm>> -> memref<1x128xf32, #tpu.memory_space<hbm>>
      tpu.enqueue_dma source(%dma_start3A_965 : memref<1x128xf32, #tpu.memory_space<hbm>>) target(%dma_start3A_963 : memref<1x128xf32, #tpu.memory_space<vmem>>) target_semaphore(%arg16 : memref<!tpu.dma_semaphore, #tpu.memory_space<semaphore_mem>>)
      %dma_start3A_966 = arith.constant 1 : i32
      %dma_start3A_967 = arith.constant 1 : i32
      %dma_start3A_968 = arith.constant 0 : i32
      %dma_start3A_969 = tpu.memref_slice %arg13[%dma_start3A_966, %dma_start3A_967, %dma_start3A_968] : memref<2x8x128xf32, #tpu.memory_space<vmem>> -> memref<1x1x128xf32, #tpu.memory_space<vmem>>
      %dma_start3A_970 = tpu.memref_squeeze %dma_start3A_969 : memref<1x1x128xf32, #tpu.memory_space<vmem>> -> memref<1x128xf32, #tpu.memory_space<vmem>>
      %dma_start3A_971 = arith.constant 0 : i32
      %dma_start3A_972 = tpu.memref_slice %arg6[%dma_start3A_971, %multiple_of3A_896] : memref<1x1000000xf32, #tpu.memory_space<hbm>> -> memref<1x128xf32, #tpu.memory_space<hbm>>
      %dma_start3A_973 = arith.constant 1 : i32
      %dma_start3A_974 = arith.constant 0 : i32
      %dma_start3A_975 = tpu.memref_slice %arg13[%dma_start3A_966, %dma_start3A_973, %dma_start3A_974] : memref<2x8x128xf32, #tpu.memory_space<vmem>> -> memref<1x1x128xf32, #tpu.memory_space<vmem>>
      %dma_start3A_976 = tpu.memref_squeeze %dma_start3A_975 : memref<1x1x128xf32, #tpu.memory_space<vmem>> -> memref<1x128xf32, #tpu.memory_space<vmem>>
      %dma_start3A_977 = arith.constant 0 : i32
      %dma_start3A_978 = tpu.memref_slice %arg6[%dma_start3A_977, %multiple_of3A_896] : memref<1x1000000xf32, #tpu.memory_space<hbm>> -> memref<1x128xf32, #tpu.memory_space<hbm>>
      tpu.enqueue_dma source(%dma_start3A_978 : memref<1x128xf32, #tpu.memory_space<hbm>>) target(%dma_start3A_976 : memref<1x128xf32, #tpu.memory_space<vmem>>) target_semaphore(%arg16 : memref<!tpu.dma_semaphore, #tpu.memory_space<semaphore_mem>>)
      %slice3A_979 = vector.extract_strided_slice %get3A_784 {offsets = [2], sizes = [1], strides = [1]} : vector<16xi32> to vector<1xi32>
      %squeeze3A_980 = vector.extract %slice3A_979[0] : i32 from vector<1xi32>
      %slice3A_981 = vector.extract_strided_slice %get3A_786 {offsets = [2], sizes = [1], strides = [1]} : vector<16xi32> to vector<1xi32>
      %squeeze3A_982 = vector.extract %slice3A_981[0] : i32 from vector<1xi32>
      %shift_right_arithmetic3A_983 = arith.constant 7 : i32
      %shift_right_arithmetic3A_984 = arith.shrsi %squeeze3A_980, %shift_right_arithmetic3A_983 : i32
      %shift_left3A_985 = arith.constant 7 : i32
      %shift_left3A_986 = arith.shli %shift_right_arithmetic3A_984, %shift_left3A_985 : i32
      %multiple_of3A_987 = tpu.assume_multiple %shift_left3A_986, 128 : i32
      %shift_right_arithmetic3A_988 = arith.constant 7 : i32
      %shift_right_arithmetic3A_989 = arith.shrsi %squeeze3A_982, %shift_right_arithmetic3A_988 : i32
      %shift_left3A_990 = arith.constant 7 : i32
      %shift_left3A_991 = arith.shli %shift_right_arithmetic3A_989, %shift_left3A_990 : i32
      %multiple_of3A_992 = tpu.assume_multiple %shift_left3A_991, 128 : i32
      %dma_start3A_993 = arith.constant 1 : i32
      %dma_start3A_994 = arith.constant 2 : i32
      %dma_start3A_995 = arith.constant 0 : i32
      %dma_start3A_996 = arith.constant 0 : i32
      %dma_start3A_997 = tpu.memref_slice %arg10[%dma_start3A_993, %dma_start3A_994, %dma_start3A_995, %dma_start3A_996] : memref<2x8x16x128xf32, #tpu.memory_space<vmem>> -> memref<1x1x8x128xf32, #tpu.memory_space<vmem>>
      %dma_start3A_998 = tpu.memref_squeeze %dma_start3A_997 : memref<1x1x8x128xf32, #tpu.memory_space<vmem>> -> memref<8x128xf32, #tpu.memory_space<vmem>>
      %dma_start3A_999 = arith.constant 0 : i32
      %dma_start3A_1000 = tpu.memref_slice %arg3[%dma_start3A_999, %multiple_of3A_987] : memref<16x1000000xf32, #tpu.memory_space<hbm>> -> memref<8x128xf32, #tpu.memory_space<hbm>>
      %dma_start3A_1001 = arith.constant 0 : i32
      %dma_start3A_1002 = arith.constant 0 : i32
      %dma_start3A_1003 = tpu.memref_slice %arg10[%dma_start3A_993, %dma_start3A_994, %dma_start3A_1001, %dma_start3A_1002] : memref<2x8x16x128xf32, #tpu.memory_space<vmem>> -> memref<1x1x8x128xf32, #tpu.memory_space<vmem>>
      %dma_start3A_1004 = tpu.memref_squeeze %dma_start3A_1003 : memref<1x1x8x128xf32, #tpu.memory_space<vmem>> -> memref<8x128xf32, #tpu.memory_space<vmem>>
      %dma_start3A_1005 = arith.constant 0 : i32
      %dma_start3A_1006 = tpu.memref_slice %arg3[%dma_start3A_1005, %multiple_of3A_987] : memref<16x1000000xf32, #tpu.memory_space<hbm>> -> memref<8x128xf32, #tpu.memory_space<hbm>>
      tpu.enqueue_dma source(%dma_start3A_1006 : memref<8x128xf32, #tpu.memory_space<hbm>>) target(%dma_start3A_1004 : memref<8x128xf32, #tpu.memory_space<vmem>>) target_semaphore(%arg16 : memref<!tpu.dma_semaphore, #tpu.memory_space<semaphore_mem>>)
      %dma_start3A_1007 = arith.constant 1 : i32
      %dma_start3A_1008 = arith.constant 2 : i32
      %dma_start3A_1009 = arith.constant 8 : i32
      %dma_start3A_1010 = arith.constant 0 : i32
      %dma_start3A_1011 = tpu.memref_slice %arg10[%dma_start3A_1007, %dma_start3A_1008, %dma_start3A_1009, %dma_start3A_1010] : memref<2x8x16x128xf32, #tpu.memory_space<vmem>> -> memref<1x1x8x128xf32, #tpu.memory_space<vmem>>
      %dma_start3A_1012 = tpu.memref_squeeze %dma_start3A_1011 : memref<1x1x8x128xf32, #tpu.memory_space<vmem>> -> memref<8x128xf32, #tpu.memory_space<vmem>>
      %dma_start3A_1013 = arith.constant 8 : i32
      %dma_start3A_1014 = tpu.memref_slice %arg3[%dma_start3A_1013, %multiple_of3A_987] : memref<16x1000000xf32, #tpu.memory_space<hbm>> -> memref<8x128xf32, #tpu.memory_space<hbm>>
      %dma_start3A_1015 = arith.constant 8 : i32
      %dma_start3A_1016 = arith.constant 0 : i32
      %dma_start3A_1017 = tpu.memref_slice %arg10[%dma_start3A_1007, %dma_start3A_1008, %dma_start3A_1015, %dma_start3A_1016] : memref<2x8x16x128xf32, #tpu.memory_space<vmem>> -> memref<1x1x8x128xf32, #tpu.memory_space<vmem>>
      %dma_start3A_1018 = tpu.memref_squeeze %dma_start3A_1017 : memref<1x1x8x128xf32, #tpu.memory_space<vmem>> -> memref<8x128xf32, #tpu.memory_space<vmem>>
      %dma_start3A_1019 = arith.constant 8 : i32
      %dma_start3A_1020 = tpu.memref_slice %arg3[%dma_start3A_1019, %multiple_of3A_987] : memref<16x1000000xf32, #tpu.memory_space<hbm>> -> memref<8x128xf32, #tpu.memory_space<hbm>>
      tpu.enqueue_dma source(%dma_start3A_1020 : memref<8x128xf32, #tpu.memory_space<hbm>>) target(%dma_start3A_1018 : memref<8x128xf32, #tpu.memory_space<vmem>>) target_semaphore(%arg16 : memref<!tpu.dma_semaphore, #tpu.memory_space<semaphore_mem>>)
      %dma_start3A_1021 = arith.constant 1 : i32
      %dma_start3A_1022 = arith.constant 2 : i32
      %dma_start3A_1023 = arith.constant 0 : i32
      %dma_start3A_1024 = arith.constant 0 : i32
      %dma_start3A_1025 = tpu.memref_slice %arg11[%dma_start3A_1021, %dma_start3A_1022, %dma_start3A_1023, %dma_start3A_1024] : memref<2x8x16x128xf32, #tpu.memory_space<vmem>> -> memref<1x1x8x128xf32, #tpu.memory_space<vmem>>
      %dma_start3A_1026 = tpu.memref_squeeze %dma_start3A_1025 : memref<1x1x8x128xf32, #tpu.memory_space<vmem>> -> memref<8x128xf32, #tpu.memory_space<vmem>>
      %dma_start3A_1027 = arith.constant 0 : i32
      %dma_start3A_1028 = tpu.memref_slice %arg4[%dma_start3A_1027, %multiple_of3A_992] : memref<16x1000000xf32, #tpu.memory_space<hbm>> -> memref<8x128xf32, #tpu.memory_space<hbm>>
      %dma_start3A_1029 = arith.constant 0 : i32
      %dma_start3A_1030 = arith.constant 0 : i32
      %dma_start3A_1031 = tpu.memref_slice %arg11[%dma_start3A_1021, %dma_start3A_1022, %dma_start3A_1029, %dma_start3A_1030] : memref<2x8x16x128xf32, #tpu.memory_space<vmem>> -> memref<1x1x8x128xf32, #tpu.memory_space<vmem>>
      %dma_start3A_1032 = tpu.memref_squeeze %dma_start3A_1031 : memref<1x1x8x128xf32, #tpu.memory_space<vmem>> -> memref<8x128xf32, #tpu.memory_space<vmem>>
      %dma_start3A_1033 = arith.constant 0 : i32
      %dma_start3A_1034 = tpu.memref_slice %arg4[%dma_start3A_1033, %multiple_of3A_992] : memref<16x1000000xf32, #tpu.memory_space<hbm>> -> memref<8x128xf32, #tpu.memory_space<hbm>>
      tpu.enqueue_dma source(%dma_start3A_1034 : memref<8x128xf32, #tpu.memory_space<hbm>>) target(%dma_start3A_1032 : memref<8x128xf32, #tpu.memory_space<vmem>>) target_semaphore(%arg16 : memref<!tpu.dma_semaphore, #tpu.memory_space<semaphore_mem>>)
      %dma_start3A_1035 = arith.constant 1 : i32
      %dma_start3A_1036 = arith.constant 2 : i32
      %dma_start3A_1037 = arith.constant 8 : i32
      %dma_start3A_1038 = arith.constant 0 : i32
      %dma_start3A_1039 = tpu.memref_slice %arg11[%dma_start3A_1035, %dma_start3A_1036, %dma_start3A_1037, %dma_start3A_1038] : memref<2x8x16x128xf32, #tpu.memory_space<vmem>> -> memref<1x1x8x128xf32, #tpu.memory_space<vmem>>
      %dma_start3A_1040 = tpu.memref_squeeze %dma_start3A_1039 : memref<1x1x8x128xf32, #tpu.memory_space<vmem>> -> memref<8x128xf32, #tpu.memory_space<vmem>>
      %dma_start3A_1041 = arith.constant 8 : i32
      %dma_start3A_1042 = tpu.memref_slice %arg4[%dma_start3A_1041, %multiple_of3A_992] : memref<16x1000000xf32, #tpu.memory_space<hbm>> -> memref<8x128xf32, #tpu.memory_space<hbm>>
      %dma_start3A_1043 = arith.constant 8 : i32
      %dma_start3A_1044 = arith.constant 0 : i32
      %dma_start3A_1045 = tpu.memref_slice %arg11[%dma_start3A_1035, %dma_start3A_1036, %dma_start3A_1043, %dma_start3A_1044] : memref<2x8x16x128xf32, #tpu.memory_space<vmem>> -> memref<1x1x8x128xf32, #tpu.memory_space<vmem>>
      %dma_start3A_1046 = tpu.memref_squeeze %dma_start3A_1045 : memref<1x1x8x128xf32, #tpu.memory_space<vmem>> -> memref<8x128xf32, #tpu.memory_space<vmem>>
      %dma_start3A_1047 = arith.constant 8 : i32
      %dma_start3A_1048 = tpu.memref_slice %arg4[%dma_start3A_1047, %multiple_of3A_992] : memref<16x1000000xf32, #tpu.memory_space<hbm>> -> memref<8x128xf32, #tpu.memory_space<hbm>>
      tpu.enqueue_dma source(%dma_start3A_1048 : memref<8x128xf32, #tpu.memory_space<hbm>>) target(%dma_start3A_1046 : memref<8x128xf32, #tpu.memory_space<vmem>>) target_semaphore(%arg16 : memref<!tpu.dma_semaphore, #tpu.memory_space<semaphore_mem>>)
      %dma_start3A_1049 = arith.constant 1 : i32
      %dma_start3A_1050 = arith.constant 2 : i32
      %dma_start3A_1051 = arith.constant 0 : i32
      %dma_start3A_1052 = tpu.memref_slice %arg12[%dma_start3A_1049, %dma_start3A_1050, %dma_start3A_1051] : memref<2x8x128xf32, #tpu.memory_space<vmem>> -> memref<1x1x128xf32, #tpu.memory_space<vmem>>
      %dma_start3A_1053 = tpu.memref_squeeze %dma_start3A_1052 : memref<1x1x128xf32, #tpu.memory_space<vmem>> -> memref<1x128xf32, #tpu.memory_space<vmem>>
      %dma_start3A_1054 = arith.constant 0 : i32
      %dma_start3A_1055 = tpu.memref_slice %arg5[%dma_start3A_1054, %multiple_of3A_987] : memref<1x1000000xf32, #tpu.memory_space<hbm>> -> memref<1x128xf32, #tpu.memory_space<hbm>>
      %dma_start3A_1056 = arith.constant 2 : i32
      %dma_start3A_1057 = arith.constant 0 : i32
      %dma_start3A_1058 = tpu.memref_slice %arg12[%dma_start3A_1049, %dma_start3A_1056, %dma_start3A_1057] : memref<2x8x128xf32, #tpu.memory_space<vmem>> -> memref<1x1x128xf32, #tpu.memory_space<vmem>>
      %dma_start3A_1059 = tpu.memref_squeeze %dma_start3A_1058 : memref<1x1x128xf32, #tpu.memory_space<vmem>> -> memref<1x128xf32, #tpu.memory_space<vmem>>
      %dma_start3A_1060 = arith.constant 0 : i32
      %dma_start3A_1061 = tpu.memref_slice %arg5[%dma_start3A_1060, %multiple_of3A_987] : memref<1x1000000xf32, #tpu.memory_space<hbm>> -> memref<1x128xf32, #tpu.memory_space<hbm>>
      tpu.enqueue_dma source(%dma_start3A_1061 : memref<1x128xf32, #tpu.memory_space<hbm>>) target(%dma_start3A_1059 : memref<1x128xf32, #tpu.memory_space<vmem>>) target_semaphore(%arg16 : memref<!tpu.dma_semaphore, #tpu.memory_space<semaphore_mem>>)
      %dma_start3A_1062 = arith.constant 1 : i32
      %dma_start3A_1063 = arith.constant 2 : i32
      %dma_start3A_1064 = arith.constant 0 : i32
      %dma_start3A_1065 = tpu.memref_slice %arg13[%dma_start3A_1062, %dma_start3A_1063, %dma_start3A_1064] : memref<2x8x128xf32, #tpu.memory_space<vmem>> -> memref<1x1x128xf32, #tpu.memory_space<vmem>>
      %dma_start3A_1066 = tpu.memref_squeeze %dma_start3A_1065 : memref<1x1x128xf32, #tpu.memory_space<vmem>> -> memref<1x128xf32, #tpu.memory_space<vmem>>
      %dma_start3A_1067 = arith.constant 0 : i32
      %dma_start3A_1068 = tpu.memref_slice %arg6[%dma_start3A_1067, %multiple_of3A_992] : memref<1x1000000xf32, #tpu.memory_space<hbm>> -> memref<1x128xf32, #tpu.memory_space<hbm>>
      %dma_start3A_1069 = arith.constant 2 : i32
      %dma_start3A_1070 = arith.constant 0 : i32
      %dma_start3A_1071 = tpu.memref_slice %arg13[%dma_start3A_1062, %dma_start3A_1069, %dma_start3A_1070] : memref<2x8x128xf32, #tpu.memory_space<vmem>> -> memref<1x1x128xf32, #tpu.memory_space<vmem>>
      %dma_start3A_1072 = tpu.memref_squeeze %dma_start3A_1071 : memref<1x1x128xf32, #tpu.memory_space<vmem>> -> memref<1x128xf32, #tpu.memory_space<vmem>>
      %dma_start3A_1073 = arith.constant 0 : i32
      %dma_start3A_1074 = tpu.memref_slice %arg6[%dma_start3A_1073, %multiple_of3A_992] : memref<1x1000000xf32, #tpu.memory_space<hbm>> -> memref<1x128xf32, #tpu.memory_space<hbm>>
      tpu.enqueue_dma source(%dma_start3A_1074 : memref<1x128xf32, #tpu.memory_space<hbm>>) target(%dma_start3A_1072 : memref<1x128xf32, #tpu.memory_space<vmem>>) target_semaphore(%arg16 : memref<!tpu.dma_semaphore, #tpu.memory_space<semaphore_mem>>)
      %slice3A_1075 = vector.extract_strided_slice %get3A_784 {offsets = [3], sizes = [1], strides = [1]} : vector<16xi32> to vector<1xi32>
      %squeeze3A_1076 = vector.extract %slice3A_1075[0] : i32 from vector<1xi32>
      %slice3A_1077 = vector.extract_strided_slice %get3A_786 {offsets = [3], sizes = [1], strides = [1]} : vector<16xi32> to vector<1xi32>
      %squeeze3A_1078 = vector.extract %slice3A_1077[0] : i32 from vector<1xi32>
      %shift_right_arithmetic3A_1079 = arith.constant 7 : i32
      %shift_right_arithmetic3A_1080 = arith.shrsi %squeeze3A_1076, %shift_right_arithmetic3A_1079 : i32
      %shift_left3A_1081 = arith.constant 7 : i32
      %shift_left3A_1082 = arith.shli %shift_right_arithmetic3A_1080, %shift_left3A_1081 : i32
      %multiple_of3A_1083 = tpu.assume_multiple %shift_left3A_1082, 128 : i32
      %shift_right_arithmetic3A_1084 = arith.constant 7 : i32
      %shift_right_arithmetic3A_1085 = arith.shrsi %squeeze3A_1078, %shift_right_arithmetic3A_1084 : i32
      %shift_left3A_1086 = arith.constant 7 : i32
      %shift_left3A_1087 = arith.shli %shift_right_arithmetic3A_1085, %shift_left3A_1086 : i32
      %multiple_of3A_1088 = tpu.assume_multiple %shift_left3A_1087, 128 : i32
      %dma_start3A_1089 = arith.constant 1 : i32
      %dma_start3A_1090 = arith.constant 3 : i32
      %dma_start3A_1091 = arith.constant 0 : i32
      %dma_start3A_1092 = arith.constant 0 : i32
      %dma_start3A_1093 = tpu.memref_slice %arg10[%dma_start3A_1089, %dma_start3A_1090, %dma_start3A_1091, %dma_start3A_1092] : memref<2x8x16x128xf32, #tpu.memory_space<vmem>> -> memref<1x1x8x128xf32, #tpu.memory_space<vmem>>
      %dma_start3A_1094 = tpu.memref_squeeze %dma_start3A_1093 : memref<1x1x8x128xf32, #tpu.memory_space<vmem>> -> memref<8x128xf32, #tpu.memory_space<vmem>>
      %dma_start3A_1095 = arith.constant 0 : i32
      %dma_start3A_1096 = tpu.memref_slice %arg3[%dma_start3A_1095, %multiple_of3A_1083] : memref<16x1000000xf32, #tpu.memory_space<hbm>> -> memref<8x128xf32, #tpu.memory_space<hbm>>
      %dma_start3A_1097 = arith.constant 0 : i32
      %dma_start3A_1098 = arith.constant 0 : i32
      %dma_start3A_1099 = tpu.memref_slice %arg10[%dma_start3A_1089, %dma_start3A_1090, %dma_start3A_1097, %dma_start3A_1098] : memref<2x8x16x128xf32, #tpu.memory_space<vmem>> -> memref<1x1x8x128xf32, #tpu.memory_space<vmem>>
      %dma_start3A_1100 = tpu.memref_squeeze %dma_start3A_1099 : memref<1x1x8x128xf32, #tpu.memory_space<vmem>> -> memref<8x128xf32, #tpu.memory_space<vmem>>
      %dma_start3A_1101 = arith.constant 0 : i32
      %dma_start3A_1102 = tpu.memref_slice %arg3[%dma_start3A_1101, %multiple_of3A_1083] : memref<16x1000000xf32, #tpu.memory_space<hbm>> -> memref<8x128xf32, #tpu.memory_space<hbm>>
      tpu.enqueue_dma source(%dma_start3A_1102 : memref<8x128xf32, #tpu.memory_space<hbm>>) target(%dma_start3A_1100 : memref<8x128xf32, #tpu.memory_space<vmem>>) target_semaphore(%arg16 : memref<!tpu.dma_semaphore, #tpu.memory_space<semaphore_mem>>)
      %dma_start3A_1103 = arith.constant 1 : i32
      %dma_start3A_1104 = arith.constant 3 : i32
      %dma_start3A_1105 = arith.constant 8 : i32
      %dma_start3A_1106 = arith.constant 0 : i32
      %dma_start3A_1107 = tpu.memref_slice %arg10[%dma_start3A_1103, %dma_start3A_1104, %dma_start3A_1105, %dma_start3A_1106] : memref<2x8x16x128xf32, #tpu.memory_space<vmem>> -> memref<1x1x8x128xf32, #tpu.memory_space<vmem>>
      %dma_start3A_1108 = tpu.memref_squeeze %dma_start3A_1107 : memref<1x1x8x128xf32, #tpu.memory_space<vmem>> -> memref<8x128xf32, #tpu.memory_space<vmem>>
      %dma_start3A_1109 = arith.constant 8 : i32
      %dma_start3A_1110 = tpu.memref_slice %arg3[%dma_start3A_1109, %multiple_of3A_1083] : memref<16x1000000xf32, #tpu.memory_space<hbm>> -> memref<8x128xf32, #tpu.memory_space<hbm>>
      %dma_start3A_1111 = arith.constant 8 : i32
      %dma_start3A_1112 = arith.constant 0 : i32
      %dma_start3A_1113 = tpu.memref_slice %arg10[%dma_start3A_1103, %dma_start3A_1104, %dma_start3A_1111, %dma_start3A_1112] : memref<2x8x16x128xf32, #tpu.memory_space<vmem>> -> memref<1x1x8x128xf32, #tpu.memory_space<vmem>>
      %dma_start3A_1114 = tpu.memref_squeeze %dma_start3A_1113 : memref<1x1x8x128xf32, #tpu.memory_space<vmem>> -> memref<8x128xf32, #tpu.memory_space<vmem>>
      %dma_start3A_1115 = arith.constant 8 : i32
      %dma_start3A_1116 = tpu.memref_slice %arg3[%dma_start3A_1115, %multiple_of3A_1083] : memref<16x1000000xf32, #tpu.memory_space<hbm>> -> memref<8x128xf32, #tpu.memory_space<hbm>>
      tpu.enqueue_dma source(%dma_start3A_1116 : memref<8x128xf32, #tpu.memory_space<hbm>>) target(%dma_start3A_1114 : memref<8x128xf32, #tpu.memory_space<vmem>>) target_semaphore(%arg16 : memref<!tpu.dma_semaphore, #tpu.memory_space<semaphore_mem>>)
      %dma_start3A_1117 = arith.constant 1 : i32
      %dma_start3A_1118 = arith.constant 3 : i32
      %dma_start3A_1119 = arith.constant 0 : i32
      %dma_start3A_1120 = arith.constant 0 : i32
      %dma_start3A_1121 = tpu.memref_slice %arg11[%dma_start3A_1117, %dma_start3A_1118, %dma_start3A_1119, %dma_start3A_1120] : memref<2x8x16x128xf32, #tpu.memory_space<vmem>> -> memref<1x1x8x128xf32, #tpu.memory_space<vmem>>
      %dma_start3A_1122 = tpu.memref_squeeze %dma_start3A_1121 : memref<1x1x8x128xf32, #tpu.memory_space<vmem>> -> memref<8x128xf32, #tpu.memory_space<vmem>>
      %dma_start3A_1123 = arith.constant 0 : i32
      %dma_start3A_1124 = tpu.memref_slice %arg4[%dma_start3A_1123, %multiple_of3A_1088] : memref<16x1000000xf32, #tpu.memory_space<hbm>> -> memref<8x128xf32, #tpu.memory_space<hbm>>
      %dma_start3A_1125 = arith.constant 0 : i32
      %dma_start3A_1126 = arith.constant 0 : i32
      %dma_start3A_1127 = tpu.memref_slice %arg11[%dma_start3A_1117, %dma_start3A_1118, %dma_start3A_1125, %dma_start3A_1126] : memref<2x8x16x128xf32, #tpu.memory_space<vmem>> -> memref<1x1x8x128xf32, #tpu.memory_space<vmem>>
      %dma_start3A_1128 = tpu.memref_squeeze %dma_start3A_1127 : memref<1x1x8x128xf32, #tpu.memory_space<vmem>> -> memref<8x128xf32, #tpu.memory_space<vmem>>
      %dma_start3A_1129 = arith.constant 0 : i32
      %dma_start3A_1130 = tpu.memref_slice %arg4[%dma_start3A_1129, %multiple_of3A_1088] : memref<16x1000000xf32, #tpu.memory_space<hbm>> -> memref<8x128xf32, #tpu.memory_space<hbm>>
      tpu.enqueue_dma source(%dma_start3A_1130 : memref<8x128xf32, #tpu.memory_space<hbm>>) target(%dma_start3A_1128 : memref<8x128xf32, #tpu.memory_space<vmem>>) target_semaphore(%arg16 : memref<!tpu.dma_semaphore, #tpu.memory_space<semaphore_mem>>)
      %dma_start3A_1131 = arith.constant 1 : i32
      %dma_start3A_1132 = arith.constant 3 : i32
      %dma_start3A_1133 = arith.constant 8 : i32
      %dma_start3A_1134 = arith.constant 0 : i32
      %dma_start3A_1135 = tpu.memref_slice %arg11[%dma_start3A_1131, %dma_start3A_1132, %dma_start3A_1133, %dma_start3A_1134] : memref<2x8x16x128xf32, #tpu.memory_space<vmem>> -> memref<1x1x8x128xf32, #tpu.memory_space<vmem>>
      %dma_start3A_1136 = tpu.memref_squeeze %dma_start3A_1135 : memref<1x1x8x128xf32, #tpu.memory_space<vmem>> -> memref<8x128xf32, #tpu.memory_space<vmem>>
      %dma_start3A_1137 = arith.constant 8 : i32
      %dma_start3A_1138 = tpu.memref_slice %arg4[%dma_start3A_1137, %multiple_of3A_1088] : memref<16x1000000xf32, #tpu.memory_space<hbm>> -> memref<8x128xf32, #tpu.memory_space<hbm>>
      %dma_start3A_1139 = arith.constant 8 : i32
      %dma_start3A_1140 = arith.constant 0 : i32
      %dma_start3A_1141 = tpu.memref_slice %arg11[%dma_start3A_1131, %dma_start3A_1132, %dma_start3A_1139, %dma_start3A_1140] : memref<2x8x16x128xf32, #tpu.memory_space<vmem>> -> memref<1x1x8x128xf32, #tpu.memory_space<vmem>>
      %dma_start3A_1142 = tpu.memref_squeeze %dma_start3A_1141 : memref<1x1x8x128xf32, #tpu.memory_space<vmem>> -> memref<8x128xf32, #tpu.memory_space<vmem>>
      %dma_start3A_1143 = arith.constant 8 : i32
      %dma_start3A_1144 = tpu.memref_slice %arg4[%dma_start3A_1143, %multiple_of3A_1088] : memref<16x1000000xf32, #tpu.memory_space<hbm>> -> memref<8x128xf32, #tpu.memory_space<hbm>>
      tpu.enqueue_dma source(%dma_start3A_1144 : memref<8x128xf32, #tpu.memory_space<hbm>>) target(%dma_start3A_1142 : memref<8x128xf32, #tpu.memory_space<vmem>>) target_semaphore(%arg16 : memref<!tpu.dma_semaphore, #tpu.memory_space<semaphore_mem>>)
      %dma_start3A_1145 = arith.constant 1 : i32
      %dma_start3A_1146 = arith.constant 3 : i32
      %dma_start3A_1147 = arith.constant 0 : i32
      %dma_start3A_1148 = tpu.memref_slice %arg12[%dma_start3A_1145, %dma_start3A_1146, %dma_start3A_1147] : memref<2x8x128xf32, #tpu.memory_space<vmem>> -> memref<1x1x128xf32, #tpu.memory_space<vmem>>
      %dma_start3A_1149 = tpu.memref_squeeze %dma_start3A_1148 : memref<1x1x128xf32, #tpu.memory_space<vmem>> -> memref<1x128xf32, #tpu.memory_space<vmem>>
      %dma_start3A_1150 = arith.constant 0 : i32
      %dma_start3A_1151 = tpu.memref_slice %arg5[%dma_start3A_1150, %multiple_of3A_1083] : memref<1x1000000xf32, #tpu.memory_space<hbm>> -> memref<1x128xf32, #tpu.memory_space<hbm>>
      %dma_start3A_1152 = arith.constant 3 : i32
      %dma_start3A_1153 = arith.constant 0 : i32
      %dma_start3A_1154 = tpu.memref_slice %arg12[%dma_start3A_1145, %dma_start3A_1152, %dma_start3A_1153] : memref<2x8x128xf32, #tpu.memory_space<vmem>> -> memref<1x1x128xf32, #tpu.memory_space<vmem>>
      %dma_start3A_1155 = tpu.memref_squeeze %dma_start3A_1154 : memref<1x1x128xf32, #tpu.memory_space<vmem>> -> memref<1x128xf32, #tpu.memory_space<vmem>>
      %dma_start3A_1156 = arith.constant 0 : i32
      %dma_start3A_1157 = tpu.memref_slice %arg5[%dma_start3A_1156, %multiple_of3A_1083] : memref<1x1000000xf32, #tpu.memory_space<hbm>> -> memref<1x128xf32, #tpu.memory_space<hbm>>
      tpu.enqueue_dma source(%dma_start3A_1157 : memref<1x128xf32, #tpu.memory_space<hbm>>) target(%dma_start3A_1155 : memref<1x128xf32, #tpu.memory_space<vmem>>) target_semaphore(%arg16 : memref<!tpu.dma_semaphore, #tpu.memory_space<semaphore_mem>>)
      %dma_start3A_1158 = arith.constant 1 : i32
      %dma_start3A_1159 = arith.constant 3 : i32
      %dma_start3A_1160 = arith.constant 0 : i32
      %dma_start3A_1161 = tpu.memref_slice %arg13[%dma_start3A_1158, %dma_start3A_1159, %dma_start3A_1160] : memref<2x8x128xf32, #tpu.memory_space<vmem>> -> memref<1x1x128xf32, #tpu.memory_space<vmem>>
      %dma_start3A_1162 = tpu.memref_squeeze %dma_start3A_1161 : memref<1x1x128xf32, #tpu.memory_space<vmem>> -> memref<1x128xf32, #tpu.memory_space<vmem>>
      %dma_start3A_1163 = arith.constant 0 : i32
      %dma_start3A_1164 = tpu.memref_slice %arg6[%dma_start3A_1163, %multiple_of3A_1088] : memref<1x1000000xf32, #tpu.memory_space<hbm>> -> memref<1x128xf32, #tpu.memory_space<hbm>>
      %dma_start3A_1165 = arith.constant 3 : i32
      %dma_start3A_1166 = arith.constant 0 : i32
      %dma_start3A_1167 = tpu.memref_slice %arg13[%dma_start3A_1158, %dma_start3A_1165, %dma_start3A_1166] : memref<2x8x128xf32, #tpu.memory_space<vmem>> -> memref<1x1x128xf32, #tpu.memory_space<vmem>>
      %dma_start3A_1168 = tpu.memref_squeeze %dma_start3A_1167 : memref<1x1x128xf32, #tpu.memory_space<vmem>> -> memref<1x128xf32, #tpu.memory_space<vmem>>
      %dma_start3A_1169 = arith.constant 0 : i32
      %dma_start3A_1170 = tpu.memref_slice %arg6[%dma_start3A_1169, %multiple_of3A_1088] : memref<1x1000000xf32, #tpu.memory_space<hbm>> -> memref<1x128xf32, #tpu.memory_space<hbm>>
      tpu.enqueue_dma source(%dma_start3A_1170 : memref<1x128xf32, #tpu.memory_space<hbm>>) target(%dma_start3A_1168 : memref<1x128xf32, #tpu.memory_space<vmem>>) target_semaphore(%arg16 : memref<!tpu.dma_semaphore, #tpu.memory_space<semaphore_mem>>)
      %slice3A_1171 = vector.extract_strided_slice %get3A_784 {offsets = [4], sizes = [1], strides = [1]} : vector<16xi32> to vector<1xi32>
      %squeeze3A_1172 = vector.extract %slice3A_1171[0] : i32 from vector<1xi32>
      %slice3A_1173 = vector.extract_strided_slice %get3A_786 {offsets = [4], sizes = [1], strides = [1]} : vector<16xi32> to vector<1xi32>
      %squeeze3A_1174 = vector.extract %slice3A_1173[0] : i32 from vector<1xi32>
      %shift_right_arithmetic3A_1175 = arith.constant 7 : i32
      %shift_right_arithmetic3A_1176 = arith.shrsi %squeeze3A_1172, %shift_right_arithmetic3A_1175 : i32
      %shift_left3A_1177 = arith.constant 7 : i32
      %shift_left3A_1178 = arith.shli %shift_right_arithmetic3A_1176, %shift_left3A_1177 : i32
      %multiple_of3A_1179 = tpu.assume_multiple %shift_left3A_1178, 128 : i32
      %shift_right_arithmetic3A_1180 = arith.constant 7 : i32
      %shift_right_arithmetic3A_1181 = arith.shrsi %squeeze3A_1174, %shift_right_arithmetic3A_1180 : i32
      %shift_left3A_1182 = arith.constant 7 : i32
      %shift_left3A_1183 = arith.shli %shift_right_arithmetic3A_1181, %shift_left3A_1182 : i32
      %multiple_of3A_1184 = tpu.assume_multiple %shift_left3A_1183, 128 : i32
      %dma_start3A_1185 = arith.constant 1 : i32
      %dma_start3A_1186 = arith.constant 4 : i32
      %dma_start3A_1187 = arith.constant 0 : i32
      %dma_start3A_1188 = arith.constant 0 : i32
      %dma_start3A_1189 = tpu.memref_slice %arg10[%dma_start3A_1185, %dma_start3A_1186, %dma_start3A_1187, %dma_start3A_1188] : memref<2x8x16x128xf32, #tpu.memory_space<vmem>> -> memref<1x1x8x128xf32, #tpu.memory_space<vmem>>
      %dma_start3A_1190 = tpu.memref_squeeze %dma_start3A_1189 : memref<1x1x8x128xf32, #tpu.memory_space<vmem>> -> memref<8x128xf32, #tpu.memory_space<vmem>>
      %dma_start3A_1191 = arith.constant 0 : i32
      %dma_start3A_1192 = tpu.memref_slice %arg3[%dma_start3A_1191, %multiple_of3A_1179] : memref<16x1000000xf32, #tpu.memory_space<hbm>> -> memref<8x128xf32, #tpu.memory_space<hbm>>
      %dma_start3A_1193 = arith.constant 0 : i32
      %dma_start3A_1194 = arith.constant 0 : i32
      %dma_start3A_1195 = tpu.memref_slice %arg10[%dma_start3A_1185, %dma_start3A_1186, %dma_start3A_1193, %dma_start3A_1194] : memref<2x8x16x128xf32, #tpu.memory_space<vmem>> -> memref<1x1x8x128xf32, #tpu.memory_space<vmem>>
      %dma_start3A_1196 = tpu.memref_squeeze %dma_start3A_1195 : memref<1x1x8x128xf32, #tpu.memory_space<vmem>> -> memref<8x128xf32, #tpu.memory_space<vmem>>
      %dma_start3A_1197 = arith.constant 0 : i32
      %dma_start3A_1198 = tpu.memref_slice %arg3[%dma_start3A_1197, %multiple_of3A_1179] : memref<16x1000000xf32, #tpu.memory_space<hbm>> -> memref<8x128xf32, #tpu.memory_space<hbm>>
      tpu.enqueue_dma source(%dma_start3A_1198 : memref<8x128xf32, #tpu.memory_space<hbm>>) target(%dma_start3A_1196 : memref<8x128xf32, #tpu.memory_space<vmem>>) target_semaphore(%arg16 : memref<!tpu.dma_semaphore, #tpu.memory_space<semaphore_mem>>)
      %dma_start3A_1199 = arith.constant 1 : i32
      %dma_start3A_1200 = arith.constant 4 : i32
      %dma_start3A_1201 = arith.constant 8 : i32
      %dma_start3A_1202 = arith.constant 0 : i32
      %dma_start3A_1203 = tpu.memref_slice %arg10[%dma_start3A_1199, %dma_start3A_1200, %dma_start3A_1201, %dma_start3A_1202] : memref<2x8x16x128xf32, #tpu.memory_space<vmem>> -> memref<1x1x8x128xf32, #tpu.memory_space<vmem>>
      %dma_start3A_1204 = tpu.memref_squeeze %dma_start3A_1203 : memref<1x1x8x128xf32, #tpu.memory_space<vmem>> -> memref<8x128xf32, #tpu.memory_space<vmem>>
      %dma_start3A_1205 = arith.constant 8 : i32
      %dma_start3A_1206 = tpu.memref_slice %arg3[%dma_start3A_1205, %multiple_of3A_1179] : memref<16x1000000xf32, #tpu.memory_space<hbm>> -> memref<8x128xf32, #tpu.memory_space<hbm>>
      %dma_start3A_1207 = arith.constant 8 : i32
      %dma_start3A_1208 = arith.constant 0 : i32
      %dma_start3A_1209 = tpu.memref_slice %arg10[%dma_start3A_1199, %dma_start3A_1200, %dma_start3A_1207, %dma_start3A_1208] : memref<2x8x16x128xf32, #tpu.memory_space<vmem>> -> memref<1x1x8x128xf32, #tpu.memory_space<vmem>>
      %dma_start3A_1210 = tpu.memref_squeeze %dma_start3A_1209 : memref<1x1x8x128xf32, #tpu.memory_space<vmem>> -> memref<8x128xf32, #tpu.memory_space<vmem>>
      %dma_start3A_1211 = arith.constant 8 : i32
      %dma_start3A_1212 = tpu.memref_slice %arg3[%dma_start3A_1211, %multiple_of3A_1179] : memref<16x1000000xf32, #tpu.memory_space<hbm>> -> memref<8x128xf32, #tpu.memory_space<hbm>>
      tpu.enqueue_dma source(%dma_start3A_1212 : memref<8x128xf32, #tpu.memory_space<hbm>>) target(%dma_start3A_1210 : memref<8x128xf32, #tpu.memory_space<vmem>>) target_semaphore(%arg16 : memref<!tpu.dma_semaphore, #tpu.memory_space<semaphore_mem>>)
      %dma_start3A_1213 = arith.constant 1 : i32
      %dma_start3A_1214 = arith.constant 4 : i32
      %dma_start3A_1215 = arith.constant 0 : i32
      %dma_start3A_1216 = arith.constant 0 : i32
      %dma_start3A_1217 = tpu.memref_slice %arg11[%dma_start3A_1213, %dma_start3A_1214, %dma_start3A_1215, %dma_start3A_1216] : memref<2x8x16x128xf32, #tpu.memory_space<vmem>> -> memref<1x1x8x128xf32, #tpu.memory_space<vmem>>
      %dma_start3A_1218 = tpu.memref_squeeze %dma_start3A_1217 : memref<1x1x8x128xf32, #tpu.memory_space<vmem>> -> memref<8x128xf32, #tpu.memory_space<vmem>>
      %dma_start3A_1219 = arith.constant 0 : i32
      %dma_start3A_1220 = tpu.memref_slice %arg4[%dma_start3A_1219, %multiple_of3A_1184] : memref<16x1000000xf32, #tpu.memory_space<hbm>> -> memref<8x128xf32, #tpu.memory_space<hbm>>
      %dma_start3A_1221 = arith.constant 0 : i32
      %dma_start3A_1222 = arith.constant 0 : i32
      %dma_start3A_1223 = tpu.memref_slice %arg11[%dma_start3A_1213, %dma_start3A_1214, %dma_start3A_1221, %dma_start3A_1222] : memref<2x8x16x128xf32, #tpu.memory_space<vmem>> -> memref<1x1x8x128xf32, #tpu.memory_space<vmem>>
      %dma_start3A_1224 = tpu.memref_squeeze %dma_start3A_1223 : memref<1x1x8x128xf32, #tpu.memory_space<vmem>> -> memref<8x128xf32, #tpu.memory_space<vmem>>
      %dma_start3A_1225 = arith.constant 0 : i32
      %dma_start3A_1226 = tpu.memref_slice %arg4[%dma_start3A_1225, %multiple_of3A_1184] : memref<16x1000000xf32, #tpu.memory_space<hbm>> -> memref<8x128xf32, #tpu.memory_space<hbm>>
      tpu.enqueue_dma source(%dma_start3A_1226 : memref<8x128xf32, #tpu.memory_space<hbm>>) target(%dma_start3A_1224 : memref<8x128xf32, #tpu.memory_space<vmem>>) target_semaphore(%arg16 : memref<!tpu.dma_semaphore, #tpu.memory_space<semaphore_mem>>)
      %dma_start3A_1227 = arith.constant 1 : i32
      %dma_start3A_1228 = arith.constant 4 : i32
      %dma_start3A_1229 = arith.constant 8 : i32
      %dma_start3A_1230 = arith.constant 0 : i32
      %dma_start3A_1231 = tpu.memref_slice %arg11[%dma_start3A_1227, %dma_start3A_1228, %dma_start3A_1229, %dma_start3A_1230] : memref<2x8x16x128xf32, #tpu.memory_space<vmem>> -> memref<1x1x8x128xf32, #tpu.memory_space<vmem>>
      %dma_start3A_1232 = tpu.memref_squeeze %dma_start3A_1231 : memref<1x1x8x128xf32, #tpu.memory_space<vmem>> -> memref<8x128xf32, #tpu.memory_space<vmem>>
      %dma_start3A_1233 = arith.constant 8 : i32
      %dma_start3A_1234 = tpu.memref_slice %arg4[%dma_start3A_1233, %multiple_of3A_1184] : memref<16x1000000xf32, #tpu.memory_space<hbm>> -> memref<8x128xf32, #tpu.memory_space<hbm>>
      %dma_start3A_1235 = arith.constant 8 : i32
      %dma_start3A_1236 = arith.constant 0 : i32
      %dma_start3A_1237 = tpu.memref_slice %arg11[%dma_start3A_1227, %dma_start3A_1228, %dma_start3A_1235, %dma_start3A_1236] : memref<2x8x16x128xf32, #tpu.memory_space<vmem>> -> memref<1x1x8x128xf32, #tpu.memory_space<vmem>>
      %dma_start3A_1238 = tpu.memref_squeeze %dma_start3A_1237 : memref<1x1x8x128xf32, #tpu.memory_space<vmem>> -> memref<8x128xf32, #tpu.memory_space<vmem>>
      %dma_start3A_1239 = arith.constant 8 : i32
      %dma_start3A_1240 = tpu.memref_slice %arg4[%dma_start3A_1239, %multiple_of3A_1184] : memref<16x1000000xf32, #tpu.memory_space<hbm>> -> memref<8x128xf32, #tpu.memory_space<hbm>>
      tpu.enqueue_dma source(%dma_start3A_1240 : memref<8x128xf32, #tpu.memory_space<hbm>>) target(%dma_start3A_1238 : memref<8x128xf32, #tpu.memory_space<vmem>>) target_semaphore(%arg16 : memref<!tpu.dma_semaphore, #tpu.memory_space<semaphore_mem>>)
      %dma_start3A_1241 = arith.constant 1 : i32
      %dma_start3A_1242 = arith.constant 4 : i32
      %dma_start3A_1243 = arith.constant 0 : i32
      %dma_start3A_1244 = tpu.memref_slice %arg12[%dma_start3A_1241, %dma_start3A_1242, %dma_start3A_1243] : memref<2x8x128xf32, #tpu.memory_space<vmem>> -> memref<1x1x128xf32, #tpu.memory_space<vmem>>
      %dma_start3A_1245 = tpu.memref_squeeze %dma_start3A_1244 : memref<1x1x128xf32, #tpu.memory_space<vmem>> -> memref<1x128xf32, #tpu.memory_space<vmem>>
      %dma_start3A_1246 = arith.constant 0 : i32
      %dma_start3A_1247 = tpu.memref_slice %arg5[%dma_start3A_1246, %multiple_of3A_1179] : memref<1x1000000xf32, #tpu.memory_space<hbm>> -> memref<1x128xf32, #tpu.memory_space<hbm>>
      %dma_start3A_1248 = arith.constant 4 : i32
      %dma_start3A_1249 = arith.constant 0 : i32
      %dma_start3A_1250 = tpu.memref_slice %arg12[%dma_start3A_1241, %dma_start3A_1248, %dma_start3A_1249] : memref<2x8x128xf32, #tpu.memory_space<vmem>> -> memref<1x1x128xf32, #tpu.memory_space<vmem>>
      %dma_start3A_1251 = tpu.memref_squeeze %dma_start3A_1250 : memref<1x1x128xf32, #tpu.memory_space<vmem>> -> memref<1x128xf32, #tpu.memory_space<vmem>>
      %dma_start3A_1252 = arith.constant 0 : i32
      %dma_start3A_1253 = tpu.memref_slice %arg5[%dma_start3A_1252, %multiple_of3A_1179] : memref<1x1000000xf32, #tpu.memory_space<hbm>> -> memref<1x128xf32, #tpu.memory_space<hbm>>
      tpu.enqueue_dma source(%dma_start3A_1253 : memref<1x128xf32, #tpu.memory_space<hbm>>) target(%dma_start3A_1251 : memref<1x128xf32, #tpu.memory_space<vmem>>) target_semaphore(%arg16 : memref<!tpu.dma_semaphore, #tpu.memory_space<semaphore_mem>>)
      %dma_start3A_1254 = arith.constant 1 : i32
      %dma_start3A_1255 = arith.constant 4 : i32
      %dma_start3A_1256 = arith.constant 0 : i32
      %dma_start3A_1257 = tpu.memref_slice %arg13[%dma_start3A_1254, %dma_start3A_1255, %dma_start3A_1256] : memref<2x8x128xf32, #tpu.memory_space<vmem>> -> memref<1x1x128xf32, #tpu.memory_space<vmem>>
      %dma_start3A_1258 = tpu.memref_squeeze %dma_start3A_1257 : memref<1x1x128xf32, #tpu.memory_space<vmem>> -> memref<1x128xf32, #tpu.memory_space<vmem>>
      %dma_start3A_1259 = arith.constant 0 : i32
      %dma_start3A_1260 = tpu.memref_slice %arg6[%dma_start3A_1259, %multiple_of3A_1184] : memref<1x1000000xf32, #tpu.memory_space<hbm>> -> memref<1x128xf32, #tpu.memory_space<hbm>>
      %dma_start3A_1261 = arith.constant 4 : i32
      %dma_start3A_1262 = arith.constant 0 : i32
      %dma_start3A_1263 = tpu.memref_slice %arg13[%dma_start3A_1254, %dma_start3A_1261, %dma_start3A_1262] : memref<2x8x128xf32, #tpu.memory_space<vmem>> -> memref<1x1x128xf32, #tpu.memory_space<vmem>>
      %dma_start3A_1264 = tpu.memref_squeeze %dma_start3A_1263 : memref<1x1x128xf32, #tpu.memory_space<vmem>> -> memref<1x128xf32, #tpu.memory_space<vmem>>
      %dma_start3A_1265 = arith.constant 0 : i32
      %dma_start3A_1266 = tpu.memref_slice %arg6[%dma_start3A_1265, %multiple_of3A_1184] : memref<1x1000000xf32, #tpu.memory_space<hbm>> -> memref<1x128xf32, #tpu.memory_space<hbm>>
      tpu.enqueue_dma source(%dma_start3A_1266 : memref<1x128xf32, #tpu.memory_space<hbm>>) target(%dma_start3A_1264 : memref<1x128xf32, #tpu.memory_space<vmem>>) target_semaphore(%arg16 : memref<!tpu.dma_semaphore, #tpu.memory_space<semaphore_mem>>)
      %slice3A_1267 = vector.extract_strided_slice %get3A_784 {offsets = [5], sizes = [1], strides = [1]} : vector<16xi32> to vector<1xi32>
      %squeeze3A_1268 = vector.extract %slice3A_1267[0] : i32 from vector<1xi32>
      %slice3A_1269 = vector.extract_strided_slice %get3A_786 {offsets = [5], sizes = [1], strides = [1]} : vector<16xi32> to vector<1xi32>
      %squeeze3A_1270 = vector.extract %slice3A_1269[0] : i32 from vector<1xi32>
      %shift_right_arithmetic3A_1271 = arith.constant 7 : i32
      %shift_right_arithmetic3A_1272 = arith.shrsi %squeeze3A_1268, %shift_right_arithmetic3A_1271 : i32
      %shift_left3A_1273 = arith.constant 7 : i32
      %shift_left3A_1274 = arith.shli %shift_right_arithmetic3A_1272, %shift_left3A_1273 : i32
      %multiple_of3A_1275 = tpu.assume_multiple %shift_left3A_1274, 128 : i32
      %shift_right_arithmetic3A_1276 = arith.constant 7 : i32
      %shift_right_arithmetic3A_1277 = arith.shrsi %squeeze3A_1270, %shift_right_arithmetic3A_1276 : i32
      %shift_left3A_1278 = arith.constant 7 : i32
      %shift_left3A_1279 = arith.shli %shift_right_arithmetic3A_1277, %shift_left3A_1278 : i32
      %multiple_of3A_1280 = tpu.assume_multiple %shift_left3A_1279, 128 : i32
      %dma_start3A_1281 = arith.constant 1 : i32
      %dma_start3A_1282 = arith.constant 5 : i32
      %dma_start3A_1283 = arith.constant 0 : i32
      %dma_start3A_1284 = arith.constant 0 : i32
      %dma_start3A_1285 = tpu.memref_slice %arg10[%dma_start3A_1281, %dma_start3A_1282, %dma_start3A_1283, %dma_start3A_1284] : memref<2x8x16x128xf32, #tpu.memory_space<vmem>> -> memref<1x1x8x128xf32, #tpu.memory_space<vmem>>
      %dma_start3A_1286 = tpu.memref_squeeze %dma_start3A_1285 : memref<1x1x8x128xf32, #tpu.memory_space<vmem>> -> memref<8x128xf32, #tpu.memory_space<vmem>>
      %dma_start3A_1287 = arith.constant 0 : i32
      %dma_start3A_1288 = tpu.memref_slice %arg3[%dma_start3A_1287, %multiple_of3A_1275] : memref<16x1000000xf32, #tpu.memory_space<hbm>> -> memref<8x128xf32, #tpu.memory_space<hbm>>
      %dma_start3A_1289 = arith.constant 0 : i32
      %dma_start3A_1290 = arith.constant 0 : i32
      %dma_start3A_1291 = tpu.memref_slice %arg10[%dma_start3A_1281, %dma_start3A_1282, %dma_start3A_1289, %dma_start3A_1290] : memref<2x8x16x128xf32, #tpu.memory_space<vmem>> -> memref<1x1x8x128xf32, #tpu.memory_space<vmem>>
      %dma_start3A_1292 = tpu.memref_squeeze %dma_start3A_1291 : memref<1x1x8x128xf32, #tpu.memory_space<vmem>> -> memref<8x128xf32, #tpu.memory_space<vmem>>
      %dma_start3A_1293 = arith.constant 0 : i32
      %dma_start3A_1294 = tpu.memref_slice %arg3[%dma_start3A_1293, %multiple_of3A_1275] : memref<16x1000000xf32, #tpu.memory_space<hbm>> -> memref<8x128xf32, #tpu.memory_space<hbm>>
      tpu.enqueue_dma source(%dma_start3A_1294 : memref<8x128xf32, #tpu.memory_space<hbm>>) target(%dma_start3A_1292 : memref<8x128xf32, #tpu.memory_space<vmem>>) target_semaphore(%arg16 : memref<!tpu.dma_semaphore, #tpu.memory_space<semaphore_mem>>)
      %dma_start3A_1295 = arith.constant 1 : i32
      %dma_start3A_1296 = arith.constant 5 : i32
      %dma_start3A_1297 = arith.constant 8 : i32
      %dma_start3A_1298 = arith.constant 0 : i32
      %dma_start3A_1299 = tpu.memref_slice %arg10[%dma_start3A_1295, %dma_start3A_1296, %dma_start3A_1297, %dma_start3A_1298] : memref<2x8x16x128xf32, #tpu.memory_space<vmem>> -> memref<1x1x8x128xf32, #tpu.memory_space<vmem>>
      %dma_start3A_1300 = tpu.memref_squeeze %dma_start3A_1299 : memref<1x1x8x128xf32, #tpu.memory_space<vmem>> -> memref<8x128xf32, #tpu.memory_space<vmem>>
      %dma_start3A_1301 = arith.constant 8 : i32
      %dma_start3A_1302 = tpu.memref_slice %arg3[%dma_start3A_1301, %multiple_of3A_1275] : memref<16x1000000xf32, #tpu.memory_space<hbm>> -> memref<8x128xf32, #tpu.memory_space<hbm>>
      %dma_start3A_1303 = arith.constant 8 : i32
      %dma_start3A_1304 = arith.constant 0 : i32
      %dma_start3A_1305 = tpu.memref_slice %arg10[%dma_start3A_1295, %dma_start3A_1296, %dma_start3A_1303, %dma_start3A_1304] : memref<2x8x16x128xf32, #tpu.memory_space<vmem>> -> memref<1x1x8x128xf32, #tpu.memory_space<vmem>>
      %dma_start3A_1306 = tpu.memref_squeeze %dma_start3A_1305 : memref<1x1x8x128xf32, #tpu.memory_space<vmem>> -> memref<8x128xf32, #tpu.memory_space<vmem>>
      %dma_start3A_1307 = arith.constant 8 : i32
      %dma_start3A_1308 = tpu.memref_slice %arg3[%dma_start3A_1307, %multiple_of3A_1275] : memref<16x1000000xf32, #tpu.memory_space<hbm>> -> memref<8x128xf32, #tpu.memory_space<hbm>>
      tpu.enqueue_dma source(%dma_start3A_1308 : memref<8x128xf32, #tpu.memory_space<hbm>>) target(%dma_start3A_1306 : memref<8x128xf32, #tpu.memory_space<vmem>>) target_semaphore(%arg16 : memref<!tpu.dma_semaphore, #tpu.memory_space<semaphore_mem>>)
      %dma_start3A_1309 = arith.constant 1 : i32
      %dma_start3A_1310 = arith.constant 5 : i32
      %dma_start3A_1311 = arith.constant 0 : i32
      %dma_start3A_1312 = arith.constant 0 : i32
      %dma_start3A_1313 = tpu.memref_slice %arg11[%dma_start3A_1309, %dma_start3A_1310, %dma_start3A_1311, %dma_start3A_1312] : memref<2x8x16x128xf32, #tpu.memory_space<vmem>> -> memref<1x1x8x128xf32, #tpu.memory_space<vmem>>
      %dma_start3A_1314 = tpu.memref_squeeze %dma_start3A_1313 : memref<1x1x8x128xf32, #tpu.memory_space<vmem>> -> memref<8x128xf32, #tpu.memory_space<vmem>>
      %dma_start3A_1315 = arith.constant 0 : i32
      %dma_start3A_1316 = tpu.memref_slice %arg4[%dma_start3A_1315, %multiple_of3A_1280] : memref<16x1000000xf32, #tpu.memory_space<hbm>> -> memref<8x128xf32, #tpu.memory_space<hbm>>
      %dma_start3A_1317 = arith.constant 0 : i32
      %dma_start3A_1318 = arith.constant 0 : i32
      %dma_start3A_1319 = tpu.memref_slice %arg11[%dma_start3A_1309, %dma_start3A_1310, %dma_start3A_1317, %dma_start3A_1318] : memref<2x8x16x128xf32, #tpu.memory_space<vmem>> -> memref<1x1x8x128xf32, #tpu.memory_space<vmem>>
      %dma_start3A_1320 = tpu.memref_squeeze %dma_start3A_1319 : memref<1x1x8x128xf32, #tpu.memory_space<vmem>> -> memref<8x128xf32, #tpu.memory_space<vmem>>
      %dma_start3A_1321 = arith.constant 0 : i32
      %dma_start3A_1322 = tpu.memref_slice %arg4[%dma_start3A_1321, %multiple_of3A_1280] : memref<16x1000000xf32, #tpu.memory_space<hbm>> -> memref<8x128xf32, #tpu.memory_space<hbm>>
      tpu.enqueue_dma source(%dma_start3A_1322 : memref<8x128xf32, #tpu.memory_space<hbm>>) target(%dma_start3A_1320 : memref<8x128xf32, #tpu.memory_space<vmem>>) target_semaphore(%arg16 : memref<!tpu.dma_semaphore, #tpu.memory_space<semaphore_mem>>)
      %dma_start3A_1323 = arith.constant 1 : i32
      %dma_start3A_1324 = arith.constant 5 : i32
      %dma_start3A_1325 = arith.constant 8 : i32
      %dma_start3A_1326 = arith.constant 0 : i32
      %dma_start3A_1327 = tpu.memref_slice %arg11[%dma_start3A_1323, %dma_start3A_1324, %dma_start3A_1325, %dma_start3A_1326] : memref<2x8x16x128xf32, #tpu.memory_space<vmem>> -> memref<1x1x8x128xf32, #tpu.memory_space<vmem>>
      %dma_start3A_1328 = tpu.memref_squeeze %dma_start3A_1327 : memref<1x1x8x128xf32, #tpu.memory_space<vmem>> -> memref<8x128xf32, #tpu.memory_space<vmem>>
      %dma_start3A_1329 = arith.constant 8 : i32
      %dma_start3A_1330 = tpu.memref_slice %arg4[%dma_start3A_1329, %multiple_of3A_1280] : memref<16x1000000xf32, #tpu.memory_space<hbm>> -> memref<8x128xf32, #tpu.memory_space<hbm>>
      %dma_start3A_1331 = arith.constant 8 : i32
      %dma_start3A_1332 = arith.constant 0 : i32
      %dma_start3A_1333 = tpu.memref_slice %arg11[%dma_start3A_1323, %dma_start3A_1324, %dma_start3A_1331, %dma_start3A_1332] : memref<2x8x16x128xf32, #tpu.memory_space<vmem>> -> memref<1x1x8x128xf32, #tpu.memory_space<vmem>>
      %dma_start3A_1334 = tpu.memref_squeeze %dma_start3A_1333 : memref<1x1x8x128xf32, #tpu.memory_space<vmem>> -> memref<8x128xf32, #tpu.memory_space<vmem>>
      %dma_start3A_1335 = arith.constant 8 : i32
      %dma_start3A_1336 = tpu.memref_slice %arg4[%dma_start3A_1335, %multiple_of3A_1280] : memref<16x1000000xf32, #tpu.memory_space<hbm>> -> memref<8x128xf32, #tpu.memory_space<hbm>>
      tpu.enqueue_dma source(%dma_start3A_1336 : memref<8x128xf32, #tpu.memory_space<hbm>>) target(%dma_start3A_1334 : memref<8x128xf32, #tpu.memory_space<vmem>>) target_semaphore(%arg16 : memref<!tpu.dma_semaphore, #tpu.memory_space<semaphore_mem>>)
      %dma_start3A_1337 = arith.constant 1 : i32
      %dma_start3A_1338 = arith.constant 5 : i32
      %dma_start3A_1339 = arith.constant 0 : i32
      %dma_start3A_1340 = tpu.memref_slice %arg12[%dma_start3A_1337, %dma_start3A_1338, %dma_start3A_1339] : memref<2x8x128xf32, #tpu.memory_space<vmem>> -> memref<1x1x128xf32, #tpu.memory_space<vmem>>
      %dma_start3A_1341 = tpu.memref_squeeze %dma_start3A_1340 : memref<1x1x128xf32, #tpu.memory_space<vmem>> -> memref<1x128xf32, #tpu.memory_space<vmem>>
      %dma_start3A_1342 = arith.constant 0 : i32
      %dma_start3A_1343 = tpu.memref_slice %arg5[%dma_start3A_1342, %multiple_of3A_1275] : memref<1x1000000xf32, #tpu.memory_space<hbm>> -> memref<1x128xf32, #tpu.memory_space<hbm>>
      %dma_start3A_1344 = arith.constant 5 : i32
      %dma_start3A_1345 = arith.constant 0 : i32
      %dma_start3A_1346 = tpu.memref_slice %arg12[%dma_start3A_1337, %dma_start3A_1344, %dma_start3A_1345] : memref<2x8x128xf32, #tpu.memory_space<vmem>> -> memref<1x1x128xf32, #tpu.memory_space<vmem>>
      %dma_start3A_1347 = tpu.memref_squeeze %dma_start3A_1346 : memref<1x1x128xf32, #tpu.memory_space<vmem>> -> memref<1x128xf32, #tpu.memory_space<vmem>>
      %dma_start3A_1348 = arith.constant 0 : i32
      %dma_start3A_1349 = tpu.memref_slice %arg5[%dma_start3A_1348, %multiple_of3A_1275] : memref<1x1000000xf32, #tpu.memory_space<hbm>> -> memref<1x128xf32, #tpu.memory_space<hbm>>
      tpu.enqueue_dma source(%dma_start3A_1349 : memref<1x128xf32, #tpu.memory_space<hbm>>) target(%dma_start3A_1347 : memref<1x128xf32, #tpu.memory_space<vmem>>) target_semaphore(%arg16 : memref<!tpu.dma_semaphore, #tpu.memory_space<semaphore_mem>>)
      %dma_start3A_1350 = arith.constant 1 : i32
      %dma_start3A_1351 = arith.constant 5 : i32
      %dma_start3A_1352 = arith.constant 0 : i32
      %dma_start3A_1353 = tpu.memref_slice %arg13[%dma_start3A_1350, %dma_start3A_1351, %dma_start3A_1352] : memref<2x8x128xf32, #tpu.memory_space<vmem>> -> memref<1x1x128xf32, #tpu.memory_space<vmem>>
      %dma_start3A_1354 = tpu.memref_squeeze %dma_start3A_1353 : memref<1x1x128xf32, #tpu.memory_space<vmem>> -> memref<1x128xf32, #tpu.memory_space<vmem>>
      %dma_start3A_1355 = arith.constant 0 : i32
      %dma_start3A_1356 = tpu.memref_slice %arg6[%dma_start3A_1355, %multiple_of3A_1280] : memref<1x1000000xf32, #tpu.memory_space<hbm>> -> memref<1x128xf32, #tpu.memory_space<hbm>>
      %dma_start3A_1357 = arith.constant 5 : i32
      %dma_start3A_1358 = arith.constant 0 : i32
      %dma_start3A_1359 = tpu.memref_slice %arg13[%dma_start3A_1350, %dma_start3A_1357, %dma_start3A_1358] : memref<2x8x128xf32, #tpu.memory_space<vmem>> -> memref<1x1x128xf32, #tpu.memory_space<vmem>>
      %dma_start3A_1360 = tpu.memref_squeeze %dma_start3A_1359 : memref<1x1x128xf32, #tpu.memory_space<vmem>> -> memref<1x128xf32, #tpu.memory_space<vmem>>
      %dma_start3A_1361 = arith.constant 0 : i32
      %dma_start3A_1362 = tpu.memref_slice %arg6[%dma_start3A_1361, %multiple_of3A_1280] : memref<1x1000000xf32, #tpu.memory_space<hbm>> -> memref<1x128xf32, #tpu.memory_space<hbm>>
      tpu.enqueue_dma source(%dma_start3A_1362 : memref<1x128xf32, #tpu.memory_space<hbm>>) target(%dma_start3A_1360 : memref<1x128xf32, #tpu.memory_space<vmem>>) target_semaphore(%arg16 : memref<!tpu.dma_semaphore, #tpu.memory_space<semaphore_mem>>)
      %slice3A_1363 = vector.extract_strided_slice %get3A_784 {offsets = [6], sizes = [1], strides = [1]} : vector<16xi32> to vector<1xi32>
      %squeeze3A_1364 = vector.extract %slice3A_1363[0] : i32 from vector<1xi32>
      %slice3A_1365 = vector.extract_strided_slice %get3A_786 {offsets = [6], sizes = [1], strides = [1]} : vector<16xi32> to vector<1xi32>
      %squeeze3A_1366 = vector.extract %slice3A_1365[0] : i32 from vector<1xi32>
      %shift_right_arithmetic3A_1367 = arith.constant 7 : i32
      %shift_right_arithmetic3A_1368 = arith.shrsi %squeeze3A_1364, %shift_right_arithmetic3A_1367 : i32
      %shift_left3A_1369 = arith.constant 7 : i32
      %shift_left3A_1370 = arith.shli %shift_right_arithmetic3A_1368, %shift_left3A_1369 : i32
      %multiple_of3A_1371 = tpu.assume_multiple %shift_left3A_1370, 128 : i32
      %shift_right_arithmetic3A_1372 = arith.constant 7 : i32
      %shift_right_arithmetic3A_1373 = arith.shrsi %squeeze3A_1366, %shift_right_arithmetic3A_1372 : i32
      %shift_left3A_1374 = arith.constant 7 : i32
      %shift_left3A_1375 = arith.shli %shift_right_arithmetic3A_1373, %shift_left3A_1374 : i32
      %multiple_of3A_1376 = tpu.assume_multiple %shift_left3A_1375, 128 : i32
      %dma_start3A_1377 = arith.constant 1 : i32
      %dma_start3A_1378 = arith.constant 6 : i32
      %dma_start3A_1379 = arith.constant 0 : i32
      %dma_start3A_1380 = arith.constant 0 : i32
      %dma_start3A_1381 = tpu.memref_slice %arg10[%dma_start3A_1377, %dma_start3A_1378, %dma_start3A_1379, %dma_start3A_1380] : memref<2x8x16x128xf32, #tpu.memory_space<vmem>> -> memref<1x1x8x128xf32, #tpu.memory_space<vmem>>
      %dma_start3A_1382 = tpu.memref_squeeze %dma_start3A_1381 : memref<1x1x8x128xf32, #tpu.memory_space<vmem>> -> memref<8x128xf32, #tpu.memory_space<vmem>>
      %dma_start3A_1383 = arith.constant 0 : i32
      %dma_start3A_1384 = tpu.memref_slice %arg3[%dma_start3A_1383, %multiple_of3A_1371] : memref<16x1000000xf32, #tpu.memory_space<hbm>> -> memref<8x128xf32, #tpu.memory_space<hbm>>
      %dma_start3A_1385 = arith.constant 0 : i32
      %dma_start3A_1386 = arith.constant 0 : i32
      %dma_start3A_1387 = tpu.memref_slice %arg10[%dma_start3A_1377, %dma_start3A_1378, %dma_start3A_1385, %dma_start3A_1386] : memref<2x8x16x128xf32, #tpu.memory_space<vmem>> -> memref<1x1x8x128xf32, #tpu.memory_space<vmem>>
      %dma_start3A_1388 = tpu.memref_squeeze %dma_start3A_1387 : memref<1x1x8x128xf32, #tpu.memory_space<vmem>> -> memref<8x128xf32, #tpu.memory_space<vmem>>
      %dma_start3A_1389 = arith.constant 0 : i32
      %dma_start3A_1390 = tpu.memref_slice %arg3[%dma_start3A_1389, %multiple_of3A_1371] : memref<16x1000000xf32, #tpu.memory_space<hbm>> -> memref<8x128xf32, #tpu.memory_space<hbm>>
      tpu.enqueue_dma source(%dma_start3A_1390 : memref<8x128xf32, #tpu.memory_space<hbm>>) target(%dma_start3A_1388 : memref<8x128xf32, #tpu.memory_space<vmem>>) target_semaphore(%arg16 : memref<!tpu.dma_semaphore, #tpu.memory_space<semaphore_mem>>)
      %dma_start3A_1391 = arith.constant 1 : i32
      %dma_start3A_1392 = arith.constant 6 : i32
      %dma_start3A_1393 = arith.constant 8 : i32
      %dma_start3A_1394 = arith.constant 0 : i32
      %dma_start3A_1395 = tpu.memref_slice %arg10[%dma_start3A_1391, %dma_start3A_1392, %dma_start3A_1393, %dma_start3A_1394] : memref<2x8x16x128xf32, #tpu.memory_space<vmem>> -> memref<1x1x8x128xf32, #tpu.memory_space<vmem>>
      %dma_start3A_1396 = tpu.memref_squeeze %dma_start3A_1395 : memref<1x1x8x128xf32, #tpu.memory_space<vmem>> -> memref<8x128xf32, #tpu.memory_space<vmem>>
      %dma_start3A_1397 = arith.constant 8 : i32
      %dma_start3A_1398 = tpu.memref_slice %arg3[%dma_start3A_1397, %multiple_of3A_1371] : memref<16x1000000xf32, #tpu.memory_space<hbm>> -> memref<8x128xf32, #tpu.memory_space<hbm>>
      %dma_start3A_1399 = arith.constant 8 : i32
      %dma_start3A_1400 = arith.constant 0 : i32
      %dma_start3A_1401 = tpu.memref_slice %arg10[%dma_start3A_1391, %dma_start3A_1392, %dma_start3A_1399, %dma_start3A_1400] : memref<2x8x16x128xf32, #tpu.memory_space<vmem>> -> memref<1x1x8x128xf32, #tpu.memory_space<vmem>>
      %dma_start3A_1402 = tpu.memref_squeeze %dma_start3A_1401 : memref<1x1x8x128xf32, #tpu.memory_space<vmem>> -> memref<8x128xf32, #tpu.memory_space<vmem>>
      %dma_start3A_1403 = arith.constant 8 : i32
      %dma_start3A_1404 = tpu.memref_slice %arg3[%dma_start3A_1403, %multiple_of3A_1371] : memref<16x1000000xf32, #tpu.memory_space<hbm>> -> memref<8x128xf32, #tpu.memory_space<hbm>>
      tpu.enqueue_dma source(%dma_start3A_1404 : memref<8x128xf32, #tpu.memory_space<hbm>>) target(%dma_start3A_1402 : memref<8x128xf32, #tpu.memory_space<vmem>>) target_semaphore(%arg16 : memref<!tpu.dma_semaphore, #tpu.memory_space<semaphore_mem>>)
      %dma_start3A_1405 = arith.constant 1 : i32
      %dma_start3A_1406 = arith.constant 6 : i32
      %dma_start3A_1407 = arith.constant 0 : i32
      %dma_start3A_1408 = arith.constant 0 : i32
      %dma_start3A_1409 = tpu.memref_slice %arg11[%dma_start3A_1405, %dma_start3A_1406, %dma_start3A_1407, %dma_start3A_1408] : memref<2x8x16x128xf32, #tpu.memory_space<vmem>> -> memref<1x1x8x128xf32, #tpu.memory_space<vmem>>
      %dma_start3A_1410 = tpu.memref_squeeze %dma_start3A_1409 : memref<1x1x8x128xf32, #tpu.memory_space<vmem>> -> memref<8x128xf32, #tpu.memory_space<vmem>>
      %dma_start3A_1411 = arith.constant 0 : i32
      %dma_start3A_1412 = tpu.memref_slice %arg4[%dma_start3A_1411, %multiple_of3A_1376] : memref<16x1000000xf32, #tpu.memory_space<hbm>> -> memref<8x128xf32, #tpu.memory_space<hbm>>
      %dma_start3A_1413 = arith.constant 0 : i32
      %dma_start3A_1414 = arith.constant 0 : i32
      %dma_start3A_1415 = tpu.memref_slice %arg11[%dma_start3A_1405, %dma_start3A_1406, %dma_start3A_1413, %dma_start3A_1414] : memref<2x8x16x128xf32, #tpu.memory_space<vmem>> -> memref<1x1x8x128xf32, #tpu.memory_space<vmem>>
      %dma_start3A_1416 = tpu.memref_squeeze %dma_start3A_1415 : memref<1x1x8x128xf32, #tpu.memory_space<vmem>> -> memref<8x128xf32, #tpu.memory_space<vmem>>
      %dma_start3A_1417 = arith.constant 0 : i32
      %dma_start3A_1418 = tpu.memref_slice %arg4[%dma_start3A_1417, %multiple_of3A_1376] : memref<16x1000000xf32, #tpu.memory_space<hbm>> -> memref<8x128xf32, #tpu.memory_space<hbm>>
      tpu.enqueue_dma source(%dma_start3A_1418 : memref<8x128xf32, #tpu.memory_space<hbm>>) target(%dma_start3A_1416 : memref<8x128xf32, #tpu.memory_space<vmem>>) target_semaphore(%arg16 : memref<!tpu.dma_semaphore, #tpu.memory_space<semaphore_mem>>)
      %dma_start3A_1419 = arith.constant 1 : i32
      %dma_start3A_1420 = arith.constant 6 : i32
      %dma_start3A_1421 = arith.constant 8 : i32
      %dma_start3A_1422 = arith.constant 0 : i32
      %dma_start3A_1423 = tpu.memref_slice %arg11[%dma_start3A_1419, %dma_start3A_1420, %dma_start3A_1421, %dma_start3A_1422] : memref<2x8x16x128xf32, #tpu.memory_space<vmem>> -> memref<1x1x8x128xf32, #tpu.memory_space<vmem>>
      %dma_start3A_1424 = tpu.memref_squeeze %dma_start3A_1423 : memref<1x1x8x128xf32, #tpu.memory_space<vmem>> -> memref<8x128xf32, #tpu.memory_space<vmem>>
      %dma_start3A_1425 = arith.constant 8 : i32
      %dma_start3A_1426 = tpu.memref_slice %arg4[%dma_start3A_1425, %multiple_of3A_1376] : memref<16x1000000xf32, #tpu.memory_space<hbm>> -> memref<8x128xf32, #tpu.memory_space<hbm>>
      %dma_start3A_1427 = arith.constant 8 : i32
      %dma_start3A_1428 = arith.constant 0 : i32
      %dma_start3A_1429 = tpu.memref_slice %arg11[%dma_start3A_1419, %dma_start3A_1420, %dma_start3A_1427, %dma_start3A_1428] : memref<2x8x16x128xf32, #tpu.memory_space<vmem>> -> memref<1x1x8x128xf32, #tpu.memory_space<vmem>>
      %dma_start3A_1430 = tpu.memref_squeeze %dma_start3A_1429 : memref<1x1x8x128xf32, #tpu.memory_space<vmem>> -> memref<8x128xf32, #tpu.memory_space<vmem>>
      %dma_start3A_1431 = arith.constant 8 : i32
      %dma_start3A_1432 = tpu.memref_slice %arg4[%dma_start3A_1431, %multiple_of3A_1376] : memref<16x1000000xf32, #tpu.memory_space<hbm>> -> memref<8x128xf32, #tpu.memory_space<hbm>>
      tpu.enqueue_dma source(%dma_start3A_1432 : memref<8x128xf32, #tpu.memory_space<hbm>>) target(%dma_start3A_1430 : memref<8x128xf32, #tpu.memory_space<vmem>>) target_semaphore(%arg16 : memref<!tpu.dma_semaphore, #tpu.memory_space<semaphore_mem>>)
      %dma_start3A_1433 = arith.constant 1 : i32
      %dma_start3A_1434 = arith.constant 6 : i32
      %dma_start3A_1435 = arith.constant 0 : i32
      %dma_start3A_1436 = tpu.memref_slice %arg12[%dma_start3A_1433, %dma_start3A_1434, %dma_start3A_1435] : memref<2x8x128xf32, #tpu.memory_space<vmem>> -> memref<1x1x128xf32, #tpu.memory_space<vmem>>
      %dma_start3A_1437 = tpu.memref_squeeze %dma_start3A_1436 : memref<1x1x128xf32, #tpu.memory_space<vmem>> -> memref<1x128xf32, #tpu.memory_space<vmem>>
      %dma_start3A_1438 = arith.constant 0 : i32
      %dma_start3A_1439 = tpu.memref_slice %arg5[%dma_start3A_1438, %multiple_of3A_1371] : memref<1x1000000xf32, #tpu.memory_space<hbm>> -> memref<1x128xf32, #tpu.memory_space<hbm>>
      %dma_start3A_1440 = arith.constant 6 : i32
      %dma_start3A_1441 = arith.constant 0 : i32
      %dma_start3A_1442 = tpu.memref_slice %arg12[%dma_start3A_1433, %dma_start3A_1440, %dma_start3A_1441] : memref<2x8x128xf32, #tpu.memory_space<vmem>> -> memref<1x1x128xf32, #tpu.memory_space<vmem>>
      %dma_start3A_1443 = tpu.memref_squeeze %dma_start3A_1442 : memref<1x1x128xf32, #tpu.memory_space<vmem>> -> memref<1x128xf32, #tpu.memory_space<vmem>>
      %dma_start3A_1444 = arith.constant 0 : i32
      %dma_start3A_1445 = tpu.memref_slice %arg5[%dma_start3A_1444, %multiple_of3A_1371] : memref<1x1000000xf32, #tpu.memory_space<hbm>> -> memref<1x128xf32, #tpu.memory_space<hbm>>
      tpu.enqueue_dma source(%dma_start3A_1445 : memref<1x128xf32, #tpu.memory_space<hbm>>) target(%dma_start3A_1443 : memref<1x128xf32, #tpu.memory_space<vmem>>) target_semaphore(%arg16 : memref<!tpu.dma_semaphore, #tpu.memory_space<semaphore_mem>>)
      %dma_start3A_1446 = arith.constant 1 : i32
      %dma_start3A_1447 = arith.constant 6 : i32
      %dma_start3A_1448 = arith.constant 0 : i32
      %dma_start3A_1449 = tpu.memref_slice %arg13[%dma_start3A_1446, %dma_start3A_1447, %dma_start3A_1448] : memref<2x8x128xf32, #tpu.memory_space<vmem>> -> memref<1x1x128xf32, #tpu.memory_space<vmem>>
      %dma_start3A_1450 = tpu.memref_squeeze %dma_start3A_1449 : memref<1x1x128xf32, #tpu.memory_space<vmem>> -> memref<1x128xf32, #tpu.memory_space<vmem>>
      %dma_start3A_1451 = arith.constant 0 : i32
      %dma_start3A_1452 = tpu.memref_slice %arg6[%dma_start3A_1451, %multiple_of3A_1376] : memref<1x1000000xf32, #tpu.memory_space<hbm>> -> memref<1x128xf32, #tpu.memory_space<hbm>>
      %dma_start3A_1453 = arith.constant 6 : i32
      %dma_start3A_1454 = arith.constant 0 : i32
      %dma_start3A_1455 = tpu.memref_slice %arg13[%dma_start3A_1446, %dma_start3A_1453, %dma_start3A_1454] : memref<2x8x128xf32, #tpu.memory_space<vmem>> -> memref<1x1x128xf32, #tpu.memory_space<vmem>>
      %dma_start3A_1456 = tpu.memref_squeeze %dma_start3A_1455 : memref<1x1x128xf32, #tpu.memory_space<vmem>> -> memref<1x128xf32, #tpu.memory_space<vmem>>
      %dma_start3A_1457 = arith.constant 0 : i32
      %dma_start3A_1458 = tpu.memref_slice %arg6[%dma_start3A_1457, %multiple_of3A_1376] : memref<1x1000000xf32, #tpu.memory_space<hbm>> -> memref<1x128xf32, #tpu.memory_space<hbm>>
      tpu.enqueue_dma source(%dma_start3A_1458 : memref<1x128xf32, #tpu.memory_space<hbm>>) target(%dma_start3A_1456 : memref<1x128xf32, #tpu.memory_space<vmem>>) target_semaphore(%arg16 : memref<!tpu.dma_semaphore, #tpu.memory_space<semaphore_mem>>)
      %slice3A_1459 = vector.extract_strided_slice %get3A_784 {offsets = [7], sizes = [1], strides = [1]} : vector<16xi32> to vector<1xi32>
      %squeeze3A_1460 = vector.extract %slice3A_1459[0] : i32 from vector<1xi32>
      %slice3A_1461 = vector.extract_strided_slice %get3A_786 {offsets = [7], sizes = [1], strides = [1]} : vector<16xi32> to vector<1xi32>
      %squeeze3A_1462 = vector.extract %slice3A_1461[0] : i32 from vector<1xi32>
      %shift_right_arithmetic3A_1463 = arith.constant 7 : i32
      %shift_right_arithmetic3A_1464 = arith.shrsi %squeeze3A_1460, %shift_right_arithmetic3A_1463 : i32
      %shift_left3A_1465 = arith.constant 7 : i32
      %shift_left3A_1466 = arith.shli %shift_right_arithmetic3A_1464, %shift_left3A_1465 : i32
      %multiple_of3A_1467 = tpu.assume_multiple %shift_left3A_1466, 128 : i32
      %shift_right_arithmetic3A_1468 = arith.constant 7 : i32
      %shift_right_arithmetic3A_1469 = arith.shrsi %squeeze3A_1462, %shift_right_arithmetic3A_1468 : i32
      %shift_left3A_1470 = arith.constant 7 : i32
      %shift_left3A_1471 = arith.shli %shift_right_arithmetic3A_1469, %shift_left3A_1470 : i32
      %multiple_of3A_1472 = tpu.assume_multiple %shift_left3A_1471, 128 : i32
      %dma_start3A_1473 = arith.constant 1 : i32
      %dma_start3A_1474 = arith.constant 7 : i32
      %dma_start3A_1475 = arith.constant 0 : i32
      %dma_start3A_1476 = arith.constant 0 : i32
      %dma_start3A_1477 = tpu.memref_slice %arg10[%dma_start3A_1473, %dma_start3A_1474, %dma_start3A_1475, %dma_start3A_1476] : memref<2x8x16x128xf32, #tpu.memory_space<vmem>> -> memref<1x1x8x128xf32, #tpu.memory_space<vmem>>
      %dma_start3A_1478 = tpu.memref_squeeze %dma_start3A_1477 : memref<1x1x8x128xf32, #tpu.memory_space<vmem>> -> memref<8x128xf32, #tpu.memory_space<vmem>>
      %dma_start3A_1479 = arith.constant 0 : i32
      %dma_start3A_1480 = tpu.memref_slice %arg3[%dma_start3A_1479, %multiple_of3A_1467] : memref<16x1000000xf32, #tpu.memory_space<hbm>> -> memref<8x128xf32, #tpu.memory_space<hbm>>
      %dma_start3A_1481 = arith.constant 0 : i32
      %dma_start3A_1482 = arith.constant 0 : i32
      %dma_start3A_1483 = tpu.memref_slice %arg10[%dma_start3A_1473, %dma_start3A_1474, %dma_start3A_1481, %dma_start3A_1482] : memref<2x8x16x128xf32, #tpu.memory_space<vmem>> -> memref<1x1x8x128xf32, #tpu.memory_space<vmem>>
      %dma_start3A_1484 = tpu.memref_squeeze %dma_start3A_1483 : memref<1x1x8x128xf32, #tpu.memory_space<vmem>> -> memref<8x128xf32, #tpu.memory_space<vmem>>
      %dma_start3A_1485 = arith.constant 0 : i32
      %dma_start3A_1486 = tpu.memref_slice %arg3[%dma_start3A_1485, %multiple_of3A_1467] : memref<16x1000000xf32, #tpu.memory_space<hbm>> -> memref<8x128xf32, #tpu.memory_space<hbm>>
      tpu.enqueue_dma source(%dma_start3A_1486 : memref<8x128xf32, #tpu.memory_space<hbm>>) target(%dma_start3A_1484 : memref<8x128xf32, #tpu.memory_space<vmem>>) target_semaphore(%arg16 : memref<!tpu.dma_semaphore, #tpu.memory_space<semaphore_mem>>)
      %dma_start3A_1487 = arith.constant 1 : i32
      %dma_start3A_1488 = arith.constant 7 : i32
      %dma_start3A_1489 = arith.constant 8 : i32
      %dma_start3A_1490 = arith.constant 0 : i32
      %dma_start3A_1491 = tpu.memref_slice %arg10[%dma_start3A_1487, %dma_start3A_1488, %dma_start3A_1489, %dma_start3A_1490] : memref<2x8x16x128xf32, #tpu.memory_space<vmem>> -> memref<1x1x8x128xf32, #tpu.memory_space<vmem>>
      %dma_start3A_1492 = tpu.memref_squeeze %dma_start3A_1491 : memref<1x1x8x128xf32, #tpu.memory_space<vmem>> -> memref<8x128xf32, #tpu.memory_space<vmem>>
      %dma_start3A_1493 = arith.constant 8 : i32
      %dma_start3A_1494 = tpu.memref_slice %arg3[%dma_start3A_1493, %multiple_of3A_1467] : memref<16x1000000xf32, #tpu.memory_space<hbm>> -> memref<8x128xf32, #tpu.memory_space<hbm>>
      %dma_start3A_1495 = arith.constant 8 : i32
      %dma_start3A_1496 = arith.constant 0 : i32
      %dma_start3A_1497 = tpu.memref_slice %arg10[%dma_start3A_1487, %dma_start3A_1488, %dma_start3A_1495, %dma_start3A_1496] : memref<2x8x16x128xf32, #tpu.memory_space<vmem>> -> memref<1x1x8x128xf32, #tpu.memory_space<vmem>>
      %dma_start3A_1498 = tpu.memref_squeeze %dma_start3A_1497 : memref<1x1x8x128xf32, #tpu.memory_space<vmem>> -> memref<8x128xf32, #tpu.memory_space<vmem>>
      %dma_start3A_1499 = arith.constant 8 : i32
      %dma_start3A_1500 = tpu.memref_slice %arg3[%dma_start3A_1499, %multiple_of3A_1467] : memref<16x1000000xf32, #tpu.memory_space<hbm>> -> memref<8x128xf32, #tpu.memory_space<hbm>>
      tpu.enqueue_dma source(%dma_start3A_1500 : memref<8x128xf32, #tpu.memory_space<hbm>>) target(%dma_start3A_1498 : memref<8x128xf32, #tpu.memory_space<vmem>>) target_semaphore(%arg16 : memref<!tpu.dma_semaphore, #tpu.memory_space<semaphore_mem>>)
      %dma_start3A_1501 = arith.constant 1 : i32
      %dma_start3A_1502 = arith.constant 7 : i32
      %dma_start3A_1503 = arith.constant 0 : i32
      %dma_start3A_1504 = arith.constant 0 : i32
      %dma_start3A_1505 = tpu.memref_slice %arg11[%dma_start3A_1501, %dma_start3A_1502, %dma_start3A_1503, %dma_start3A_1504] : memref<2x8x16x128xf32, #tpu.memory_space<vmem>> -> memref<1x1x8x128xf32, #tpu.memory_space<vmem>>
      %dma_start3A_1506 = tpu.memref_squeeze %dma_start3A_1505 : memref<1x1x8x128xf32, #tpu.memory_space<vmem>> -> memref<8x128xf32, #tpu.memory_space<vmem>>
      %dma_start3A_1507 = arith.constant 0 : i32
      %dma_start3A_1508 = tpu.memref_slice %arg4[%dma_start3A_1507, %multiple_of3A_1472] : memref<16x1000000xf32, #tpu.memory_space<hbm>> -> memref<8x128xf32, #tpu.memory_space<hbm>>
      %dma_start3A_1509 = arith.constant 0 : i32
      %dma_start3A_1510 = arith.constant 0 : i32
      %dma_start3A_1511 = tpu.memref_slice %arg11[%dma_start3A_1501, %dma_start3A_1502, %dma_start3A_1509, %dma_start3A_1510] : memref<2x8x16x128xf32, #tpu.memory_space<vmem>> -> memref<1x1x8x128xf32, #tpu.memory_space<vmem>>
      %dma_start3A_1512 = tpu.memref_squeeze %dma_start3A_1511 : memref<1x1x8x128xf32, #tpu.memory_space<vmem>> -> memref<8x128xf32, #tpu.memory_space<vmem>>
      %dma_start3A_1513 = arith.constant 0 : i32
      %dma_start3A_1514 = tpu.memref_slice %arg4[%dma_start3A_1513, %multiple_of3A_1472] : memref<16x1000000xf32, #tpu.memory_space<hbm>> -> memref<8x128xf32, #tpu.memory_space<hbm>>
      tpu.enqueue_dma source(%dma_start3A_1514 : memref<8x128xf32, #tpu.memory_space<hbm>>) target(%dma_start3A_1512 : memref<8x128xf32, #tpu.memory_space<vmem>>) target_semaphore(%arg16 : memref<!tpu.dma_semaphore, #tpu.memory_space<semaphore_mem>>)
      %dma_start3A_1515 = arith.constant 1 : i32
      %dma_start3A_1516 = arith.constant 7 : i32
      %dma_start3A_1517 = arith.constant 8 : i32
      %dma_start3A_1518 = arith.constant 0 : i32
      %dma_start3A_1519 = tpu.memref_slice %arg11[%dma_start3A_1515, %dma_start3A_1516, %dma_start3A_1517, %dma_start3A_1518] : memref<2x8x16x128xf32, #tpu.memory_space<vmem>> -> memref<1x1x8x128xf32, #tpu.memory_space<vmem>>
      %dma_start3A_1520 = tpu.memref_squeeze %dma_start3A_1519 : memref<1x1x8x128xf32, #tpu.memory_space<vmem>> -> memref<8x128xf32, #tpu.memory_space<vmem>>
      %dma_start3A_1521 = arith.constant 8 : i32
      %dma_start3A_1522 = tpu.memref_slice %arg4[%dma_start3A_1521, %multiple_of3A_1472] : memref<16x1000000xf32, #tpu.memory_space<hbm>> -> memref<8x128xf32, #tpu.memory_space<hbm>>
      %dma_start3A_1523 = arith.constant 8 : i32
      %dma_start3A_1524 = arith.constant 0 : i32
      %dma_start3A_1525 = tpu.memref_slice %arg11[%dma_start3A_1515, %dma_start3A_1516, %dma_start3A_1523, %dma_start3A_1524] : memref<2x8x16x128xf32, #tpu.memory_space<vmem>> -> memref<1x1x8x128xf32, #tpu.memory_space<vmem>>
      %dma_start3A_1526 = tpu.memref_squeeze %dma_start3A_1525 : memref<1x1x8x128xf32, #tpu.memory_space<vmem>> -> memref<8x128xf32, #tpu.memory_space<vmem>>
      %dma_start3A_1527 = arith.constant 8 : i32
      %dma_start3A_1528 = tpu.memref_slice %arg4[%dma_start3A_1527, %multiple_of3A_1472] : memref<16x1000000xf32, #tpu.memory_space<hbm>> -> memref<8x128xf32, #tpu.memory_space<hbm>>
      tpu.enqueue_dma source(%dma_start3A_1528 : memref<8x128xf32, #tpu.memory_space<hbm>>) target(%dma_start3A_1526 : memref<8x128xf32, #tpu.memory_space<vmem>>) target_semaphore(%arg16 : memref<!tpu.dma_semaphore, #tpu.memory_space<semaphore_mem>>)
      %dma_start3A_1529 = arith.constant 1 : i32
      %dma_start3A_1530 = arith.constant 7 : i32
      %dma_start3A_1531 = arith.constant 0 : i32
      %dma_start3A_1532 = tpu.memref_slice %arg12[%dma_start3A_1529, %dma_start3A_1530, %dma_start3A_1531] : memref<2x8x128xf32, #tpu.memory_space<vmem>> -> memref<1x1x128xf32, #tpu.memory_space<vmem>>
      %dma_start3A_1533 = tpu.memref_squeeze %dma_start3A_1532 : memref<1x1x128xf32, #tpu.memory_space<vmem>> -> memref<1x128xf32, #tpu.memory_space<vmem>>
      %dma_start3A_1534 = arith.constant 0 : i32
      %dma_start3A_1535 = tpu.memref_slice %arg5[%dma_start3A_1534, %multiple_of3A_1467] : memref<1x1000000xf32, #tpu.memory_space<hbm>> -> memref<1x128xf32, #tpu.memory_space<hbm>>
      %dma_start3A_1536 = arith.constant 7 : i32
      %dma_start3A_1537 = arith.constant 0 : i32
      %dma_start3A_1538 = tpu.memref_slice %arg12[%dma_start3A_1529, %dma_start3A_1536, %dma_start3A_1537] : memref<2x8x128xf32, #tpu.memory_space<vmem>> -> memref<1x1x128xf32, #tpu.memory_space<vmem>>
      %dma_start3A_1539 = tpu.memref_squeeze %dma_start3A_1538 : memref<1x1x128xf32, #tpu.memory_space<vmem>> -> memref<1x128xf32, #tpu.memory_space<vmem>>
      %dma_start3A_1540 = arith.constant 0 : i32
      %dma_start3A_1541 = tpu.memref_slice %arg5[%dma_start3A_1540, %multiple_of3A_1467] : memref<1x1000000xf32, #tpu.memory_space<hbm>> -> memref<1x128xf32, #tpu.memory_space<hbm>>
      tpu.enqueue_dma source(%dma_start3A_1541 : memref<1x128xf32, #tpu.memory_space<hbm>>) target(%dma_start3A_1539 : memref<1x128xf32, #tpu.memory_space<vmem>>) target_semaphore(%arg16 : memref<!tpu.dma_semaphore, #tpu.memory_space<semaphore_mem>>)
      %dma_start3A_1542 = arith.constant 1 : i32
      %dma_start3A_1543 = arith.constant 7 : i32
      %dma_start3A_1544 = arith.constant 0 : i32
      %dma_start3A_1545 = tpu.memref_slice %arg13[%dma_start3A_1542, %dma_start3A_1543, %dma_start3A_1544] : memref<2x8x128xf32, #tpu.memory_space<vmem>> -> memref<1x1x128xf32, #tpu.memory_space<vmem>>
      %dma_start3A_1546 = tpu.memref_squeeze %dma_start3A_1545 : memref<1x1x128xf32, #tpu.memory_space<vmem>> -> memref<1x128xf32, #tpu.memory_space<vmem>>
      %dma_start3A_1547 = arith.constant 0 : i32
      %dma_start3A_1548 = tpu.memref_slice %arg6[%dma_start3A_1547, %multiple_of3A_1472] : memref<1x1000000xf32, #tpu.memory_space<hbm>> -> memref<1x128xf32, #tpu.memory_space<hbm>>
      %dma_start3A_1549 = arith.constant 7 : i32
      %dma_start3A_1550 = arith.constant 0 : i32
      %dma_start3A_1551 = tpu.memref_slice %arg13[%dma_start3A_1542, %dma_start3A_1549, %dma_start3A_1550] : memref<2x8x128xf32, #tpu.memory_space<vmem>> -> memref<1x1x128xf32, #tpu.memory_space<vmem>>
      %dma_start3A_1552 = tpu.memref_squeeze %dma_start3A_1551 : memref<1x1x128xf32, #tpu.memory_space<vmem>> -> memref<1x128xf32, #tpu.memory_space<vmem>>
      %dma_start3A_1553 = arith.constant 0 : i32
      %dma_start3A_1554 = tpu.memref_slice %arg6[%dma_start3A_1553, %multiple_of3A_1472] : memref<1x1000000xf32, #tpu.memory_space<hbm>> -> memref<1x128xf32, #tpu.memory_space<hbm>>
      tpu.enqueue_dma source(%dma_start3A_1554 : memref<1x128xf32, #tpu.memory_space<hbm>>) target(%dma_start3A_1552 : memref<1x128xf32, #tpu.memory_space<vmem>>) target_semaphore(%arg16 : memref<!tpu.dma_semaphore, #tpu.memory_space<semaphore_mem>>)
      %dma_wait3A = arith.constant 0 : i32
      %dma_wait3A_1555 = arith.constant 0 : i32
      %dma_wait3A_1556 = arith.constant 0 : i32
      %dma_wait3A_1557 = arith.constant 0 : i32
      %dma_wait3A_1558 = tpu.memref_slice %arg10[%dma_wait3A, %dma_wait3A_1555, %dma_wait3A_1556, %dma_wait3A_1557] : memref<2x8x16x128xf32, #tpu.memory_space<vmem>> -> memref<1x1x16x128xf32, #tpu.memory_space<vmem>>
      %dma_wait3A_1559 = tpu.memref_squeeze %dma_wait3A_1558 : memref<1x1x16x128xf32, #tpu.memory_space<vmem>> -> memref<16x128xf32, #tpu.memory_space<vmem>>
      %dma_wait3A_1560 = arith.constant 0 : i32
      %dma_wait3A_1561 = arith.constant 0 : i32
      %dma_wait3A_1562 = tpu.memref_slice %arg3[%dma_wait3A_1560, %dma_wait3A_1561] : memref<16x1000000xf32, #tpu.memory_space<hbm>> -> memref<16x128xf32, #tpu.memory_space<hbm>>
      %dma_wait3A_1563 = arith.constant 0 : i32
      %dma_wait3A_1564 = arith.constant 0 : i32
      %dma_wait3A_1565 = tpu.memref_slice %arg10[%dma_wait3A, %dma_wait3A_1555, %dma_wait3A_1563, %dma_wait3A_1564] : memref<2x8x16x128xf32, #tpu.memory_space<vmem>> -> memref<1x1x16x128xf32, #tpu.memory_space<vmem>>
      %dma_wait3A_1566 = tpu.memref_squeeze %dma_wait3A_1565 : memref<1x1x16x128xf32, #tpu.memory_space<vmem>> -> memref<16x128xf32, #tpu.memory_space<vmem>>
      %dma_wait3A_1567 = arith.constant 0 : i32
      %dma_wait3A_1568 = arith.constant 0 : i32
      %dma_wait3A_1569 = tpu.memref_slice %arg3[%dma_wait3A_1567, %dma_wait3A_1568] : memref<16x1000000xf32, #tpu.memory_space<hbm>> -> memref<16x128xf32, #tpu.memory_space<hbm>>
      tpu.wait_dma2 semaphore(%arg15 : memref<!tpu.dma_semaphore, #tpu.memory_space<semaphore_mem>>) src(%dma_wait3A_1569 : memref<16x128xf32, #tpu.memory_space<hbm>>) dst(%dma_wait3A_1566 : memref<16x128xf32, #tpu.memory_space<vmem>>)
      %dma_wait3A_1570 = arith.constant 0 : i32
      %dma_wait3A_1571 = arith.constant 0 : i32
      %dma_wait3A_1572 = arith.constant 0 : i32
      %dma_wait3A_1573 = arith.constant 0 : i32
      %dma_wait3A_1574 = tpu.memref_slice %arg11[%dma_wait3A_1570, %dma_wait3A_1571, %dma_wait3A_1572, %dma_wait3A_1573] : memref<2x8x16x128xf32, #tpu.memory_space<vmem>> -> memref<1x1x16x128xf32, #tpu.memory_space<vmem>>
      %dma_wait3A_1575 = tpu.memref_squeeze %dma_wait3A_1574 : memref<1x1x16x128xf32, #tpu.memory_space<vmem>> -> memref<16x128xf32, #tpu.memory_space<vmem>>
      %dma_wait3A_1576 = arith.constant 0 : i32
      %dma_wait3A_1577 = arith.constant 0 : i32
      %dma_wait3A_1578 = tpu.memref_slice %arg4[%dma_wait3A_1576, %dma_wait3A_1577] : memref<16x1000000xf32, #tpu.memory_space<hbm>> -> memref<16x128xf32, #tpu.memory_space<hbm>>
      %dma_wait3A_1579 = arith.constant 0 : i32
      %dma_wait3A_1580 = arith.constant 0 : i32
      %dma_wait3A_1581 = tpu.memref_slice %arg11[%dma_wait3A_1570, %dma_wait3A_1571, %dma_wait3A_1579, %dma_wait3A_1580] : memref<2x8x16x128xf32, #tpu.memory_space<vmem>> -> memref<1x1x16x128xf32, #tpu.memory_space<vmem>>
      %dma_wait3A_1582 = tpu.memref_squeeze %dma_wait3A_1581 : memref<1x1x16x128xf32, #tpu.memory_space<vmem>> -> memref<16x128xf32, #tpu.memory_space<vmem>>
      %dma_wait3A_1583 = arith.constant 0 : i32
      %dma_wait3A_1584 = arith.constant 0 : i32
      %dma_wait3A_1585 = tpu.memref_slice %arg4[%dma_wait3A_1583, %dma_wait3A_1584] : memref<16x1000000xf32, #tpu.memory_space<hbm>> -> memref<16x128xf32, #tpu.memory_space<hbm>>
      tpu.wait_dma2 semaphore(%arg15 : memref<!tpu.dma_semaphore, #tpu.memory_space<semaphore_mem>>) src(%dma_wait3A_1585 : memref<16x128xf32, #tpu.memory_space<hbm>>) dst(%dma_wait3A_1582 : memref<16x128xf32, #tpu.memory_space<vmem>>)
      %dma_wait3A_1586 = arith.constant 0 : i32
      %dma_wait3A_1587 = arith.constant 0 : i32
      %dma_wait3A_1588 = arith.constant 0 : i32
      %dma_wait3A_1589 = tpu.memref_slice %arg12[%dma_wait3A_1586, %dma_wait3A_1587, %dma_wait3A_1588] : memref<2x8x128xf32, #tpu.memory_space<vmem>> -> memref<1x1x128xf32, #tpu.memory_space<vmem>>
      %dma_wait3A_1590 = tpu.memref_squeeze %dma_wait3A_1589 : memref<1x1x128xf32, #tpu.memory_space<vmem>> -> memref<1x128xf32, #tpu.memory_space<vmem>>
      %dma_wait3A_1591 = arith.constant 0 : i32
      %dma_wait3A_1592 = arith.constant 0 : i32
      %dma_wait3A_1593 = tpu.memref_slice %arg5[%dma_wait3A_1591, %dma_wait3A_1592] : memref<1x1000000xf32, #tpu.memory_space<hbm>> -> memref<1x128xf32, #tpu.memory_space<hbm>>
      %dma_wait3A_1594 = arith.constant 0 : i32
      %dma_wait3A_1595 = arith.constant 0 : i32
      %dma_wait3A_1596 = tpu.memref_slice %arg12[%dma_wait3A_1586, %dma_wait3A_1594, %dma_wait3A_1595] : memref<2x8x128xf32, #tpu.memory_space<vmem>> -> memref<1x1x128xf32, #tpu.memory_space<vmem>>
      %dma_wait3A_1597 = tpu.memref_squeeze %dma_wait3A_1596 : memref<1x1x128xf32, #tpu.memory_space<vmem>> -> memref<1x128xf32, #tpu.memory_space<vmem>>
      %dma_wait3A_1598 = arith.constant 0 : i32
      %dma_wait3A_1599 = arith.constant 0 : i32
      %dma_wait3A_1600 = tpu.memref_slice %arg5[%dma_wait3A_1598, %dma_wait3A_1599] : memref<1x1000000xf32, #tpu.memory_space<hbm>> -> memref<1x128xf32, #tpu.memory_space<hbm>>
      tpu.wait_dma2 semaphore(%arg15 : memref<!tpu.dma_semaphore, #tpu.memory_space<semaphore_mem>>) src(%dma_wait3A_1600 : memref<1x128xf32, #tpu.memory_space<hbm>>) dst(%dma_wait3A_1597 : memref<1x128xf32, #tpu.memory_space<vmem>>)
      %dma_wait3A_1601 = arith.constant 0 : i32
      %dma_wait3A_1602 = arith.constant 0 : i32
      %dma_wait3A_1603 = arith.constant 0 : i32
      %dma_wait3A_1604 = tpu.memref_slice %arg13[%dma_wait3A_1601, %dma_wait3A_1602, %dma_wait3A_1603] : memref<2x8x128xf32, #tpu.memory_space<vmem>> -> memref<1x1x128xf32, #tpu.memory_space<vmem>>
      %dma_wait3A_1605 = tpu.memref_squeeze %dma_wait3A_1604 : memref<1x1x128xf32, #tpu.memory_space<vmem>> -> memref<1x128xf32, #tpu.memory_space<vmem>>
      %dma_wait3A_1606 = arith.constant 0 : i32
      %dma_wait3A_1607 = arith.constant 0 : i32
      %dma_wait3A_1608 = tpu.memref_slice %arg6[%dma_wait3A_1606, %dma_wait3A_1607] : memref<1x1000000xf32, #tpu.memory_space<hbm>> -> memref<1x128xf32, #tpu.memory_space<hbm>>
      %dma_wait3A_1609 = arith.constant 0 : i32
      %dma_wait3A_1610 = arith.constant 0 : i32
      %dma_wait3A_1611 = tpu.memref_slice %arg13[%dma_wait3A_1601, %dma_wait3A_1609, %dma_wait3A_1610] : memref<2x8x128xf32, #tpu.memory_space<vmem>> -> memref<1x1x128xf32, #tpu.memory_space<vmem>>
      %dma_wait3A_1612 = tpu.memref_squeeze %dma_wait3A_1611 : memref<1x1x128xf32, #tpu.memory_space<vmem>> -> memref<1x128xf32, #tpu.memory_space<vmem>>
      %dma_wait3A_1613 = arith.constant 0 : i32
      %dma_wait3A_1614 = arith.constant 0 : i32
      %dma_wait3A_1615 = tpu.memref_slice %arg6[%dma_wait3A_1613, %dma_wait3A_1614] : memref<1x1000000xf32, #tpu.memory_space<hbm>> -> memref<1x128xf32, #tpu.memory_space<hbm>>
      tpu.wait_dma2 semaphore(%arg15 : memref<!tpu.dma_semaphore, #tpu.memory_space<semaphore_mem>>) src(%dma_wait3A_1615 : memref<1x128xf32, #tpu.memory_space<hbm>>) dst(%dma_wait3A_1612 : memref<1x128xf32, #tpu.memory_space<vmem>>)
      %dma_wait3A_1616 = arith.constant 0 : i32
      %dma_wait3A_1617 = arith.constant 1 : i32
      %dma_wait3A_1618 = arith.constant 0 : i32
      %dma_wait3A_1619 = arith.constant 0 : i32
      %dma_wait3A_1620 = tpu.memref_slice %arg10[%dma_wait3A_1616, %dma_wait3A_1617, %dma_wait3A_1618, %dma_wait3A_1619] : memref<2x8x16x128xf32, #tpu.memory_space<vmem>> -> memref<1x1x16x128xf32, #tpu.memory_space<vmem>>
      %dma_wait3A_1621 = tpu.memref_squeeze %dma_wait3A_1620 : memref<1x1x16x128xf32, #tpu.memory_space<vmem>> -> memref<16x128xf32, #tpu.memory_space<vmem>>
      %dma_wait3A_1622 = arith.constant 0 : i32
      %dma_wait3A_1623 = arith.constant 0 : i32
      %dma_wait3A_1624 = tpu.memref_slice %arg3[%dma_wait3A_1622, %dma_wait3A_1623] : memref<16x1000000xf32, #tpu.memory_space<hbm>> -> memref<16x128xf32, #tpu.memory_space<hbm>>
      %dma_wait3A_1625 = arith.constant 0 : i32
      %dma_wait3A_1626 = arith.constant 0 : i32
      %dma_wait3A_1627 = tpu.memref_slice %arg10[%dma_wait3A_1616, %dma_wait3A_1617, %dma_wait3A_1625, %dma_wait3A_1626] : memref<2x8x16x128xf32, #tpu.memory_space<vmem>> -> memref<1x1x16x128xf32, #tpu.memory_space<vmem>>
      %dma_wait3A_1628 = tpu.memref_squeeze %dma_wait3A_1627 : memref<1x1x16x128xf32, #tpu.memory_space<vmem>> -> memref<16x128xf32, #tpu.memory_space<vmem>>
      %dma_wait3A_1629 = arith.constant 0 : i32
      %dma_wait3A_1630 = arith.constant 0 : i32
      %dma_wait3A_1631 = tpu.memref_slice %arg3[%dma_wait3A_1629, %dma_wait3A_1630] : memref<16x1000000xf32, #tpu.memory_space<hbm>> -> memref<16x128xf32, #tpu.memory_space<hbm>>
      tpu.wait_dma2 semaphore(%arg15 : memref<!tpu.dma_semaphore, #tpu.memory_space<semaphore_mem>>) src(%dma_wait3A_1631 : memref<16x128xf32, #tpu.memory_space<hbm>>) dst(%dma_wait3A_1628 : memref<16x128xf32, #tpu.memory_space<vmem>>)
      %dma_wait3A_1632 = arith.constant 0 : i32
      %dma_wait3A_1633 = arith.constant 1 : i32
      %dma_wait3A_1634 = arith.constant 0 : i32
      %dma_wait3A_1635 = arith.constant 0 : i32
      %dma_wait3A_1636 = tpu.memref_slice %arg11[%dma_wait3A_1632, %dma_wait3A_1633, %dma_wait3A_1634, %dma_wait3A_1635] : memref<2x8x16x128xf32, #tpu.memory_space<vmem>> -> memref<1x1x16x128xf32, #tpu.memory_space<vmem>>
      %dma_wait3A_1637 = tpu.memref_squeeze %dma_wait3A_1636 : memref<1x1x16x128xf32, #tpu.memory_space<vmem>> -> memref<16x128xf32, #tpu.memory_space<vmem>>
      %dma_wait3A_1638 = arith.constant 0 : i32
      %dma_wait3A_1639 = arith.constant 0 : i32
      %dma_wait3A_1640 = tpu.memref_slice %arg4[%dma_wait3A_1638, %dma_wait3A_1639] : memref<16x1000000xf32, #tpu.memory_space<hbm>> -> memref<16x128xf32, #tpu.memory_space<hbm>>
      %dma_wait3A_1641 = arith.constant 0 : i32
      %dma_wait3A_1642 = arith.constant 0 : i32
      %dma_wait3A_1643 = tpu.memref_slice %arg11[%dma_wait3A_1632, %dma_wait3A_1633, %dma_wait3A_1641, %dma_wait3A_1642] : memref<2x8x16x128xf32, #tpu.memory_space<vmem>> -> memref<1x1x16x128xf32, #tpu.memory_space<vmem>>
      %dma_wait3A_1644 = tpu.memref_squeeze %dma_wait3A_1643 : memref<1x1x16x128xf32, #tpu.memory_space<vmem>> -> memref<16x128xf32, #tpu.memory_space<vmem>>
      %dma_wait3A_1645 = arith.constant 0 : i32
      %dma_wait3A_1646 = arith.constant 0 : i32
      %dma_wait3A_1647 = tpu.memref_slice %arg4[%dma_wait3A_1645, %dma_wait3A_1646] : memref<16x1000000xf32, #tpu.memory_space<hbm>> -> memref<16x128xf32, #tpu.memory_space<hbm>>
      tpu.wait_dma2 semaphore(%arg15 : memref<!tpu.dma_semaphore, #tpu.memory_space<semaphore_mem>>) src(%dma_wait3A_1647 : memref<16x128xf32, #tpu.memory_space<hbm>>) dst(%dma_wait3A_1644 : memref<16x128xf32, #tpu.memory_space<vmem>>)
      %dma_wait3A_1648 = arith.constant 0 : i32
      %dma_wait3A_1649 = arith.constant 1 : i32
      %dma_wait3A_1650 = arith.constant 0 : i32
      %dma_wait3A_1651 = tpu.memref_slice %arg12[%dma_wait3A_1648, %dma_wait3A_1649, %dma_wait3A_1650] : memref<2x8x128xf32, #tpu.memory_space<vmem>> -> memref<1x1x128xf32, #tpu.memory_space<vmem>>
      %dma_wait3A_1652 = tpu.memref_squeeze %dma_wait3A_1651 : memref<1x1x128xf32, #tpu.memory_space<vmem>> -> memref<1x128xf32, #tpu.memory_space<vmem>>
      %dma_wait3A_1653 = arith.constant 0 : i32
      %dma_wait3A_1654 = arith.constant 0 : i32
      %dma_wait3A_1655 = tpu.memref_slice %arg5[%dma_wait3A_1653, %dma_wait3A_1654] : memref<1x1000000xf32, #tpu.memory_space<hbm>> -> memref<1x128xf32, #tpu.memory_space<hbm>>
      %dma_wait3A_1656 = arith.constant 1 : i32
      %dma_wait3A_1657 = arith.constant 0 : i32
      %dma_wait3A_1658 = tpu.memref_slice %arg12[%dma_wait3A_1648, %dma_wait3A_1656, %dma_wait3A_1657] : memref<2x8x128xf32, #tpu.memory_space<vmem>> -> memref<1x1x128xf32, #tpu.memory_space<vmem>>
      %dma_wait3A_1659 = tpu.memref_squeeze %dma_wait3A_1658 : memref<1x1x128xf32, #tpu.memory_space<vmem>> -> memref<1x128xf32, #tpu.memory_space<vmem>>
      %dma_wait3A_1660 = arith.constant 0 : i32
      %dma_wait3A_1661 = arith.constant 0 : i32
      %dma_wait3A_1662 = tpu.memref_slice %arg5[%dma_wait3A_1660, %dma_wait3A_1661] : memref<1x1000000xf32, #tpu.memory_space<hbm>> -> memref<1x128xf32, #tpu.memory_space<hbm>>
      tpu.wait_dma2 semaphore(%arg15 : memref<!tpu.dma_semaphore, #tpu.memory_space<semaphore_mem>>) src(%dma_wait3A_1662 : memref<1x128xf32, #tpu.memory_space<hbm>>) dst(%dma_wait3A_1659 : memref<1x128xf32, #tpu.memory_space<vmem>>)
      %dma_wait3A_1663 = arith.constant 0 : i32
      %dma_wait3A_1664 = arith.constant 1 : i32
      %dma_wait3A_1665 = arith.constant 0 : i32
      %dma_wait3A_1666 = tpu.memref_slice %arg13[%dma_wait3A_1663, %dma_wait3A_1664, %dma_wait3A_1665] : memref<2x8x128xf32, #tpu.memory_space<vmem>> -> memref<1x1x128xf32, #tpu.memory_space<vmem>>
      %dma_wait3A_1667 = tpu.memref_squeeze %dma_wait3A_1666 : memref<1x1x128xf32, #tpu.memory_space<vmem>> -> memref<1x128xf32, #tpu.memory_space<vmem>>
      %dma_wait3A_1668 = arith.constant 0 : i32
      %dma_wait3A_1669 = arith.constant 0 : i32
      %dma_wait3A_1670 = tpu.memref_slice %arg6[%dma_wait3A_1668, %dma_wait3A_1669] : memref<1x1000000xf32, #tpu.memory_space<hbm>> -> memref<1x128xf32, #tpu.memory_space<hbm>>
      %dma_wait3A_1671 = arith.constant 1 : i32
      %dma_wait3A_1672 = arith.constant 0 : i32
      %dma_wait3A_1673 = tpu.memref_slice %arg13[%dma_wait3A_1663, %dma_wait3A_1671, %dma_wait3A_1672] : memref<2x8x128xf32, #tpu.memory_space<vmem>> -> memref<1x1x128xf32, #tpu.memory_space<vmem>>
      %dma_wait3A_1674 = tpu.memref_squeeze %dma_wait3A_1673 : memref<1x1x128xf32, #tpu.memory_space<vmem>> -> memref<1x128xf32, #tpu.memory_space<vmem>>
      %dma_wait3A_1675 = arith.constant 0 : i32
      %dma_wait3A_1676 = arith.constant 0 : i32
      %dma_wait3A_1677 = tpu.memref_slice %arg6[%dma_wait3A_1675, %dma_wait3A_1676] : memref<1x1000000xf32, #tpu.memory_space<hbm>> -> memref<1x128xf32, #tpu.memory_space<hbm>>
      tpu.wait_dma2 semaphore(%arg15 : memref<!tpu.dma_semaphore, #tpu.memory_space<semaphore_mem>>) src(%dma_wait3A_1677 : memref<1x128xf32, #tpu.memory_space<hbm>>) dst(%dma_wait3A_1674 : memref<1x128xf32, #tpu.memory_space<vmem>>)
      %dma_wait3A_1678 = arith.constant 0 : i32
      %dma_wait3A_1679 = arith.constant 2 : i32
      %dma_wait3A_1680 = arith.constant 0 : i32
      %dma_wait3A_1681 = arith.constant 0 : i32
      %dma_wait3A_1682 = tpu.memref_slice %arg10[%dma_wait3A_1678, %dma_wait3A_1679, %dma_wait3A_1680, %dma_wait3A_1681] : memref<2x8x16x128xf32, #tpu.memory_space<vmem>> -> memref<1x1x16x128xf32, #tpu.memory_space<vmem>>
      %dma_wait3A_1683 = tpu.memref_squeeze %dma_wait3A_1682 : memref<1x1x16x128xf32, #tpu.memory_space<vmem>> -> memref<16x128xf32, #tpu.memory_space<vmem>>
      %dma_wait3A_1684 = arith.constant 0 : i32
      %dma_wait3A_1685 = arith.constant 0 : i32
      %dma_wait3A_1686 = tpu.memref_slice %arg3[%dma_wait3A_1684, %dma_wait3A_1685] : memref<16x1000000xf32, #tpu.memory_space<hbm>> -> memref<16x128xf32, #tpu.memory_space<hbm>>
      %dma_wait3A_1687 = arith.constant 0 : i32
      %dma_wait3A_1688 = arith.constant 0 : i32
      %dma_wait3A_1689 = tpu.memref_slice %arg10[%dma_wait3A_1678, %dma_wait3A_1679, %dma_wait3A_1687, %dma_wait3A_1688] : memref<2x8x16x128xf32, #tpu.memory_space<vmem>> -> memref<1x1x16x128xf32, #tpu.memory_space<vmem>>
      %dma_wait3A_1690 = tpu.memref_squeeze %dma_wait3A_1689 : memref<1x1x16x128xf32, #tpu.memory_space<vmem>> -> memref<16x128xf32, #tpu.memory_space<vmem>>
      %dma_wait3A_1691 = arith.constant 0 : i32
      %dma_wait3A_1692 = arith.constant 0 : i32
      %dma_wait3A_1693 = tpu.memref_slice %arg3[%dma_wait3A_1691, %dma_wait3A_1692] : memref<16x1000000xf32, #tpu.memory_space<hbm>> -> memref<16x128xf32, #tpu.memory_space<hbm>>
      tpu.wait_dma2 semaphore(%arg15 : memref<!tpu.dma_semaphore, #tpu.memory_space<semaphore_mem>>) src(%dma_wait3A_1693 : memref<16x128xf32, #tpu.memory_space<hbm>>) dst(%dma_wait3A_1690 : memref<16x128xf32, #tpu.memory_space<vmem>>)
      %dma_wait3A_1694 = arith.constant 0 : i32
      %dma_wait3A_1695 = arith.constant 2 : i32
      %dma_wait3A_1696 = arith.constant 0 : i32
      %dma_wait3A_1697 = arith.constant 0 : i32
      %dma_wait3A_1698 = tpu.memref_slice %arg11[%dma_wait3A_1694, %dma_wait3A_1695, %dma_wait3A_1696, %dma_wait3A_1697] : memref<2x8x16x128xf32, #tpu.memory_space<vmem>> -> memref<1x1x16x128xf32, #tpu.memory_space<vmem>>
      %dma_wait3A_1699 = tpu.memref_squeeze %dma_wait3A_1698 : memref<1x1x16x128xf32, #tpu.memory_space<vmem>> -> memref<16x128xf32, #tpu.memory_space<vmem>>
      %dma_wait3A_1700 = arith.constant 0 : i32
      %dma_wait3A_1701 = arith.constant 0 : i32
      %dma_wait3A_1702 = tpu.memref_slice %arg4[%dma_wait3A_1700, %dma_wait3A_1701] : memref<16x1000000xf32, #tpu.memory_space<hbm>> -> memref<16x128xf32, #tpu.memory_space<hbm>>
      %dma_wait3A_1703 = arith.constant 0 : i32
      %dma_wait3A_1704 = arith.constant 0 : i32
      %dma_wait3A_1705 = tpu.memref_slice %arg11[%dma_wait3A_1694, %dma_wait3A_1695, %dma_wait3A_1703, %dma_wait3A_1704] : memref<2x8x16x128xf32, #tpu.memory_space<vmem>> -> memref<1x1x16x128xf32, #tpu.memory_space<vmem>>
      %dma_wait3A_1706 = tpu.memref_squeeze %dma_wait3A_1705 : memref<1x1x16x128xf32, #tpu.memory_space<vmem>> -> memref<16x128xf32, #tpu.memory_space<vmem>>
      %dma_wait3A_1707 = arith.constant 0 : i32
      %dma_wait3A_1708 = arith.constant 0 : i32
      %dma_wait3A_1709 = tpu.memref_slice %arg4[%dma_wait3A_1707, %dma_wait3A_1708] : memref<16x1000000xf32, #tpu.memory_space<hbm>> -> memref<16x128xf32, #tpu.memory_space<hbm>>
      tpu.wait_dma2 semaphore(%arg15 : memref<!tpu.dma_semaphore, #tpu.memory_space<semaphore_mem>>) src(%dma_wait3A_1709 : memref<16x128xf32, #tpu.memory_space<hbm>>) dst(%dma_wait3A_1706 : memref<16x128xf32, #tpu.memory_space<vmem>>)
      %dma_wait3A_1710 = arith.constant 0 : i32
      %dma_wait3A_1711 = arith.constant 2 : i32
      %dma_wait3A_1712 = arith.constant 0 : i32
      %dma_wait3A_1713 = tpu.memref_slice %arg12[%dma_wait3A_1710, %dma_wait3A_1711, %dma_wait3A_1712] : memref<2x8x128xf32, #tpu.memory_space<vmem>> -> memref<1x1x128xf32, #tpu.memory_space<vmem>>
      %dma_wait3A_1714 = tpu.memref_squeeze %dma_wait3A_1713 : memref<1x1x128xf32, #tpu.memory_space<vmem>> -> memref<1x128xf32, #tpu.memory_space<vmem>>
      %dma_wait3A_1715 = arith.constant 0 : i32
      %dma_wait3A_1716 = arith.constant 0 : i32
      %dma_wait3A_1717 = tpu.memref_slice %arg5[%dma_wait3A_1715, %dma_wait3A_1716] : memref<1x1000000xf32, #tpu.memory_space<hbm>> -> memref<1x128xf32, #tpu.memory_space<hbm>>
      %dma_wait3A_1718 = arith.constant 2 : i32
      %dma_wait3A_1719 = arith.constant 0 : i32
      %dma_wait3A_1720 = tpu.memref_slice %arg12[%dma_wait3A_1710, %dma_wait3A_1718, %dma_wait3A_1719] : memref<2x8x128xf32, #tpu.memory_space<vmem>> -> memref<1x1x128xf32, #tpu.memory_space<vmem>>
      %dma_wait3A_1721 = tpu.memref_squeeze %dma_wait3A_1720 : memref<1x1x128xf32, #tpu.memory_space<vmem>> -> memref<1x128xf32, #tpu.memory_space<vmem>>
      %dma_wait3A_1722 = arith.constant 0 : i32
      %dma_wait3A_1723 = arith.constant 0 : i32
      %dma_wait3A_1724 = tpu.memref_slice %arg5[%dma_wait3A_1722, %dma_wait3A_1723] : memref<1x1000000xf32, #tpu.memory_space<hbm>> -> memref<1x128xf32, #tpu.memory_space<hbm>>
      tpu.wait_dma2 semaphore(%arg15 : memref<!tpu.dma_semaphore, #tpu.memory_space<semaphore_mem>>) src(%dma_wait3A_1724 : memref<1x128xf32, #tpu.memory_space<hbm>>) dst(%dma_wait3A_1721 : memref<1x128xf32, #tpu.memory_space<vmem>>)
      %dma_wait3A_1725 = arith.constant 0 : i32
      %dma_wait3A_1726 = arith.constant 2 : i32
      %dma_wait3A_1727 = arith.constant 0 : i32
      %dma_wait3A_1728 = tpu.memref_slice %arg13[%dma_wait3A_1725, %dma_wait3A_1726, %dma_wait3A_1727] : memref<2x8x128xf32, #tpu.memory_space<vmem>> -> memref<1x1x128xf32, #tpu.memory_space<vmem>>
      %dma_wait3A_1729 = tpu.memref_squeeze %dma_wait3A_1728 : memref<1x1x128xf32, #tpu.memory_space<vmem>> -> memref<1x128xf32, #tpu.memory_space<vmem>>
      %dma_wait3A_1730 = arith.constant 0 : i32
      %dma_wait3A_1731 = arith.constant 0 : i32
      %dma_wait3A_1732 = tpu.memref_slice %arg6[%dma_wait3A_1730, %dma_wait3A_1731] : memref<1x1000000xf32, #tpu.memory_space<hbm>> -> memref<1x128xf32, #tpu.memory_space<hbm>>
      %dma_wait3A_1733 = arith.constant 2 : i32
      %dma_wait3A_1734 = arith.constant 0 : i32
      %dma_wait3A_1735 = tpu.memref_slice %arg13[%dma_wait3A_1725, %dma_wait3A_1733, %dma_wait3A_1734] : memref<2x8x128xf32, #tpu.memory_space<vmem>> -> memref<1x1x128xf32, #tpu.memory_space<vmem>>
      %dma_wait3A_1736 = tpu.memref_squeeze %dma_wait3A_1735 : memref<1x1x128xf32, #tpu.memory_space<vmem>> -> memref<1x128xf32, #tpu.memory_space<vmem>>
      %dma_wait3A_1737 = arith.constant 0 : i32
      %dma_wait3A_1738 = arith.constant 0 : i32
      %dma_wait3A_1739 = tpu.memref_slice %arg6[%dma_wait3A_1737, %dma_wait3A_1738] : memref<1x1000000xf32, #tpu.memory_space<hbm>> -> memref<1x128xf32, #tpu.memory_space<hbm>>
      tpu.wait_dma2 semaphore(%arg15 : memref<!tpu.dma_semaphore, #tpu.memory_space<semaphore_mem>>) src(%dma_wait3A_1739 : memref<1x128xf32, #tpu.memory_space<hbm>>) dst(%dma_wait3A_1736 : memref<1x128xf32, #tpu.memory_space<vmem>>)
      %dma_wait3A_1740 = arith.constant 0 : i32
      %dma_wait3A_1741 = arith.constant 3 : i32
      %dma_wait3A_1742 = arith.constant 0 : i32
      %dma_wait3A_1743 = arith.constant 0 : i32
      %dma_wait3A_1744 = tpu.memref_slice %arg10[%dma_wait3A_1740, %dma_wait3A_1741, %dma_wait3A_1742, %dma_wait3A_1743] : memref<2x8x16x128xf32, #tpu.memory_space<vmem>> -> memref<1x1x16x128xf32, #tpu.memory_space<vmem>>
      %dma_wait3A_1745 = tpu.memref_squeeze %dma_wait3A_1744 : memref<1x1x16x128xf32, #tpu.memory_space<vmem>> -> memref<16x128xf32, #tpu.memory_space<vmem>>
      %dma_wait3A_1746 = arith.constant 0 : i32
      %dma_wait3A_1747 = arith.constant 0 : i32
      %dma_wait3A_1748 = tpu.memref_slice %arg3[%dma_wait3A_1746, %dma_wait3A_1747] : memref<16x1000000xf32, #tpu.memory_space<hbm>> -> memref<16x128xf32, #tpu.memory_space<hbm>>
      %dma_wait3A_1749 = arith.constant 0 : i32
      %dma_wait3A_1750 = arith.constant 0 : i32
      %dma_wait3A_1751 = tpu.memref_slice %arg10[%dma_wait3A_1740, %dma_wait3A_1741, %dma_wait3A_1749, %dma_wait3A_1750] : memref<2x8x16x128xf32, #tpu.memory_space<vmem>> -> memref<1x1x16x128xf32, #tpu.memory_space<vmem>>
      %dma_wait3A_1752 = tpu.memref_squeeze %dma_wait3A_1751 : memref<1x1x16x128xf32, #tpu.memory_space<vmem>> -> memref<16x128xf32, #tpu.memory_space<vmem>>
      %dma_wait3A_1753 = arith.constant 0 : i32
      %dma_wait3A_1754 = arith.constant 0 : i32
      %dma_wait3A_1755 = tpu.memref_slice %arg3[%dma_wait3A_1753, %dma_wait3A_1754] : memref<16x1000000xf32, #tpu.memory_space<hbm>> -> memref<16x128xf32, #tpu.memory_space<hbm>>
      tpu.wait_dma2 semaphore(%arg15 : memref<!tpu.dma_semaphore, #tpu.memory_space<semaphore_mem>>) src(%dma_wait3A_1755 : memref<16x128xf32, #tpu.memory_space<hbm>>) dst(%dma_wait3A_1752 : memref<16x128xf32, #tpu.memory_space<vmem>>)
      %dma_wait3A_1756 = arith.constant 0 : i32
      %dma_wait3A_1757 = arith.constant 3 : i32
      %dma_wait3A_1758 = arith.constant 0 : i32
      %dma_wait3A_1759 = arith.constant 0 : i32
      %dma_wait3A_1760 = tpu.memref_slice %arg11[%dma_wait3A_1756, %dma_wait3A_1757, %dma_wait3A_1758, %dma_wait3A_1759] : memref<2x8x16x128xf32, #tpu.memory_space<vmem>> -> memref<1x1x16x128xf32, #tpu.memory_space<vmem>>
      %dma_wait3A_1761 = tpu.memref_squeeze %dma_wait3A_1760 : memref<1x1x16x128xf32, #tpu.memory_space<vmem>> -> memref<16x128xf32, #tpu.memory_space<vmem>>
      %dma_wait3A_1762 = arith.constant 0 : i32
      %dma_wait3A_1763 = arith.constant 0 : i32
      %dma_wait3A_1764 = tpu.memref_slice %arg4[%dma_wait3A_1762, %dma_wait3A_1763] : memref<16x1000000xf32, #tpu.memory_space<hbm>> -> memref<16x128xf32, #tpu.memory_space<hbm>>
      %dma_wait3A_1765 = arith.constant 0 : i32
      %dma_wait3A_1766 = arith.constant 0 : i32
      %dma_wait3A_1767 = tpu.memref_slice %arg11[%dma_wait3A_1756, %dma_wait3A_1757, %dma_wait3A_1765, %dma_wait3A_1766] : memref<2x8x16x128xf32, #tpu.memory_space<vmem>> -> memref<1x1x16x128xf32, #tpu.memory_space<vmem>>
      %dma_wait3A_1768 = tpu.memref_squeeze %dma_wait3A_1767 : memref<1x1x16x128xf32, #tpu.memory_space<vmem>> -> memref<16x128xf32, #tpu.memory_space<vmem>>
      %dma_wait3A_1769 = arith.constant 0 : i32
      %dma_wait3A_1770 = arith.constant 0 : i32
      %dma_wait3A_1771 = tpu.memref_slice %arg4[%dma_wait3A_1769, %dma_wait3A_1770] : memref<16x1000000xf32, #tpu.memory_space<hbm>> -> memref<16x128xf32, #tpu.memory_space<hbm>>
      tpu.wait_dma2 semaphore(%arg15 : memref<!tpu.dma_semaphore, #tpu.memory_space<semaphore_mem>>) src(%dma_wait3A_1771 : memref<16x128xf32, #tpu.memory_space<hbm>>) dst(%dma_wait3A_1768 : memref<16x128xf32, #tpu.memory_space<vmem>>)
      %dma_wait3A_1772 = arith.constant 0 : i32
      %dma_wait3A_1773 = arith.constant 3 : i32
      %dma_wait3A_1774 = arith.constant 0 : i32
      %dma_wait3A_1775 = tpu.memref_slice %arg12[%dma_wait3A_1772, %dma_wait3A_1773, %dma_wait3A_1774] : memref<2x8x128xf32, #tpu.memory_space<vmem>> -> memref<1x1x128xf32, #tpu.memory_space<vmem>>
      %dma_wait3A_1776 = tpu.memref_squeeze %dma_wait3A_1775 : memref<1x1x128xf32, #tpu.memory_space<vmem>> -> memref<1x128xf32, #tpu.memory_space<vmem>>
      %dma_wait3A_1777 = arith.constant 0 : i32
      %dma_wait3A_1778 = arith.constant 0 : i32
      %dma_wait3A_1779 = tpu.memref_slice %arg5[%dma_wait3A_1777, %dma_wait3A_1778] : memref<1x1000000xf32, #tpu.memory_space<hbm>> -> memref<1x128xf32, #tpu.memory_space<hbm>>
      %dma_wait3A_1780 = arith.constant 3 : i32
      %dma_wait3A_1781 = arith.constant 0 : i32
      %dma_wait3A_1782 = tpu.memref_slice %arg12[%dma_wait3A_1772, %dma_wait3A_1780, %dma_wait3A_1781] : memref<2x8x128xf32, #tpu.memory_space<vmem>> -> memref<1x1x128xf32, #tpu.memory_space<vmem>>
      %dma_wait3A_1783 = tpu.memref_squeeze %dma_wait3A_1782 : memref<1x1x128xf32, #tpu.memory_space<vmem>> -> memref<1x128xf32, #tpu.memory_space<vmem>>
      %dma_wait3A_1784 = arith.constant 0 : i32
      %dma_wait3A_1785 = arith.constant 0 : i32
      %dma_wait3A_1786 = tpu.memref_slice %arg5[%dma_wait3A_1784, %dma_wait3A_1785] : memref<1x1000000xf32, #tpu.memory_space<hbm>> -> memref<1x128xf32, #tpu.memory_space<hbm>>
      tpu.wait_dma2 semaphore(%arg15 : memref<!tpu.dma_semaphore, #tpu.memory_space<semaphore_mem>>) src(%dma_wait3A_1786 : memref<1x128xf32, #tpu.memory_space<hbm>>) dst(%dma_wait3A_1783 : memref<1x128xf32, #tpu.memory_space<vmem>>)
      %dma_wait3A_1787 = arith.constant 0 : i32
      %dma_wait3A_1788 = arith.constant 3 : i32
      %dma_wait3A_1789 = arith.constant 0 : i32
      %dma_wait3A_1790 = tpu.memref_slice %arg13[%dma_wait3A_1787, %dma_wait3A_1788, %dma_wait3A_1789] : memref<2x8x128xf32, #tpu.memory_space<vmem>> -> memref<1x1x128xf32, #tpu.memory_space<vmem>>
      %dma_wait3A_1791 = tpu.memref_squeeze %dma_wait3A_1790 : memref<1x1x128xf32, #tpu.memory_space<vmem>> -> memref<1x128xf32, #tpu.memory_space<vmem>>
      %dma_wait3A_1792 = arith.constant 0 : i32
      %dma_wait3A_1793 = arith.constant 0 : i32
      %dma_wait3A_1794 = tpu.memref_slice %arg6[%dma_wait3A_1792, %dma_wait3A_1793] : memref<1x1000000xf32, #tpu.memory_space<hbm>> -> memref<1x128xf32, #tpu.memory_space<hbm>>
      %dma_wait3A_1795 = arith.constant 3 : i32
      %dma_wait3A_1796 = arith.constant 0 : i32
      %dma_wait3A_1797 = tpu.memref_slice %arg13[%dma_wait3A_1787, %dma_wait3A_1795, %dma_wait3A_1796] : memref<2x8x128xf32, #tpu.memory_space<vmem>> -> memref<1x1x128xf32, #tpu.memory_space<vmem>>
      %dma_wait3A_1798 = tpu.memref_squeeze %dma_wait3A_1797 : memref<1x1x128xf32, #tpu.memory_space<vmem>> -> memref<1x128xf32, #tpu.memory_space<vmem>>
      %dma_wait3A_1799 = arith.constant 0 : i32
      %dma_wait3A_1800 = arith.constant 0 : i32
      %dma_wait3A_1801 = tpu.memref_slice %arg6[%dma_wait3A_1799, %dma_wait3A_1800] : memref<1x1000000xf32, #tpu.memory_space<hbm>> -> memref<1x128xf32, #tpu.memory_space<hbm>>
      tpu.wait_dma2 semaphore(%arg15 : memref<!tpu.dma_semaphore, #tpu.memory_space<semaphore_mem>>) src(%dma_wait3A_1801 : memref<1x128xf32, #tpu.memory_space<hbm>>) dst(%dma_wait3A_1798 : memref<1x128xf32, #tpu.memory_space<vmem>>)
      %dma_wait3A_1802 = arith.constant 0 : i32
      %dma_wait3A_1803 = arith.constant 4 : i32
      %dma_wait3A_1804 = arith.constant 0 : i32
      %dma_wait3A_1805 = arith.constant 0 : i32
      %dma_wait3A_1806 = tpu.memref_slice %arg10[%dma_wait3A_1802, %dma_wait3A_1803, %dma_wait3A_1804, %dma_wait3A_1805] : memref<2x8x16x128xf32, #tpu.memory_space<vmem>> -> memref<1x1x16x128xf32, #tpu.memory_space<vmem>>
      %dma_wait3A_1807 = tpu.memref_squeeze %dma_wait3A_1806 : memref<1x1x16x128xf32, #tpu.memory_space<vmem>> -> memref<16x128xf32, #tpu.memory_space<vmem>>
      %dma_wait3A_1808 = arith.constant 0 : i32
      %dma_wait3A_1809 = arith.constant 0 : i32
      %dma_wait3A_1810 = tpu.memref_slice %arg3[%dma_wait3A_1808, %dma_wait3A_1809] : memref<16x1000000xf32, #tpu.memory_space<hbm>> -> memref<16x128xf32, #tpu.memory_space<hbm>>
      %dma_wait3A_1811 = arith.constant 0 : i32
      %dma_wait3A_1812 = arith.constant 0 : i32
      %dma_wait3A_1813 = tpu.memref_slice %arg10[%dma_wait3A_1802, %dma_wait3A_1803, %dma_wait3A_1811, %dma_wait3A_1812] : memref<2x8x16x128xf32, #tpu.memory_space<vmem>> -> memref<1x1x16x128xf32, #tpu.memory_space<vmem>>
      %dma_wait3A_1814 = tpu.memref_squeeze %dma_wait3A_1813 : memref<1x1x16x128xf32, #tpu.memory_space<vmem>> -> memref<16x128xf32, #tpu.memory_space<vmem>>
      %dma_wait3A_1815 = arith.constant 0 : i32
      %dma_wait3A_1816 = arith.constant 0 : i32
      %dma_wait3A_1817 = tpu.memref_slice %arg3[%dma_wait3A_1815, %dma_wait3A_1816] : memref<16x1000000xf32, #tpu.memory_space<hbm>> -> memref<16x128xf32, #tpu.memory_space<hbm>>
      tpu.wait_dma2 semaphore(%arg15 : memref<!tpu.dma_semaphore, #tpu.memory_space<semaphore_mem>>) src(%dma_wait3A_1817 : memref<16x128xf32, #tpu.memory_space<hbm>>) dst(%dma_wait3A_1814 : memref<16x128xf32, #tpu.memory_space<vmem>>)
      %dma_wait3A_1818 = arith.constant 0 : i32
      %dma_wait3A_1819 = arith.constant 4 : i32
      %dma_wait3A_1820 = arith.constant 0 : i32
      %dma_wait3A_1821 = arith.constant 0 : i32
      %dma_wait3A_1822 = tpu.memref_slice %arg11[%dma_wait3A_1818, %dma_wait3A_1819, %dma_wait3A_1820, %dma_wait3A_1821] : memref<2x8x16x128xf32, #tpu.memory_space<vmem>> -> memref<1x1x16x128xf32, #tpu.memory_space<vmem>>
      %dma_wait3A_1823 = tpu.memref_squeeze %dma_wait3A_1822 : memref<1x1x16x128xf32, #tpu.memory_space<vmem>> -> memref<16x128xf32, #tpu.memory_space<vmem>>
      %dma_wait3A_1824 = arith.constant 0 : i32
      %dma_wait3A_1825 = arith.constant 0 : i32
      %dma_wait3A_1826 = tpu.memref_slice %arg4[%dma_wait3A_1824, %dma_wait3A_1825] : memref<16x1000000xf32, #tpu.memory_space<hbm>> -> memref<16x128xf32, #tpu.memory_space<hbm>>
      %dma_wait3A_1827 = arith.constant 0 : i32
      %dma_wait3A_1828 = arith.constant 0 : i32
      %dma_wait3A_1829 = tpu.memref_slice %arg11[%dma_wait3A_1818, %dma_wait3A_1819, %dma_wait3A_1827, %dma_wait3A_1828] : memref<2x8x16x128xf32, #tpu.memory_space<vmem>> -> memref<1x1x16x128xf32, #tpu.memory_space<vmem>>
      %dma_wait3A_1830 = tpu.memref_squeeze %dma_wait3A_1829 : memref<1x1x16x128xf32, #tpu.memory_space<vmem>> -> memref<16x128xf32, #tpu.memory_space<vmem>>
      %dma_wait3A_1831 = arith.constant 0 : i32
      %dma_wait3A_1832 = arith.constant 0 : i32
      %dma_wait3A_1833 = tpu.memref_slice %arg4[%dma_wait3A_1831, %dma_wait3A_1832] : memref<16x1000000xf32, #tpu.memory_space<hbm>> -> memref<16x128xf32, #tpu.memory_space<hbm>>
      tpu.wait_dma2 semaphore(%arg15 : memref<!tpu.dma_semaphore, #tpu.memory_space<semaphore_mem>>) src(%dma_wait3A_1833 : memref<16x128xf32, #tpu.memory_space<hbm>>) dst(%dma_wait3A_1830 : memref<16x128xf32, #tpu.memory_space<vmem>>)
      %dma_wait3A_1834 = arith.constant 0 : i32
      %dma_wait3A_1835 = arith.constant 4 : i32
      %dma_wait3A_1836 = arith.constant 0 : i32
      %dma_wait3A_1837 = tpu.memref_slice %arg12[%dma_wait3A_1834, %dma_wait3A_1835, %dma_wait3A_1836] : memref<2x8x128xf32, #tpu.memory_space<vmem>> -> memref<1x1x128xf32, #tpu.memory_space<vmem>>
      %dma_wait3A_1838 = tpu.memref_squeeze %dma_wait3A_1837 : memref<1x1x128xf32, #tpu.memory_space<vmem>> -> memref<1x128xf32, #tpu.memory_space<vmem>>
      %dma_wait3A_1839 = arith.constant 0 : i32
      %dma_wait3A_1840 = arith.constant 0 : i32
      %dma_wait3A_1841 = tpu.memref_slice %arg5[%dma_wait3A_1839, %dma_wait3A_1840] : memref<1x1000000xf32, #tpu.memory_space<hbm>> -> memref<1x128xf32, #tpu.memory_space<hbm>>
      %dma_wait3A_1842 = arith.constant 4 : i32
      %dma_wait3A_1843 = arith.constant 0 : i32
      %dma_wait3A_1844 = tpu.memref_slice %arg12[%dma_wait3A_1834, %dma_wait3A_1842, %dma_wait3A_1843] : memref<2x8x128xf32, #tpu.memory_space<vmem>> -> memref<1x1x128xf32, #tpu.memory_space<vmem>>
      %dma_wait3A_1845 = tpu.memref_squeeze %dma_wait3A_1844 : memref<1x1x128xf32, #tpu.memory_space<vmem>> -> memref<1x128xf32, #tpu.memory_space<vmem>>
      %dma_wait3A_1846 = arith.constant 0 : i32
      %dma_wait3A_1847 = arith.constant 0 : i32
      %dma_wait3A_1848 = tpu.memref_slice %arg5[%dma_wait3A_1846, %dma_wait3A_1847] : memref<1x1000000xf32, #tpu.memory_space<hbm>> -> memref<1x128xf32, #tpu.memory_space<hbm>>
      tpu.wait_dma2 semaphore(%arg15 : memref<!tpu.dma_semaphore, #tpu.memory_space<semaphore_mem>>) src(%dma_wait3A_1848 : memref<1x128xf32, #tpu.memory_space<hbm>>) dst(%dma_wait3A_1845 : memref<1x128xf32, #tpu.memory_space<vmem>>)
      %dma_wait3A_1849 = arith.constant 0 : i32
      %dma_wait3A_1850 = arith.constant 4 : i32
      %dma_wait3A_1851 = arith.constant 0 : i32
      %dma_wait3A_1852 = tpu.memref_slice %arg13[%dma_wait3A_1849, %dma_wait3A_1850, %dma_wait3A_1851] : memref<2x8x128xf32, #tpu.memory_space<vmem>> -> memref<1x1x128xf32, #tpu.memory_space<vmem>>
      %dma_wait3A_1853 = tpu.memref_squeeze %dma_wait3A_1852 : memref<1x1x128xf32, #tpu.memory_space<vmem>> -> memref<1x128xf32, #tpu.memory_space<vmem>>
      %dma_wait3A_1854 = arith.constant 0 : i32
      %dma_wait3A_1855 = arith.constant 0 : i32
      %dma_wait3A_1856 = tpu.memref_slice %arg6[%dma_wait3A_1854, %dma_wait3A_1855] : memref<1x1000000xf32, #tpu.memory_space<hbm>> -> memref<1x128xf32, #tpu.memory_space<hbm>>
      %dma_wait3A_1857 = arith.constant 4 : i32
      %dma_wait3A_1858 = arith.constant 0 : i32
      %dma_wait3A_1859 = tpu.memref_slice %arg13[%dma_wait3A_1849, %dma_wait3A_1857, %dma_wait3A_1858] : memref<2x8x128xf32, #tpu.memory_space<vmem>> -> memref<1x1x128xf32, #tpu.memory_space<vmem>>
      %dma_wait3A_1860 = tpu.memref_squeeze %dma_wait3A_1859 : memref<1x1x128xf32, #tpu.memory_space<vmem>> -> memref<1x128xf32, #tpu.memory_space<vmem>>
      %dma_wait3A_1861 = arith.constant 0 : i32
      %dma_wait3A_1862 = arith.constant 0 : i32
      %dma_wait3A_1863 = tpu.memref_slice %arg6[%dma_wait3A_1861, %dma_wait3A_1862] : memref<1x1000000xf32, #tpu.memory_space<hbm>> -> memref<1x128xf32, #tpu.memory_space<hbm>>
      tpu.wait_dma2 semaphore(%arg15 : memref<!tpu.dma_semaphore, #tpu.memory_space<semaphore_mem>>) src(%dma_wait3A_1863 : memref<1x128xf32, #tpu.memory_space<hbm>>) dst(%dma_wait3A_1860 : memref<1x128xf32, #tpu.memory_space<vmem>>)
      %dma_wait3A_1864 = arith.constant 0 : i32
      %dma_wait3A_1865 = arith.constant 5 : i32
      %dma_wait3A_1866 = arith.constant 0 : i32
      %dma_wait3A_1867 = arith.constant 0 : i32
      %dma_wait3A_1868 = tpu.memref_slice %arg10[%dma_wait3A_1864, %dma_wait3A_1865, %dma_wait3A_1866, %dma_wait3A_1867] : memref<2x8x16x128xf32, #tpu.memory_space<vmem>> -> memref<1x1x16x128xf32, #tpu.memory_space<vmem>>
      %dma_wait3A_1869 = tpu.memref_squeeze %dma_wait3A_1868 : memref<1x1x16x128xf32, #tpu.memory_space<vmem>> -> memref<16x128xf32, #tpu.memory_space<vmem>>
      %dma_wait3A_1870 = arith.constant 0 : i32
      %dma_wait3A_1871 = arith.constant 0 : i32
      %dma_wait3A_1872 = tpu.memref_slice %arg3[%dma_wait3A_1870, %dma_wait3A_1871] : memref<16x1000000xf32, #tpu.memory_space<hbm>> -> memref<16x128xf32, #tpu.memory_space<hbm>>
      %dma_wait3A_1873 = arith.constant 0 : i32
      %dma_wait3A_1874 = arith.constant 0 : i32
      %dma_wait3A_1875 = tpu.memref_slice %arg10[%dma_wait3A_1864, %dma_wait3A_1865, %dma_wait3A_1873, %dma_wait3A_1874] : memref<2x8x16x128xf32, #tpu.memory_space<vmem>> -> memref<1x1x16x128xf32, #tpu.memory_space<vmem>>
      %dma_wait3A_1876 = tpu.memref_squeeze %dma_wait3A_1875 : memref<1x1x16x128xf32, #tpu.memory_space<vmem>> -> memref<16x128xf32, #tpu.memory_space<vmem>>
      %dma_wait3A_1877 = arith.constant 0 : i32
      %dma_wait3A_1878 = arith.constant 0 : i32
      %dma_wait3A_1879 = tpu.memref_slice %arg3[%dma_wait3A_1877, %dma_wait3A_1878] : memref<16x1000000xf32, #tpu.memory_space<hbm>> -> memref<16x128xf32, #tpu.memory_space<hbm>>
      tpu.wait_dma2 semaphore(%arg15 : memref<!tpu.dma_semaphore, #tpu.memory_space<semaphore_mem>>) src(%dma_wait3A_1879 : memref<16x128xf32, #tpu.memory_space<hbm>>) dst(%dma_wait3A_1876 : memref<16x128xf32, #tpu.memory_space<vmem>>)
      %dma_wait3A_1880 = arith.constant 0 : i32
      %dma_wait3A_1881 = arith.constant 5 : i32
      %dma_wait3A_1882 = arith.constant 0 : i32
      %dma_wait3A_1883 = arith.constant 0 : i32
      %dma_wait3A_1884 = tpu.memref_slice %arg11[%dma_wait3A_1880, %dma_wait3A_1881, %dma_wait3A_1882, %dma_wait3A_1883] : memref<2x8x16x128xf32, #tpu.memory_space<vmem>> -> memref<1x1x16x128xf32, #tpu.memory_space<vmem>>
      %dma_wait3A_1885 = tpu.memref_squeeze %dma_wait3A_1884 : memref<1x1x16x128xf32, #tpu.memory_space<vmem>> -> memref<16x128xf32, #tpu.memory_space<vmem>>
      %dma_wait3A_1886 = arith.constant 0 : i32
      %dma_wait3A_1887 = arith.constant 0 : i32
      %dma_wait3A_1888 = tpu.memref_slice %arg4[%dma_wait3A_1886, %dma_wait3A_1887] : memref<16x1000000xf32, #tpu.memory_space<hbm>> -> memref<16x128xf32, #tpu.memory_space<hbm>>
      %dma_wait3A_1889 = arith.constant 0 : i32
      %dma_wait3A_1890 = arith.constant 0 : i32
      %dma_wait3A_1891 = tpu.memref_slice %arg11[%dma_wait3A_1880, %dma_wait3A_1881, %dma_wait3A_1889, %dma_wait3A_1890] : memref<2x8x16x128xf32, #tpu.memory_space<vmem>> -> memref<1x1x16x128xf32, #tpu.memory_space<vmem>>
      %dma_wait3A_1892 = tpu.memref_squeeze %dma_wait3A_1891 : memref<1x1x16x128xf32, #tpu.memory_space<vmem>> -> memref<16x128xf32, #tpu.memory_space<vmem>>
      %dma_wait3A_1893 = arith.constant 0 : i32
      %dma_wait3A_1894 = arith.constant 0 : i32
      %dma_wait3A_1895 = tpu.memref_slice %arg4[%dma_wait3A_1893, %dma_wait3A_1894] : memref<16x1000000xf32, #tpu.memory_space<hbm>> -> memref<16x128xf32, #tpu.memory_space<hbm>>
      tpu.wait_dma2 semaphore(%arg15 : memref<!tpu.dma_semaphore, #tpu.memory_space<semaphore_mem>>) src(%dma_wait3A_1895 : memref<16x128xf32, #tpu.memory_space<hbm>>) dst(%dma_wait3A_1892 : memref<16x128xf32, #tpu.memory_space<vmem>>)
      %dma_wait3A_1896 = arith.constant 0 : i32
      %dma_wait3A_1897 = arith.constant 5 : i32
      %dma_wait3A_1898 = arith.constant 0 : i32
      %dma_wait3A_1899 = tpu.memref_slice %arg12[%dma_wait3A_1896, %dma_wait3A_1897, %dma_wait3A_1898] : memref<2x8x128xf32, #tpu.memory_space<vmem>> -> memref<1x1x128xf32, #tpu.memory_space<vmem>>
      %dma_wait3A_1900 = tpu.memref_squeeze %dma_wait3A_1899 : memref<1x1x128xf32, #tpu.memory_space<vmem>> -> memref<1x128xf32, #tpu.memory_space<vmem>>
      %dma_wait3A_1901 = arith.constant 0 : i32
      %dma_wait3A_1902 = arith.constant 0 : i32
      %dma_wait3A_1903 = tpu.memref_slice %arg5[%dma_wait3A_1901, %dma_wait3A_1902] : memref<1x1000000xf32, #tpu.memory_space<hbm>> -> memref<1x128xf32, #tpu.memory_space<hbm>>
      %dma_wait3A_1904 = arith.constant 5 : i32
      %dma_wait3A_1905 = arith.constant 0 : i32
      %dma_wait3A_1906 = tpu.memref_slice %arg12[%dma_wait3A_1896, %dma_wait3A_1904, %dma_wait3A_1905] : memref<2x8x128xf32, #tpu.memory_space<vmem>> -> memref<1x1x128xf32, #tpu.memory_space<vmem>>
      %dma_wait3A_1907 = tpu.memref_squeeze %dma_wait3A_1906 : memref<1x1x128xf32, #tpu.memory_space<vmem>> -> memref<1x128xf32, #tpu.memory_space<vmem>>
      %dma_wait3A_1908 = arith.constant 0 : i32
      %dma_wait3A_1909 = arith.constant 0 : i32
      %dma_wait3A_1910 = tpu.memref_slice %arg5[%dma_wait3A_1908, %dma_wait3A_1909] : memref<1x1000000xf32, #tpu.memory_space<hbm>> -> memref<1x128xf32, #tpu.memory_space<hbm>>
      tpu.wait_dma2 semaphore(%arg15 : memref<!tpu.dma_semaphore, #tpu.memory_space<semaphore_mem>>) src(%dma_wait3A_1910 : memref<1x128xf32, #tpu.memory_space<hbm>>) dst(%dma_wait3A_1907 : memref<1x128xf32, #tpu.memory_space<vmem>>)
      %dma_wait3A_1911 = arith.constant 0 : i32
      %dma_wait3A_1912 = arith.constant 5 : i32
      %dma_wait3A_1913 = arith.constant 0 : i32
      %dma_wait3A_1914 = tpu.memref_slice %arg13[%dma_wait3A_1911, %dma_wait3A_1912, %dma_wait3A_1913] : memref<2x8x128xf32, #tpu.memory_space<vmem>> -> memref<1x1x128xf32, #tpu.memory_space<vmem>>
      %dma_wait3A_1915 = tpu.memref_squeeze %dma_wait3A_1914 : memref<1x1x128xf32, #tpu.memory_space<vmem>> -> memref<1x128xf32, #tpu.memory_space<vmem>>
      %dma_wait3A_1916 = arith.constant 0 : i32
      %dma_wait3A_1917 = arith.constant 0 : i32
      %dma_wait3A_1918 = tpu.memref_slice %arg6[%dma_wait3A_1916, %dma_wait3A_1917] : memref<1x1000000xf32, #tpu.memory_space<hbm>> -> memref<1x128xf32, #tpu.memory_space<hbm>>
      %dma_wait3A_1919 = arith.constant 5 : i32
      %dma_wait3A_1920 = arith.constant 0 : i32
      %dma_wait3A_1921 = tpu.memref_slice %arg13[%dma_wait3A_1911, %dma_wait3A_1919, %dma_wait3A_1920] : memref<2x8x128xf32, #tpu.memory_space<vmem>> -> memref<1x1x128xf32, #tpu.memory_space<vmem>>
      %dma_wait3A_1922 = tpu.memref_squeeze %dma_wait3A_1921 : memref<1x1x128xf32, #tpu.memory_space<vmem>> -> memref<1x128xf32, #tpu.memory_space<vmem>>
      %dma_wait3A_1923 = arith.constant 0 : i32
      %dma_wait3A_1924 = arith.constant 0 : i32
      %dma_wait3A_1925 = tpu.memref_slice %arg6[%dma_wait3A_1923, %dma_wait3A_1924] : memref<1x1000000xf32, #tpu.memory_space<hbm>> -> memref<1x128xf32, #tpu.memory_space<hbm>>
      tpu.wait_dma2 semaphore(%arg15 : memref<!tpu.dma_semaphore, #tpu.memory_space<semaphore_mem>>) src(%dma_wait3A_1925 : memref<1x128xf32, #tpu.memory_space<hbm>>) dst(%dma_wait3A_1922 : memref<1x128xf32, #tpu.memory_space<vmem>>)
      %dma_wait3A_1926 = arith.constant 0 : i32
      %dma_wait3A_1927 = arith.constant 6 : i32
      %dma_wait3A_1928 = arith.constant 0 : i32
      %dma_wait3A_1929 = arith.constant 0 : i32
      %dma_wait3A_1930 = tpu.memref_slice %arg10[%dma_wait3A_1926, %dma_wait3A_1927, %dma_wait3A_1928, %dma_wait3A_1929] : memref<2x8x16x128xf32, #tpu.memory_space<vmem>> -> memref<1x1x16x128xf32, #tpu.memory_space<vmem>>
      %dma_wait3A_1931 = tpu.memref_squeeze %dma_wait3A_1930 : memref<1x1x16x128xf32, #tpu.memory_space<vmem>> -> memref<16x128xf32, #tpu.memory_space<vmem>>
      %dma_wait3A_1932 = arith.constant 0 : i32
      %dma_wait3A_1933 = arith.constant 0 : i32
      %dma_wait3A_1934 = tpu.memref_slice %arg3[%dma_wait3A_1932, %dma_wait3A_1933] : memref<16x1000000xf32, #tpu.memory_space<hbm>> -> memref<16x128xf32, #tpu.memory_space<hbm>>
      %dma_wait3A_1935 = arith.constant 0 : i32
      %dma_wait3A_1936 = arith.constant 0 : i32
      %dma_wait3A_1937 = tpu.memref_slice %arg10[%dma_wait3A_1926, %dma_wait3A_1927, %dma_wait3A_1935, %dma_wait3A_1936] : memref<2x8x16x128xf32, #tpu.memory_space<vmem>> -> memref<1x1x16x128xf32, #tpu.memory_space<vmem>>
      %dma_wait3A_1938 = tpu.memref_squeeze %dma_wait3A_1937 : memref<1x1x16x128xf32, #tpu.memory_space<vmem>> -> memref<16x128xf32, #tpu.memory_space<vmem>>
      %dma_wait3A_1939 = arith.constant 0 : i32
      %dma_wait3A_1940 = arith.constant 0 : i32
      %dma_wait3A_1941 = tpu.memref_slice %arg3[%dma_wait3A_1939, %dma_wait3A_1940] : memref<16x1000000xf32, #tpu.memory_space<hbm>> -> memref<16x128xf32, #tpu.memory_space<hbm>>
      tpu.wait_dma2 semaphore(%arg15 : memref<!tpu.dma_semaphore, #tpu.memory_space<semaphore_mem>>) src(%dma_wait3A_1941 : memref<16x128xf32, #tpu.memory_space<hbm>>) dst(%dma_wait3A_1938 : memref<16x128xf32, #tpu.memory_space<vmem>>)
      %dma_wait3A_1942 = arith.constant 0 : i32
      %dma_wait3A_1943 = arith.constant 6 : i32
      %dma_wait3A_1944 = arith.constant 0 : i32
      %dma_wait3A_1945 = arith.constant 0 : i32
      %dma_wait3A_1946 = tpu.memref_slice %arg11[%dma_wait3A_1942, %dma_wait3A_1943, %dma_wait3A_1944, %dma_wait3A_1945] : memref<2x8x16x128xf32, #tpu.memory_space<vmem>> -> memref<1x1x16x128xf32, #tpu.memory_space<vmem>>
      %dma_wait3A_1947 = tpu.memref_squeeze %dma_wait3A_1946 : memref<1x1x16x128xf32, #tpu.memory_space<vmem>> -> memref<16x128xf32, #tpu.memory_space<vmem>>
      %dma_wait3A_1948 = arith.constant 0 : i32
      %dma_wait3A_1949 = arith.constant 0 : i32
      %dma_wait3A_1950 = tpu.memref_slice %arg4[%dma_wait3A_1948, %dma_wait3A_1949] : memref<16x1000000xf32, #tpu.memory_space<hbm>> -> memref<16x128xf32, #tpu.memory_space<hbm>>
      %dma_wait3A_1951 = arith.constant 0 : i32
      %dma_wait3A_1952 = arith.constant 0 : i32
      %dma_wait3A_1953 = tpu.memref_slice %arg11[%dma_wait3A_1942, %dma_wait3A_1943, %dma_wait3A_1951, %dma_wait3A_1952] : memref<2x8x16x128xf32, #tpu.memory_space<vmem>> -> memref<1x1x16x128xf32, #tpu.memory_space<vmem>>
      %dma_wait3A_1954 = tpu.memref_squeeze %dma_wait3A_1953 : memref<1x1x16x128xf32, #tpu.memory_space<vmem>> -> memref<16x128xf32, #tpu.memory_space<vmem>>
      %dma_wait3A_1955 = arith.constant 0 : i32
      %dma_wait3A_1956 = arith.constant 0 : i32
      %dma_wait3A_1957 = tpu.memref_slice %arg4[%dma_wait3A_1955, %dma_wait3A_1956] : memref<16x1000000xf32, #tpu.memory_space<hbm>> -> memref<16x128xf32, #tpu.memory_space<hbm>>
      tpu.wait_dma2 semaphore(%arg15 : memref<!tpu.dma_semaphore, #tpu.memory_space<semaphore_mem>>) src(%dma_wait3A_1957 : memref<16x128xf32, #tpu.memory_space<hbm>>) dst(%dma_wait3A_1954 : memref<16x128xf32, #tpu.memory_space<vmem>>)
      %dma_wait3A_1958 = arith.constant 0 : i32
      %dma_wait3A_1959 = arith.constant 6 : i32
      %dma_wait3A_1960 = arith.constant 0 : i32
      %dma_wait3A_1961 = tpu.memref_slice %arg12[%dma_wait3A_1958, %dma_wait3A_1959, %dma_wait3A_1960] : memref<2x8x128xf32, #tpu.memory_space<vmem>> -> memref<1x1x128xf32, #tpu.memory_space<vmem>>
      %dma_wait3A_1962 = tpu.memref_squeeze %dma_wait3A_1961 : memref<1x1x128xf32, #tpu.memory_space<vmem>> -> memref<1x128xf32, #tpu.memory_space<vmem>>
      %dma_wait3A_1963 = arith.constant 0 : i32
      %dma_wait3A_1964 = arith.constant 0 : i32
      %dma_wait3A_1965 = tpu.memref_slice %arg5[%dma_wait3A_1963, %dma_wait3A_1964] : memref<1x1000000xf32, #tpu.memory_space<hbm>> -> memref<1x128xf32, #tpu.memory_space<hbm>>
      %dma_wait3A_1966 = arith.constant 6 : i32
      %dma_wait3A_1967 = arith.constant 0 : i32
      %dma_wait3A_1968 = tpu.memref_slice %arg12[%dma_wait3A_1958, %dma_wait3A_1966, %dma_wait3A_1967] : memref<2x8x128xf32, #tpu.memory_space<vmem>> -> memref<1x1x128xf32, #tpu.memory_space<vmem>>
      %dma_wait3A_1969 = tpu.memref_squeeze %dma_wait3A_1968 : memref<1x1x128xf32, #tpu.memory_space<vmem>> -> memref<1x128xf32, #tpu.memory_space<vmem>>
      %dma_wait3A_1970 = arith.constant 0 : i32
      %dma_wait3A_1971 = arith.constant 0 : i32
      %dma_wait3A_1972 = tpu.memref_slice %arg5[%dma_wait3A_1970, %dma_wait3A_1971] : memref<1x1000000xf32, #tpu.memory_space<hbm>> -> memref<1x128xf32, #tpu.memory_space<hbm>>
      tpu.wait_dma2 semaphore(%arg15 : memref<!tpu.dma_semaphore, #tpu.memory_space<semaphore_mem>>) src(%dma_wait3A_1972 : memref<1x128xf32, #tpu.memory_space<hbm>>) dst(%dma_wait3A_1969 : memref<1x128xf32, #tpu.memory_space<vmem>>)
      %dma_wait3A_1973 = arith.constant 0 : i32
      %dma_wait3A_1974 = arith.constant 6 : i32
      %dma_wait3A_1975 = arith.constant 0 : i32
      %dma_wait3A_1976 = tpu.memref_slice %arg13[%dma_wait3A_1973, %dma_wait3A_1974, %dma_wait3A_1975] : memref<2x8x128xf32, #tpu.memory_space<vmem>> -> memref<1x1x128xf32, #tpu.memory_space<vmem>>
      %dma_wait3A_1977 = tpu.memref_squeeze %dma_wait3A_1976 : memref<1x1x128xf32, #tpu.memory_space<vmem>> -> memref<1x128xf32, #tpu.memory_space<vmem>>
      %dma_wait3A_1978 = arith.constant 0 : i32
      %dma_wait3A_1979 = arith.constant 0 : i32
      %dma_wait3A_1980 = tpu.memref_slice %arg6[%dma_wait3A_1978, %dma_wait3A_1979] : memref<1x1000000xf32, #tpu.memory_space<hbm>> -> memref<1x128xf32, #tpu.memory_space<hbm>>
      %dma_wait3A_1981 = arith.constant 6 : i32
      %dma_wait3A_1982 = arith.constant 0 : i32
      %dma_wait3A_1983 = tpu.memref_slice %arg13[%dma_wait3A_1973, %dma_wait3A_1981, %dma_wait3A_1982] : memref<2x8x128xf32, #tpu.memory_space<vmem>> -> memref<1x1x128xf32, #tpu.memory_space<vmem>>
      %dma_wait3A_1984 = tpu.memref_squeeze %dma_wait3A_1983 : memref<1x1x128xf32, #tpu.memory_space<vmem>> -> memref<1x128xf32, #tpu.memory_space<vmem>>
      %dma_wait3A_1985 = arith.constant 0 : i32
      %dma_wait3A_1986 = arith.constant 0 : i32
      %dma_wait3A_1987 = tpu.memref_slice %arg6[%dma_wait3A_1985, %dma_wait3A_1986] : memref<1x1000000xf32, #tpu.memory_space<hbm>> -> memref<1x128xf32, #tpu.memory_space<hbm>>
      tpu.wait_dma2 semaphore(%arg15 : memref<!tpu.dma_semaphore, #tpu.memory_space<semaphore_mem>>) src(%dma_wait3A_1987 : memref<1x128xf32, #tpu.memory_space<hbm>>) dst(%dma_wait3A_1984 : memref<1x128xf32, #tpu.memory_space<vmem>>)
      %dma_wait3A_1988 = arith.constant 0 : i32
      %dma_wait3A_1989 = arith.constant 7 : i32
      %dma_wait3A_1990 = arith.constant 0 : i32
      %dma_wait3A_1991 = arith.constant 0 : i32
      %dma_wait3A_1992 = tpu.memref_slice %arg10[%dma_wait3A_1988, %dma_wait3A_1989, %dma_wait3A_1990, %dma_wait3A_1991] : memref<2x8x16x128xf32, #tpu.memory_space<vmem>> -> memref<1x1x16x128xf32, #tpu.memory_space<vmem>>
      %dma_wait3A_1993 = tpu.memref_squeeze %dma_wait3A_1992 : memref<1x1x16x128xf32, #tpu.memory_space<vmem>> -> memref<16x128xf32, #tpu.memory_space<vmem>>
      %dma_wait3A_1994 = arith.constant 0 : i32
      %dma_wait3A_1995 = arith.constant 0 : i32
      %dma_wait3A_1996 = tpu.memref_slice %arg3[%dma_wait3A_1994, %dma_wait3A_1995] : memref<16x1000000xf32, #tpu.memory_space<hbm>> -> memref<16x128xf32, #tpu.memory_space<hbm>>
      %dma_wait3A_1997 = arith.constant 0 : i32
      %dma_wait3A_1998 = arith.constant 0 : i32
      %dma_wait3A_1999 = tpu.memref_slice %arg10[%dma_wait3A_1988, %dma_wait3A_1989, %dma_wait3A_1997, %dma_wait3A_1998] : memref<2x8x16x128xf32, #tpu.memory_space<vmem>> -> memref<1x1x16x128xf32, #tpu.memory_space<vmem>>
      %dma_wait3A_2000 = tpu.memref_squeeze %dma_wait3A_1999 : memref<1x1x16x128xf32, #tpu.memory_space<vmem>> -> memref<16x128xf32, #tpu.memory_space<vmem>>
      %dma_wait3A_2001 = arith.constant 0 : i32
      %dma_wait3A_2002 = arith.constant 0 : i32
      %dma_wait3A_2003 = tpu.memref_slice %arg3[%dma_wait3A_2001, %dma_wait3A_2002] : memref<16x1000000xf32, #tpu.memory_space<hbm>> -> memref<16x128xf32, #tpu.memory_space<hbm>>
      tpu.wait_dma2 semaphore(%arg15 : memref<!tpu.dma_semaphore, #tpu.memory_space<semaphore_mem>>) src(%dma_wait3A_2003 : memref<16x128xf32, #tpu.memory_space<hbm>>) dst(%dma_wait3A_2000 : memref<16x128xf32, #tpu.memory_space<vmem>>)
      %dma_wait3A_2004 = arith.constant 0 : i32
      %dma_wait3A_2005 = arith.constant 7 : i32
      %dma_wait3A_2006 = arith.constant 0 : i32
      %dma_wait3A_2007 = arith.constant 0 : i32
      %dma_wait3A_2008 = tpu.memref_slice %arg11[%dma_wait3A_2004, %dma_wait3A_2005, %dma_wait3A_2006, %dma_wait3A_2007] : memref<2x8x16x128xf32, #tpu.memory_space<vmem>> -> memref<1x1x16x128xf32, #tpu.memory_space<vmem>>
      %dma_wait3A_2009 = tpu.memref_squeeze %dma_wait3A_2008 : memref<1x1x16x128xf32, #tpu.memory_space<vmem>> -> memref<16x128xf32, #tpu.memory_space<vmem>>
      %dma_wait3A_2010 = arith.constant 0 : i32
      %dma_wait3A_2011 = arith.constant 0 : i32
      %dma_wait3A_2012 = tpu.memref_slice %arg4[%dma_wait3A_2010, %dma_wait3A_2011] : memref<16x1000000xf32, #tpu.memory_space<hbm>> -> memref<16x128xf32, #tpu.memory_space<hbm>>
      %dma_wait3A_2013 = arith.constant 0 : i32
      %dma_wait3A_2014 = arith.constant 0 : i32
      %dma_wait3A_2015 = tpu.memref_slice %arg11[%dma_wait3A_2004, %dma_wait3A_2005, %dma_wait3A_2013, %dma_wait3A_2014] : memref<2x8x16x128xf32, #tpu.memory_space<vmem>> -> memref<1x1x16x128xf32, #tpu.memory_space<vmem>>
      %dma_wait3A_2016 = tpu.memref_squeeze %dma_wait3A_2015 : memref<1x1x16x128xf32, #tpu.memory_space<vmem>> -> memref<16x128xf32, #tpu.memory_space<vmem>>
      %dma_wait3A_2017 = arith.constant 0 : i32
      %dma_wait3A_2018 = arith.constant 0 : i32
      %dma_wait3A_2019 = tpu.memref_slice %arg4[%dma_wait3A_2017, %dma_wait3A_2018] : memref<16x1000000xf32, #tpu.memory_space<hbm>> -> memref<16x128xf32, #tpu.memory_space<hbm>>
      tpu.wait_dma2 semaphore(%arg15 : memref<!tpu.dma_semaphore, #tpu.memory_space<semaphore_mem>>) src(%dma_wait3A_2019 : memref<16x128xf32, #tpu.memory_space<hbm>>) dst(%dma_wait3A_2016 : memref<16x128xf32, #tpu.memory_space<vmem>>)
      %dma_wait3A_2020 = arith.constant 0 : i32
      %dma_wait3A_2021 = arith.constant 7 : i32
      %dma_wait3A_2022 = arith.constant 0 : i32
      %dma_wait3A_2023 = tpu.memref_slice %arg12[%dma_wait3A_2020, %dma_wait3A_2021, %dma_wait3A_2022] : memref<2x8x128xf32, #tpu.memory_space<vmem>> -> memref<1x1x128xf32, #tpu.memory_space<vmem>>
      %dma_wait3A_2024 = tpu.memref_squeeze %dma_wait3A_2023 : memref<1x1x128xf32, #tpu.memory_space<vmem>> -> memref<1x128xf32, #tpu.memory_space<vmem>>
      %dma_wait3A_2025 = arith.constant 0 : i32
      %dma_wait3A_2026 = arith.constant 0 : i32
      %dma_wait3A_2027 = tpu.memref_slice %arg5[%dma_wait3A_2025, %dma_wait3A_2026] : memref<1x1000000xf32, #tpu.memory_space<hbm>> -> memref<1x128xf32, #tpu.memory_space<hbm>>
      %dma_wait3A_2028 = arith.constant 7 : i32
      %dma_wait3A_2029 = arith.constant 0 : i32
      %dma_wait3A_2030 = tpu.memref_slice %arg12[%dma_wait3A_2020, %dma_wait3A_2028, %dma_wait3A_2029] : memref<2x8x128xf32, #tpu.memory_space<vmem>> -> memref<1x1x128xf32, #tpu.memory_space<vmem>>
      %dma_wait3A_2031 = tpu.memref_squeeze %dma_wait3A_2030 : memref<1x1x128xf32, #tpu.memory_space<vmem>> -> memref<1x128xf32, #tpu.memory_space<vmem>>
      %dma_wait3A_2032 = arith.constant 0 : i32
      %dma_wait3A_2033 = arith.constant 0 : i32
      %dma_wait3A_2034 = tpu.memref_slice %arg5[%dma_wait3A_2032, %dma_wait3A_2033] : memref<1x1000000xf32, #tpu.memory_space<hbm>> -> memref<1x128xf32, #tpu.memory_space<hbm>>
      tpu.wait_dma2 semaphore(%arg15 : memref<!tpu.dma_semaphore, #tpu.memory_space<semaphore_mem>>) src(%dma_wait3A_2034 : memref<1x128xf32, #tpu.memory_space<hbm>>) dst(%dma_wait3A_2031 : memref<1x128xf32, #tpu.memory_space<vmem>>)
      %dma_wait3A_2035 = arith.constant 0 : i32
      %dma_wait3A_2036 = arith.constant 7 : i32
      %dma_wait3A_2037 = arith.constant 0 : i32
      %dma_wait3A_2038 = tpu.memref_slice %arg13[%dma_wait3A_2035, %dma_wait3A_2036, %dma_wait3A_2037] : memref<2x8x128xf32, #tpu.memory_space<vmem>> -> memref<1x1x128xf32, #tpu.memory_space<vmem>>
      %dma_wait3A_2039 = tpu.memref_squeeze %dma_wait3A_2038 : memref<1x1x128xf32, #tpu.memory_space<vmem>> -> memref<1x128xf32, #tpu.memory_space<vmem>>
      %dma_wait3A_2040 = arith.constant 0 : i32
      %dma_wait3A_2041 = arith.constant 0 : i32
      %dma_wait3A_2042 = tpu.memref_slice %arg6[%dma_wait3A_2040, %dma_wait3A_2041] : memref<1x1000000xf32, #tpu.memory_space<hbm>> -> memref<1x128xf32, #tpu.memory_space<hbm>>
      %dma_wait3A_2043 = arith.constant 7 : i32
      %dma_wait3A_2044 = arith.constant 0 : i32
      %dma_wait3A_2045 = tpu.memref_slice %arg13[%dma_wait3A_2035, %dma_wait3A_2043, %dma_wait3A_2044] : memref<2x8x128xf32, #tpu.memory_space<vmem>> -> memref<1x1x128xf32, #tpu.memory_space<vmem>>
      %dma_wait3A_2046 = tpu.memref_squeeze %dma_wait3A_2045 : memref<1x1x128xf32, #tpu.memory_space<vmem>> -> memref<1x128xf32, #tpu.memory_space<vmem>>
      %dma_wait3A_2047 = arith.constant 0 : i32
      %dma_wait3A_2048 = arith.constant 0 : i32
      %dma_wait3A_2049 = tpu.memref_slice %arg6[%dma_wait3A_2047, %dma_wait3A_2048] : memref<1x1000000xf32, #tpu.memory_space<hbm>> -> memref<1x128xf32, #tpu.memory_space<hbm>>
      tpu.wait_dma2 semaphore(%arg15 : memref<!tpu.dma_semaphore, #tpu.memory_space<semaphore_mem>>) src(%dma_wait3A_2049 : memref<1x128xf32, #tpu.memory_space<hbm>>) dst(%dma_wait3A_2046 : memref<1x128xf32, #tpu.memory_space<vmem>>)
      %mul3A_2050 = arith.constant 8 : i32
      %mul3A_2051 = arith.muli %mul3A_778, %mul3A_2050 : i32
      %get3A_2052 = arith.index_cast %mul3A_2051 : i32 to index
      %get3A_2053 = tpu.vector_load %arg8[%get3A_2052] {strides = array<i32>} : memref<528xi32, #tpu.memory_space<vmem>>, vector<16xi32>,
      %get3A_2054 = arith.index_cast %mul3A_2051 : i32 to index
      %get3A_2055 = tpu.vector_load %arg9[%get3A_2054] {strides = array<i32>} : memref<528xi32, #tpu.memory_space<vmem>>, vector<16xi32>,
      %and3A_2056 = arith.constant 127 : i32
      %and3A_2057 = vector.broadcast %and3A_2056 : i32 to vector<16xi32>
      %and3A_2058 = arith.andi %get3A_2053, %and3A_2057 : vector<16xi32>
      %and3A_2059 = arith.constant 127 : i32
      %and3A_2060 = vector.broadcast %and3A_2059 : i32 to vector<16xi32>
      %and3A_2061 = arith.andi %get3A_2055, %and3A_2060 : vector<16xi32>
      %broadcast_in_dim3A = arith.constant 0 : i32
      %broadcast_in_dim3A_2062 = vector.broadcast %broadcast_in_dim3A : i32 to vector<16xi32>
      %gather3A = tpu.vector_load_idx %arg12[%broadcast_in_dim3A_2062, %and3A_5, %and3A_2058] : memref<2x8x128xf32, #tpu.memory_space<vmem>>[vector<16xi32>, vector<16xi32>, vector<16xi32>], vector<16xf32>,
      %gather3A_2063 = tpu.vector_load_idx %arg13[%broadcast_in_dim3A_2062, %and3A_5, %and3A_2061] : memref<2x8x128xf32, #tpu.memory_space<vmem>>[vector<16xi32>, vector<16xi32>, vector<16xi32>], vector<16xf32>,
      %add3A_2064 = arith.addf %gather3A, %gather3A_2063 : vector<16xf32>
      %add3A_2065 = arith.constant 3.500000e+00 : f32
      %add3A_2066 = vector.broadcast %add3A_2065 : f32 to vector<16xf32>
      %add3A_2067 = arith.addf %add3A_2064, %add3A_2066 : vector<16xf32>
      %broadcast_in_dim3A_2068 = arith.constant 0 : i32
      %broadcast_in_dim3A_2069 = vector.broadcast %broadcast_in_dim3A_2068 : i32 to vector<16xi32>
      %gather3A_2070 = tpu.vector_load_idx %arg10[%broadcast_in_dim3A_2062, %and3A_5, %broadcast_in_dim3A_2069, %and3A_2058] : memref<2x8x16x128xf32, #tpu.memory_space<vmem>>[vector<16xi32>, vector<16xi32>, vector<16xi32>, vector<16xi32>], vector<16xf32>,
      %gather3A_2071 = tpu.vector_load_idx %arg11[%broadcast_in_dim3A_2062, %and3A_5, %broadcast_in_dim3A_2069, %and3A_2061] : memref<2x8x16x128xf32, #tpu.memory_space<vmem>>[vector<16xi32>, vector<16xi32>, vector<16xi32>, vector<16xi32>], vector<16xf32>,
      %mul3A_2072 = arith.mulf %gather3A_2070, %gather3A_2071 : vector<16xf32>
      %add3A_2073 = arith.addf %add3A_2067, %mul3A_2072 : vector<16xf32>
      %broadcast_in_dim3A_2074 = arith.constant 1 : i32
      %broadcast_in_dim3A_2075 = vector.broadcast %broadcast_in_dim3A_2074 : i32 to vector<16xi32>
      %gather3A_2076 = tpu.vector_load_idx %arg10[%broadcast_in_dim3A_2062, %and3A_5, %broadcast_in_dim3A_2075, %and3A_2058] : memref<2x8x16x128xf32, #tpu.memory_space<vmem>>[vector<16xi32>, vector<16xi32>, vector<16xi32>, vector<16xi32>], vector<16xf32>,
      %gather3A_2077 = tpu.vector_load_idx %arg11[%broadcast_in_dim3A_2062, %and3A_5, %broadcast_in_dim3A_2075, %and3A_2061] : memref<2x8x16x128xf32, #tpu.memory_space<vmem>>[vector<16xi32>, vector<16xi32>, vector<16xi32>, vector<16xi32>], vector<16xf32>,
      %mul3A_2078 = arith.mulf %gather3A_2076, %gather3A_2077 : vector<16xf32>
      %add3A_2079 = arith.addf %add3A_2073, %mul3A_2078 : vector<16xf32>
      %broadcast_in_dim3A_2080 = arith.constant 2 : i32
      %broadcast_in_dim3A_2081 = vector.broadcast %broadcast_in_dim3A_2080 : i32 to vector<16xi32>
      %gather3A_2082 = tpu.vector_load_idx %arg10[%broadcast_in_dim3A_2062, %and3A_5, %broadcast_in_dim3A_2081, %and3A_2058] : memref<2x8x16x128xf32, #tpu.memory_space<vmem>>[vector<16xi32>, vector<16xi32>, vector<16xi32>, vector<16xi32>], vector<16xf32>,
      %gather3A_2083 = tpu.vector_load_idx %arg11[%broadcast_in_dim3A_2062, %and3A_5, %broadcast_in_dim3A_2081, %and3A_2061] : memref<2x8x16x128xf32, #tpu.memory_space<vmem>>[vector<16xi32>, vector<16xi32>, vector<16xi32>, vector<16xi32>], vector<16xf32>,
      %mul3A_2084 = arith.mulf %gather3A_2082, %gather3A_2083 : vector<16xf32>
      %add3A_2085 = arith.addf %add3A_2079, %mul3A_2084 : vector<16xf32>
      %broadcast_in_dim3A_2086 = arith.constant 3 : i32
      %broadcast_in_dim3A_2087 = vector.broadcast %broadcast_in_dim3A_2086 : i32 to vector<16xi32>
      %gather3A_2088 = tpu.vector_load_idx %arg10[%broadcast_in_dim3A_2062, %and3A_5, %broadcast_in_dim3A_2087, %and3A_2058] : memref<2x8x16x128xf32, #tpu.memory_space<vmem>>[vector<16xi32>, vector<16xi32>, vector<16xi32>, vector<16xi32>], vector<16xf32>,
      %gather3A_2089 = tpu.vector_load_idx %arg11[%broadcast_in_dim3A_2062, %and3A_5, %broadcast_in_dim3A_2087, %and3A_2061] : memref<2x8x16x128xf32, #tpu.memory_space<vmem>>[vector<16xi32>, vector<16xi32>, vector<16xi32>, vector<16xi32>], vector<16xf32>,
      %mul3A_2090 = arith.mulf %gather3A_2088, %gather3A_2089 : vector<16xf32>
      %add3A_2091 = arith.addf %add3A_2085, %mul3A_2090 : vector<16xf32>
      %broadcast_in_dim3A_2092 = arith.constant 4 : i32
      %broadcast_in_dim3A_2093 = vector.broadcast %broadcast_in_dim3A_2092 : i32 to vector<16xi32>
      %gather3A_2094 = tpu.vector_load_idx %arg10[%broadcast_in_dim3A_2062, %and3A_5, %broadcast_in_dim3A_2093, %and3A_2058] : memref<2x8x16x128xf32, #tpu.memory_space<vmem>>[vector<16xi32>, vector<16xi32>, vector<16xi32>, vector<16xi32>], vector<16xf32>,
      %gather3A_2095 = tpu.vector_load_idx %arg11[%broadcast_in_dim3A_2062, %and3A_5, %broadcast_in_dim3A_2093, %and3A_2061] : memref<2x8x16x128xf32, #tpu.memory_space<vmem>>[vector<16xi32>, vector<16xi32>, vector<16xi32>, vector<16xi32>], vector<16xf32>,
      %mul3A_2096 = arith.mulf %gather3A_2094, %gather3A_2095 : vector<16xf32>
      %add3A_2097 = arith.addf %add3A_2091, %mul3A_2096 : vector<16xf32>
      %broadcast_in_dim3A_2098 = arith.constant 5 : i32
      %broadcast_in_dim3A_2099 = vector.broadcast %broadcast_in_dim3A_2098 : i32 to vector<16xi32>
      %gather3A_2100 = tpu.vector_load_idx %arg10[%broadcast_in_dim3A_2062, %and3A_5, %broadcast_in_dim3A_2099, %and3A_2058] : memref<2x8x16x128xf32, #tpu.memory_space<vmem>>[vector<16xi32>, vector<16xi32>, vector<16xi32>, vector<16xi32>], vector<16xf32>,
      %gather3A_2101 = tpu.vector_load_idx %arg11[%broadcast_in_dim3A_2062, %and3A_5, %broadcast_in_dim3A_2099, %and3A_2061] : memref<2x8x16x128xf32, #tpu.memory_space<vmem>>[vector<16xi32>, vector<16xi32>, vector<16xi32>, vector<16xi32>], vector<16xf32>,
      %mul3A_2102 = arith.mulf %gather3A_2100, %gather3A_2101 : vector<16xf32>
      %add3A_2103 = arith.addf %add3A_2097, %mul3A_2102 : vector<16xf32>
      %broadcast_in_dim3A_2104 = arith.constant 6 : i32
      %broadcast_in_dim3A_2105 = vector.broadcast %broadcast_in_dim3A_2104 : i32 to vector<16xi32>
      %gather3A_2106 = tpu.vector_load_idx %arg10[%broadcast_in_dim3A_2062, %and3A_5, %broadcast_in_dim3A_2105, %and3A_2058] : memref<2x8x16x128xf32, #tpu.memory_space<vmem>>[vector<16xi32>, vector<16xi32>, vector<16xi32>, vector<16xi32>], vector<16xf32>,
      %gather3A_2107 = tpu.vector_load_idx %arg11[%broadcast_in_dim3A_2062, %and3A_5, %broadcast_in_dim3A_2105, %and3A_2061] : memref<2x8x16x128xf32, #tpu.memory_space<vmem>>[vector<16xi32>, vector<16xi32>, vector<16xi32>, vector<16xi32>], vector<16xf32>,
      %mul3A_2108 = arith.mulf %gather3A_2106, %gather3A_2107 : vector<16xf32>
      %add3A_2109 = arith.addf %add3A_2103, %mul3A_2108 : vector<16xf32>
      %broadcast_in_dim3A_2110 = arith.constant 7 : i32
      %broadcast_in_dim3A_2111 = vector.broadcast %broadcast_in_dim3A_2110 : i32 to vector<16xi32>
      %gather3A_2112 = tpu.vector_load_idx %arg10[%broadcast_in_dim3A_2062, %and3A_5, %broadcast_in_dim3A_2111, %and3A_2058] : memref<2x8x16x128xf32, #tpu.memory_space<vmem>>[vector<16xi32>, vector<16xi32>, vector<16xi32>, vector<16xi32>], vector<16xf32>,
      %gather3A_2113 = tpu.vector_load_idx %arg11[%broadcast_in_dim3A_2062, %and3A_5, %broadcast_in_dim3A_2111, %and3A_2061] : memref<2x8x16x128xf32, #tpu.memory_space<vmem>>[vector<16xi32>, vector<16xi32>, vector<16xi32>, vector<16xi32>], vector<16xf32>,
      %mul3A_2114 = arith.mulf %gather3A_2112, %gather3A_2113 : vector<16xf32>
      %add3A_2115 = arith.addf %add3A_2109, %mul3A_2114 : vector<16xf32>
      %broadcast_in_dim3A_2116 = arith.constant 8 : i32
      %broadcast_in_dim3A_2117 = vector.broadcast %broadcast_in_dim3A_2116 : i32 to vector<16xi32>
      %gather3A_2118 = tpu.vector_load_idx %arg10[%broadcast_in_dim3A_2062, %and3A_5, %broadcast_in_dim3A_2117, %and3A_2058] : memref<2x8x16x128xf32, #tpu.memory_space<vmem>>[vector<16xi32>, vector<16xi32>, vector<16xi32>, vector<16xi32>], vector<16xf32>,
      %gather3A_2119 = tpu.vector_load_idx %arg11[%broadcast_in_dim3A_2062, %and3A_5, %broadcast_in_dim3A_2117, %and3A_2061] : memref<2x8x16x128xf32, #tpu.memory_space<vmem>>[vector<16xi32>, vector<16xi32>, vector<16xi32>, vector<16xi32>], vector<16xf32>,
      %mul3A_2120 = arith.mulf %gather3A_2118, %gather3A_2119 : vector<16xf32>
      %add3A_2121 = arith.addf %add3A_2115, %mul3A_2120 : vector<16xf32>
      %broadcast_in_dim3A_2122 = arith.constant 9 : i32
      %broadcast_in_dim3A_2123 = vector.broadcast %broadcast_in_dim3A_2122 : i32 to vector<16xi32>
      %gather3A_2124 = tpu.vector_load_idx %arg10[%broadcast_in_dim3A_2062, %and3A_5, %broadcast_in_dim3A_2123, %and3A_2058] : memref<2x8x16x128xf32, #tpu.memory_space<vmem>>[vector<16xi32>, vector<16xi32>, vector<16xi32>, vector<16xi32>], vector<16xf32>,
      %gather3A_2125 = tpu.vector_load_idx %arg11[%broadcast_in_dim3A_2062, %and3A_5, %broadcast_in_dim3A_2123, %and3A_2061] : memref<2x8x16x128xf32, #tpu.memory_space<vmem>>[vector<16xi32>, vector<16xi32>, vector<16xi32>, vector<16xi32>], vector<16xf32>,
      %mul3A_2126 = arith.mulf %gather3A_2124, %gather3A_2125 : vector<16xf32>
      %add3A_2127 = arith.addf %add3A_2121, %mul3A_2126 : vector<16xf32>
      %broadcast_in_dim3A_2128 = arith.constant 10 : i32
      %broadcast_in_dim3A_2129 = vector.broadcast %broadcast_in_dim3A_2128 : i32 to vector<16xi32>
      %gather3A_2130 = tpu.vector_load_idx %arg10[%broadcast_in_dim3A_2062, %and3A_5, %broadcast_in_dim3A_2129, %and3A_2058] : memref<2x8x16x128xf32, #tpu.memory_space<vmem>>[vector<16xi32>, vector<16xi32>, vector<16xi32>, vector<16xi32>], vector<16xf32>,
      %gather3A_2131 = tpu.vector_load_idx %arg11[%broadcast_in_dim3A_2062, %and3A_5, %broadcast_in_dim3A_2129, %and3A_2061] : memref<2x8x16x128xf32, #tpu.memory_space<vmem>>[vector<16xi32>, vector<16xi32>, vector<16xi32>, vector<16xi32>], vector<16xf32>,
      %mul3A_2132 = arith.mulf %gather3A_2130, %gather3A_2131 : vector<16xf32>
      %add3A_2133 = arith.addf %add3A_2127, %mul3A_2132 : vector<16xf32>
      %broadcast_in_dim3A_2134 = arith.constant 11 : i32
      %broadcast_in_dim3A_2135 = vector.broadcast %broadcast_in_dim3A_2134 : i32 to vector<16xi32>
      %gather3A_2136 = tpu.vector_load_idx %arg10[%broadcast_in_dim3A_2062, %and3A_5, %broadcast_in_dim3A_2135, %and3A_2058] : memref<2x8x16x128xf32, #tpu.memory_space<vmem>>[vector<16xi32>, vector<16xi32>, vector<16xi32>, vector<16xi32>], vector<16xf32>,
      %gather3A_2137 = tpu.vector_load_idx %arg11[%broadcast_in_dim3A_2062, %and3A_5, %broadcast_in_dim3A_2135, %and3A_2061] : memref<2x8x16x128xf32, #tpu.memory_space<vmem>>[vector<16xi32>, vector<16xi32>, vector<16xi32>, vector<16xi32>], vector<16xf32>,
      %mul3A_2138 = arith.mulf %gather3A_2136, %gather3A_2137 : vector<16xf32>
      %add3A_2139 = arith.addf %add3A_2133, %mul3A_2138 : vector<16xf32>
      %broadcast_in_dim3A_2140 = arith.constant 12 : i32
      %broadcast_in_dim3A_2141 = vector.broadcast %broadcast_in_dim3A_2140 : i32 to vector<16xi32>
      %gather3A_2142 = tpu.vector_load_idx %arg10[%broadcast_in_dim3A_2062, %and3A_5, %broadcast_in_dim3A_2141, %and3A_2058] : memref<2x8x16x128xf32, #tpu.memory_space<vmem>>[vector<16xi32>, vector<16xi32>, vector<16xi32>, vector<16xi32>], vector<16xf32>,
      %gather3A_2143 = tpu.vector_load_idx %arg11[%broadcast_in_dim3A_2062, %and3A_5, %broadcast_in_dim3A_2141, %and3A_2061] : memref<2x8x16x128xf32, #tpu.memory_space<vmem>>[vector<16xi32>, vector<16xi32>, vector<16xi32>, vector<16xi32>], vector<16xf32>,
      %mul3A_2144 = arith.mulf %gather3A_2142, %gather3A_2143 : vector<16xf32>
      %add3A_2145 = arith.addf %add3A_2139, %mul3A_2144 : vector<16xf32>
      %broadcast_in_dim3A_2146 = arith.constant 13 : i32
      %broadcast_in_dim3A_2147 = vector.broadcast %broadcast_in_dim3A_2146 : i32 to vector<16xi32>
      %gather3A_2148 = tpu.vector_load_idx %arg10[%broadcast_in_dim3A_2062, %and3A_5, %broadcast_in_dim3A_2147, %and3A_2058] : memref<2x8x16x128xf32, #tpu.memory_space<vmem>>[vector<16xi32>, vector<16xi32>, vector<16xi32>, vector<16xi32>], vector<16xf32>,
      %gather3A_2149 = tpu.vector_load_idx %arg11[%broadcast_in_dim3A_2062, %and3A_5, %broadcast_in_dim3A_2147, %and3A_2061] : memref<2x8x16x128xf32, #tpu.memory_space<vmem>>[vector<16xi32>, vector<16xi32>, vector<16xi32>, vector<16xi32>], vector<16xf32>,
      %mul3A_2150 = arith.mulf %gather3A_2148, %gather3A_2149 : vector<16xf32>
      %add3A_2151 = arith.addf %add3A_2145, %mul3A_2150 : vector<16xf32>
      %broadcast_in_dim3A_2152 = arith.constant 14 : i32
      %broadcast_in_dim3A_2153 = vector.broadcast %broadcast_in_dim3A_2152 : i32 to vector<16xi32>
      %gather3A_2154 = tpu.vector_load_idx %arg10[%broadcast_in_dim3A_2062, %and3A_5, %broadcast_in_dim3A_2153, %and3A_2058] : memref<2x8x16x128xf32, #tpu.memory_space<vmem>>[vector<16xi32>, vector<16xi32>, vector<16xi32>, vector<16xi32>], vector<16xf32>,
      %gather3A_2155 = tpu.vector_load_idx %arg11[%broadcast_in_dim3A_2062, %and3A_5, %broadcast_in_dim3A_2153, %and3A_2061] : memref<2x8x16x128xf32, #tpu.memory_space<vmem>>[vector<16xi32>, vector<16xi32>, vector<16xi32>, vector<16xi32>], vector<16xf32>,
      %mul3A_2156 = arith.mulf %gather3A_2154, %gather3A_2155 : vector<16xf32>
      %add3A_2157 = arith.addf %add3A_2151, %mul3A_2156 : vector<16xf32>
      %broadcast_in_dim3A_2158 = arith.constant 15 : i32
      %broadcast_in_dim3A_2159 = vector.broadcast %broadcast_in_dim3A_2158 : i32 to vector<16xi32>
      %gather3A_2160 = tpu.vector_load_idx %arg10[%broadcast_in_dim3A_2062, %and3A_5, %broadcast_in_dim3A_2159, %and3A_2058] : memref<2x8x16x128xf32, #tpu.memory_space<vmem>>[vector<16xi32>, vector<16xi32>, vector<16xi32>, vector<16xi32>], vector<16xf32>,
      %gather3A_2161 = tpu.vector_load_idx %arg11[%broadcast_in_dim3A_2062, %and3A_5, %broadcast_in_dim3A_2159, %and3A_2061] : memref<2x8x16x128xf32, #tpu.memory_space<vmem>>[vector<16xi32>, vector<16xi32>, vector<16xi32>, vector<16xi32>], vector<16xf32>,
      %mul3A_2162 = arith.mulf %gather3A_2160, %gather3A_2161 : vector<16xf32>
      %add3A_2163 = arith.addf %add3A_2157, %mul3A_2162 : vector<16xf32>
      %neg3A = arith.constant 0.000000e+00 : f32
      %neg3A_2164 = vector.broadcast %neg3A : f32 to vector<16xf32>
      %neg3A_2165 = arith.subf %neg3A_2164, %add3A_2163 : vector<16xf32>
      %exp3A = math.exp %neg3A_2165 : vector<16xf32>
      %add3A_2166 = arith.constant 1.000000e+00 : f32
      %add3A_2167 = vector.broadcast %add3A_2166 : f32 to vector<16xf32>
      %add3A_2168 = arith.addf %add3A_2167, %exp3A : vector<16xf32>
      %div3A = arith.constant 1.000000e+00 : f32
      %div3A_2169 = vector.broadcast %div3A : f32 to vector<16xf32>
      %div3A_2170 = arith.divf %div3A_2169, %add3A_2168 : vector<16xf32>
      %swap3A = arith.index_cast %mul3A_2051 : i32 to index
      %swap3A_2171 = tpu.vector_load %arg14[%swap3A] {strides = array<i32>} : memref<528xf32, #tpu.memory_space<vmem>>, vector<16xf32>,
      tpu.vector_store %arg14[%swap3A], %div3A_2170 {strides = array<i32>} : memref<528xf32, #tpu.memory_space<vmem>>, vector<16xf32>,
      %lt3A = arith.constant 31 : i32
      %lt3A_2172 = arith.cmpi slt, %scan3A_776, %lt3A : i32
      %convert_element_type3A = arith.extui %lt3A_2172 : i1 to i32
      %cond3A = arith.constant 0 : i32
      %cond3A_2173 = arith.cmpi ne, %convert_element_type3A, %cond3A : i32
      scf.if %cond3A_2173 {
        %add3A_2798 = arith.constant 2 : i32
        %add3A_2799 = arith.addi %mul3A_778, %add3A_2798 : i32
        %mul3A_2800 = arith.constant 8 : i32
        %mul3A_2801 = arith.muli %add3A_2799, %mul3A_2800 : i32
        %get3A_2802 = arith.index_cast %mul3A_2801 : i32 to index
        %get3A_2803 = tpu.vector_load %arg8[%get3A_2802] {strides = array<i32>} : memref<528xi32, #tpu.memory_space<vmem>>, vector<16xi32>,
        %get3A_2804 = arith.index_cast %mul3A_2801 : i32 to index
        %get3A_2805 = tpu.vector_load %arg9[%get3A_2804] {strides = array<i32>} : memref<528xi32, #tpu.memory_space<vmem>>, vector<16xi32>,
        %slice3A_2806 = vector.extract_strided_slice %get3A_2803 {offsets = [0], sizes = [1], strides = [1]} : vector<16xi32> to vector<1xi32>
        %squeeze3A_2807 = vector.extract %slice3A_2806[0] : i32 from vector<1xi32>
        %slice3A_2808 = vector.extract_strided_slice %get3A_2805 {offsets = [0], sizes = [1], strides = [1]} : vector<16xi32> to vector<1xi32>
        %squeeze3A_2809 = vector.extract %slice3A_2808[0] : i32 from vector<1xi32>
        %shift_right_arithmetic3A_2810 = arith.constant 7 : i32
        %shift_right_arithmetic3A_2811 = arith.shrsi %squeeze3A_2807, %shift_right_arithmetic3A_2810 : i32
        %shift_left3A_2812 = arith.constant 7 : i32
        %shift_left3A_2813 = arith.shli %shift_right_arithmetic3A_2811, %shift_left3A_2812 : i32
        %multiple_of3A_2814 = tpu.assume_multiple %shift_left3A_2813, 128 : i32
        %shift_right_arithmetic3A_2815 = arith.constant 7 : i32
        %shift_right_arithmetic3A_2816 = arith.shrsi %squeeze3A_2809, %shift_right_arithmetic3A_2815 : i32
        %shift_left3A_2817 = arith.constant 7 : i32
        %shift_left3A_2818 = arith.shli %shift_right_arithmetic3A_2816, %shift_left3A_2817 : i32
        %multiple_of3A_2819 = tpu.assume_multiple %shift_left3A_2818, 128 : i32
        %dma_start3A_2820 = arith.constant 0 : i32
        %dma_start3A_2821 = arith.constant 0 : i32
        %dma_start3A_2822 = arith.constant 0 : i32
        %dma_start3A_2823 = arith.constant 0 : i32
        %dma_start3A_2824 = tpu.memref_slice %arg10[%dma_start3A_2820, %dma_start3A_2821, %dma_start3A_2822, %dma_start3A_2823] : memref<2x8x16x128xf32, #tpu.memory_space<vmem>> -> memref<1x1x8x128xf32, #tpu.memory_space<vmem>>
        %dma_start3A_2825 = tpu.memref_squeeze %dma_start3A_2824 : memref<1x1x8x128xf32, #tpu.memory_space<vmem>> -> memref<8x128xf32, #tpu.memory_space<vmem>>
        %dma_start3A_2826 = arith.constant 0 : i32
        %dma_start3A_2827 = tpu.memref_slice %arg3[%dma_start3A_2826, %multiple_of3A_2814] : memref<16x1000000xf32, #tpu.memory_space<hbm>> -> memref<8x128xf32, #tpu.memory_space<hbm>>
        %dma_start3A_2828 = arith.constant 0 : i32
        %dma_start3A_2829 = arith.constant 0 : i32
        %dma_start3A_2830 = tpu.memref_slice %arg10[%dma_start3A_2820, %dma_start3A_2821, %dma_start3A_2828, %dma_start3A_2829] : memref<2x8x16x128xf32, #tpu.memory_space<vmem>> -> memref<1x1x8x128xf32, #tpu.memory_space<vmem>>
        %dma_start3A_2831 = tpu.memref_squeeze %dma_start3A_2830 : memref<1x1x8x128xf32, #tpu.memory_space<vmem>> -> memref<8x128xf32, #tpu.memory_space<vmem>>
        %dma_start3A_2832 = arith.constant 0 : i32
        %dma_start3A_2833 = tpu.memref_slice %arg3[%dma_start3A_2832, %multiple_of3A_2814] : memref<16x1000000xf32, #tpu.memory_space<hbm>> -> memref<8x128xf32, #tpu.memory_space<hbm>>
        tpu.enqueue_dma source(%dma_start3A_2833 : memref<8x128xf32, #tpu.memory_space<hbm>>) target(%dma_start3A_2831 : memref<8x128xf32, #tpu.memory_space<vmem>>) target_semaphore(%arg15 : memref<!tpu.dma_semaphore, #tpu.memory_space<semaphore_mem>>)
        %dma_start3A_2834 = arith.constant 0 : i32
        %dma_start3A_2835 = arith.constant 0 : i32
        %dma_start3A_2836 = arith.constant 8 : i32
        %dma_start3A_2837 = arith.constant 0 : i32
        %dma_start3A_2838 = tpu.memref_slice %arg10[%dma_start3A_2834, %dma_start3A_2835, %dma_start3A_2836, %dma_start3A_2837] : memref<2x8x16x128xf32, #tpu.memory_space<vmem>> -> memref<1x1x8x128xf32, #tpu.memory_space<vmem>>
        %dma_start3A_2839 = tpu.memref_squeeze %dma_start3A_2838 : memref<1x1x8x128xf32, #tpu.memory_space<vmem>> -> memref<8x128xf32, #tpu.memory_space<vmem>>
        %dma_start3A_2840 = arith.constant 8 : i32
        %dma_start3A_2841 = tpu.memref_slice %arg3[%dma_start3A_2840, %multiple_of3A_2814] : memref<16x1000000xf32, #tpu.memory_space<hbm>> -> memref<8x128xf32, #tpu.memory_space<hbm>>
        %dma_start3A_2842 = arith.constant 8 : i32
        %dma_start3A_2843 = arith.constant 0 : i32
        %dma_start3A_2844 = tpu.memref_slice %arg10[%dma_start3A_2834, %dma_start3A_2835, %dma_start3A_2842, %dma_start3A_2843] : memref<2x8x16x128xf32, #tpu.memory_space<vmem>> -> memref<1x1x8x128xf32, #tpu.memory_space<vmem>>
        %dma_start3A_2845 = tpu.memref_squeeze %dma_start3A_2844 : memref<1x1x8x128xf32, #tpu.memory_space<vmem>> -> memref<8x128xf32, #tpu.memory_space<vmem>>
        %dma_start3A_2846 = arith.constant 8 : i32
        %dma_start3A_2847 = tpu.memref_slice %arg3[%dma_start3A_2846, %multiple_of3A_2814] : memref<16x1000000xf32, #tpu.memory_space<hbm>> -> memref<8x128xf32, #tpu.memory_space<hbm>>
        tpu.enqueue_dma source(%dma_start3A_2847 : memref<8x128xf32, #tpu.memory_space<hbm>>) target(%dma_start3A_2845 : memref<8x128xf32, #tpu.memory_space<vmem>>) target_semaphore(%arg15 : memref<!tpu.dma_semaphore, #tpu.memory_space<semaphore_mem>>)
        %dma_start3A_2848 = arith.constant 0 : i32
        %dma_start3A_2849 = arith.constant 0 : i32
        %dma_start3A_2850 = arith.constant 0 : i32
        %dma_start3A_2851 = arith.constant 0 : i32
        %dma_start3A_2852 = tpu.memref_slice %arg11[%dma_start3A_2848, %dma_start3A_2849, %dma_start3A_2850, %dma_start3A_2851] : memref<2x8x16x128xf32, #tpu.memory_space<vmem>> -> memref<1x1x8x128xf32, #tpu.memory_space<vmem>>
        %dma_start3A_2853 = tpu.memref_squeeze %dma_start3A_2852 : memref<1x1x8x128xf32, #tpu.memory_space<vmem>> -> memref<8x128xf32, #tpu.memory_space<vmem>>
        %dma_start3A_2854 = arith.constant 0 : i32
        %dma_start3A_2855 = tpu.memref_slice %arg4[%dma_start3A_2854, %multiple_of3A_2819] : memref<16x1000000xf32, #tpu.memory_space<hbm>> -> memref<8x128xf32, #tpu.memory_space<hbm>>
        %dma_start3A_2856 = arith.constant 0 : i32
        %dma_start3A_2857 = arith.constant 0 : i32
        %dma_start3A_2858 = tpu.memref_slice %arg11[%dma_start3A_2848, %dma_start3A_2849, %dma_start3A_2856, %dma_start3A_2857] : memref<2x8x16x128xf32, #tpu.memory_space<vmem>> -> memref<1x1x8x128xf32, #tpu.memory_space<vmem>>
        %dma_start3A_2859 = tpu.memref_squeeze %dma_start3A_2858 : memref<1x1x8x128xf32, #tpu.memory_space<vmem>> -> memref<8x128xf32, #tpu.memory_space<vmem>>
        %dma_start3A_2860 = arith.constant 0 : i32
        %dma_start3A_2861 = tpu.memref_slice %arg4[%dma_start3A_2860, %multiple_of3A_2819] : memref<16x1000000xf32, #tpu.memory_space<hbm>> -> memref<8x128xf32, #tpu.memory_space<hbm>>
        tpu.enqueue_dma source(%dma_start3A_2861 : memref<8x128xf32, #tpu.memory_space<hbm>>) target(%dma_start3A_2859 : memref<8x128xf32, #tpu.memory_space<vmem>>) target_semaphore(%arg15 : memref<!tpu.dma_semaphore, #tpu.memory_space<semaphore_mem>>)
        %dma_start3A_2862 = arith.constant 0 : i32
        %dma_start3A_2863 = arith.constant 0 : i32
        %dma_start3A_2864 = arith.constant 8 : i32
        %dma_start3A_2865 = arith.constant 0 : i32
        %dma_start3A_2866 = tpu.memref_slice %arg11[%dma_start3A_2862, %dma_start3A_2863, %dma_start3A_2864, %dma_start3A_2865] : memref<2x8x16x128xf32, #tpu.memory_space<vmem>> -> memref<1x1x8x128xf32, #tpu.memory_space<vmem>>
        %dma_start3A_2867 = tpu.memref_squeeze %dma_start3A_2866 : memref<1x1x8x128xf32, #tpu.memory_space<vmem>> -> memref<8x128xf32, #tpu.memory_space<vmem>>
        %dma_start3A_2868 = arith.constant 8 : i32
        %dma_start3A_2869 = tpu.memref_slice %arg4[%dma_start3A_2868, %multiple_of3A_2819] : memref<16x1000000xf32, #tpu.memory_space<hbm>> -> memref<8x128xf32, #tpu.memory_space<hbm>>
        %dma_start3A_2870 = arith.constant 8 : i32
        %dma_start3A_2871 = arith.constant 0 : i32
        %dma_start3A_2872 = tpu.memref_slice %arg11[%dma_start3A_2862, %dma_start3A_2863, %dma_start3A_2870, %dma_start3A_2871] : memref<2x8x16x128xf32, #tpu.memory_space<vmem>> -> memref<1x1x8x128xf32, #tpu.memory_space<vmem>>
        %dma_start3A_2873 = tpu.memref_squeeze %dma_start3A_2872 : memref<1x1x8x128xf32, #tpu.memory_space<vmem>> -> memref<8x128xf32, #tpu.memory_space<vmem>>
        %dma_start3A_2874 = arith.constant 8 : i32
        %dma_start3A_2875 = tpu.memref_slice %arg4[%dma_start3A_2874, %multiple_of3A_2819] : memref<16x1000000xf32, #tpu.memory_space<hbm>> -> memref<8x128xf32, #tpu.memory_space<hbm>>
        tpu.enqueue_dma source(%dma_start3A_2875 : memref<8x128xf32, #tpu.memory_space<hbm>>) target(%dma_start3A_2873 : memref<8x128xf32, #tpu.memory_space<vmem>>) target_semaphore(%arg15 : memref<!tpu.dma_semaphore, #tpu.memory_space<semaphore_mem>>)
        %dma_start3A_2876 = arith.constant 0 : i32
        %dma_start3A_2877 = arith.constant 0 : i32
        %dma_start3A_2878 = arith.constant 0 : i32
        %dma_start3A_2879 = tpu.memref_slice %arg12[%dma_start3A_2876, %dma_start3A_2877, %dma_start3A_2878] : memref<2x8x128xf32, #tpu.memory_space<vmem>> -> memref<1x1x128xf32, #tpu.memory_space<vmem>>
        %dma_start3A_2880 = tpu.memref_squeeze %dma_start3A_2879 : memref<1x1x128xf32, #tpu.memory_space<vmem>> -> memref<1x128xf32, #tpu.memory_space<vmem>>
        %dma_start3A_2881 = arith.constant 0 : i32
        %dma_start3A_2882 = tpu.memref_slice %arg5[%dma_start3A_2881, %multiple_of3A_2814] : memref<1x1000000xf32, #tpu.memory_space<hbm>> -> memref<1x128xf32, #tpu.memory_space<hbm>>
        %dma_start3A_2883 = arith.constant 0 : i32
        %dma_start3A_2884 = arith.constant 0 : i32
        %dma_start3A_2885 = tpu.memref_slice %arg12[%dma_start3A_2876, %dma_start3A_2883, %dma_start3A_2884] : memref<2x8x128xf32, #tpu.memory_space<vmem>> -> memref<1x1x128xf32, #tpu.memory_space<vmem>>
        %dma_start3A_2886 = tpu.memref_squeeze %dma_start3A_2885 : memref<1x1x128xf32, #tpu.memory_space<vmem>> -> memref<1x128xf32, #tpu.memory_space<vmem>>
        %dma_start3A_2887 = arith.constant 0 : i32
        %dma_start3A_2888 = tpu.memref_slice %arg5[%dma_start3A_2887, %multiple_of3A_2814] : memref<1x1000000xf32, #tpu.memory_space<hbm>> -> memref<1x128xf32, #tpu.memory_space<hbm>>
        tpu.enqueue_dma source(%dma_start3A_2888 : memref<1x128xf32, #tpu.memory_space<hbm>>) target(%dma_start3A_2886 : memref<1x128xf32, #tpu.memory_space<vmem>>) target_semaphore(%arg15 : memref<!tpu.dma_semaphore, #tpu.memory_space<semaphore_mem>>)
        %dma_start3A_2889 = arith.constant 0 : i32
        %dma_start3A_2890 = arith.constant 0 : i32
        %dma_start3A_2891 = arith.constant 0 : i32
        %dma_start3A_2892 = tpu.memref_slice %arg13[%dma_start3A_2889, %dma_start3A_2890, %dma_start3A_2891] : memref<2x8x128xf32, #tpu.memory_space<vmem>> -> memref<1x1x128xf32, #tpu.memory_space<vmem>>
        %dma_start3A_2893 = tpu.memref_squeeze %dma_start3A_2892 : memref<1x1x128xf32, #tpu.memory_space<vmem>> -> memref<1x128xf32, #tpu.memory_space<vmem>>
        %dma_start3A_2894 = arith.constant 0 : i32
        %dma_start3A_2895 = tpu.memref_slice %arg6[%dma_start3A_2894, %multiple_of3A_2819] : memref<1x1000000xf32, #tpu.memory_space<hbm>> -> memref<1x128xf32, #tpu.memory_space<hbm>>
        %dma_start3A_2896 = arith.constant 0 : i32
        %dma_start3A_2897 = arith.constant 0 : i32
        %dma_start3A_2898 = tpu.memref_slice %arg13[%dma_start3A_2889, %dma_start3A_2896, %dma_start3A_2897] : memref<2x8x128xf32, #tpu.memory_space<vmem>> -> memref<1x1x128xf32, #tpu.memory_space<vmem>>
        %dma_start3A_2899 = tpu.memref_squeeze %dma_start3A_2898 : memref<1x1x128xf32, #tpu.memory_space<vmem>> -> memref<1x128xf32, #tpu.memory_space<vmem>>
        %dma_start3A_2900 = arith.constant 0 : i32
        %dma_start3A_2901 = tpu.memref_slice %arg6[%dma_start3A_2900, %multiple_of3A_2819] : memref<1x1000000xf32, #tpu.memory_space<hbm>> -> memref<1x128xf32, #tpu.memory_space<hbm>>
        tpu.enqueue_dma source(%dma_start3A_2901 : memref<1x128xf32, #tpu.memory_space<hbm>>) target(%dma_start3A_2899 : memref<1x128xf32, #tpu.memory_space<vmem>>) target_semaphore(%arg15 : memref<!tpu.dma_semaphore, #tpu.memory_space<semaphore_mem>>)
        %slice3A_2902 = vector.extract_strided_slice %get3A_2803 {offsets = [1], sizes = [1], strides = [1]} : vector<16xi32> to vector<1xi32>
        %squeeze3A_2903 = vector.extract %slice3A_2902[0] : i32 from vector<1xi32>
        %slice3A_2904 = vector.extract_strided_slice %get3A_2805 {offsets = [1], sizes = [1], strides = [1]} : vector<16xi32> to vector<1xi32>
        %squeeze3A_2905 = vector.extract %slice3A_2904[0] : i32 from vector<1xi32>
        %shift_right_arithmetic3A_2906 = arith.constant 7 : i32
        %shift_right_arithmetic3A_2907 = arith.shrsi %squeeze3A_2903, %shift_right_arithmetic3A_2906 : i32
        %shift_left3A_2908 = arith.constant 7 : i32
        %shift_left3A_2909 = arith.shli %shift_right_arithmetic3A_2907, %shift_left3A_2908 : i32
        %multiple_of3A_2910 = tpu.assume_multiple %shift_left3A_2909, 128 : i32
        %shift_right_arithmetic3A_2911 = arith.constant 7 : i32
        %shift_right_arithmetic3A_2912 = arith.shrsi %squeeze3A_2905, %shift_right_arithmetic3A_2911 : i32
        %shift_left3A_2913 = arith.constant 7 : i32
        %shift_left3A_2914 = arith.shli %shift_right_arithmetic3A_2912, %shift_left3A_2913 : i32
        %multiple_of3A_2915 = tpu.assume_multiple %shift_left3A_2914, 128 : i32
        %dma_start3A_2916 = arith.constant 0 : i32
        %dma_start3A_2917 = arith.constant 1 : i32
        %dma_start3A_2918 = arith.constant 0 : i32
        %dma_start3A_2919 = arith.constant 0 : i32
        %dma_start3A_2920 = tpu.memref_slice %arg10[%dma_start3A_2916, %dma_start3A_2917, %dma_start3A_2918, %dma_start3A_2919] : memref<2x8x16x128xf32, #tpu.memory_space<vmem>> -> memref<1x1x8x128xf32, #tpu.memory_space<vmem>>
        %dma_start3A_2921 = tpu.memref_squeeze %dma_start3A_2920 : memref<1x1x8x128xf32, #tpu.memory_space<vmem>> -> memref<8x128xf32, #tpu.memory_space<vmem>>
        %dma_start3A_2922 = arith.constant 0 : i32
        %dma_start3A_2923 = tpu.memref_slice %arg3[%dma_start3A_2922, %multiple_of3A_2910] : memref<16x1000000xf32, #tpu.memory_space<hbm>> -> memref<8x128xf32, #tpu.memory_space<hbm>>
        %dma_start3A_2924 = arith.constant 0 : i32
        %dma_start3A_2925 = arith.constant 0 : i32
        %dma_start3A_2926 = tpu.memref_slice %arg10[%dma_start3A_2916, %dma_start3A_2917, %dma_start3A_2924, %dma_start3A_2925] : memref<2x8x16x128xf32, #tpu.memory_space<vmem>> -> memref<1x1x8x128xf32, #tpu.memory_space<vmem>>
        %dma_start3A_2927 = tpu.memref_squeeze %dma_start3A_2926 : memref<1x1x8x128xf32, #tpu.memory_space<vmem>> -> memref<8x128xf32, #tpu.memory_space<vmem>>
        %dma_start3A_2928 = arith.constant 0 : i32
        %dma_start3A_2929 = tpu.memref_slice %arg3[%dma_start3A_2928, %multiple_of3A_2910] : memref<16x1000000xf32, #tpu.memory_space<hbm>> -> memref<8x128xf32, #tpu.memory_space<hbm>>
        tpu.enqueue_dma source(%dma_start3A_2929 : memref<8x128xf32, #tpu.memory_space<hbm>>) target(%dma_start3A_2927 : memref<8x128xf32, #tpu.memory_space<vmem>>) target_semaphore(%arg15 : memref<!tpu.dma_semaphore, #tpu.memory_space<semaphore_mem>>)
        %dma_start3A_2930 = arith.constant 0 : i32
        %dma_start3A_2931 = arith.constant 1 : i32
        %dma_start3A_2932 = arith.constant 8 : i32
        %dma_start3A_2933 = arith.constant 0 : i32
        %dma_start3A_2934 = tpu.memref_slice %arg10[%dma_start3A_2930, %dma_start3A_2931, %dma_start3A_2932, %dma_start3A_2933] : memref<2x8x16x128xf32, #tpu.memory_space<vmem>> -> memref<1x1x8x128xf32, #tpu.memory_space<vmem>>
        %dma_start3A_2935 = tpu.memref_squeeze %dma_start3A_2934 : memref<1x1x8x128xf32, #tpu.memory_space<vmem>> -> memref<8x128xf32, #tpu.memory_space<vmem>>
        %dma_start3A_2936 = arith.constant 8 : i32
        %dma_start3A_2937 = tpu.memref_slice %arg3[%dma_start3A_2936, %multiple_of3A_2910] : memref<16x1000000xf32, #tpu.memory_space<hbm>> -> memref<8x128xf32, #tpu.memory_space<hbm>>
        %dma_start3A_2938 = arith.constant 8 : i32
        %dma_start3A_2939 = arith.constant 0 : i32
        %dma_start3A_2940 = tpu.memref_slice %arg10[%dma_start3A_2930, %dma_start3A_2931, %dma_start3A_2938, %dma_start3A_2939] : memref<2x8x16x128xf32, #tpu.memory_space<vmem>> -> memref<1x1x8x128xf32, #tpu.memory_space<vmem>>
        %dma_start3A_2941 = tpu.memref_squeeze %dma_start3A_2940 : memref<1x1x8x128xf32, #tpu.memory_space<vmem>> -> memref<8x128xf32, #tpu.memory_space<vmem>>
        %dma_start3A_2942 = arith.constant 8 : i32
        %dma_start3A_2943 = tpu.memref_slice %arg3[%dma_start3A_2942, %multiple_of3A_2910] : memref<16x1000000xf32, #tpu.memory_space<hbm>> -> memref<8x128xf32, #tpu.memory_space<hbm>>
        tpu.enqueue_dma source(%dma_start3A_2943 : memref<8x128xf32, #tpu.memory_space<hbm>>) target(%dma_start3A_2941 : memref<8x128xf32, #tpu.memory_space<vmem>>) target_semaphore(%arg15 : memref<!tpu.dma_semaphore, #tpu.memory_space<semaphore_mem>>)
        %dma_start3A_2944 = arith.constant 0 : i32
        %dma_start3A_2945 = arith.constant 1 : i32
        %dma_start3A_2946 = arith.constant 0 : i32
        %dma_start3A_2947 = arith.constant 0 : i32
        %dma_start3A_2948 = tpu.memref_slice %arg11[%dma_start3A_2944, %dma_start3A_2945, %dma_start3A_2946, %dma_start3A_2947] : memref<2x8x16x128xf32, #tpu.memory_space<vmem>> -> memref<1x1x8x128xf32, #tpu.memory_space<vmem>>
        %dma_start3A_2949 = tpu.memref_squeeze %dma_start3A_2948 : memref<1x1x8x128xf32, #tpu.memory_space<vmem>> -> memref<8x128xf32, #tpu.memory_space<vmem>>
        %dma_start3A_2950 = arith.constant 0 : i32
        %dma_start3A_2951 = tpu.memref_slice %arg4[%dma_start3A_2950, %multiple_of3A_2915] : memref<16x1000000xf32, #tpu.memory_space<hbm>> -> memref<8x128xf32, #tpu.memory_space<hbm>>
        %dma_start3A_2952 = arith.constant 0 : i32
        %dma_start3A_2953 = arith.constant 0 : i32
        %dma_start3A_2954 = tpu.memref_slice %arg11[%dma_start3A_2944, %dma_start3A_2945, %dma_start3A_2952, %dma_start3A_2953] : memref<2x8x16x128xf32, #tpu.memory_space<vmem>> -> memref<1x1x8x128xf32, #tpu.memory_space<vmem>>
        %dma_start3A_2955 = tpu.memref_squeeze %dma_start3A_2954 : memref<1x1x8x128xf32, #tpu.memory_space<vmem>> -> memref<8x128xf32, #tpu.memory_space<vmem>>
        %dma_start3A_2956 = arith.constant 0 : i32
        %dma_start3A_2957 = tpu.memref_slice %arg4[%dma_start3A_2956, %multiple_of3A_2915] : memref<16x1000000xf32, #tpu.memory_space<hbm>> -> memref<8x128xf32, #tpu.memory_space<hbm>>
        tpu.enqueue_dma source(%dma_start3A_2957 : memref<8x128xf32, #tpu.memory_space<hbm>>) target(%dma_start3A_2955 : memref<8x128xf32, #tpu.memory_space<vmem>>) target_semaphore(%arg15 : memref<!tpu.dma_semaphore, #tpu.memory_space<semaphore_mem>>)
        %dma_start3A_2958 = arith.constant 0 : i32
        %dma_start3A_2959 = arith.constant 1 : i32
        %dma_start3A_2960 = arith.constant 8 : i32
        %dma_start3A_2961 = arith.constant 0 : i32
        %dma_start3A_2962 = tpu.memref_slice %arg11[%dma_start3A_2958, %dma_start3A_2959, %dma_start3A_2960, %dma_start3A_2961] : memref<2x8x16x128xf32, #tpu.memory_space<vmem>> -> memref<1x1x8x128xf32, #tpu.memory_space<vmem>>
        %dma_start3A_2963 = tpu.memref_squeeze %dma_start3A_2962 : memref<1x1x8x128xf32, #tpu.memory_space<vmem>> -> memref<8x128xf32, #tpu.memory_space<vmem>>
        %dma_start3A_2964 = arith.constant 8 : i32
        %dma_start3A_2965 = tpu.memref_slice %arg4[%dma_start3A_2964, %multiple_of3A_2915] : memref<16x1000000xf32, #tpu.memory_space<hbm>> -> memref<8x128xf32, #tpu.memory_space<hbm>>
        %dma_start3A_2966 = arith.constant 8 : i32
        %dma_start3A_2967 = arith.constant 0 : i32
        %dma_start3A_2968 = tpu.memref_slice %arg11[%dma_start3A_2958, %dma_start3A_2959, %dma_start3A_2966, %dma_start3A_2967] : memref<2x8x16x128xf32, #tpu.memory_space<vmem>> -> memref<1x1x8x128xf32, #tpu.memory_space<vmem>>
        %dma_start3A_2969 = tpu.memref_squeeze %dma_start3A_2968 : memref<1x1x8x128xf32, #tpu.memory_space<vmem>> -> memref<8x128xf32, #tpu.memory_space<vmem>>
        %dma_start3A_2970 = arith.constant 8 : i32
        %dma_start3A_2971 = tpu.memref_slice %arg4[%dma_start3A_2970, %multiple_of3A_2915] : memref<16x1000000xf32, #tpu.memory_space<hbm>> -> memref<8x128xf32, #tpu.memory_space<hbm>>
        tpu.enqueue_dma source(%dma_start3A_2971 : memref<8x128xf32, #tpu.memory_space<hbm>>) target(%dma_start3A_2969 : memref<8x128xf32, #tpu.memory_space<vmem>>) target_semaphore(%arg15 : memref<!tpu.dma_semaphore, #tpu.memory_space<semaphore_mem>>)
        %dma_start3A_2972 = arith.constant 0 : i32
        %dma_start3A_2973 = arith.constant 1 : i32
        %dma_start3A_2974 = arith.constant 0 : i32
        %dma_start3A_2975 = tpu.memref_slice %arg12[%dma_start3A_2972, %dma_start3A_2973, %dma_start3A_2974] : memref<2x8x128xf32, #tpu.memory_space<vmem>> -> memref<1x1x128xf32, #tpu.memory_space<vmem>>
        %dma_start3A_2976 = tpu.memref_squeeze %dma_start3A_2975 : memref<1x1x128xf32, #tpu.memory_space<vmem>> -> memref<1x128xf32, #tpu.memory_space<vmem>>
        %dma_start3A_2977 = arith.constant 0 : i32
        %dma_start3A_2978 = tpu.memref_slice %arg5[%dma_start3A_2977, %multiple_of3A_2910] : memref<1x1000000xf32, #tpu.memory_space<hbm>> -> memref<1x128xf32, #tpu.memory_space<hbm>>
        %dma_start3A_2979 = arith.constant 1 : i32
        %dma_start3A_2980 = arith.constant 0 : i32
        %dma_start3A_2981 = tpu.memref_slice %arg12[%dma_start3A_2972, %dma_start3A_2979, %dma_start3A_2980] : memref<2x8x128xf32, #tpu.memory_space<vmem>> -> memref<1x1x128xf32, #tpu.memory_space<vmem>>
        %dma_start3A_2982 = tpu.memref_squeeze %dma_start3A_2981 : memref<1x1x128xf32, #tpu.memory_space<vmem>> -> memref<1x128xf32, #tpu.memory_space<vmem>>
        %dma_start3A_2983 = arith.constant 0 : i32
        %dma_start3A_2984 = tpu.memref_slice %arg5[%dma_start3A_2983, %multiple_of3A_2910] : memref<1x1000000xf32, #tpu.memory_space<hbm>> -> memref<1x128xf32, #tpu.memory_space<hbm>>
        tpu.enqueue_dma source(%dma_start3A_2984 : memref<1x128xf32, #tpu.memory_space<hbm>>) target(%dma_start3A_2982 : memref<1x128xf32, #tpu.memory_space<vmem>>) target_semaphore(%arg15 : memref<!tpu.dma_semaphore, #tpu.memory_space<semaphore_mem>>)
        %dma_start3A_2985 = arith.constant 0 : i32
        %dma_start3A_2986 = arith.constant 1 : i32
        %dma_start3A_2987 = arith.constant 0 : i32
        %dma_start3A_2988 = tpu.memref_slice %arg13[%dma_start3A_2985, %dma_start3A_2986, %dma_start3A_2987] : memref<2x8x128xf32, #tpu.memory_space<vmem>> -> memref<1x1x128xf32, #tpu.memory_space<vmem>>
        %dma_start3A_2989 = tpu.memref_squeeze %dma_start3A_2988 : memref<1x1x128xf32, #tpu.memory_space<vmem>> -> memref<1x128xf32, #tpu.memory_space<vmem>>
        %dma_start3A_2990 = arith.constant 0 : i32
        %dma_start3A_2991 = tpu.memref_slice %arg6[%dma_start3A_2990, %multiple_of3A_2915] : memref<1x1000000xf32, #tpu.memory_space<hbm>> -> memref<1x128xf32, #tpu.memory_space<hbm>>
        %dma_start3A_2992 = arith.constant 1 : i32
        %dma_start3A_2993 = arith.constant 0 : i32
        %dma_start3A_2994 = tpu.memref_slice %arg13[%dma_start3A_2985, %dma_start3A_2992, %dma_start3A_2993] : memref<2x8x128xf32, #tpu.memory_space<vmem>> -> memref<1x1x128xf32, #tpu.memory_space<vmem>>
        %dma_start3A_2995 = tpu.memref_squeeze %dma_start3A_2994 : memref<1x1x128xf32, #tpu.memory_space<vmem>> -> memref<1x128xf32, #tpu.memory_space<vmem>>
        %dma_start3A_2996 = arith.constant 0 : i32
        %dma_start3A_2997 = tpu.memref_slice %arg6[%dma_start3A_2996, %multiple_of3A_2915] : memref<1x1000000xf32, #tpu.memory_space<hbm>> -> memref<1x128xf32, #tpu.memory_space<hbm>>
        tpu.enqueue_dma source(%dma_start3A_2997 : memref<1x128xf32, #tpu.memory_space<hbm>>) target(%dma_start3A_2995 : memref<1x128xf32, #tpu.memory_space<vmem>>) target_semaphore(%arg15 : memref<!tpu.dma_semaphore, #tpu.memory_space<semaphore_mem>>)
        %slice3A_2998 = vector.extract_strided_slice %get3A_2803 {offsets = [2], sizes = [1], strides = [1]} : vector<16xi32> to vector<1xi32>
        %squeeze3A_2999 = vector.extract %slice3A_2998[0] : i32 from vector<1xi32>
        %slice3A_3000 = vector.extract_strided_slice %get3A_2805 {offsets = [2], sizes = [1], strides = [1]} : vector<16xi32> to vector<1xi32>
        %squeeze3A_3001 = vector.extract %slice3A_3000[0] : i32 from vector<1xi32>
        %shift_right_arithmetic3A_3002 = arith.constant 7 : i32
        %shift_right_arithmetic3A_3003 = arith.shrsi %squeeze3A_2999, %shift_right_arithmetic3A_3002 : i32
        %shift_left3A_3004 = arith.constant 7 : i32
        %shift_left3A_3005 = arith.shli %shift_right_arithmetic3A_3003, %shift_left3A_3004 : i32
        %multiple_of3A_3006 = tpu.assume_multiple %shift_left3A_3005, 128 : i32
        %shift_right_arithmetic3A_3007 = arith.constant 7 : i32
        %shift_right_arithmetic3A_3008 = arith.shrsi %squeeze3A_3001, %shift_right_arithmetic3A_3007 : i32
        %shift_left3A_3009 = arith.constant 7 : i32
        %shift_left3A_3010 = arith.shli %shift_right_arithmetic3A_3008, %shift_left3A_3009 : i32
        %multiple_of3A_3011 = tpu.assume_multiple %shift_left3A_3010, 128 : i32
        %dma_start3A_3012 = arith.constant 0 : i32
        %dma_start3A_3013 = arith.constant 2 : i32
        %dma_start3A_3014 = arith.constant 0 : i32
        %dma_start3A_3015 = arith.constant 0 : i32
        %dma_start3A_3016 = tpu.memref_slice %arg10[%dma_start3A_3012, %dma_start3A_3013, %dma_start3A_3014, %dma_start3A_3015] : memref<2x8x16x128xf32, #tpu.memory_space<vmem>> -> memref<1x1x8x128xf32, #tpu.memory_space<vmem>>
        %dma_start3A_3017 = tpu.memref_squeeze %dma_start3A_3016 : memref<1x1x8x128xf32, #tpu.memory_space<vmem>> -> memref<8x128xf32, #tpu.memory_space<vmem>>
        %dma_start3A_3018 = arith.constant 0 : i32
        %dma_start3A_3019 = tpu.memref_slice %arg3[%dma_start3A_3018, %multiple_of3A_3006] : memref<16x1000000xf32, #tpu.memory_space<hbm>> -> memref<8x128xf32, #tpu.memory_space<hbm>>
        %dma_start3A_3020 = arith.constant 0 : i32
        %dma_start3A_3021 = arith.constant 0 : i32
        %dma_start3A_3022 = tpu.memref_slice %arg10[%dma_start3A_3012, %dma_start3A_3013, %dma_start3A_3020, %dma_start3A_3021] : memref<2x8x16x128xf32, #tpu.memory_space<vmem>> -> memref<1x1x8x128xf32, #tpu.memory_space<vmem>>
        %dma_start3A_3023 = tpu.memref_squeeze %dma_start3A_3022 : memref<1x1x8x128xf32, #tpu.memory_space<vmem>> -> memref<8x128xf32, #tpu.memory_space<vmem>>
        %dma_start3A_3024 = arith.constant 0 : i32
        %dma_start3A_3025 = tpu.memref_slice %arg3[%dma_start3A_3024, %multiple_of3A_3006] : memref<16x1000000xf32, #tpu.memory_space<hbm>> -> memref<8x128xf32, #tpu.memory_space<hbm>>
        tpu.enqueue_dma source(%dma_start3A_3025 : memref<8x128xf32, #tpu.memory_space<hbm>>) target(%dma_start3A_3023 : memref<8x128xf32, #tpu.memory_space<vmem>>) target_semaphore(%arg15 : memref<!tpu.dma_semaphore, #tpu.memory_space<semaphore_mem>>)
        %dma_start3A_3026 = arith.constant 0 : i32
        %dma_start3A_3027 = arith.constant 2 : i32
        %dma_start3A_3028 = arith.constant 8 : i32
        %dma_start3A_3029 = arith.constant 0 : i32
        %dma_start3A_3030 = tpu.memref_slice %arg10[%dma_start3A_3026, %dma_start3A_3027, %dma_start3A_3028, %dma_start3A_3029] : memref<2x8x16x128xf32, #tpu.memory_space<vmem>> -> memref<1x1x8x128xf32, #tpu.memory_space<vmem>>
        %dma_start3A_3031 = tpu.memref_squeeze %dma_start3A_3030 : memref<1x1x8x128xf32, #tpu.memory_space<vmem>> -> memref<8x128xf32, #tpu.memory_space<vmem>>
        %dma_start3A_3032 = arith.constant 8 : i32
        %dma_start3A_3033 = tpu.memref_slice %arg3[%dma_start3A_3032, %multiple_of3A_3006] : memref<16x1000000xf32, #tpu.memory_space<hbm>> -> memref<8x128xf32, #tpu.memory_space<hbm>>
        %dma_start3A_3034 = arith.constant 8 : i32
        %dma_start3A_3035 = arith.constant 0 : i32
        %dma_start3A_3036 = tpu.memref_slice %arg10[%dma_start3A_3026, %dma_start3A_3027, %dma_start3A_3034, %dma_start3A_3035] : memref<2x8x16x128xf32, #tpu.memory_space<vmem>> -> memref<1x1x8x128xf32, #tpu.memory_space<vmem>>
        %dma_start3A_3037 = tpu.memref_squeeze %dma_start3A_3036 : memref<1x1x8x128xf32, #tpu.memory_space<vmem>> -> memref<8x128xf32, #tpu.memory_space<vmem>>
        %dma_start3A_3038 = arith.constant 8 : i32
        %dma_start3A_3039 = tpu.memref_slice %arg3[%dma_start3A_3038, %multiple_of3A_3006] : memref<16x1000000xf32, #tpu.memory_space<hbm>> -> memref<8x128xf32, #tpu.memory_space<hbm>>
        tpu.enqueue_dma source(%dma_start3A_3039 : memref<8x128xf32, #tpu.memory_space<hbm>>) target(%dma_start3A_3037 : memref<8x128xf32, #tpu.memory_space<vmem>>) target_semaphore(%arg15 : memref<!tpu.dma_semaphore, #tpu.memory_space<semaphore_mem>>)
        %dma_start3A_3040 = arith.constant 0 : i32
        %dma_start3A_3041 = arith.constant 2 : i32
        %dma_start3A_3042 = arith.constant 0 : i32
        %dma_start3A_3043 = arith.constant 0 : i32
        %dma_start3A_3044 = tpu.memref_slice %arg11[%dma_start3A_3040, %dma_start3A_3041, %dma_start3A_3042, %dma_start3A_3043] : memref<2x8x16x128xf32, #tpu.memory_space<vmem>> -> memref<1x1x8x128xf32, #tpu.memory_space<vmem>>
        %dma_start3A_3045 = tpu.memref_squeeze %dma_start3A_3044 : memref<1x1x8x128xf32, #tpu.memory_space<vmem>> -> memref<8x128xf32, #tpu.memory_space<vmem>>
        %dma_start3A_3046 = arith.constant 0 : i32
        %dma_start3A_3047 = tpu.memref_slice %arg4[%dma_start3A_3046, %multiple_of3A_3011] : memref<16x1000000xf32, #tpu.memory_space<hbm>> -> memref<8x128xf32, #tpu.memory_space<hbm>>
        %dma_start3A_3048 = arith.constant 0 : i32
        %dma_start3A_3049 = arith.constant 0 : i32
        %dma_start3A_3050 = tpu.memref_slice %arg11[%dma_start3A_3040, %dma_start3A_3041, %dma_start3A_3048, %dma_start3A_3049] : memref<2x8x16x128xf32, #tpu.memory_space<vmem>> -> memref<1x1x8x128xf32, #tpu.memory_space<vmem>>
        %dma_start3A_3051 = tpu.memref_squeeze %dma_start3A_3050 : memref<1x1x8x128xf32, #tpu.memory_space<vmem>> -> memref<8x128xf32, #tpu.memory_space<vmem>>
        %dma_start3A_3052 = arith.constant 0 : i32
        %dma_start3A_3053 = tpu.memref_slice %arg4[%dma_start3A_3052, %multiple_of3A_3011] : memref<16x1000000xf32, #tpu.memory_space<hbm>> -> memref<8x128xf32, #tpu.memory_space<hbm>>
        tpu.enqueue_dma source(%dma_start3A_3053 : memref<8x128xf32, #tpu.memory_space<hbm>>) target(%dma_start3A_3051 : memref<8x128xf32, #tpu.memory_space<vmem>>) target_semaphore(%arg15 : memref<!tpu.dma_semaphore, #tpu.memory_space<semaphore_mem>>)
        %dma_start3A_3054 = arith.constant 0 : i32
        %dma_start3A_3055 = arith.constant 2 : i32
        %dma_start3A_3056 = arith.constant 8 : i32
        %dma_start3A_3057 = arith.constant 0 : i32
        %dma_start3A_3058 = tpu.memref_slice %arg11[%dma_start3A_3054, %dma_start3A_3055, %dma_start3A_3056, %dma_start3A_3057] : memref<2x8x16x128xf32, #tpu.memory_space<vmem>> -> memref<1x1x8x128xf32, #tpu.memory_space<vmem>>
        %dma_start3A_3059 = tpu.memref_squeeze %dma_start3A_3058 : memref<1x1x8x128xf32, #tpu.memory_space<vmem>> -> memref<8x128xf32, #tpu.memory_space<vmem>>
        %dma_start3A_3060 = arith.constant 8 : i32
        %dma_start3A_3061 = tpu.memref_slice %arg4[%dma_start3A_3060, %multiple_of3A_3011] : memref<16x1000000xf32, #tpu.memory_space<hbm>> -> memref<8x128xf32, #tpu.memory_space<hbm>>
        %dma_start3A_3062 = arith.constant 8 : i32
        %dma_start3A_3063 = arith.constant 0 : i32
        %dma_start3A_3064 = tpu.memref_slice %arg11[%dma_start3A_3054, %dma_start3A_3055, %dma_start3A_3062, %dma_start3A_3063] : memref<2x8x16x128xf32, #tpu.memory_space<vmem>> -> memref<1x1x8x128xf32, #tpu.memory_space<vmem>>
        %dma_start3A_3065 = tpu.memref_squeeze %dma_start3A_3064 : memref<1x1x8x128xf32, #tpu.memory_space<vmem>> -> memref<8x128xf32, #tpu.memory_space<vmem>>
        %dma_start3A_3066 = arith.constant 8 : i32
        %dma_start3A_3067 = tpu.memref_slice %arg4[%dma_start3A_3066, %multiple_of3A_3011] : memref<16x1000000xf32, #tpu.memory_space<hbm>> -> memref<8x128xf32, #tpu.memory_space<hbm>>
        tpu.enqueue_dma source(%dma_start3A_3067 : memref<8x128xf32, #tpu.memory_space<hbm>>) target(%dma_start3A_3065 : memref<8x128xf32, #tpu.memory_space<vmem>>) target_semaphore(%arg15 : memref<!tpu.dma_semaphore, #tpu.memory_space<semaphore_mem>>)
        %dma_start3A_3068 = arith.constant 0 : i32
        %dma_start3A_3069 = arith.constant 2 : i32
        %dma_start3A_3070 = arith.constant 0 : i32
        %dma_start3A_3071 = tpu.memref_slice %arg12[%dma_start3A_3068, %dma_start3A_3069, %dma_start3A_3070] : memref<2x8x128xf32, #tpu.memory_space<vmem>> -> memref<1x1x128xf32, #tpu.memory_space<vmem>>
        %dma_start3A_3072 = tpu.memref_squeeze %dma_start3A_3071 : memref<1x1x128xf32, #tpu.memory_space<vmem>> -> memref<1x128xf32, #tpu.memory_space<vmem>>
        %dma_start3A_3073 = arith.constant 0 : i32
        %dma_start3A_3074 = tpu.memref_slice %arg5[%dma_start3A_3073, %multiple_of3A_3006] : memref<1x1000000xf32, #tpu.memory_space<hbm>> -> memref<1x128xf32, #tpu.memory_space<hbm>>
        %dma_start3A_3075 = arith.constant 2 : i32
        %dma_start3A_3076 = arith.constant 0 : i32
        %dma_start3A_3077 = tpu.memref_slice %arg12[%dma_start3A_3068, %dma_start3A_3075, %dma_start3A_3076] : memref<2x8x128xf32, #tpu.memory_space<vmem>> -> memref<1x1x128xf32, #tpu.memory_space<vmem>>
        %dma_start3A_3078 = tpu.memref_squeeze %dma_start3A_3077 : memref<1x1x128xf32, #tpu.memory_space<vmem>> -> memref<1x128xf32, #tpu.memory_space<vmem>>
        %dma_start3A_3079 = arith.constant 0 : i32
        %dma_start3A_3080 = tpu.memref_slice %arg5[%dma_start3A_3079, %multiple_of3A_3006] : memref<1x1000000xf32, #tpu.memory_space<hbm>> -> memref<1x128xf32, #tpu.memory_space<hbm>>
        tpu.enqueue_dma source(%dma_start3A_3080 : memref<1x128xf32, #tpu.memory_space<hbm>>) target(%dma_start3A_3078 : memref<1x128xf32, #tpu.memory_space<vmem>>) target_semaphore(%arg15 : memref<!tpu.dma_semaphore, #tpu.memory_space<semaphore_mem>>)
        %dma_start3A_3081 = arith.constant 0 : i32
        %dma_start3A_3082 = arith.constant 2 : i32
        %dma_start3A_3083 = arith.constant 0 : i32
        %dma_start3A_3084 = tpu.memref_slice %arg13[%dma_start3A_3081, %dma_start3A_3082, %dma_start3A_3083] : memref<2x8x128xf32, #tpu.memory_space<vmem>> -> memref<1x1x128xf32, #tpu.memory_space<vmem>>
        %dma_start3A_3085 = tpu.memref_squeeze %dma_start3A_3084 : memref<1x1x128xf32, #tpu.memory_space<vmem>> -> memref<1x128xf32, #tpu.memory_space<vmem>>
        %dma_start3A_3086 = arith.constant 0 : i32
        %dma_start3A_3087 = tpu.memref_slice %arg6[%dma_start3A_3086, %multiple_of3A_3011] : memref<1x1000000xf32, #tpu.memory_space<hbm>> -> memref<1x128xf32, #tpu.memory_space<hbm>>
        %dma_start3A_3088 = arith.constant 2 : i32
        %dma_start3A_3089 = arith.constant 0 : i32
        %dma_start3A_3090 = tpu.memref_slice %arg13[%dma_start3A_3081, %dma_start3A_3088, %dma_start3A_3089] : memref<2x8x128xf32, #tpu.memory_space<vmem>> -> memref<1x1x128xf32, #tpu.memory_space<vmem>>
        %dma_start3A_3091 = tpu.memref_squeeze %dma_start3A_3090 : memref<1x1x128xf32, #tpu.memory_space<vmem>> -> memref<1x128xf32, #tpu.memory_space<vmem>>
        %dma_start3A_3092 = arith.constant 0 : i32
        %dma_start3A_3093 = tpu.memref_slice %arg6[%dma_start3A_3092, %multiple_of3A_3011] : memref<1x1000000xf32, #tpu.memory_space<hbm>> -> memref<1x128xf32, #tpu.memory_space<hbm>>
        tpu.enqueue_dma source(%dma_start3A_3093 : memref<1x128xf32, #tpu.memory_space<hbm>>) target(%dma_start3A_3091 : memref<1x128xf32, #tpu.memory_space<vmem>>) target_semaphore(%arg15 : memref<!tpu.dma_semaphore, #tpu.memory_space<semaphore_mem>>)
        %slice3A_3094 = vector.extract_strided_slice %get3A_2803 {offsets = [3], sizes = [1], strides = [1]} : vector<16xi32> to vector<1xi32>
        %squeeze3A_3095 = vector.extract %slice3A_3094[0] : i32 from vector<1xi32>
        %slice3A_3096 = vector.extract_strided_slice %get3A_2805 {offsets = [3], sizes = [1], strides = [1]} : vector<16xi32> to vector<1xi32>
        %squeeze3A_3097 = vector.extract %slice3A_3096[0] : i32 from vector<1xi32>
        %shift_right_arithmetic3A_3098 = arith.constant 7 : i32
        %shift_right_arithmetic3A_3099 = arith.shrsi %squeeze3A_3095, %shift_right_arithmetic3A_3098 : i32
        %shift_left3A_3100 = arith.constant 7 : i32
        %shift_left3A_3101 = arith.shli %shift_right_arithmetic3A_3099, %shift_left3A_3100 : i32
        %multiple_of3A_3102 = tpu.assume_multiple %shift_left3A_3101, 128 : i32
        %shift_right_arithmetic3A_3103 = arith.constant 7 : i32
        %shift_right_arithmetic3A_3104 = arith.shrsi %squeeze3A_3097, %shift_right_arithmetic3A_3103 : i32
        %shift_left3A_3105 = arith.constant 7 : i32
        %shift_left3A_3106 = arith.shli %shift_right_arithmetic3A_3104, %shift_left3A_3105 : i32
        %multiple_of3A_3107 = tpu.assume_multiple %shift_left3A_3106, 128 : i32
        %dma_start3A_3108 = arith.constant 0 : i32
        %dma_start3A_3109 = arith.constant 3 : i32
        %dma_start3A_3110 = arith.constant 0 : i32
        %dma_start3A_3111 = arith.constant 0 : i32
        %dma_start3A_3112 = tpu.memref_slice %arg10[%dma_start3A_3108, %dma_start3A_3109, %dma_start3A_3110, %dma_start3A_3111] : memref<2x8x16x128xf32, #tpu.memory_space<vmem>> -> memref<1x1x8x128xf32, #tpu.memory_space<vmem>>
        %dma_start3A_3113 = tpu.memref_squeeze %dma_start3A_3112 : memref<1x1x8x128xf32, #tpu.memory_space<vmem>> -> memref<8x128xf32, #tpu.memory_space<vmem>>
        %dma_start3A_3114 = arith.constant 0 : i32
        %dma_start3A_3115 = tpu.memref_slice %arg3[%dma_start3A_3114, %multiple_of3A_3102] : memref<16x1000000xf32, #tpu.memory_space<hbm>> -> memref<8x128xf32, #tpu.memory_space<hbm>>
        %dma_start3A_3116 = arith.constant 0 : i32
        %dma_start3A_3117 = arith.constant 0 : i32
        %dma_start3A_3118 = tpu.memref_slice %arg10[%dma_start3A_3108, %dma_start3A_3109, %dma_start3A_3116, %dma_start3A_3117] : memref<2x8x16x128xf32, #tpu.memory_space<vmem>> -> memref<1x1x8x128xf32, #tpu.memory_space<vmem>>
        %dma_start3A_3119 = tpu.memref_squeeze %dma_start3A_3118 : memref<1x1x8x128xf32, #tpu.memory_space<vmem>> -> memref<8x128xf32, #tpu.memory_space<vmem>>
        %dma_start3A_3120 = arith.constant 0 : i32
        %dma_start3A_3121 = tpu.memref_slice %arg3[%dma_start3A_3120, %multiple_of3A_3102] : memref<16x1000000xf32, #tpu.memory_space<hbm>> -> memref<8x128xf32, #tpu.memory_space<hbm>>
        tpu.enqueue_dma source(%dma_start3A_3121 : memref<8x128xf32, #tpu.memory_space<hbm>>) target(%dma_start3A_3119 : memref<8x128xf32, #tpu.memory_space<vmem>>) target_semaphore(%arg15 : memref<!tpu.dma_semaphore, #tpu.memory_space<semaphore_mem>>)
        %dma_start3A_3122 = arith.constant 0 : i32
        %dma_start3A_3123 = arith.constant 3 : i32
        %dma_start3A_3124 = arith.constant 8 : i32
        %dma_start3A_3125 = arith.constant 0 : i32
        %dma_start3A_3126 = tpu.memref_slice %arg10[%dma_start3A_3122, %dma_start3A_3123, %dma_start3A_3124, %dma_start3A_3125] : memref<2x8x16x128xf32, #tpu.memory_space<vmem>> -> memref<1x1x8x128xf32, #tpu.memory_space<vmem>>
        %dma_start3A_3127 = tpu.memref_squeeze %dma_start3A_3126 : memref<1x1x8x128xf32, #tpu.memory_space<vmem>> -> memref<8x128xf32, #tpu.memory_space<vmem>>
        %dma_start3A_3128 = arith.constant 8 : i32
        %dma_start3A_3129 = tpu.memref_slice %arg3[%dma_start3A_3128, %multiple_of3A_3102] : memref<16x1000000xf32, #tpu.memory_space<hbm>> -> memref<8x128xf32, #tpu.memory_space<hbm>>
        %dma_start3A_3130 = arith.constant 8 : i32
        %dma_start3A_3131 = arith.constant 0 : i32
        %dma_start3A_3132 = tpu.memref_slice %arg10[%dma_start3A_3122, %dma_start3A_3123, %dma_start3A_3130, %dma_start3A_3131] : memref<2x8x16x128xf32, #tpu.memory_space<vmem>> -> memref<1x1x8x128xf32, #tpu.memory_space<vmem>>
        %dma_start3A_3133 = tpu.memref_squeeze %dma_start3A_3132 : memref<1x1x8x128xf32, #tpu.memory_space<vmem>> -> memref<8x128xf32, #tpu.memory_space<vmem>>
        %dma_start3A_3134 = arith.constant 8 : i32
        %dma_start3A_3135 = tpu.memref_slice %arg3[%dma_start3A_3134, %multiple_of3A_3102] : memref<16x1000000xf32, #tpu.memory_space<hbm>> -> memref<8x128xf32, #tpu.memory_space<hbm>>
        tpu.enqueue_dma source(%dma_start3A_3135 : memref<8x128xf32, #tpu.memory_space<hbm>>) target(%dma_start3A_3133 : memref<8x128xf32, #tpu.memory_space<vmem>>) target_semaphore(%arg15 : memref<!tpu.dma_semaphore, #tpu.memory_space<semaphore_mem>>)
        %dma_start3A_3136 = arith.constant 0 : i32
        %dma_start3A_3137 = arith.constant 3 : i32
        %dma_start3A_3138 = arith.constant 0 : i32
        %dma_start3A_3139 = arith.constant 0 : i32
        %dma_start3A_3140 = tpu.memref_slice %arg11[%dma_start3A_3136, %dma_start3A_3137, %dma_start3A_3138, %dma_start3A_3139] : memref<2x8x16x128xf32, #tpu.memory_space<vmem>> -> memref<1x1x8x128xf32, #tpu.memory_space<vmem>>
        %dma_start3A_3141 = tpu.memref_squeeze %dma_start3A_3140 : memref<1x1x8x128xf32, #tpu.memory_space<vmem>> -> memref<8x128xf32, #tpu.memory_space<vmem>>
        %dma_start3A_3142 = arith.constant 0 : i32
        %dma_start3A_3143 = tpu.memref_slice %arg4[%dma_start3A_3142, %multiple_of3A_3107] : memref<16x1000000xf32, #tpu.memory_space<hbm>> -> memref<8x128xf32, #tpu.memory_space<hbm>>
        %dma_start3A_3144 = arith.constant 0 : i32
        %dma_start3A_3145 = arith.constant 0 : i32
        %dma_start3A_3146 = tpu.memref_slice %arg11[%dma_start3A_3136, %dma_start3A_3137, %dma_start3A_3144, %dma_start3A_3145] : memref<2x8x16x128xf32, #tpu.memory_space<vmem>> -> memref<1x1x8x128xf32, #tpu.memory_space<vmem>>
        %dma_start3A_3147 = tpu.memref_squeeze %dma_start3A_3146 : memref<1x1x8x128xf32, #tpu.memory_space<vmem>> -> memref<8x128xf32, #tpu.memory_space<vmem>>
        %dma_start3A_3148 = arith.constant 0 : i32
        %dma_start3A_3149 = tpu.memref_slice %arg4[%dma_start3A_3148, %multiple_of3A_3107] : memref<16x1000000xf32, #tpu.memory_space<hbm>> -> memref<8x128xf32, #tpu.memory_space<hbm>>
        tpu.enqueue_dma source(%dma_start3A_3149 : memref<8x128xf32, #tpu.memory_space<hbm>>) target(%dma_start3A_3147 : memref<8x128xf32, #tpu.memory_space<vmem>>) target_semaphore(%arg15 : memref<!tpu.dma_semaphore, #tpu.memory_space<semaphore_mem>>)
        %dma_start3A_3150 = arith.constant 0 : i32
        %dma_start3A_3151 = arith.constant 3 : i32
        %dma_start3A_3152 = arith.constant 8 : i32
        %dma_start3A_3153 = arith.constant 0 : i32
        %dma_start3A_3154 = tpu.memref_slice %arg11[%dma_start3A_3150, %dma_start3A_3151, %dma_start3A_3152, %dma_start3A_3153] : memref<2x8x16x128xf32, #tpu.memory_space<vmem>> -> memref<1x1x8x128xf32, #tpu.memory_space<vmem>>
        %dma_start3A_3155 = tpu.memref_squeeze %dma_start3A_3154 : memref<1x1x8x128xf32, #tpu.memory_space<vmem>> -> memref<8x128xf32, #tpu.memory_space<vmem>>
        %dma_start3A_3156 = arith.constant 8 : i32
        %dma_start3A_3157 = tpu.memref_slice %arg4[%dma_start3A_3156, %multiple_of3A_3107] : memref<16x1000000xf32, #tpu.memory_space<hbm>> -> memref<8x128xf32, #tpu.memory_space<hbm>>
        %dma_start3A_3158 = arith.constant 8 : i32
        %dma_start3A_3159 = arith.constant 0 : i32
        %dma_start3A_3160 = tpu.memref_slice %arg11[%dma_start3A_3150, %dma_start3A_3151, %dma_start3A_3158, %dma_start3A_3159] : memref<2x8x16x128xf32, #tpu.memory_space<vmem>> -> memref<1x1x8x128xf32, #tpu.memory_space<vmem>>
        %dma_start3A_3161 = tpu.memref_squeeze %dma_start3A_3160 : memref<1x1x8x128xf32, #tpu.memory_space<vmem>> -> memref<8x128xf32, #tpu.memory_space<vmem>>
        %dma_start3A_3162 = arith.constant 8 : i32
        %dma_start3A_3163 = tpu.memref_slice %arg4[%dma_start3A_3162, %multiple_of3A_3107] : memref<16x1000000xf32, #tpu.memory_space<hbm>> -> memref<8x128xf32, #tpu.memory_space<hbm>>
        tpu.enqueue_dma source(%dma_start3A_3163 : memref<8x128xf32, #tpu.memory_space<hbm>>) target(%dma_start3A_3161 : memref<8x128xf32, #tpu.memory_space<vmem>>) target_semaphore(%arg15 : memref<!tpu.dma_semaphore, #tpu.memory_space<semaphore_mem>>)
        %dma_start3A_3164 = arith.constant 0 : i32
        %dma_start3A_3165 = arith.constant 3 : i32
        %dma_start3A_3166 = arith.constant 0 : i32
        %dma_start3A_3167 = tpu.memref_slice %arg12[%dma_start3A_3164, %dma_start3A_3165, %dma_start3A_3166] : memref<2x8x128xf32, #tpu.memory_space<vmem>> -> memref<1x1x128xf32, #tpu.memory_space<vmem>>
        %dma_start3A_3168 = tpu.memref_squeeze %dma_start3A_3167 : memref<1x1x128xf32, #tpu.memory_space<vmem>> -> memref<1x128xf32, #tpu.memory_space<vmem>>
        %dma_start3A_3169 = arith.constant 0 : i32
        %dma_start3A_3170 = tpu.memref_slice %arg5[%dma_start3A_3169, %multiple_of3A_3102] : memref<1x1000000xf32, #tpu.memory_space<hbm>> -> memref<1x128xf32, #tpu.memory_space<hbm>>
        %dma_start3A_3171 = arith.constant 3 : i32
        %dma_start3A_3172 = arith.constant 0 : i32
        %dma_start3A_3173 = tpu.memref_slice %arg12[%dma_start3A_3164, %dma_start3A_3171, %dma_start3A_3172] : memref<2x8x128xf32, #tpu.memory_space<vmem>> -> memref<1x1x128xf32, #tpu.memory_space<vmem>>
        %dma_start3A_3174 = tpu.memref_squeeze %dma_start3A_3173 : memref<1x1x128xf32, #tpu.memory_space<vmem>> -> memref<1x128xf32, #tpu.memory_space<vmem>>
        %dma_start3A_3175 = arith.constant 0 : i32
        %dma_start3A_3176 = tpu.memref_slice %arg5[%dma_start3A_3175, %multiple_of3A_3102] : memref<1x1000000xf32, #tpu.memory_space<hbm>> -> memref<1x128xf32, #tpu.memory_space<hbm>>
        tpu.enqueue_dma source(%dma_start3A_3176 : memref<1x128xf32, #tpu.memory_space<hbm>>) target(%dma_start3A_3174 : memref<1x128xf32, #tpu.memory_space<vmem>>) target_semaphore(%arg15 : memref<!tpu.dma_semaphore, #tpu.memory_space<semaphore_mem>>)
        %dma_start3A_3177 = arith.constant 0 : i32
        %dma_start3A_3178 = arith.constant 3 : i32
        %dma_start3A_3179 = arith.constant 0 : i32
        %dma_start3A_3180 = tpu.memref_slice %arg13[%dma_start3A_3177, %dma_start3A_3178, %dma_start3A_3179] : memref<2x8x128xf32, #tpu.memory_space<vmem>> -> memref<1x1x128xf32, #tpu.memory_space<vmem>>
        %dma_start3A_3181 = tpu.memref_squeeze %dma_start3A_3180 : memref<1x1x128xf32, #tpu.memory_space<vmem>> -> memref<1x128xf32, #tpu.memory_space<vmem>>
        %dma_start3A_3182 = arith.constant 0 : i32
        %dma_start3A_3183 = tpu.memref_slice %arg6[%dma_start3A_3182, %multiple_of3A_3107] : memref<1x1000000xf32, #tpu.memory_space<hbm>> -> memref<1x128xf32, #tpu.memory_space<hbm>>
        %dma_start3A_3184 = arith.constant 3 : i32
        %dma_start3A_3185 = arith.constant 0 : i32
        %dma_start3A_3186 = tpu.memref_slice %arg13[%dma_start3A_3177, %dma_start3A_3184, %dma_start3A_3185] : memref<2x8x128xf32, #tpu.memory_space<vmem>> -> memref<1x1x128xf32, #tpu.memory_space<vmem>>
        %dma_start3A_3187 = tpu.memref_squeeze %dma_start3A_3186 : memref<1x1x128xf32, #tpu.memory_space<vmem>> -> memref<1x128xf32, #tpu.memory_space<vmem>>
        %dma_start3A_3188 = arith.constant 0 : i32
        %dma_start3A_3189 = tpu.memref_slice %arg6[%dma_start3A_3188, %multiple_of3A_3107] : memref<1x1000000xf32, #tpu.memory_space<hbm>> -> memref<1x128xf32, #tpu.memory_space<hbm>>
        tpu.enqueue_dma source(%dma_start3A_3189 : memref<1x128xf32, #tpu.memory_space<hbm>>) target(%dma_start3A_3187 : memref<1x128xf32, #tpu.memory_space<vmem>>) target_semaphore(%arg15 : memref<!tpu.dma_semaphore, #tpu.memory_space<semaphore_mem>>)
        %slice3A_3190 = vector.extract_strided_slice %get3A_2803 {offsets = [4], sizes = [1], strides = [1]} : vector<16xi32> to vector<1xi32>
        %squeeze3A_3191 = vector.extract %slice3A_3190[0] : i32 from vector<1xi32>
        %slice3A_3192 = vector.extract_strided_slice %get3A_2805 {offsets = [4], sizes = [1], strides = [1]} : vector<16xi32> to vector<1xi32>
        %squeeze3A_3193 = vector.extract %slice3A_3192[0] : i32 from vector<1xi32>
        %shift_right_arithmetic3A_3194 = arith.constant 7 : i32
        %shift_right_arithmetic3A_3195 = arith.shrsi %squeeze3A_3191, %shift_right_arithmetic3A_3194 : i32
        %shift_left3A_3196 = arith.constant 7 : i32
        %shift_left3A_3197 = arith.shli %shift_right_arithmetic3A_3195, %shift_left3A_3196 : i32
        %multiple_of3A_3198 = tpu.assume_multiple %shift_left3A_3197, 128 : i32
        %shift_right_arithmetic3A_3199 = arith.constant 7 : i32
        %shift_right_arithmetic3A_3200 = arith.shrsi %squeeze3A_3193, %shift_right_arithmetic3A_3199 : i32
        %shift_left3A_3201 = arith.constant 7 : i32
        %shift_left3A_3202 = arith.shli %shift_right_arithmetic3A_3200, %shift_left3A_3201 : i32
        %multiple_of3A_3203 = tpu.assume_multiple %shift_left3A_3202, 128 : i32
        %dma_start3A_3204 = arith.constant 0 : i32
        %dma_start3A_3205 = arith.constant 4 : i32
        %dma_start3A_3206 = arith.constant 0 : i32
        %dma_start3A_3207 = arith.constant 0 : i32
        %dma_start3A_3208 = tpu.memref_slice %arg10[%dma_start3A_3204, %dma_start3A_3205, %dma_start3A_3206, %dma_start3A_3207] : memref<2x8x16x128xf32, #tpu.memory_space<vmem>> -> memref<1x1x8x128xf32, #tpu.memory_space<vmem>>
        %dma_start3A_3209 = tpu.memref_squeeze %dma_start3A_3208 : memref<1x1x8x128xf32, #tpu.memory_space<vmem>> -> memref<8x128xf32, #tpu.memory_space<vmem>>
        %dma_start3A_3210 = arith.constant 0 : i32
        %dma_start3A_3211 = tpu.memref_slice %arg3[%dma_start3A_3210, %multiple_of3A_3198] : memref<16x1000000xf32, #tpu.memory_space<hbm>> -> memref<8x128xf32, #tpu.memory_space<hbm>>
        %dma_start3A_3212 = arith.constant 0 : i32
        %dma_start3A_3213 = arith.constant 0 : i32
        %dma_start3A_3214 = tpu.memref_slice %arg10[%dma_start3A_3204, %dma_start3A_3205, %dma_start3A_3212, %dma_start3A_3213] : memref<2x8x16x128xf32, #tpu.memory_space<vmem>> -> memref<1x1x8x128xf32, #tpu.memory_space<vmem>>
        %dma_start3A_3215 = tpu.memref_squeeze %dma_start3A_3214 : memref<1x1x8x128xf32, #tpu.memory_space<vmem>> -> memref<8x128xf32, #tpu.memory_space<vmem>>
        %dma_start3A_3216 = arith.constant 0 : i32
        %dma_start3A_3217 = tpu.memref_slice %arg3[%dma_start3A_3216, %multiple_of3A_3198] : memref<16x1000000xf32, #tpu.memory_space<hbm>> -> memref<8x128xf32, #tpu.memory_space<hbm>>
        tpu.enqueue_dma source(%dma_start3A_3217 : memref<8x128xf32, #tpu.memory_space<hbm>>) target(%dma_start3A_3215 : memref<8x128xf32, #tpu.memory_space<vmem>>) target_semaphore(%arg15 : memref<!tpu.dma_semaphore, #tpu.memory_space<semaphore_mem>>)
        %dma_start3A_3218 = arith.constant 0 : i32
        %dma_start3A_3219 = arith.constant 4 : i32
        %dma_start3A_3220 = arith.constant 8 : i32
        %dma_start3A_3221 = arith.constant 0 : i32
        %dma_start3A_3222 = tpu.memref_slice %arg10[%dma_start3A_3218, %dma_start3A_3219, %dma_start3A_3220, %dma_start3A_3221] : memref<2x8x16x128xf32, #tpu.memory_space<vmem>> -> memref<1x1x8x128xf32, #tpu.memory_space<vmem>>
        %dma_start3A_3223 = tpu.memref_squeeze %dma_start3A_3222 : memref<1x1x8x128xf32, #tpu.memory_space<vmem>> -> memref<8x128xf32, #tpu.memory_space<vmem>>
        %dma_start3A_3224 = arith.constant 8 : i32
        %dma_start3A_3225 = tpu.memref_slice %arg3[%dma_start3A_3224, %multiple_of3A_3198] : memref<16x1000000xf32, #tpu.memory_space<hbm>> -> memref<8x128xf32, #tpu.memory_space<hbm>>
        %dma_start3A_3226 = arith.constant 8 : i32
        %dma_start3A_3227 = arith.constant 0 : i32
        %dma_start3A_3228 = tpu.memref_slice %arg10[%dma_start3A_3218, %dma_start3A_3219, %dma_start3A_3226, %dma_start3A_3227] : memref<2x8x16x128xf32, #tpu.memory_space<vmem>> -> memref<1x1x8x128xf32, #tpu.memory_space<vmem>>
        %dma_start3A_3229 = tpu.memref_squeeze %dma_start3A_3228 : memref<1x1x8x128xf32, #tpu.memory_space<vmem>> -> memref<8x128xf32, #tpu.memory_space<vmem>>
        %dma_start3A_3230 = arith.constant 8 : i32
        %dma_start3A_3231 = tpu.memref_slice %arg3[%dma_start3A_3230, %multiple_of3A_3198] : memref<16x1000000xf32, #tpu.memory_space<hbm>> -> memref<8x128xf32, #tpu.memory_space<hbm>>
        tpu.enqueue_dma source(%dma_start3A_3231 : memref<8x128xf32, #tpu.memory_space<hbm>>) target(%dma_start3A_3229 : memref<8x128xf32, #tpu.memory_space<vmem>>) target_semaphore(%arg15 : memref<!tpu.dma_semaphore, #tpu.memory_space<semaphore_mem>>)
        %dma_start3A_3232 = arith.constant 0 : i32
        %dma_start3A_3233 = arith.constant 4 : i32
        %dma_start3A_3234 = arith.constant 0 : i32
        %dma_start3A_3235 = arith.constant 0 : i32
        %dma_start3A_3236 = tpu.memref_slice %arg11[%dma_start3A_3232, %dma_start3A_3233, %dma_start3A_3234, %dma_start3A_3235] : memref<2x8x16x128xf32, #tpu.memory_space<vmem>> -> memref<1x1x8x128xf32, #tpu.memory_space<vmem>>
        %dma_start3A_3237 = tpu.memref_squeeze %dma_start3A_3236 : memref<1x1x8x128xf32, #tpu.memory_space<vmem>> -> memref<8x128xf32, #tpu.memory_space<vmem>>
        %dma_start3A_3238 = arith.constant 0 : i32
        %dma_start3A_3239 = tpu.memref_slice %arg4[%dma_start3A_3238, %multiple_of3A_3203] : memref<16x1000000xf32, #tpu.memory_space<hbm>> -> memref<8x128xf32, #tpu.memory_space<hbm>>
        %dma_start3A_3240 = arith.constant 0 : i32
        %dma_start3A_3241 = arith.constant 0 : i32
        %dma_start3A_3242 = tpu.memref_slice %arg11[%dma_start3A_3232, %dma_start3A_3233, %dma_start3A_3240, %dma_start3A_3241] : memref<2x8x16x128xf32, #tpu.memory_space<vmem>> -> memref<1x1x8x128xf32, #tpu.memory_space<vmem>>
        %dma_start3A_3243 = tpu.memref_squeeze %dma_start3A_3242 : memref<1x1x8x128xf32, #tpu.memory_space<vmem>> -> memref<8x128xf32, #tpu.memory_space<vmem>>
        %dma_start3A_3244 = arith.constant 0 : i32
        %dma_start3A_3245 = tpu.memref_slice %arg4[%dma_start3A_3244, %multiple_of3A_3203] : memref<16x1000000xf32, #tpu.memory_space<hbm>> -> memref<8x128xf32, #tpu.memory_space<hbm>>
        tpu.enqueue_dma source(%dma_start3A_3245 : memref<8x128xf32, #tpu.memory_space<hbm>>) target(%dma_start3A_3243 : memref<8x128xf32, #tpu.memory_space<vmem>>) target_semaphore(%arg15 : memref<!tpu.dma_semaphore, #tpu.memory_space<semaphore_mem>>)
        %dma_start3A_3246 = arith.constant 0 : i32
        %dma_start3A_3247 = arith.constant 4 : i32
        %dma_start3A_3248 = arith.constant 8 : i32
        %dma_start3A_3249 = arith.constant 0 : i32
        %dma_start3A_3250 = tpu.memref_slice %arg11[%dma_start3A_3246, %dma_start3A_3247, %dma_start3A_3248, %dma_start3A_3249] : memref<2x8x16x128xf32, #tpu.memory_space<vmem>> -> memref<1x1x8x128xf32, #tpu.memory_space<vmem>>
        %dma_start3A_3251 = tpu.memref_squeeze %dma_start3A_3250 : memref<1x1x8x128xf32, #tpu.memory_space<vmem>> -> memref<8x128xf32, #tpu.memory_space<vmem>>
        %dma_start3A_3252 = arith.constant 8 : i32
        %dma_start3A_3253 = tpu.memref_slice %arg4[%dma_start3A_3252, %multiple_of3A_3203] : memref<16x1000000xf32, #tpu.memory_space<hbm>> -> memref<8x128xf32, #tpu.memory_space<hbm>>
        %dma_start3A_3254 = arith.constant 8 : i32
        %dma_start3A_3255 = arith.constant 0 : i32
        %dma_start3A_3256 = tpu.memref_slice %arg11[%dma_start3A_3246, %dma_start3A_3247, %dma_start3A_3254, %dma_start3A_3255] : memref<2x8x16x128xf32, #tpu.memory_space<vmem>> -> memref<1x1x8x128xf32, #tpu.memory_space<vmem>>
        %dma_start3A_3257 = tpu.memref_squeeze %dma_start3A_3256 : memref<1x1x8x128xf32, #tpu.memory_space<vmem>> -> memref<8x128xf32, #tpu.memory_space<vmem>>
        %dma_start3A_3258 = arith.constant 8 : i32
        %dma_start3A_3259 = tpu.memref_slice %arg4[%dma_start3A_3258, %multiple_of3A_3203] : memref<16x1000000xf32, #tpu.memory_space<hbm>> -> memref<8x128xf32, #tpu.memory_space<hbm>>
        tpu.enqueue_dma source(%dma_start3A_3259 : memref<8x128xf32, #tpu.memory_space<hbm>>) target(%dma_start3A_3257 : memref<8x128xf32, #tpu.memory_space<vmem>>) target_semaphore(%arg15 : memref<!tpu.dma_semaphore, #tpu.memory_space<semaphore_mem>>)
        %dma_start3A_3260 = arith.constant 0 : i32
        %dma_start3A_3261 = arith.constant 4 : i32
        %dma_start3A_3262 = arith.constant 0 : i32
        %dma_start3A_3263 = tpu.memref_slice %arg12[%dma_start3A_3260, %dma_start3A_3261, %dma_start3A_3262] : memref<2x8x128xf32, #tpu.memory_space<vmem>> -> memref<1x1x128xf32, #tpu.memory_space<vmem>>
        %dma_start3A_3264 = tpu.memref_squeeze %dma_start3A_3263 : memref<1x1x128xf32, #tpu.memory_space<vmem>> -> memref<1x128xf32, #tpu.memory_space<vmem>>
        %dma_start3A_3265 = arith.constant 0 : i32
        %dma_start3A_3266 = tpu.memref_slice %arg5[%dma_start3A_3265, %multiple_of3A_3198] : memref<1x1000000xf32, #tpu.memory_space<hbm>> -> memref<1x128xf32, #tpu.memory_space<hbm>>
        %dma_start3A_3267 = arith.constant 4 : i32
        %dma_start3A_3268 = arith.constant 0 : i32
        %dma_start3A_3269 = tpu.memref_slice %arg12[%dma_start3A_3260, %dma_start3A_3267, %dma_start3A_3268] : memref<2x8x128xf32, #tpu.memory_space<vmem>> -> memref<1x1x128xf32, #tpu.memory_space<vmem>>
        %dma_start3A_3270 = tpu.memref_squeeze %dma_start3A_3269 : memref<1x1x128xf32, #tpu.memory_space<vmem>> -> memref<1x128xf32, #tpu.memory_space<vmem>>
        %dma_start3A_3271 = arith.constant 0 : i32
        %dma_start3A_3272 = tpu.memref_slice %arg5[%dma_start3A_3271, %multiple_of3A_3198] : memref<1x1000000xf32, #tpu.memory_space<hbm>> -> memref<1x128xf32, #tpu.memory_space<hbm>>
        tpu.enqueue_dma source(%dma_start3A_3272 : memref<1x128xf32, #tpu.memory_space<hbm>>) target(%dma_start3A_3270 : memref<1x128xf32, #tpu.memory_space<vmem>>) target_semaphore(%arg15 : memref<!tpu.dma_semaphore, #tpu.memory_space<semaphore_mem>>)
        %dma_start3A_3273 = arith.constant 0 : i32
        %dma_start3A_3274 = arith.constant 4 : i32
        %dma_start3A_3275 = arith.constant 0 : i32
        %dma_start3A_3276 = tpu.memref_slice %arg13[%dma_start3A_3273, %dma_start3A_3274, %dma_start3A_3275] : memref<2x8x128xf32, #tpu.memory_space<vmem>> -> memref<1x1x128xf32, #tpu.memory_space<vmem>>
        %dma_start3A_3277 = tpu.memref_squeeze %dma_start3A_3276 : memref<1x1x128xf32, #tpu.memory_space<vmem>> -> memref<1x128xf32, #tpu.memory_space<vmem>>
        %dma_start3A_3278 = arith.constant 0 : i32
        %dma_start3A_3279 = tpu.memref_slice %arg6[%dma_start3A_3278, %multiple_of3A_3203] : memref<1x1000000xf32, #tpu.memory_space<hbm>> -> memref<1x128xf32, #tpu.memory_space<hbm>>
        %dma_start3A_3280 = arith.constant 4 : i32
        %dma_start3A_3281 = arith.constant 0 : i32
        %dma_start3A_3282 = tpu.memref_slice %arg13[%dma_start3A_3273, %dma_start3A_3280, %dma_start3A_3281] : memref<2x8x128xf32, #tpu.memory_space<vmem>> -> memref<1x1x128xf32, #tpu.memory_space<vmem>>
        %dma_start3A_3283 = tpu.memref_squeeze %dma_start3A_3282 : memref<1x1x128xf32, #tpu.memory_space<vmem>> -> memref<1x128xf32, #tpu.memory_space<vmem>>
        %dma_start3A_3284 = arith.constant 0 : i32
        %dma_start3A_3285 = tpu.memref_slice %arg6[%dma_start3A_3284, %multiple_of3A_3203] : memref<1x1000000xf32, #tpu.memory_space<hbm>> -> memref<1x128xf32, #tpu.memory_space<hbm>>
        tpu.enqueue_dma source(%dma_start3A_3285 : memref<1x128xf32, #tpu.memory_space<hbm>>) target(%dma_start3A_3283 : memref<1x128xf32, #tpu.memory_space<vmem>>) target_semaphore(%arg15 : memref<!tpu.dma_semaphore, #tpu.memory_space<semaphore_mem>>)
        %slice3A_3286 = vector.extract_strided_slice %get3A_2803 {offsets = [5], sizes = [1], strides = [1]} : vector<16xi32> to vector<1xi32>
        %squeeze3A_3287 = vector.extract %slice3A_3286[0] : i32 from vector<1xi32>
        %slice3A_3288 = vector.extract_strided_slice %get3A_2805 {offsets = [5], sizes = [1], strides = [1]} : vector<16xi32> to vector<1xi32>
        %squeeze3A_3289 = vector.extract %slice3A_3288[0] : i32 from vector<1xi32>
        %shift_right_arithmetic3A_3290 = arith.constant 7 : i32
        %shift_right_arithmetic3A_3291 = arith.shrsi %squeeze3A_3287, %shift_right_arithmetic3A_3290 : i32
        %shift_left3A_3292 = arith.constant 7 : i32
        %shift_left3A_3293 = arith.shli %shift_right_arithmetic3A_3291, %shift_left3A_3292 : i32
        %multiple_of3A_3294 = tpu.assume_multiple %shift_left3A_3293, 128 : i32
        %shift_right_arithmetic3A_3295 = arith.constant 7 : i32
        %shift_right_arithmetic3A_3296 = arith.shrsi %squeeze3A_3289, %shift_right_arithmetic3A_3295 : i32
        %shift_left3A_3297 = arith.constant 7 : i32
        %shift_left3A_3298 = arith.shli %shift_right_arithmetic3A_3296, %shift_left3A_3297 : i32
        %multiple_of3A_3299 = tpu.assume_multiple %shift_left3A_3298, 128 : i32
        %dma_start3A_3300 = arith.constant 0 : i32
        %dma_start3A_3301 = arith.constant 5 : i32
        %dma_start3A_3302 = arith.constant 0 : i32
        %dma_start3A_3303 = arith.constant 0 : i32
        %dma_start3A_3304 = tpu.memref_slice %arg10[%dma_start3A_3300, %dma_start3A_3301, %dma_start3A_3302, %dma_start3A_3303] : memref<2x8x16x128xf32, #tpu.memory_space<vmem>> -> memref<1x1x8x128xf32, #tpu.memory_space<vmem>>
        %dma_start3A_3305 = tpu.memref_squeeze %dma_start3A_3304 : memref<1x1x8x128xf32, #tpu.memory_space<vmem>> -> memref<8x128xf32, #tpu.memory_space<vmem>>
        %dma_start3A_3306 = arith.constant 0 : i32
        %dma_start3A_3307 = tpu.memref_slice %arg3[%dma_start3A_3306, %multiple_of3A_3294] : memref<16x1000000xf32, #tpu.memory_space<hbm>> -> memref<8x128xf32, #tpu.memory_space<hbm>>
        %dma_start3A_3308 = arith.constant 0 : i32
        %dma_start3A_3309 = arith.constant 0 : i32
        %dma_start3A_3310 = tpu.memref_slice %arg10[%dma_start3A_3300, %dma_start3A_3301, %dma_start3A_3308, %dma_start3A_3309] : memref<2x8x16x128xf32, #tpu.memory_space<vmem>> -> memref<1x1x8x128xf32, #tpu.memory_space<vmem>>
        %dma_start3A_3311 = tpu.memref_squeeze %dma_start3A_3310 : memref<1x1x8x128xf32, #tpu.memory_space<vmem>> -> memref<8x128xf32, #tpu.memory_space<vmem>>
        %dma_start3A_3312 = arith.constant 0 : i32
        %dma_start3A_3313 = tpu.memref_slice %arg3[%dma_start3A_3312, %multiple_of3A_3294] : memref<16x1000000xf32, #tpu.memory_space<hbm>> -> memref<8x128xf32, #tpu.memory_space<hbm>>
        tpu.enqueue_dma source(%dma_start3A_3313 : memref<8x128xf32, #tpu.memory_space<hbm>>) target(%dma_start3A_3311 : memref<8x128xf32, #tpu.memory_space<vmem>>) target_semaphore(%arg15 : memref<!tpu.dma_semaphore, #tpu.memory_space<semaphore_mem>>)
        %dma_start3A_3314 = arith.constant 0 : i32
        %dma_start3A_3315 = arith.constant 5 : i32
        %dma_start3A_3316 = arith.constant 8 : i32
        %dma_start3A_3317 = arith.constant 0 : i32
        %dma_start3A_3318 = tpu.memref_slice %arg10[%dma_start3A_3314, %dma_start3A_3315, %dma_start3A_3316, %dma_start3A_3317] : memref<2x8x16x128xf32, #tpu.memory_space<vmem>> -> memref<1x1x8x128xf32, #tpu.memory_space<vmem>>
        %dma_start3A_3319 = tpu.memref_squeeze %dma_start3A_3318 : memref<1x1x8x128xf32, #tpu.memory_space<vmem>> -> memref<8x128xf32, #tpu.memory_space<vmem>>
        %dma_start3A_3320 = arith.constant 8 : i32
        %dma_start3A_3321 = tpu.memref_slice %arg3[%dma_start3A_3320, %multiple_of3A_3294] : memref<16x1000000xf32, #tpu.memory_space<hbm>> -> memref<8x128xf32, #tpu.memory_space<hbm>>
        %dma_start3A_3322 = arith.constant 8 : i32
        %dma_start3A_3323 = arith.constant 0 : i32
        %dma_start3A_3324 = tpu.memref_slice %arg10[%dma_start3A_3314, %dma_start3A_3315, %dma_start3A_3322, %dma_start3A_3323] : memref<2x8x16x128xf32, #tpu.memory_space<vmem>> -> memref<1x1x8x128xf32, #tpu.memory_space<vmem>>
        %dma_start3A_3325 = tpu.memref_squeeze %dma_start3A_3324 : memref<1x1x8x128xf32, #tpu.memory_space<vmem>> -> memref<8x128xf32, #tpu.memory_space<vmem>>
        %dma_start3A_3326 = arith.constant 8 : i32
        %dma_start3A_3327 = tpu.memref_slice %arg3[%dma_start3A_3326, %multiple_of3A_3294] : memref<16x1000000xf32, #tpu.memory_space<hbm>> -> memref<8x128xf32, #tpu.memory_space<hbm>>
        tpu.enqueue_dma source(%dma_start3A_3327 : memref<8x128xf32, #tpu.memory_space<hbm>>) target(%dma_start3A_3325 : memref<8x128xf32, #tpu.memory_space<vmem>>) target_semaphore(%arg15 : memref<!tpu.dma_semaphore, #tpu.memory_space<semaphore_mem>>)
        %dma_start3A_3328 = arith.constant 0 : i32
        %dma_start3A_3329 = arith.constant 5 : i32
        %dma_start3A_3330 = arith.constant 0 : i32
        %dma_start3A_3331 = arith.constant 0 : i32
        %dma_start3A_3332 = tpu.memref_slice %arg11[%dma_start3A_3328, %dma_start3A_3329, %dma_start3A_3330, %dma_start3A_3331] : memref<2x8x16x128xf32, #tpu.memory_space<vmem>> -> memref<1x1x8x128xf32, #tpu.memory_space<vmem>>
        %dma_start3A_3333 = tpu.memref_squeeze %dma_start3A_3332 : memref<1x1x8x128xf32, #tpu.memory_space<vmem>> -> memref<8x128xf32, #tpu.memory_space<vmem>>
        %dma_start3A_3334 = arith.constant 0 : i32
        %dma_start3A_3335 = tpu.memref_slice %arg4[%dma_start3A_3334, %multiple_of3A_3299] : memref<16x1000000xf32, #tpu.memory_space<hbm>> -> memref<8x128xf32, #tpu.memory_space<hbm>>
        %dma_start3A_3336 = arith.constant 0 : i32
        %dma_start3A_3337 = arith.constant 0 : i32
        %dma_start3A_3338 = tpu.memref_slice %arg11[%dma_start3A_3328, %dma_start3A_3329, %dma_start3A_3336, %dma_start3A_3337] : memref<2x8x16x128xf32, #tpu.memory_space<vmem>> -> memref<1x1x8x128xf32, #tpu.memory_space<vmem>>
        %dma_start3A_3339 = tpu.memref_squeeze %dma_start3A_3338 : memref<1x1x8x128xf32, #tpu.memory_space<vmem>> -> memref<8x128xf32, #tpu.memory_space<vmem>>
        %dma_start3A_3340 = arith.constant 0 : i32
        %dma_start3A_3341 = tpu.memref_slice %arg4[%dma_start3A_3340, %multiple_of3A_3299] : memref<16x1000000xf32, #tpu.memory_space<hbm>> -> memref<8x128xf32, #tpu.memory_space<hbm>>
        tpu.enqueue_dma source(%dma_start3A_3341 : memref<8x128xf32, #tpu.memory_space<hbm>>) target(%dma_start3A_3339 : memref<8x128xf32, #tpu.memory_space<vmem>>) target_semaphore(%arg15 : memref<!tpu.dma_semaphore, #tpu.memory_space<semaphore_mem>>)
        %dma_start3A_3342 = arith.constant 0 : i32
        %dma_start3A_3343 = arith.constant 5 : i32
        %dma_start3A_3344 = arith.constant 8 : i32
        %dma_start3A_3345 = arith.constant 0 : i32
        %dma_start3A_3346 = tpu.memref_slice %arg11[%dma_start3A_3342, %dma_start3A_3343, %dma_start3A_3344, %dma_start3A_3345] : memref<2x8x16x128xf32, #tpu.memory_space<vmem>> -> memref<1x1x8x128xf32, #tpu.memory_space<vmem>>
        %dma_start3A_3347 = tpu.memref_squeeze %dma_start3A_3346 : memref<1x1x8x128xf32, #tpu.memory_space<vmem>> -> memref<8x128xf32, #tpu.memory_space<vmem>>
        %dma_start3A_3348 = arith.constant 8 : i32
        %dma_start3A_3349 = tpu.memref_slice %arg4[%dma_start3A_3348, %multiple_of3A_3299] : memref<16x1000000xf32, #tpu.memory_space<hbm>> -> memref<8x128xf32, #tpu.memory_space<hbm>>
        %dma_start3A_3350 = arith.constant 8 : i32
        %dma_start3A_3351 = arith.constant 0 : i32
        %dma_start3A_3352 = tpu.memref_slice %arg11[%dma_start3A_3342, %dma_start3A_3343, %dma_start3A_3350, %dma_start3A_3351] : memref<2x8x16x128xf32, #tpu.memory_space<vmem>> -> memref<1x1x8x128xf32, #tpu.memory_space<vmem>>
        %dma_start3A_3353 = tpu.memref_squeeze %dma_start3A_3352 : memref<1x1x8x128xf32, #tpu.memory_space<vmem>> -> memref<8x128xf32, #tpu.memory_space<vmem>>
        %dma_start3A_3354 = arith.constant 8 : i32
        %dma_start3A_3355 = tpu.memref_slice %arg4[%dma_start3A_3354, %multiple_of3A_3299] : memref<16x1000000xf32, #tpu.memory_space<hbm>> -> memref<8x128xf32, #tpu.memory_space<hbm>>
        tpu.enqueue_dma source(%dma_start3A_3355 : memref<8x128xf32, #tpu.memory_space<hbm>>) target(%dma_start3A_3353 : memref<8x128xf32, #tpu.memory_space<vmem>>) target_semaphore(%arg15 : memref<!tpu.dma_semaphore, #tpu.memory_space<semaphore_mem>>)
        %dma_start3A_3356 = arith.constant 0 : i32
        %dma_start3A_3357 = arith.constant 5 : i32
        %dma_start3A_3358 = arith.constant 0 : i32
        %dma_start3A_3359 = tpu.memref_slice %arg12[%dma_start3A_3356, %dma_start3A_3357, %dma_start3A_3358] : memref<2x8x128xf32, #tpu.memory_space<vmem>> -> memref<1x1x128xf32, #tpu.memory_space<vmem>>
        %dma_start3A_3360 = tpu.memref_squeeze %dma_start3A_3359 : memref<1x1x128xf32, #tpu.memory_space<vmem>> -> memref<1x128xf32, #tpu.memory_space<vmem>>
        %dma_start3A_3361 = arith.constant 0 : i32
        %dma_start3A_3362 = tpu.memref_slice %arg5[%dma_start3A_3361, %multiple_of3A_3294] : memref<1x1000000xf32, #tpu.memory_space<hbm>> -> memref<1x128xf32, #tpu.memory_space<hbm>>
        %dma_start3A_3363 = arith.constant 5 : i32
        %dma_start3A_3364 = arith.constant 0 : i32
        %dma_start3A_3365 = tpu.memref_slice %arg12[%dma_start3A_3356, %dma_start3A_3363, %dma_start3A_3364] : memref<2x8x128xf32, #tpu.memory_space<vmem>> -> memref<1x1x128xf32, #tpu.memory_space<vmem>>
        %dma_start3A_3366 = tpu.memref_squeeze %dma_start3A_3365 : memref<1x1x128xf32, #tpu.memory_space<vmem>> -> memref<1x128xf32, #tpu.memory_space<vmem>>
        %dma_start3A_3367 = arith.constant 0 : i32
        %dma_start3A_3368 = tpu.memref_slice %arg5[%dma_start3A_3367, %multiple_of3A_3294] : memref<1x1000000xf32, #tpu.memory_space<hbm>> -> memref<1x128xf32, #tpu.memory_space<hbm>>
        tpu.enqueue_dma source(%dma_start3A_3368 : memref<1x128xf32, #tpu.memory_space<hbm>>) target(%dma_start3A_3366 : memref<1x128xf32, #tpu.memory_space<vmem>>) target_semaphore(%arg15 : memref<!tpu.dma_semaphore, #tpu.memory_space<semaphore_mem>>)
        %dma_start3A_3369 = arith.constant 0 : i32
        %dma_start3A_3370 = arith.constant 5 : i32
        %dma_start3A_3371 = arith.constant 0 : i32
        %dma_start3A_3372 = tpu.memref_slice %arg13[%dma_start3A_3369, %dma_start3A_3370, %dma_start3A_3371] : memref<2x8x128xf32, #tpu.memory_space<vmem>> -> memref<1x1x128xf32, #tpu.memory_space<vmem>>
        %dma_start3A_3373 = tpu.memref_squeeze %dma_start3A_3372 : memref<1x1x128xf32, #tpu.memory_space<vmem>> -> memref<1x128xf32, #tpu.memory_space<vmem>>
        %dma_start3A_3374 = arith.constant 0 : i32
        %dma_start3A_3375 = tpu.memref_slice %arg6[%dma_start3A_3374, %multiple_of3A_3299] : memref<1x1000000xf32, #tpu.memory_space<hbm>> -> memref<1x128xf32, #tpu.memory_space<hbm>>
        %dma_start3A_3376 = arith.constant 5 : i32
        %dma_start3A_3377 = arith.constant 0 : i32
        %dma_start3A_3378 = tpu.memref_slice %arg13[%dma_start3A_3369, %dma_start3A_3376, %dma_start3A_3377] : memref<2x8x128xf32, #tpu.memory_space<vmem>> -> memref<1x1x128xf32, #tpu.memory_space<vmem>>
        %dma_start3A_3379 = tpu.memref_squeeze %dma_start3A_3378 : memref<1x1x128xf32, #tpu.memory_space<vmem>> -> memref<1x128xf32, #tpu.memory_space<vmem>>
        %dma_start3A_3380 = arith.constant 0 : i32
        %dma_start3A_3381 = tpu.memref_slice %arg6[%dma_start3A_3380, %multiple_of3A_3299] : memref<1x1000000xf32, #tpu.memory_space<hbm>> -> memref<1x128xf32, #tpu.memory_space<hbm>>
        tpu.enqueue_dma source(%dma_start3A_3381 : memref<1x128xf32, #tpu.memory_space<hbm>>) target(%dma_start3A_3379 : memref<1x128xf32, #tpu.memory_space<vmem>>) target_semaphore(%arg15 : memref<!tpu.dma_semaphore, #tpu.memory_space<semaphore_mem>>)
        %slice3A_3382 = vector.extract_strided_slice %get3A_2803 {offsets = [6], sizes = [1], strides = [1]} : vector<16xi32> to vector<1xi32>
        %squeeze3A_3383 = vector.extract %slice3A_3382[0] : i32 from vector<1xi32>
        %slice3A_3384 = vector.extract_strided_slice %get3A_2805 {offsets = [6], sizes = [1], strides = [1]} : vector<16xi32> to vector<1xi32>
        %squeeze3A_3385 = vector.extract %slice3A_3384[0] : i32 from vector<1xi32>
        %shift_right_arithmetic3A_3386 = arith.constant 7 : i32
        %shift_right_arithmetic3A_3387 = arith.shrsi %squeeze3A_3383, %shift_right_arithmetic3A_3386 : i32
        %shift_left3A_3388 = arith.constant 7 : i32
        %shift_left3A_3389 = arith.shli %shift_right_arithmetic3A_3387, %shift_left3A_3388 : i32
        %multiple_of3A_3390 = tpu.assume_multiple %shift_left3A_3389, 128 : i32
        %shift_right_arithmetic3A_3391 = arith.constant 7 : i32
        %shift_right_arithmetic3A_3392 = arith.shrsi %squeeze3A_3385, %shift_right_arithmetic3A_3391 : i32
        %shift_left3A_3393 = arith.constant 7 : i32
        %shift_left3A_3394 = arith.shli %shift_right_arithmetic3A_3392, %shift_left3A_3393 : i32
        %multiple_of3A_3395 = tpu.assume_multiple %shift_left3A_3394, 128 : i32
        %dma_start3A_3396 = arith.constant 0 : i32
        %dma_start3A_3397 = arith.constant 6 : i32
        %dma_start3A_3398 = arith.constant 0 : i32
        %dma_start3A_3399 = arith.constant 0 : i32
        %dma_start3A_3400 = tpu.memref_slice %arg10[%dma_start3A_3396, %dma_start3A_3397, %dma_start3A_3398, %dma_start3A_3399] : memref<2x8x16x128xf32, #tpu.memory_space<vmem>> -> memref<1x1x8x128xf32, #tpu.memory_space<vmem>>
        %dma_start3A_3401 = tpu.memref_squeeze %dma_start3A_3400 : memref<1x1x8x128xf32, #tpu.memory_space<vmem>> -> memref<8x128xf32, #tpu.memory_space<vmem>>
        %dma_start3A_3402 = arith.constant 0 : i32
        %dma_start3A_3403 = tpu.memref_slice %arg3[%dma_start3A_3402, %multiple_of3A_3390] : memref<16x1000000xf32, #tpu.memory_space<hbm>> -> memref<8x128xf32, #tpu.memory_space<hbm>>
        %dma_start3A_3404 = arith.constant 0 : i32
        %dma_start3A_3405 = arith.constant 0 : i32
        %dma_start3A_3406 = tpu.memref_slice %arg10[%dma_start3A_3396, %dma_start3A_3397, %dma_start3A_3404, %dma_start3A_3405] : memref<2x8x16x128xf32, #tpu.memory_space<vmem>> -> memref<1x1x8x128xf32, #tpu.memory_space<vmem>>
        %dma_start3A_3407 = tpu.memref_squeeze %dma_start3A_3406 : memref<1x1x8x128xf32, #tpu.memory_space<vmem>> -> memref<8x128xf32, #tpu.memory_space<vmem>>
        %dma_start3A_3408 = arith.constant 0 : i32
        %dma_start3A_3409 = tpu.memref_slice %arg3[%dma_start3A_3408, %multiple_of3A_3390] : memref<16x1000000xf32, #tpu.memory_space<hbm>> -> memref<8x128xf32, #tpu.memory_space<hbm>>
        tpu.enqueue_dma source(%dma_start3A_3409 : memref<8x128xf32, #tpu.memory_space<hbm>>) target(%dma_start3A_3407 : memref<8x128xf32, #tpu.memory_space<vmem>>) target_semaphore(%arg15 : memref<!tpu.dma_semaphore, #tpu.memory_space<semaphore_mem>>)
        %dma_start3A_3410 = arith.constant 0 : i32
        %dma_start3A_3411 = arith.constant 6 : i32
        %dma_start3A_3412 = arith.constant 8 : i32
        %dma_start3A_3413 = arith.constant 0 : i32
        %dma_start3A_3414 = tpu.memref_slice %arg10[%dma_start3A_3410, %dma_start3A_3411, %dma_start3A_3412, %dma_start3A_3413] : memref<2x8x16x128xf32, #tpu.memory_space<vmem>> -> memref<1x1x8x128xf32, #tpu.memory_space<vmem>>
        %dma_start3A_3415 = tpu.memref_squeeze %dma_start3A_3414 : memref<1x1x8x128xf32, #tpu.memory_space<vmem>> -> memref<8x128xf32, #tpu.memory_space<vmem>>
        %dma_start3A_3416 = arith.constant 8 : i32
        %dma_start3A_3417 = tpu.memref_slice %arg3[%dma_start3A_3416, %multiple_of3A_3390] : memref<16x1000000xf32, #tpu.memory_space<hbm>> -> memref<8x128xf32, #tpu.memory_space<hbm>>
        %dma_start3A_3418 = arith.constant 8 : i32
        %dma_start3A_3419 = arith.constant 0 : i32
        %dma_start3A_3420 = tpu.memref_slice %arg10[%dma_start3A_3410, %dma_start3A_3411, %dma_start3A_3418, %dma_start3A_3419] : memref<2x8x16x128xf32, #tpu.memory_space<vmem>> -> memref<1x1x8x128xf32, #tpu.memory_space<vmem>>
        %dma_start3A_3421 = tpu.memref_squeeze %dma_start3A_3420 : memref<1x1x8x128xf32, #tpu.memory_space<vmem>> -> memref<8x128xf32, #tpu.memory_space<vmem>>
        %dma_start3A_3422 = arith.constant 8 : i32
        %dma_start3A_3423 = tpu.memref_slice %arg3[%dma_start3A_3422, %multiple_of3A_3390] : memref<16x1000000xf32, #tpu.memory_space<hbm>> -> memref<8x128xf32, #tpu.memory_space<hbm>>
        tpu.enqueue_dma source(%dma_start3A_3423 : memref<8x128xf32, #tpu.memory_space<hbm>>) target(%dma_start3A_3421 : memref<8x128xf32, #tpu.memory_space<vmem>>) target_semaphore(%arg15 : memref<!tpu.dma_semaphore, #tpu.memory_space<semaphore_mem>>)
        %dma_start3A_3424 = arith.constant 0 : i32
        %dma_start3A_3425 = arith.constant 6 : i32
        %dma_start3A_3426 = arith.constant 0 : i32
        %dma_start3A_3427 = arith.constant 0 : i32
        %dma_start3A_3428 = tpu.memref_slice %arg11[%dma_start3A_3424, %dma_start3A_3425, %dma_start3A_3426, %dma_start3A_3427] : memref<2x8x16x128xf32, #tpu.memory_space<vmem>> -> memref<1x1x8x128xf32, #tpu.memory_space<vmem>>
        %dma_start3A_3429 = tpu.memref_squeeze %dma_start3A_3428 : memref<1x1x8x128xf32, #tpu.memory_space<vmem>> -> memref<8x128xf32, #tpu.memory_space<vmem>>
        %dma_start3A_3430 = arith.constant 0 : i32
        %dma_start3A_3431 = tpu.memref_slice %arg4[%dma_start3A_3430, %multiple_of3A_3395] : memref<16x1000000xf32, #tpu.memory_space<hbm>> -> memref<8x128xf32, #tpu.memory_space<hbm>>
        %dma_start3A_3432 = arith.constant 0 : i32
        %dma_start3A_3433 = arith.constant 0 : i32
        %dma_start3A_3434 = tpu.memref_slice %arg11[%dma_start3A_3424, %dma_start3A_3425, %dma_start3A_3432, %dma_start3A_3433] : memref<2x8x16x128xf32, #tpu.memory_space<vmem>> -> memref<1x1x8x128xf32, #tpu.memory_space<vmem>>
        %dma_start3A_3435 = tpu.memref_squeeze %dma_start3A_3434 : memref<1x1x8x128xf32, #tpu.memory_space<vmem>> -> memref<8x128xf32, #tpu.memory_space<vmem>>
        %dma_start3A_3436 = arith.constant 0 : i32
        %dma_start3A_3437 = tpu.memref_slice %arg4[%dma_start3A_3436, %multiple_of3A_3395] : memref<16x1000000xf32, #tpu.memory_space<hbm>> -> memref<8x128xf32, #tpu.memory_space<hbm>>
        tpu.enqueue_dma source(%dma_start3A_3437 : memref<8x128xf32, #tpu.memory_space<hbm>>) target(%dma_start3A_3435 : memref<8x128xf32, #tpu.memory_space<vmem>>) target_semaphore(%arg15 : memref<!tpu.dma_semaphore, #tpu.memory_space<semaphore_mem>>)
        %dma_start3A_3438 = arith.constant 0 : i32
        %dma_start3A_3439 = arith.constant 6 : i32
        %dma_start3A_3440 = arith.constant 8 : i32
        %dma_start3A_3441 = arith.constant 0 : i32
        %dma_start3A_3442 = tpu.memref_slice %arg11[%dma_start3A_3438, %dma_start3A_3439, %dma_start3A_3440, %dma_start3A_3441] : memref<2x8x16x128xf32, #tpu.memory_space<vmem>> -> memref<1x1x8x128xf32, #tpu.memory_space<vmem>>
        %dma_start3A_3443 = tpu.memref_squeeze %dma_start3A_3442 : memref<1x1x8x128xf32, #tpu.memory_space<vmem>> -> memref<8x128xf32, #tpu.memory_space<vmem>>
        %dma_start3A_3444 = arith.constant 8 : i32
        %dma_start3A_3445 = tpu.memref_slice %arg4[%dma_start3A_3444, %multiple_of3A_3395] : memref<16x1000000xf32, #tpu.memory_space<hbm>> -> memref<8x128xf32, #tpu.memory_space<hbm>>
        %dma_start3A_3446 = arith.constant 8 : i32
        %dma_start3A_3447 = arith.constant 0 : i32
        %dma_start3A_3448 = tpu.memref_slice %arg11[%dma_start3A_3438, %dma_start3A_3439, %dma_start3A_3446, %dma_start3A_3447] : memref<2x8x16x128xf32, #tpu.memory_space<vmem>> -> memref<1x1x8x128xf32, #tpu.memory_space<vmem>>
        %dma_start3A_3449 = tpu.memref_squeeze %dma_start3A_3448 : memref<1x1x8x128xf32, #tpu.memory_space<vmem>> -> memref<8x128xf32, #tpu.memory_space<vmem>>
        %dma_start3A_3450 = arith.constant 8 : i32
        %dma_start3A_3451 = tpu.memref_slice %arg4[%dma_start3A_3450, %multiple_of3A_3395] : memref<16x1000000xf32, #tpu.memory_space<hbm>> -> memref<8x128xf32, #tpu.memory_space<hbm>>
        tpu.enqueue_dma source(%dma_start3A_3451 : memref<8x128xf32, #tpu.memory_space<hbm>>) target(%dma_start3A_3449 : memref<8x128xf32, #tpu.memory_space<vmem>>) target_semaphore(%arg15 : memref<!tpu.dma_semaphore, #tpu.memory_space<semaphore_mem>>)
        %dma_start3A_3452 = arith.constant 0 : i32
        %dma_start3A_3453 = arith.constant 6 : i32
        %dma_start3A_3454 = arith.constant 0 : i32
        %dma_start3A_3455 = tpu.memref_slice %arg12[%dma_start3A_3452, %dma_start3A_3453, %dma_start3A_3454] : memref<2x8x128xf32, #tpu.memory_space<vmem>> -> memref<1x1x128xf32, #tpu.memory_space<vmem>>
        %dma_start3A_3456 = tpu.memref_squeeze %dma_start3A_3455 : memref<1x1x128xf32, #tpu.memory_space<vmem>> -> memref<1x128xf32, #tpu.memory_space<vmem>>
        %dma_start3A_3457 = arith.constant 0 : i32
        %dma_start3A_3458 = tpu.memref_slice %arg5[%dma_start3A_3457, %multiple_of3A_3390] : memref<1x1000000xf32, #tpu.memory_space<hbm>> -> memref<1x128xf32, #tpu.memory_space<hbm>>
        %dma_start3A_3459 = arith.constant 6 : i32
        %dma_start3A_3460 = arith.constant 0 : i32
        %dma_start3A_3461 = tpu.memref_slice %arg12[%dma_start3A_3452, %dma_start3A_3459, %dma_start3A_3460] : memref<2x8x128xf32, #tpu.memory_space<vmem>> -> memref<1x1x128xf32, #tpu.memory_space<vmem>>
        %dma_start3A_3462 = tpu.memref_squeeze %dma_start3A_3461 : memref<1x1x128xf32, #tpu.memory_space<vmem>> -> memref<1x128xf32, #tpu.memory_space<vmem>>
        %dma_start3A_3463 = arith.constant 0 : i32
        %dma_start3A_3464 = tpu.memref_slice %arg5[%dma_start3A_3463, %multiple_of3A_3390] : memref<1x1000000xf32, #tpu.memory_space<hbm>> -> memref<1x128xf32, #tpu.memory_space<hbm>>
        tpu.enqueue_dma source(%dma_start3A_3464 : memref<1x128xf32, #tpu.memory_space<hbm>>) target(%dma_start3A_3462 : memref<1x128xf32, #tpu.memory_space<vmem>>) target_semaphore(%arg15 : memref<!tpu.dma_semaphore, #tpu.memory_space<semaphore_mem>>)
        %dma_start3A_3465 = arith.constant 0 : i32
        %dma_start3A_3466 = arith.constant 6 : i32
        %dma_start3A_3467 = arith.constant 0 : i32
        %dma_start3A_3468 = tpu.memref_slice %arg13[%dma_start3A_3465, %dma_start3A_3466, %dma_start3A_3467] : memref<2x8x128xf32, #tpu.memory_space<vmem>> -> memref<1x1x128xf32, #tpu.memory_space<vmem>>
        %dma_start3A_3469 = tpu.memref_squeeze %dma_start3A_3468 : memref<1x1x128xf32, #tpu.memory_space<vmem>> -> memref<1x128xf32, #tpu.memory_space<vmem>>
        %dma_start3A_3470 = arith.constant 0 : i32
        %dma_start3A_3471 = tpu.memref_slice %arg6[%dma_start3A_3470, %multiple_of3A_3395] : memref<1x1000000xf32, #tpu.memory_space<hbm>> -> memref<1x128xf32, #tpu.memory_space<hbm>>
        %dma_start3A_3472 = arith.constant 6 : i32
        %dma_start3A_3473 = arith.constant 0 : i32
        %dma_start3A_3474 = tpu.memref_slice %arg13[%dma_start3A_3465, %dma_start3A_3472, %dma_start3A_3473] : memref<2x8x128xf32, #tpu.memory_space<vmem>> -> memref<1x1x128xf32, #tpu.memory_space<vmem>>
        %dma_start3A_3475 = tpu.memref_squeeze %dma_start3A_3474 : memref<1x1x128xf32, #tpu.memory_space<vmem>> -> memref<1x128xf32, #tpu.memory_space<vmem>>
        %dma_start3A_3476 = arith.constant 0 : i32
        %dma_start3A_3477 = tpu.memref_slice %arg6[%dma_start3A_3476, %multiple_of3A_3395] : memref<1x1000000xf32, #tpu.memory_space<hbm>> -> memref<1x128xf32, #tpu.memory_space<hbm>>
        tpu.enqueue_dma source(%dma_start3A_3477 : memref<1x128xf32, #tpu.memory_space<hbm>>) target(%dma_start3A_3475 : memref<1x128xf32, #tpu.memory_space<vmem>>) target_semaphore(%arg15 : memref<!tpu.dma_semaphore, #tpu.memory_space<semaphore_mem>>)
        %slice3A_3478 = vector.extract_strided_slice %get3A_2803 {offsets = [7], sizes = [1], strides = [1]} : vector<16xi32> to vector<1xi32>
        %squeeze3A_3479 = vector.extract %slice3A_3478[0] : i32 from vector<1xi32>
        %slice3A_3480 = vector.extract_strided_slice %get3A_2805 {offsets = [7], sizes = [1], strides = [1]} : vector<16xi32> to vector<1xi32>
        %squeeze3A_3481 = vector.extract %slice3A_3480[0] : i32 from vector<1xi32>
        %shift_right_arithmetic3A_3482 = arith.constant 7 : i32
        %shift_right_arithmetic3A_3483 = arith.shrsi %squeeze3A_3479, %shift_right_arithmetic3A_3482 : i32
        %shift_left3A_3484 = arith.constant 7 : i32
        %shift_left3A_3485 = arith.shli %shift_right_arithmetic3A_3483, %shift_left3A_3484 : i32
        %multiple_of3A_3486 = tpu.assume_multiple %shift_left3A_3485, 128 : i32
        %shift_right_arithmetic3A_3487 = arith.constant 7 : i32
        %shift_right_arithmetic3A_3488 = arith.shrsi %squeeze3A_3481, %shift_right_arithmetic3A_3487 : i32
        %shift_left3A_3489 = arith.constant 7 : i32
        %shift_left3A_3490 = arith.shli %shift_right_arithmetic3A_3488, %shift_left3A_3489 : i32
        %multiple_of3A_3491 = tpu.assume_multiple %shift_left3A_3490, 128 : i32
        %dma_start3A_3492 = arith.constant 0 : i32
        %dma_start3A_3493 = arith.constant 7 : i32
        %dma_start3A_3494 = arith.constant 0 : i32
        %dma_start3A_3495 = arith.constant 0 : i32
        %dma_start3A_3496 = tpu.memref_slice %arg10[%dma_start3A_3492, %dma_start3A_3493, %dma_start3A_3494, %dma_start3A_3495] : memref<2x8x16x128xf32, #tpu.memory_space<vmem>> -> memref<1x1x8x128xf32, #tpu.memory_space<vmem>>
        %dma_start3A_3497 = tpu.memref_squeeze %dma_start3A_3496 : memref<1x1x8x128xf32, #tpu.memory_space<vmem>> -> memref<8x128xf32, #tpu.memory_space<vmem>>
        %dma_start3A_3498 = arith.constant 0 : i32
        %dma_start3A_3499 = tpu.memref_slice %arg3[%dma_start3A_3498, %multiple_of3A_3486] : memref<16x1000000xf32, #tpu.memory_space<hbm>> -> memref<8x128xf32, #tpu.memory_space<hbm>>
        %dma_start3A_3500 = arith.constant 0 : i32
        %dma_start3A_3501 = arith.constant 0 : i32
        %dma_start3A_3502 = tpu.memref_slice %arg10[%dma_start3A_3492, %dma_start3A_3493, %dma_start3A_3500, %dma_start3A_3501] : memref<2x8x16x128xf32, #tpu.memory_space<vmem>> -> memref<1x1x8x128xf32, #tpu.memory_space<vmem>>
        %dma_start3A_3503 = tpu.memref_squeeze %dma_start3A_3502 : memref<1x1x8x128xf32, #tpu.memory_space<vmem>> -> memref<8x128xf32, #tpu.memory_space<vmem>>
        %dma_start3A_3504 = arith.constant 0 : i32
        %dma_start3A_3505 = tpu.memref_slice %arg3[%dma_start3A_3504, %multiple_of3A_3486] : memref<16x1000000xf32, #tpu.memory_space<hbm>> -> memref<8x128xf32, #tpu.memory_space<hbm>>
        tpu.enqueue_dma source(%dma_start3A_3505 : memref<8x128xf32, #tpu.memory_space<hbm>>) target(%dma_start3A_3503 : memref<8x128xf32, #tpu.memory_space<vmem>>) target_semaphore(%arg15 : memref<!tpu.dma_semaphore, #tpu.memory_space<semaphore_mem>>)
        %dma_start3A_3506 = arith.constant 0 : i32
        %dma_start3A_3507 = arith.constant 7 : i32
        %dma_start3A_3508 = arith.constant 8 : i32
        %dma_start3A_3509 = arith.constant 0 : i32
        %dma_start3A_3510 = tpu.memref_slice %arg10[%dma_start3A_3506, %dma_start3A_3507, %dma_start3A_3508, %dma_start3A_3509] : memref<2x8x16x128xf32, #tpu.memory_space<vmem>> -> memref<1x1x8x128xf32, #tpu.memory_space<vmem>>
        %dma_start3A_3511 = tpu.memref_squeeze %dma_start3A_3510 : memref<1x1x8x128xf32, #tpu.memory_space<vmem>> -> memref<8x128xf32, #tpu.memory_space<vmem>>
        %dma_start3A_3512 = arith.constant 8 : i32
        %dma_start3A_3513 = tpu.memref_slice %arg3[%dma_start3A_3512, %multiple_of3A_3486] : memref<16x1000000xf32, #tpu.memory_space<hbm>> -> memref<8x128xf32, #tpu.memory_space<hbm>>
        %dma_start3A_3514 = arith.constant 8 : i32
        %dma_start3A_3515 = arith.constant 0 : i32
        %dma_start3A_3516 = tpu.memref_slice %arg10[%dma_start3A_3506, %dma_start3A_3507, %dma_start3A_3514, %dma_start3A_3515] : memref<2x8x16x128xf32, #tpu.memory_space<vmem>> -> memref<1x1x8x128xf32, #tpu.memory_space<vmem>>
        %dma_start3A_3517 = tpu.memref_squeeze %dma_start3A_3516 : memref<1x1x8x128xf32, #tpu.memory_space<vmem>> -> memref<8x128xf32, #tpu.memory_space<vmem>>
        %dma_start3A_3518 = arith.constant 8 : i32
        %dma_start3A_3519 = tpu.memref_slice %arg3[%dma_start3A_3518, %multiple_of3A_3486] : memref<16x1000000xf32, #tpu.memory_space<hbm>> -> memref<8x128xf32, #tpu.memory_space<hbm>>
        tpu.enqueue_dma source(%dma_start3A_3519 : memref<8x128xf32, #tpu.memory_space<hbm>>) target(%dma_start3A_3517 : memref<8x128xf32, #tpu.memory_space<vmem>>) target_semaphore(%arg15 : memref<!tpu.dma_semaphore, #tpu.memory_space<semaphore_mem>>)
        %dma_start3A_3520 = arith.constant 0 : i32
        %dma_start3A_3521 = arith.constant 7 : i32
        %dma_start3A_3522 = arith.constant 0 : i32
        %dma_start3A_3523 = arith.constant 0 : i32
        %dma_start3A_3524 = tpu.memref_slice %arg11[%dma_start3A_3520, %dma_start3A_3521, %dma_start3A_3522, %dma_start3A_3523] : memref<2x8x16x128xf32, #tpu.memory_space<vmem>> -> memref<1x1x8x128xf32, #tpu.memory_space<vmem>>
        %dma_start3A_3525 = tpu.memref_squeeze %dma_start3A_3524 : memref<1x1x8x128xf32, #tpu.memory_space<vmem>> -> memref<8x128xf32, #tpu.memory_space<vmem>>
        %dma_start3A_3526 = arith.constant 0 : i32
        %dma_start3A_3527 = tpu.memref_slice %arg4[%dma_start3A_3526, %multiple_of3A_3491] : memref<16x1000000xf32, #tpu.memory_space<hbm>> -> memref<8x128xf32, #tpu.memory_space<hbm>>
        %dma_start3A_3528 = arith.constant 0 : i32
        %dma_start3A_3529 = arith.constant 0 : i32
        %dma_start3A_3530 = tpu.memref_slice %arg11[%dma_start3A_3520, %dma_start3A_3521, %dma_start3A_3528, %dma_start3A_3529] : memref<2x8x16x128xf32, #tpu.memory_space<vmem>> -> memref<1x1x8x128xf32, #tpu.memory_space<vmem>>
        %dma_start3A_3531 = tpu.memref_squeeze %dma_start3A_3530 : memref<1x1x8x128xf32, #tpu.memory_space<vmem>> -> memref<8x128xf32, #tpu.memory_space<vmem>>
        %dma_start3A_3532 = arith.constant 0 : i32
        %dma_start3A_3533 = tpu.memref_slice %arg4[%dma_start3A_3532, %multiple_of3A_3491] : memref<16x1000000xf32, #tpu.memory_space<hbm>> -> memref<8x128xf32, #tpu.memory_space<hbm>>
        tpu.enqueue_dma source(%dma_start3A_3533 : memref<8x128xf32, #tpu.memory_space<hbm>>) target(%dma_start3A_3531 : memref<8x128xf32, #tpu.memory_space<vmem>>) target_semaphore(%arg15 : memref<!tpu.dma_semaphore, #tpu.memory_space<semaphore_mem>>)
        %dma_start3A_3534 = arith.constant 0 : i32
        %dma_start3A_3535 = arith.constant 7 : i32
        %dma_start3A_3536 = arith.constant 8 : i32
        %dma_start3A_3537 = arith.constant 0 : i32
        %dma_start3A_3538 = tpu.memref_slice %arg11[%dma_start3A_3534, %dma_start3A_3535, %dma_start3A_3536, %dma_start3A_3537] : memref<2x8x16x128xf32, #tpu.memory_space<vmem>> -> memref<1x1x8x128xf32, #tpu.memory_space<vmem>>
        %dma_start3A_3539 = tpu.memref_squeeze %dma_start3A_3538 : memref<1x1x8x128xf32, #tpu.memory_space<vmem>> -> memref<8x128xf32, #tpu.memory_space<vmem>>
        %dma_start3A_3540 = arith.constant 8 : i32
        %dma_start3A_3541 = tpu.memref_slice %arg4[%dma_start3A_3540, %multiple_of3A_3491] : memref<16x1000000xf32, #tpu.memory_space<hbm>> -> memref<8x128xf32, #tpu.memory_space<hbm>>
        %dma_start3A_3542 = arith.constant 8 : i32
        %dma_start3A_3543 = arith.constant 0 : i32
        %dma_start3A_3544 = tpu.memref_slice %arg11[%dma_start3A_3534, %dma_start3A_3535, %dma_start3A_3542, %dma_start3A_3543] : memref<2x8x16x128xf32, #tpu.memory_space<vmem>> -> memref<1x1x8x128xf32, #tpu.memory_space<vmem>>
        %dma_start3A_3545 = tpu.memref_squeeze %dma_start3A_3544 : memref<1x1x8x128xf32, #tpu.memory_space<vmem>> -> memref<8x128xf32, #tpu.memory_space<vmem>>
        %dma_start3A_3546 = arith.constant 8 : i32
        %dma_start3A_3547 = tpu.memref_slice %arg4[%dma_start3A_3546, %multiple_of3A_3491] : memref<16x1000000xf32, #tpu.memory_space<hbm>> -> memref<8x128xf32, #tpu.memory_space<hbm>>
        tpu.enqueue_dma source(%dma_start3A_3547 : memref<8x128xf32, #tpu.memory_space<hbm>>) target(%dma_start3A_3545 : memref<8x128xf32, #tpu.memory_space<vmem>>) target_semaphore(%arg15 : memref<!tpu.dma_semaphore, #tpu.memory_space<semaphore_mem>>)
        %dma_start3A_3548 = arith.constant 0 : i32
        %dma_start3A_3549 = arith.constant 7 : i32
        %dma_start3A_3550 = arith.constant 0 : i32
        %dma_start3A_3551 = tpu.memref_slice %arg12[%dma_start3A_3548, %dma_start3A_3549, %dma_start3A_3550] : memref<2x8x128xf32, #tpu.memory_space<vmem>> -> memref<1x1x128xf32, #tpu.memory_space<vmem>>
        %dma_start3A_3552 = tpu.memref_squeeze %dma_start3A_3551 : memref<1x1x128xf32, #tpu.memory_space<vmem>> -> memref<1x128xf32, #tpu.memory_space<vmem>>
        %dma_start3A_3553 = arith.constant 0 : i32
        %dma_start3A_3554 = tpu.memref_slice %arg5[%dma_start3A_3553, %multiple_of3A_3486] : memref<1x1000000xf32, #tpu.memory_space<hbm>> -> memref<1x128xf32, #tpu.memory_space<hbm>>
        %dma_start3A_3555 = arith.constant 7 : i32
        %dma_start3A_3556 = arith.constant 0 : i32
        %dma_start3A_3557 = tpu.memref_slice %arg12[%dma_start3A_3548, %dma_start3A_3555, %dma_start3A_3556] : memref<2x8x128xf32, #tpu.memory_space<vmem>> -> memref<1x1x128xf32, #tpu.memory_space<vmem>>
        %dma_start3A_3558 = tpu.memref_squeeze %dma_start3A_3557 : memref<1x1x128xf32, #tpu.memory_space<vmem>> -> memref<1x128xf32, #tpu.memory_space<vmem>>
        %dma_start3A_3559 = arith.constant 0 : i32
        %dma_start3A_3560 = tpu.memref_slice %arg5[%dma_start3A_3559, %multiple_of3A_3486] : memref<1x1000000xf32, #tpu.memory_space<hbm>> -> memref<1x128xf32, #tpu.memory_space<hbm>>
        tpu.enqueue_dma source(%dma_start3A_3560 : memref<1x128xf32, #tpu.memory_space<hbm>>) target(%dma_start3A_3558 : memref<1x128xf32, #tpu.memory_space<vmem>>) target_semaphore(%arg15 : memref<!tpu.dma_semaphore, #tpu.memory_space<semaphore_mem>>)
        %dma_start3A_3561 = arith.constant 0 : i32
        %dma_start3A_3562 = arith.constant 7 : i32
        %dma_start3A_3563 = arith.constant 0 : i32
        %dma_start3A_3564 = tpu.memref_slice %arg13[%dma_start3A_3561, %dma_start3A_3562, %dma_start3A_3563] : memref<2x8x128xf32, #tpu.memory_space<vmem>> -> memref<1x1x128xf32, #tpu.memory_space<vmem>>
        %dma_start3A_3565 = tpu.memref_squeeze %dma_start3A_3564 : memref<1x1x128xf32, #tpu.memory_space<vmem>> -> memref<1x128xf32, #tpu.memory_space<vmem>>
        %dma_start3A_3566 = arith.constant 0 : i32
        %dma_start3A_3567 = tpu.memref_slice %arg6[%dma_start3A_3566, %multiple_of3A_3491] : memref<1x1000000xf32, #tpu.memory_space<hbm>> -> memref<1x128xf32, #tpu.memory_space<hbm>>
        %dma_start3A_3568 = arith.constant 7 : i32
        %dma_start3A_3569 = arith.constant 0 : i32
        %dma_start3A_3570 = tpu.memref_slice %arg13[%dma_start3A_3561, %dma_start3A_3568, %dma_start3A_3569] : memref<2x8x128xf32, #tpu.memory_space<vmem>> -> memref<1x1x128xf32, #tpu.memory_space<vmem>>
        %dma_start3A_3571 = tpu.memref_squeeze %dma_start3A_3570 : memref<1x1x128xf32, #tpu.memory_space<vmem>> -> memref<1x128xf32, #tpu.memory_space<vmem>>
        %dma_start3A_3572 = arith.constant 0 : i32
        %dma_start3A_3573 = tpu.memref_slice %arg6[%dma_start3A_3572, %multiple_of3A_3491] : memref<1x1000000xf32, #tpu.memory_space<hbm>> -> memref<1x128xf32, #tpu.memory_space<hbm>>
        tpu.enqueue_dma source(%dma_start3A_3573 : memref<1x128xf32, #tpu.memory_space<hbm>>) target(%dma_start3A_3571 : memref<1x128xf32, #tpu.memory_space<vmem>>) target_semaphore(%arg15 : memref<!tpu.dma_semaphore, #tpu.memory_space<semaphore_mem>>)
      } else {
      }
      %dma_wait3A_2174 = arith.constant 1 : i32
      %dma_wait3A_2175 = arith.constant 0 : i32
      %dma_wait3A_2176 = arith.constant 0 : i32
      %dma_wait3A_2177 = arith.constant 0 : i32
      %dma_wait3A_2178 = tpu.memref_slice %arg10[%dma_wait3A_2174, %dma_wait3A_2175, %dma_wait3A_2176, %dma_wait3A_2177] : memref<2x8x16x128xf32, #tpu.memory_space<vmem>> -> memref<1x1x16x128xf32, #tpu.memory_space<vmem>>
      %dma_wait3A_2179 = tpu.memref_squeeze %dma_wait3A_2178 : memref<1x1x16x128xf32, #tpu.memory_space<vmem>> -> memref<16x128xf32, #tpu.memory_space<vmem>>
      %dma_wait3A_2180 = arith.constant 0 : i32
      %dma_wait3A_2181 = arith.constant 0 : i32
      %dma_wait3A_2182 = tpu.memref_slice %arg3[%dma_wait3A_2180, %dma_wait3A_2181] : memref<16x1000000xf32, #tpu.memory_space<hbm>> -> memref<16x128xf32, #tpu.memory_space<hbm>>
      %dma_wait3A_2183 = arith.constant 0 : i32
      %dma_wait3A_2184 = arith.constant 0 : i32
      %dma_wait3A_2185 = tpu.memref_slice %arg10[%dma_wait3A_2174, %dma_wait3A_2175, %dma_wait3A_2183, %dma_wait3A_2184] : memref<2x8x16x128xf32, #tpu.memory_space<vmem>> -> memref<1x1x16x128xf32, #tpu.memory_space<vmem>>
      %dma_wait3A_2186 = tpu.memref_squeeze %dma_wait3A_2185 : memref<1x1x16x128xf32, #tpu.memory_space<vmem>> -> memref<16x128xf32, #tpu.memory_space<vmem>>
      %dma_wait3A_2187 = arith.constant 0 : i32
      %dma_wait3A_2188 = arith.constant 0 : i32
      %dma_wait3A_2189 = tpu.memref_slice %arg3[%dma_wait3A_2187, %dma_wait3A_2188] : memref<16x1000000xf32, #tpu.memory_space<hbm>> -> memref<16x128xf32, #tpu.memory_space<hbm>>
      tpu.wait_dma2 semaphore(%arg16 : memref<!tpu.dma_semaphore, #tpu.memory_space<semaphore_mem>>) src(%dma_wait3A_2189 : memref<16x128xf32, #tpu.memory_space<hbm>>) dst(%dma_wait3A_2186 : memref<16x128xf32, #tpu.memory_space<vmem>>)
      %dma_wait3A_2190 = arith.constant 1 : i32
      %dma_wait3A_2191 = arith.constant 0 : i32
      %dma_wait3A_2192 = arith.constant 0 : i32
      %dma_wait3A_2193 = arith.constant 0 : i32
      %dma_wait3A_2194 = tpu.memref_slice %arg11[%dma_wait3A_2190, %dma_wait3A_2191, %dma_wait3A_2192, %dma_wait3A_2193] : memref<2x8x16x128xf32, #tpu.memory_space<vmem>> -> memref<1x1x16x128xf32, #tpu.memory_space<vmem>>
      %dma_wait3A_2195 = tpu.memref_squeeze %dma_wait3A_2194 : memref<1x1x16x128xf32, #tpu.memory_space<vmem>> -> memref<16x128xf32, #tpu.memory_space<vmem>>
      %dma_wait3A_2196 = arith.constant 0 : i32
      %dma_wait3A_2197 = arith.constant 0 : i32
      %dma_wait3A_2198 = tpu.memref_slice %arg4[%dma_wait3A_2196, %dma_wait3A_2197] : memref<16x1000000xf32, #tpu.memory_space<hbm>> -> memref<16x128xf32, #tpu.memory_space<hbm>>
      %dma_wait3A_2199 = arith.constant 0 : i32
      %dma_wait3A_2200 = arith.constant 0 : i32
      %dma_wait3A_2201 = tpu.memref_slice %arg11[%dma_wait3A_2190, %dma_wait3A_2191, %dma_wait3A_2199, %dma_wait3A_2200] : memref<2x8x16x128xf32, #tpu.memory_space<vmem>> -> memref<1x1x16x128xf32, #tpu.memory_space<vmem>>
      %dma_wait3A_2202 = tpu.memref_squeeze %dma_wait3A_2201 : memref<1x1x16x128xf32, #tpu.memory_space<vmem>> -> memref<16x128xf32, #tpu.memory_space<vmem>>
      %dma_wait3A_2203 = arith.constant 0 : i32
      %dma_wait3A_2204 = arith.constant 0 : i32
      %dma_wait3A_2205 = tpu.memref_slice %arg4[%dma_wait3A_2203, %dma_wait3A_2204] : memref<16x1000000xf32, #tpu.memory_space<hbm>> -> memref<16x128xf32, #tpu.memory_space<hbm>>
      tpu.wait_dma2 semaphore(%arg16 : memref<!tpu.dma_semaphore, #tpu.memory_space<semaphore_mem>>) src(%dma_wait3A_2205 : memref<16x128xf32, #tpu.memory_space<hbm>>) dst(%dma_wait3A_2202 : memref<16x128xf32, #tpu.memory_space<vmem>>)
      %dma_wait3A_2206 = arith.constant 1 : i32
      %dma_wait3A_2207 = arith.constant 0 : i32
      %dma_wait3A_2208 = arith.constant 0 : i32
      %dma_wait3A_2209 = tpu.memref_slice %arg12[%dma_wait3A_2206, %dma_wait3A_2207, %dma_wait3A_2208] : memref<2x8x128xf32, #tpu.memory_space<vmem>> -> memref<1x1x128xf32, #tpu.memory_space<vmem>>
      %dma_wait3A_2210 = tpu.memref_squeeze %dma_wait3A_2209 : memref<1x1x128xf32, #tpu.memory_space<vmem>> -> memref<1x128xf32, #tpu.memory_space<vmem>>
      %dma_wait3A_2211 = arith.constant 0 : i32
      %dma_wait3A_2212 = arith.constant 0 : i32
      %dma_wait3A_2213 = tpu.memref_slice %arg5[%dma_wait3A_2211, %dma_wait3A_2212] : memref<1x1000000xf32, #tpu.memory_space<hbm>> -> memref<1x128xf32, #tpu.memory_space<hbm>>
      %dma_wait3A_2214 = arith.constant 0 : i32
      %dma_wait3A_2215 = arith.constant 0 : i32
      %dma_wait3A_2216 = tpu.memref_slice %arg12[%dma_wait3A_2206, %dma_wait3A_2214, %dma_wait3A_2215] : memref<2x8x128xf32, #tpu.memory_space<vmem>> -> memref<1x1x128xf32, #tpu.memory_space<vmem>>
      %dma_wait3A_2217 = tpu.memref_squeeze %dma_wait3A_2216 : memref<1x1x128xf32, #tpu.memory_space<vmem>> -> memref<1x128xf32, #tpu.memory_space<vmem>>
      %dma_wait3A_2218 = arith.constant 0 : i32
      %dma_wait3A_2219 = arith.constant 0 : i32
      %dma_wait3A_2220 = tpu.memref_slice %arg5[%dma_wait3A_2218, %dma_wait3A_2219] : memref<1x1000000xf32, #tpu.memory_space<hbm>> -> memref<1x128xf32, #tpu.memory_space<hbm>>
      tpu.wait_dma2 semaphore(%arg16 : memref<!tpu.dma_semaphore, #tpu.memory_space<semaphore_mem>>) src(%dma_wait3A_2220 : memref<1x128xf32, #tpu.memory_space<hbm>>) dst(%dma_wait3A_2217 : memref<1x128xf32, #tpu.memory_space<vmem>>)
      %dma_wait3A_2221 = arith.constant 1 : i32
      %dma_wait3A_2222 = arith.constant 0 : i32
      %dma_wait3A_2223 = arith.constant 0 : i32
      %dma_wait3A_2224 = tpu.memref_slice %arg13[%dma_wait3A_2221, %dma_wait3A_2222, %dma_wait3A_2223] : memref<2x8x128xf32, #tpu.memory_space<vmem>> -> memref<1x1x128xf32, #tpu.memory_space<vmem>>
      %dma_wait3A_2225 = tpu.memref_squeeze %dma_wait3A_2224 : memref<1x1x128xf32, #tpu.memory_space<vmem>> -> memref<1x128xf32, #tpu.memory_space<vmem>>
      %dma_wait3A_2226 = arith.constant 0 : i32
      %dma_wait3A_2227 = arith.constant 0 : i32
      %dma_wait3A_2228 = tpu.memref_slice %arg6[%dma_wait3A_2226, %dma_wait3A_2227] : memref<1x1000000xf32, #tpu.memory_space<hbm>> -> memref<1x128xf32, #tpu.memory_space<hbm>>
      %dma_wait3A_2229 = arith.constant 0 : i32
      %dma_wait3A_2230 = arith.constant 0 : i32
      %dma_wait3A_2231 = tpu.memref_slice %arg13[%dma_wait3A_2221, %dma_wait3A_2229, %dma_wait3A_2230] : memref<2x8x128xf32, #tpu.memory_space<vmem>> -> memref<1x1x128xf32, #tpu.memory_space<vmem>>
      %dma_wait3A_2232 = tpu.memref_squeeze %dma_wait3A_2231 : memref<1x1x128xf32, #tpu.memory_space<vmem>> -> memref<1x128xf32, #tpu.memory_space<vmem>>
      %dma_wait3A_2233 = arith.constant 0 : i32
      %dma_wait3A_2234 = arith.constant 0 : i32
      %dma_wait3A_2235 = tpu.memref_slice %arg6[%dma_wait3A_2233, %dma_wait3A_2234] : memref<1x1000000xf32, #tpu.memory_space<hbm>> -> memref<1x128xf32, #tpu.memory_space<hbm>>
      tpu.wait_dma2 semaphore(%arg16 : memref<!tpu.dma_semaphore, #tpu.memory_space<semaphore_mem>>) src(%dma_wait3A_2235 : memref<1x128xf32, #tpu.memory_space<hbm>>) dst(%dma_wait3A_2232 : memref<1x128xf32, #tpu.memory_space<vmem>>)
      %dma_wait3A_2236 = arith.constant 1 : i32
      %dma_wait3A_2237 = arith.constant 1 : i32
      %dma_wait3A_2238 = arith.constant 0 : i32
      %dma_wait3A_2239 = arith.constant 0 : i32
      %dma_wait3A_2240 = tpu.memref_slice %arg10[%dma_wait3A_2236, %dma_wait3A_2237, %dma_wait3A_2238, %dma_wait3A_2239] : memref<2x8x16x128xf32, #tpu.memory_space<vmem>> -> memref<1x1x16x128xf32, #tpu.memory_space<vmem>>
      %dma_wait3A_2241 = tpu.memref_squeeze %dma_wait3A_2240 : memref<1x1x16x128xf32, #tpu.memory_space<vmem>> -> memref<16x128xf32, #tpu.memory_space<vmem>>
      %dma_wait3A_2242 = arith.constant 0 : i32
      %dma_wait3A_2243 = arith.constant 0 : i32
      %dma_wait3A_2244 = tpu.memref_slice %arg3[%dma_wait3A_2242, %dma_wait3A_2243] : memref<16x1000000xf32, #tpu.memory_space<hbm>> -> memref<16x128xf32, #tpu.memory_space<hbm>>
      %dma_wait3A_2245 = arith.constant 0 : i32
      %dma_wait3A_2246 = arith.constant 0 : i32
      %dma_wait3A_2247 = tpu.memref_slice %arg10[%dma_wait3A_2236, %dma_wait3A_2237, %dma_wait3A_2245, %dma_wait3A_2246] : memref<2x8x16x128xf32, #tpu.memory_space<vmem>> -> memref<1x1x16x128xf32, #tpu.memory_space<vmem>>
      %dma_wait3A_2248 = tpu.memref_squeeze %dma_wait3A_2247 : memref<1x1x16x128xf32, #tpu.memory_space<vmem>> -> memref<16x128xf32, #tpu.memory_space<vmem>>
      %dma_wait3A_2249 = arith.constant 0 : i32
      %dma_wait3A_2250 = arith.constant 0 : i32
      %dma_wait3A_2251 = tpu.memref_slice %arg3[%dma_wait3A_2249, %dma_wait3A_2250] : memref<16x1000000xf32, #tpu.memory_space<hbm>> -> memref<16x128xf32, #tpu.memory_space<hbm>>
      tpu.wait_dma2 semaphore(%arg16 : memref<!tpu.dma_semaphore, #tpu.memory_space<semaphore_mem>>) src(%dma_wait3A_2251 : memref<16x128xf32, #tpu.memory_space<hbm>>) dst(%dma_wait3A_2248 : memref<16x128xf32, #tpu.memory_space<vmem>>)
      %dma_wait3A_2252 = arith.constant 1 : i32
      %dma_wait3A_2253 = arith.constant 1 : i32
      %dma_wait3A_2254 = arith.constant 0 : i32
      %dma_wait3A_2255 = arith.constant 0 : i32
      %dma_wait3A_2256 = tpu.memref_slice %arg11[%dma_wait3A_2252, %dma_wait3A_2253, %dma_wait3A_2254, %dma_wait3A_2255] : memref<2x8x16x128xf32, #tpu.memory_space<vmem>> -> memref<1x1x16x128xf32, #tpu.memory_space<vmem>>
      %dma_wait3A_2257 = tpu.memref_squeeze %dma_wait3A_2256 : memref<1x1x16x128xf32, #tpu.memory_space<vmem>> -> memref<16x128xf32, #tpu.memory_space<vmem>>
      %dma_wait3A_2258 = arith.constant 0 : i32
      %dma_wait3A_2259 = arith.constant 0 : i32
      %dma_wait3A_2260 = tpu.memref_slice %arg4[%dma_wait3A_2258, %dma_wait3A_2259] : memref<16x1000000xf32, #tpu.memory_space<hbm>> -> memref<16x128xf32, #tpu.memory_space<hbm>>
      %dma_wait3A_2261 = arith.constant 0 : i32
      %dma_wait3A_2262 = arith.constant 0 : i32
      %dma_wait3A_2263 = tpu.memref_slice %arg11[%dma_wait3A_2252, %dma_wait3A_2253, %dma_wait3A_2261, %dma_wait3A_2262] : memref<2x8x16x128xf32, #tpu.memory_space<vmem>> -> memref<1x1x16x128xf32, #tpu.memory_space<vmem>>
      %dma_wait3A_2264 = tpu.memref_squeeze %dma_wait3A_2263 : memref<1x1x16x128xf32, #tpu.memory_space<vmem>> -> memref<16x128xf32, #tpu.memory_space<vmem>>
      %dma_wait3A_2265 = arith.constant 0 : i32
      %dma_wait3A_2266 = arith.constant 0 : i32
      %dma_wait3A_2267 = tpu.memref_slice %arg4[%dma_wait3A_2265, %dma_wait3A_2266] : memref<16x1000000xf32, #tpu.memory_space<hbm>> -> memref<16x128xf32, #tpu.memory_space<hbm>>
      tpu.wait_dma2 semaphore(%arg16 : memref<!tpu.dma_semaphore, #tpu.memory_space<semaphore_mem>>) src(%dma_wait3A_2267 : memref<16x128xf32, #tpu.memory_space<hbm>>) dst(%dma_wait3A_2264 : memref<16x128xf32, #tpu.memory_space<vmem>>)
      %dma_wait3A_2268 = arith.constant 1 : i32
      %dma_wait3A_2269 = arith.constant 1 : i32
      %dma_wait3A_2270 = arith.constant 0 : i32
      %dma_wait3A_2271 = tpu.memref_slice %arg12[%dma_wait3A_2268, %dma_wait3A_2269, %dma_wait3A_2270] : memref<2x8x128xf32, #tpu.memory_space<vmem>> -> memref<1x1x128xf32, #tpu.memory_space<vmem>>
      %dma_wait3A_2272 = tpu.memref_squeeze %dma_wait3A_2271 : memref<1x1x128xf32, #tpu.memory_space<vmem>> -> memref<1x128xf32, #tpu.memory_space<vmem>>
      %dma_wait3A_2273 = arith.constant 0 : i32
      %dma_wait3A_2274 = arith.constant 0 : i32
      %dma_wait3A_2275 = tpu.memref_slice %arg5[%dma_wait3A_2273, %dma_wait3A_2274] : memref<1x1000000xf32, #tpu.memory_space<hbm>> -> memref<1x128xf32, #tpu.memory_space<hbm>>
      %dma_wait3A_2276 = arith.constant 1 : i32
      %dma_wait3A_2277 = arith.constant 0 : i32
      %dma_wait3A_2278 = tpu.memref_slice %arg12[%dma_wait3A_2268, %dma_wait3A_2276, %dma_wait3A_2277] : memref<2x8x128xf32, #tpu.memory_space<vmem>> -> memref<1x1x128xf32, #tpu.memory_space<vmem>>
      %dma_wait3A_2279 = tpu.memref_squeeze %dma_wait3A_2278 : memref<1x1x128xf32, #tpu.memory_space<vmem>> -> memref<1x128xf32, #tpu.memory_space<vmem>>
      %dma_wait3A_2280 = arith.constant 0 : i32
      %dma_wait3A_2281 = arith.constant 0 : i32
      %dma_wait3A_2282 = tpu.memref_slice %arg5[%dma_wait3A_2280, %dma_wait3A_2281] : memref<1x1000000xf32, #tpu.memory_space<hbm>> -> memref<1x128xf32, #tpu.memory_space<hbm>>
      tpu.wait_dma2 semaphore(%arg16 : memref<!tpu.dma_semaphore, #tpu.memory_space<semaphore_mem>>) src(%dma_wait3A_2282 : memref<1x128xf32, #tpu.memory_space<hbm>>) dst(%dma_wait3A_2279 : memref<1x128xf32, #tpu.memory_space<vmem>>)
      %dma_wait3A_2283 = arith.constant 1 : i32
      %dma_wait3A_2284 = arith.constant 1 : i32
      %dma_wait3A_2285 = arith.constant 0 : i32
      %dma_wait3A_2286 = tpu.memref_slice %arg13[%dma_wait3A_2283, %dma_wait3A_2284, %dma_wait3A_2285] : memref<2x8x128xf32, #tpu.memory_space<vmem>> -> memref<1x1x128xf32, #tpu.memory_space<vmem>>
      %dma_wait3A_2287 = tpu.memref_squeeze %dma_wait3A_2286 : memref<1x1x128xf32, #tpu.memory_space<vmem>> -> memref<1x128xf32, #tpu.memory_space<vmem>>
      %dma_wait3A_2288 = arith.constant 0 : i32
      %dma_wait3A_2289 = arith.constant 0 : i32
      %dma_wait3A_2290 = tpu.memref_slice %arg6[%dma_wait3A_2288, %dma_wait3A_2289] : memref<1x1000000xf32, #tpu.memory_space<hbm>> -> memref<1x128xf32, #tpu.memory_space<hbm>>
      %dma_wait3A_2291 = arith.constant 1 : i32
      %dma_wait3A_2292 = arith.constant 0 : i32
      %dma_wait3A_2293 = tpu.memref_slice %arg13[%dma_wait3A_2283, %dma_wait3A_2291, %dma_wait3A_2292] : memref<2x8x128xf32, #tpu.memory_space<vmem>> -> memref<1x1x128xf32, #tpu.memory_space<vmem>>
      %dma_wait3A_2294 = tpu.memref_squeeze %dma_wait3A_2293 : memref<1x1x128xf32, #tpu.memory_space<vmem>> -> memref<1x128xf32, #tpu.memory_space<vmem>>
      %dma_wait3A_2295 = arith.constant 0 : i32
      %dma_wait3A_2296 = arith.constant 0 : i32
      %dma_wait3A_2297 = tpu.memref_slice %arg6[%dma_wait3A_2295, %dma_wait3A_2296] : memref<1x1000000xf32, #tpu.memory_space<hbm>> -> memref<1x128xf32, #tpu.memory_space<hbm>>
      tpu.wait_dma2 semaphore(%arg16 : memref<!tpu.dma_semaphore, #tpu.memory_space<semaphore_mem>>) src(%dma_wait3A_2297 : memref<1x128xf32, #tpu.memory_space<hbm>>) dst(%dma_wait3A_2294 : memref<1x128xf32, #tpu.memory_space<vmem>>)
      %dma_wait3A_2298 = arith.constant 1 : i32
      %dma_wait3A_2299 = arith.constant 2 : i32
      %dma_wait3A_2300 = arith.constant 0 : i32
      %dma_wait3A_2301 = arith.constant 0 : i32
      %dma_wait3A_2302 = tpu.memref_slice %arg10[%dma_wait3A_2298, %dma_wait3A_2299, %dma_wait3A_2300, %dma_wait3A_2301] : memref<2x8x16x128xf32, #tpu.memory_space<vmem>> -> memref<1x1x16x128xf32, #tpu.memory_space<vmem>>
      %dma_wait3A_2303 = tpu.memref_squeeze %dma_wait3A_2302 : memref<1x1x16x128xf32, #tpu.memory_space<vmem>> -> memref<16x128xf32, #tpu.memory_space<vmem>>
      %dma_wait3A_2304 = arith.constant 0 : i32
      %dma_wait3A_2305 = arith.constant 0 : i32
      %dma_wait3A_2306 = tpu.memref_slice %arg3[%dma_wait3A_2304, %dma_wait3A_2305] : memref<16x1000000xf32, #tpu.memory_space<hbm>> -> memref<16x128xf32, #tpu.memory_space<hbm>>
      %dma_wait3A_2307 = arith.constant 0 : i32
      %dma_wait3A_2308 = arith.constant 0 : i32
      %dma_wait3A_2309 = tpu.memref_slice %arg10[%dma_wait3A_2298, %dma_wait3A_2299, %dma_wait3A_2307, %dma_wait3A_2308] : memref<2x8x16x128xf32, #tpu.memory_space<vmem>> -> memref<1x1x16x128xf32, #tpu.memory_space<vmem>>
      %dma_wait3A_2310 = tpu.memref_squeeze %dma_wait3A_2309 : memref<1x1x16x128xf32, #tpu.memory_space<vmem>> -> memref<16x128xf32, #tpu.memory_space<vmem>>
      %dma_wait3A_2311 = arith.constant 0 : i32
      %dma_wait3A_2312 = arith.constant 0 : i32
      %dma_wait3A_2313 = tpu.memref_slice %arg3[%dma_wait3A_2311, %dma_wait3A_2312] : memref<16x1000000xf32, #tpu.memory_space<hbm>> -> memref<16x128xf32, #tpu.memory_space<hbm>>
      tpu.wait_dma2 semaphore(%arg16 : memref<!tpu.dma_semaphore, #tpu.memory_space<semaphore_mem>>) src(%dma_wait3A_2313 : memref<16x128xf32, #tpu.memory_space<hbm>>) dst(%dma_wait3A_2310 : memref<16x128xf32, #tpu.memory_space<vmem>>)
      %dma_wait3A_2314 = arith.constant 1 : i32
      %dma_wait3A_2315 = arith.constant 2 : i32
      %dma_wait3A_2316 = arith.constant 0 : i32
      %dma_wait3A_2317 = arith.constant 0 : i32
      %dma_wait3A_2318 = tpu.memref_slice %arg11[%dma_wait3A_2314, %dma_wait3A_2315, %dma_wait3A_2316, %dma_wait3A_2317] : memref<2x8x16x128xf32, #tpu.memory_space<vmem>> -> memref<1x1x16x128xf32, #tpu.memory_space<vmem>>
      %dma_wait3A_2319 = tpu.memref_squeeze %dma_wait3A_2318 : memref<1x1x16x128xf32, #tpu.memory_space<vmem>> -> memref<16x128xf32, #tpu.memory_space<vmem>>
      %dma_wait3A_2320 = arith.constant 0 : i32
      %dma_wait3A_2321 = arith.constant 0 : i32
      %dma_wait3A_2322 = tpu.memref_slice %arg4[%dma_wait3A_2320, %dma_wait3A_2321] : memref<16x1000000xf32, #tpu.memory_space<hbm>> -> memref<16x128xf32, #tpu.memory_space<hbm>>
      %dma_wait3A_2323 = arith.constant 0 : i32
      %dma_wait3A_2324 = arith.constant 0 : i32
      %dma_wait3A_2325 = tpu.memref_slice %arg11[%dma_wait3A_2314, %dma_wait3A_2315, %dma_wait3A_2323, %dma_wait3A_2324] : memref<2x8x16x128xf32, #tpu.memory_space<vmem>> -> memref<1x1x16x128xf32, #tpu.memory_space<vmem>>
      %dma_wait3A_2326 = tpu.memref_squeeze %dma_wait3A_2325 : memref<1x1x16x128xf32, #tpu.memory_space<vmem>> -> memref<16x128xf32, #tpu.memory_space<vmem>>
      %dma_wait3A_2327 = arith.constant 0 : i32
      %dma_wait3A_2328 = arith.constant 0 : i32
      %dma_wait3A_2329 = tpu.memref_slice %arg4[%dma_wait3A_2327, %dma_wait3A_2328] : memref<16x1000000xf32, #tpu.memory_space<hbm>> -> memref<16x128xf32, #tpu.memory_space<hbm>>
      tpu.wait_dma2 semaphore(%arg16 : memref<!tpu.dma_semaphore, #tpu.memory_space<semaphore_mem>>) src(%dma_wait3A_2329 : memref<16x128xf32, #tpu.memory_space<hbm>>) dst(%dma_wait3A_2326 : memref<16x128xf32, #tpu.memory_space<vmem>>)
      %dma_wait3A_2330 = arith.constant 1 : i32
      %dma_wait3A_2331 = arith.constant 2 : i32
      %dma_wait3A_2332 = arith.constant 0 : i32
      %dma_wait3A_2333 = tpu.memref_slice %arg12[%dma_wait3A_2330, %dma_wait3A_2331, %dma_wait3A_2332] : memref<2x8x128xf32, #tpu.memory_space<vmem>> -> memref<1x1x128xf32, #tpu.memory_space<vmem>>
      %dma_wait3A_2334 = tpu.memref_squeeze %dma_wait3A_2333 : memref<1x1x128xf32, #tpu.memory_space<vmem>> -> memref<1x128xf32, #tpu.memory_space<vmem>>
      %dma_wait3A_2335 = arith.constant 0 : i32
      %dma_wait3A_2336 = arith.constant 0 : i32
      %dma_wait3A_2337 = tpu.memref_slice %arg5[%dma_wait3A_2335, %dma_wait3A_2336] : memref<1x1000000xf32, #tpu.memory_space<hbm>> -> memref<1x128xf32, #tpu.memory_space<hbm>>
      %dma_wait3A_2338 = arith.constant 2 : i32
      %dma_wait3A_2339 = arith.constant 0 : i32
      %dma_wait3A_2340 = tpu.memref_slice %arg12[%dma_wait3A_2330, %dma_wait3A_2338, %dma_wait3A_2339] : memref<2x8x128xf32, #tpu.memory_space<vmem>> -> memref<1x1x128xf32, #tpu.memory_space<vmem>>
      %dma_wait3A_2341 = tpu.memref_squeeze %dma_wait3A_2340 : memref<1x1x128xf32, #tpu.memory_space<vmem>> -> memref<1x128xf32, #tpu.memory_space<vmem>>
      %dma_wait3A_2342 = arith.constant 0 : i32
      %dma_wait3A_2343 = arith.constant 0 : i32
      %dma_wait3A_2344 = tpu.memref_slice %arg5[%dma_wait3A_2342, %dma_wait3A_2343] : memref<1x1000000xf32, #tpu.memory_space<hbm>> -> memref<1x128xf32, #tpu.memory_space<hbm>>
      tpu.wait_dma2 semaphore(%arg16 : memref<!tpu.dma_semaphore, #tpu.memory_space<semaphore_mem>>) src(%dma_wait3A_2344 : memref<1x128xf32, #tpu.memory_space<hbm>>) dst(%dma_wait3A_2341 : memref<1x128xf32, #tpu.memory_space<vmem>>)
      %dma_wait3A_2345 = arith.constant 1 : i32
      %dma_wait3A_2346 = arith.constant 2 : i32
      %dma_wait3A_2347 = arith.constant 0 : i32
      %dma_wait3A_2348 = tpu.memref_slice %arg13[%dma_wait3A_2345, %dma_wait3A_2346, %dma_wait3A_2347] : memref<2x8x128xf32, #tpu.memory_space<vmem>> -> memref<1x1x128xf32, #tpu.memory_space<vmem>>
      %dma_wait3A_2349 = tpu.memref_squeeze %dma_wait3A_2348 : memref<1x1x128xf32, #tpu.memory_space<vmem>> -> memref<1x128xf32, #tpu.memory_space<vmem>>
      %dma_wait3A_2350 = arith.constant 0 : i32
      %dma_wait3A_2351 = arith.constant 0 : i32
      %dma_wait3A_2352 = tpu.memref_slice %arg6[%dma_wait3A_2350, %dma_wait3A_2351] : memref<1x1000000xf32, #tpu.memory_space<hbm>> -> memref<1x128xf32, #tpu.memory_space<hbm>>
      %dma_wait3A_2353 = arith.constant 2 : i32
      %dma_wait3A_2354 = arith.constant 0 : i32
      %dma_wait3A_2355 = tpu.memref_slice %arg13[%dma_wait3A_2345, %dma_wait3A_2353, %dma_wait3A_2354] : memref<2x8x128xf32, #tpu.memory_space<vmem>> -> memref<1x1x128xf32, #tpu.memory_space<vmem>>
      %dma_wait3A_2356 = tpu.memref_squeeze %dma_wait3A_2355 : memref<1x1x128xf32, #tpu.memory_space<vmem>> -> memref<1x128xf32, #tpu.memory_space<vmem>>
      %dma_wait3A_2357 = arith.constant 0 : i32
      %dma_wait3A_2358 = arith.constant 0 : i32
      %dma_wait3A_2359 = tpu.memref_slice %arg6[%dma_wait3A_2357, %dma_wait3A_2358] : memref<1x1000000xf32, #tpu.memory_space<hbm>> -> memref<1x128xf32, #tpu.memory_space<hbm>>
      tpu.wait_dma2 semaphore(%arg16 : memref<!tpu.dma_semaphore, #tpu.memory_space<semaphore_mem>>) src(%dma_wait3A_2359 : memref<1x128xf32, #tpu.memory_space<hbm>>) dst(%dma_wait3A_2356 : memref<1x128xf32, #tpu.memory_space<vmem>>)
      %dma_wait3A_2360 = arith.constant 1 : i32
      %dma_wait3A_2361 = arith.constant 3 : i32
      %dma_wait3A_2362 = arith.constant 0 : i32
      %dma_wait3A_2363 = arith.constant 0 : i32
      %dma_wait3A_2364 = tpu.memref_slice %arg10[%dma_wait3A_2360, %dma_wait3A_2361, %dma_wait3A_2362, %dma_wait3A_2363] : memref<2x8x16x128xf32, #tpu.memory_space<vmem>> -> memref<1x1x16x128xf32, #tpu.memory_space<vmem>>
      %dma_wait3A_2365 = tpu.memref_squeeze %dma_wait3A_2364 : memref<1x1x16x128xf32, #tpu.memory_space<vmem>> -> memref<16x128xf32, #tpu.memory_space<vmem>>
      %dma_wait3A_2366 = arith.constant 0 : i32
      %dma_wait3A_2367 = arith.constant 0 : i32
      %dma_wait3A_2368 = tpu.memref_slice %arg3[%dma_wait3A_2366, %dma_wait3A_2367] : memref<16x1000000xf32, #tpu.memory_space<hbm>> -> memref<16x128xf32, #tpu.memory_space<hbm>>
      %dma_wait3A_2369 = arith.constant 0 : i32
      %dma_wait3A_2370 = arith.constant 0 : i32
      %dma_wait3A_2371 = tpu.memref_slice %arg10[%dma_wait3A_2360, %dma_wait3A_2361, %dma_wait3A_2369, %dma_wait3A_2370] : memref<2x8x16x128xf32, #tpu.memory_space<vmem>> -> memref<1x1x16x128xf32, #tpu.memory_space<vmem>>
      %dma_wait3A_2372 = tpu.memref_squeeze %dma_wait3A_2371 : memref<1x1x16x128xf32, #tpu.memory_space<vmem>> -> memref<16x128xf32, #tpu.memory_space<vmem>>
      %dma_wait3A_2373 = arith.constant 0 : i32
      %dma_wait3A_2374 = arith.constant 0 : i32
      %dma_wait3A_2375 = tpu.memref_slice %arg3[%dma_wait3A_2373, %dma_wait3A_2374] : memref<16x1000000xf32, #tpu.memory_space<hbm>> -> memref<16x128xf32, #tpu.memory_space<hbm>>
      tpu.wait_dma2 semaphore(%arg16 : memref<!tpu.dma_semaphore, #tpu.memory_space<semaphore_mem>>) src(%dma_wait3A_2375 : memref<16x128xf32, #tpu.memory_space<hbm>>) dst(%dma_wait3A_2372 : memref<16x128xf32, #tpu.memory_space<vmem>>)
      %dma_wait3A_2376 = arith.constant 1 : i32
      %dma_wait3A_2377 = arith.constant 3 : i32
      %dma_wait3A_2378 = arith.constant 0 : i32
      %dma_wait3A_2379 = arith.constant 0 : i32
      %dma_wait3A_2380 = tpu.memref_slice %arg11[%dma_wait3A_2376, %dma_wait3A_2377, %dma_wait3A_2378, %dma_wait3A_2379] : memref<2x8x16x128xf32, #tpu.memory_space<vmem>> -> memref<1x1x16x128xf32, #tpu.memory_space<vmem>>
      %dma_wait3A_2381 = tpu.memref_squeeze %dma_wait3A_2380 : memref<1x1x16x128xf32, #tpu.memory_space<vmem>> -> memref<16x128xf32, #tpu.memory_space<vmem>>
      %dma_wait3A_2382 = arith.constant 0 : i32
      %dma_wait3A_2383 = arith.constant 0 : i32
      %dma_wait3A_2384 = tpu.memref_slice %arg4[%dma_wait3A_2382, %dma_wait3A_2383] : memref<16x1000000xf32, #tpu.memory_space<hbm>> -> memref<16x128xf32, #tpu.memory_space<hbm>>
      %dma_wait3A_2385 = arith.constant 0 : i32
      %dma_wait3A_2386 = arith.constant 0 : i32
      %dma_wait3A_2387 = tpu.memref_slice %arg11[%dma_wait3A_2376, %dma_wait3A_2377, %dma_wait3A_2385, %dma_wait3A_2386] : memref<2x8x16x128xf32, #tpu.memory_space<vmem>> -> memref<1x1x16x128xf32, #tpu.memory_space<vmem>>
      %dma_wait3A_2388 = tpu.memref_squeeze %dma_wait3A_2387 : memref<1x1x16x128xf32, #tpu.memory_space<vmem>> -> memref<16x128xf32, #tpu.memory_space<vmem>>
      %dma_wait3A_2389 = arith.constant 0 : i32
      %dma_wait3A_2390 = arith.constant 0 : i32
      %dma_wait3A_2391 = tpu.memref_slice %arg4[%dma_wait3A_2389, %dma_wait3A_2390] : memref<16x1000000xf32, #tpu.memory_space<hbm>> -> memref<16x128xf32, #tpu.memory_space<hbm>>
      tpu.wait_dma2 semaphore(%arg16 : memref<!tpu.dma_semaphore, #tpu.memory_space<semaphore_mem>>) src(%dma_wait3A_2391 : memref<16x128xf32, #tpu.memory_space<hbm>>) dst(%dma_wait3A_2388 : memref<16x128xf32, #tpu.memory_space<vmem>>)
      %dma_wait3A_2392 = arith.constant 1 : i32
      %dma_wait3A_2393 = arith.constant 3 : i32
      %dma_wait3A_2394 = arith.constant 0 : i32
      %dma_wait3A_2395 = tpu.memref_slice %arg12[%dma_wait3A_2392, %dma_wait3A_2393, %dma_wait3A_2394] : memref<2x8x128xf32, #tpu.memory_space<vmem>> -> memref<1x1x128xf32, #tpu.memory_space<vmem>>
      %dma_wait3A_2396 = tpu.memref_squeeze %dma_wait3A_2395 : memref<1x1x128xf32, #tpu.memory_space<vmem>> -> memref<1x128xf32, #tpu.memory_space<vmem>>
      %dma_wait3A_2397 = arith.constant 0 : i32
      %dma_wait3A_2398 = arith.constant 0 : i32
      %dma_wait3A_2399 = tpu.memref_slice %arg5[%dma_wait3A_2397, %dma_wait3A_2398] : memref<1x1000000xf32, #tpu.memory_space<hbm>> -> memref<1x128xf32, #tpu.memory_space<hbm>>
      %dma_wait3A_2400 = arith.constant 3 : i32
      %dma_wait3A_2401 = arith.constant 0 : i32
      %dma_wait3A_2402 = tpu.memref_slice %arg12[%dma_wait3A_2392, %dma_wait3A_2400, %dma_wait3A_2401] : memref<2x8x128xf32, #tpu.memory_space<vmem>> -> memref<1x1x128xf32, #tpu.memory_space<vmem>>
      %dma_wait3A_2403 = tpu.memref_squeeze %dma_wait3A_2402 : memref<1x1x128xf32, #tpu.memory_space<vmem>> -> memref<1x128xf32, #tpu.memory_space<vmem>>
      %dma_wait3A_2404 = arith.constant 0 : i32
      %dma_wait3A_2405 = arith.constant 0 : i32
      %dma_wait3A_2406 = tpu.memref_slice %arg5[%dma_wait3A_2404, %dma_wait3A_2405] : memref<1x1000000xf32, #tpu.memory_space<hbm>> -> memref<1x128xf32, #tpu.memory_space<hbm>>
      tpu.wait_dma2 semaphore(%arg16 : memref<!tpu.dma_semaphore, #tpu.memory_space<semaphore_mem>>) src(%dma_wait3A_2406 : memref<1x128xf32, #tpu.memory_space<hbm>>) dst(%dma_wait3A_2403 : memref<1x128xf32, #tpu.memory_space<vmem>>)
      %dma_wait3A_2407 = arith.constant 1 : i32
      %dma_wait3A_2408 = arith.constant 3 : i32
      %dma_wait3A_2409 = arith.constant 0 : i32
      %dma_wait3A_2410 = tpu.memref_slice %arg13[%dma_wait3A_2407, %dma_wait3A_2408, %dma_wait3A_2409] : memref<2x8x128xf32, #tpu.memory_space<vmem>> -> memref<1x1x128xf32, #tpu.memory_space<vmem>>
      %dma_wait3A_2411 = tpu.memref_squeeze %dma_wait3A_2410 : memref<1x1x128xf32, #tpu.memory_space<vmem>> -> memref<1x128xf32, #tpu.memory_space<vmem>>
      %dma_wait3A_2412 = arith.constant 0 : i32
      %dma_wait3A_2413 = arith.constant 0 : i32
      %dma_wait3A_2414 = tpu.memref_slice %arg6[%dma_wait3A_2412, %dma_wait3A_2413] : memref<1x1000000xf32, #tpu.memory_space<hbm>> -> memref<1x128xf32, #tpu.memory_space<hbm>>
      %dma_wait3A_2415 = arith.constant 3 : i32
      %dma_wait3A_2416 = arith.constant 0 : i32
      %dma_wait3A_2417 = tpu.memref_slice %arg13[%dma_wait3A_2407, %dma_wait3A_2415, %dma_wait3A_2416] : memref<2x8x128xf32, #tpu.memory_space<vmem>> -> memref<1x1x128xf32, #tpu.memory_space<vmem>>
      %dma_wait3A_2418 = tpu.memref_squeeze %dma_wait3A_2417 : memref<1x1x128xf32, #tpu.memory_space<vmem>> -> memref<1x128xf32, #tpu.memory_space<vmem>>
      %dma_wait3A_2419 = arith.constant 0 : i32
      %dma_wait3A_2420 = arith.constant 0 : i32
      %dma_wait3A_2421 = tpu.memref_slice %arg6[%dma_wait3A_2419, %dma_wait3A_2420] : memref<1x1000000xf32, #tpu.memory_space<hbm>> -> memref<1x128xf32, #tpu.memory_space<hbm>>
      tpu.wait_dma2 semaphore(%arg16 : memref<!tpu.dma_semaphore, #tpu.memory_space<semaphore_mem>>) src(%dma_wait3A_2421 : memref<1x128xf32, #tpu.memory_space<hbm>>) dst(%dma_wait3A_2418 : memref<1x128xf32, #tpu.memory_space<vmem>>)
      %dma_wait3A_2422 = arith.constant 1 : i32
      %dma_wait3A_2423 = arith.constant 4 : i32
      %dma_wait3A_2424 = arith.constant 0 : i32
      %dma_wait3A_2425 = arith.constant 0 : i32
      %dma_wait3A_2426 = tpu.memref_slice %arg10[%dma_wait3A_2422, %dma_wait3A_2423, %dma_wait3A_2424, %dma_wait3A_2425] : memref<2x8x16x128xf32, #tpu.memory_space<vmem>> -> memref<1x1x16x128xf32, #tpu.memory_space<vmem>>
      %dma_wait3A_2427 = tpu.memref_squeeze %dma_wait3A_2426 : memref<1x1x16x128xf32, #tpu.memory_space<vmem>> -> memref<16x128xf32, #tpu.memory_space<vmem>>
      %dma_wait3A_2428 = arith.constant 0 : i32
      %dma_wait3A_2429 = arith.constant 0 : i32
      %dma_wait3A_2430 = tpu.memref_slice %arg3[%dma_wait3A_2428, %dma_wait3A_2429] : memref<16x1000000xf32, #tpu.memory_space<hbm>> -> memref<16x128xf32, #tpu.memory_space<hbm>>
      %dma_wait3A_2431 = arith.constant 0 : i32
      %dma_wait3A_2432 = arith.constant 0 : i32
      %dma_wait3A_2433 = tpu.memref_slice %arg10[%dma_wait3A_2422, %dma_wait3A_2423, %dma_wait3A_2431, %dma_wait3A_2432] : memref<2x8x16x128xf32, #tpu.memory_space<vmem>> -> memref<1x1x16x128xf32, #tpu.memory_space<vmem>>
      %dma_wait3A_2434 = tpu.memref_squeeze %dma_wait3A_2433 : memref<1x1x16x128xf32, #tpu.memory_space<vmem>> -> memref<16x128xf32, #tpu.memory_space<vmem>>
      %dma_wait3A_2435 = arith.constant 0 : i32
      %dma_wait3A_2436 = arith.constant 0 : i32
      %dma_wait3A_2437 = tpu.memref_slice %arg3[%dma_wait3A_2435, %dma_wait3A_2436] : memref<16x1000000xf32, #tpu.memory_space<hbm>> -> memref<16x128xf32, #tpu.memory_space<hbm>>
      tpu.wait_dma2 semaphore(%arg16 : memref<!tpu.dma_semaphore, #tpu.memory_space<semaphore_mem>>) src(%dma_wait3A_2437 : memref<16x128xf32, #tpu.memory_space<hbm>>) dst(%dma_wait3A_2434 : memref<16x128xf32, #tpu.memory_space<vmem>>)
      %dma_wait3A_2438 = arith.constant 1 : i32
      %dma_wait3A_2439 = arith.constant 4 : i32
      %dma_wait3A_2440 = arith.constant 0 : i32
      %dma_wait3A_2441 = arith.constant 0 : i32
      %dma_wait3A_2442 = tpu.memref_slice %arg11[%dma_wait3A_2438, %dma_wait3A_2439, %dma_wait3A_2440, %dma_wait3A_2441] : memref<2x8x16x128xf32, #tpu.memory_space<vmem>> -> memref<1x1x16x128xf32, #tpu.memory_space<vmem>>
      %dma_wait3A_2443 = tpu.memref_squeeze %dma_wait3A_2442 : memref<1x1x16x128xf32, #tpu.memory_space<vmem>> -> memref<16x128xf32, #tpu.memory_space<vmem>>
      %dma_wait3A_2444 = arith.constant 0 : i32
      %dma_wait3A_2445 = arith.constant 0 : i32
      %dma_wait3A_2446 = tpu.memref_slice %arg4[%dma_wait3A_2444, %dma_wait3A_2445] : memref<16x1000000xf32, #tpu.memory_space<hbm>> -> memref<16x128xf32, #tpu.memory_space<hbm>>
      %dma_wait3A_2447 = arith.constant 0 : i32
      %dma_wait3A_2448 = arith.constant 0 : i32
      %dma_wait3A_2449 = tpu.memref_slice %arg11[%dma_wait3A_2438, %dma_wait3A_2439, %dma_wait3A_2447, %dma_wait3A_2448] : memref<2x8x16x128xf32, #tpu.memory_space<vmem>> -> memref<1x1x16x128xf32, #tpu.memory_space<vmem>>
      %dma_wait3A_2450 = tpu.memref_squeeze %dma_wait3A_2449 : memref<1x1x16x128xf32, #tpu.memory_space<vmem>> -> memref<16x128xf32, #tpu.memory_space<vmem>>
      %dma_wait3A_2451 = arith.constant 0 : i32
      %dma_wait3A_2452 = arith.constant 0 : i32
      %dma_wait3A_2453 = tpu.memref_slice %arg4[%dma_wait3A_2451, %dma_wait3A_2452] : memref<16x1000000xf32, #tpu.memory_space<hbm>> -> memref<16x128xf32, #tpu.memory_space<hbm>>
      tpu.wait_dma2 semaphore(%arg16 : memref<!tpu.dma_semaphore, #tpu.memory_space<semaphore_mem>>) src(%dma_wait3A_2453 : memref<16x128xf32, #tpu.memory_space<hbm>>) dst(%dma_wait3A_2450 : memref<16x128xf32, #tpu.memory_space<vmem>>)
      %dma_wait3A_2454 = arith.constant 1 : i32
      %dma_wait3A_2455 = arith.constant 4 : i32
      %dma_wait3A_2456 = arith.constant 0 : i32
      %dma_wait3A_2457 = tpu.memref_slice %arg12[%dma_wait3A_2454, %dma_wait3A_2455, %dma_wait3A_2456] : memref<2x8x128xf32, #tpu.memory_space<vmem>> -> memref<1x1x128xf32, #tpu.memory_space<vmem>>
      %dma_wait3A_2458 = tpu.memref_squeeze %dma_wait3A_2457 : memref<1x1x128xf32, #tpu.memory_space<vmem>> -> memref<1x128xf32, #tpu.memory_space<vmem>>
      %dma_wait3A_2459 = arith.constant 0 : i32
      %dma_wait3A_2460 = arith.constant 0 : i32
      %dma_wait3A_2461 = tpu.memref_slice %arg5[%dma_wait3A_2459, %dma_wait3A_2460] : memref<1x1000000xf32, #tpu.memory_space<hbm>> -> memref<1x128xf32, #tpu.memory_space<hbm>>
      %dma_wait3A_2462 = arith.constant 4 : i32
      %dma_wait3A_2463 = arith.constant 0 : i32
      %dma_wait3A_2464 = tpu.memref_slice %arg12[%dma_wait3A_2454, %dma_wait3A_2462, %dma_wait3A_2463] : memref<2x8x128xf32, #tpu.memory_space<vmem>> -> memref<1x1x128xf32, #tpu.memory_space<vmem>>
      %dma_wait3A_2465 = tpu.memref_squeeze %dma_wait3A_2464 : memref<1x1x128xf32, #tpu.memory_space<vmem>> -> memref<1x128xf32, #tpu.memory_space<vmem>>
      %dma_wait3A_2466 = arith.constant 0 : i32
      %dma_wait3A_2467 = arith.constant 0 : i32
      %dma_wait3A_2468 = tpu.memref_slice %arg5[%dma_wait3A_2466, %dma_wait3A_2467] : memref<1x1000000xf32, #tpu.memory_space<hbm>> -> memref<1x128xf32, #tpu.memory_space<hbm>>
      tpu.wait_dma2 semaphore(%arg16 : memref<!tpu.dma_semaphore, #tpu.memory_space<semaphore_mem>>) src(%dma_wait3A_2468 : memref<1x128xf32, #tpu.memory_space<hbm>>) dst(%dma_wait3A_2465 : memref<1x128xf32, #tpu.memory_space<vmem>>)
      %dma_wait3A_2469 = arith.constant 1 : i32
      %dma_wait3A_2470 = arith.constant 4 : i32
      %dma_wait3A_2471 = arith.constant 0 : i32
      %dma_wait3A_2472 = tpu.memref_slice %arg13[%dma_wait3A_2469, %dma_wait3A_2470, %dma_wait3A_2471] : memref<2x8x128xf32, #tpu.memory_space<vmem>> -> memref<1x1x128xf32, #tpu.memory_space<vmem>>
      %dma_wait3A_2473 = tpu.memref_squeeze %dma_wait3A_2472 : memref<1x1x128xf32, #tpu.memory_space<vmem>> -> memref<1x128xf32, #tpu.memory_space<vmem>>
      %dma_wait3A_2474 = arith.constant 0 : i32
      %dma_wait3A_2475 = arith.constant 0 : i32
      %dma_wait3A_2476 = tpu.memref_slice %arg6[%dma_wait3A_2474, %dma_wait3A_2475] : memref<1x1000000xf32, #tpu.memory_space<hbm>> -> memref<1x128xf32, #tpu.memory_space<hbm>>
      %dma_wait3A_2477 = arith.constant 4 : i32
      %dma_wait3A_2478 = arith.constant 0 : i32
      %dma_wait3A_2479 = tpu.memref_slice %arg13[%dma_wait3A_2469, %dma_wait3A_2477, %dma_wait3A_2478] : memref<2x8x128xf32, #tpu.memory_space<vmem>> -> memref<1x1x128xf32, #tpu.memory_space<vmem>>
      %dma_wait3A_2480 = tpu.memref_squeeze %dma_wait3A_2479 : memref<1x1x128xf32, #tpu.memory_space<vmem>> -> memref<1x128xf32, #tpu.memory_space<vmem>>
      %dma_wait3A_2481 = arith.constant 0 : i32
      %dma_wait3A_2482 = arith.constant 0 : i32
      %dma_wait3A_2483 = tpu.memref_slice %arg6[%dma_wait3A_2481, %dma_wait3A_2482] : memref<1x1000000xf32, #tpu.memory_space<hbm>> -> memref<1x128xf32, #tpu.memory_space<hbm>>
      tpu.wait_dma2 semaphore(%arg16 : memref<!tpu.dma_semaphore, #tpu.memory_space<semaphore_mem>>) src(%dma_wait3A_2483 : memref<1x128xf32, #tpu.memory_space<hbm>>) dst(%dma_wait3A_2480 : memref<1x128xf32, #tpu.memory_space<vmem>>)
      %dma_wait3A_2484 = arith.constant 1 : i32
      %dma_wait3A_2485 = arith.constant 5 : i32
      %dma_wait3A_2486 = arith.constant 0 : i32
      %dma_wait3A_2487 = arith.constant 0 : i32
      %dma_wait3A_2488 = tpu.memref_slice %arg10[%dma_wait3A_2484, %dma_wait3A_2485, %dma_wait3A_2486, %dma_wait3A_2487] : memref<2x8x16x128xf32, #tpu.memory_space<vmem>> -> memref<1x1x16x128xf32, #tpu.memory_space<vmem>>
      %dma_wait3A_2489 = tpu.memref_squeeze %dma_wait3A_2488 : memref<1x1x16x128xf32, #tpu.memory_space<vmem>> -> memref<16x128xf32, #tpu.memory_space<vmem>>
      %dma_wait3A_2490 = arith.constant 0 : i32
      %dma_wait3A_2491 = arith.constant 0 : i32
      %dma_wait3A_2492 = tpu.memref_slice %arg3[%dma_wait3A_2490, %dma_wait3A_2491] : memref<16x1000000xf32, #tpu.memory_space<hbm>> -> memref<16x128xf32, #tpu.memory_space<hbm>>
      %dma_wait3A_2493 = arith.constant 0 : i32
      %dma_wait3A_2494 = arith.constant 0 : i32
      %dma_wait3A_2495 = tpu.memref_slice %arg10[%dma_wait3A_2484, %dma_wait3A_2485, %dma_wait3A_2493, %dma_wait3A_2494] : memref<2x8x16x128xf32, #tpu.memory_space<vmem>> -> memref<1x1x16x128xf32, #tpu.memory_space<vmem>>
      %dma_wait3A_2496 = tpu.memref_squeeze %dma_wait3A_2495 : memref<1x1x16x128xf32, #tpu.memory_space<vmem>> -> memref<16x128xf32, #tpu.memory_space<vmem>>
      %dma_wait3A_2497 = arith.constant 0 : i32
      %dma_wait3A_2498 = arith.constant 0 : i32
      %dma_wait3A_2499 = tpu.memref_slice %arg3[%dma_wait3A_2497, %dma_wait3A_2498] : memref<16x1000000xf32, #tpu.memory_space<hbm>> -> memref<16x128xf32, #tpu.memory_space<hbm>>
      tpu.wait_dma2 semaphore(%arg16 : memref<!tpu.dma_semaphore, #tpu.memory_space<semaphore_mem>>) src(%dma_wait3A_2499 : memref<16x128xf32, #tpu.memory_space<hbm>>) dst(%dma_wait3A_2496 : memref<16x128xf32, #tpu.memory_space<vmem>>)
      %dma_wait3A_2500 = arith.constant 1 : i32
      %dma_wait3A_2501 = arith.constant 5 : i32
      %dma_wait3A_2502 = arith.constant 0 : i32
      %dma_wait3A_2503 = arith.constant 0 : i32
      %dma_wait3A_2504 = tpu.memref_slice %arg11[%dma_wait3A_2500, %dma_wait3A_2501, %dma_wait3A_2502, %dma_wait3A_2503] : memref<2x8x16x128xf32, #tpu.memory_space<vmem>> -> memref<1x1x16x128xf32, #tpu.memory_space<vmem>>
      %dma_wait3A_2505 = tpu.memref_squeeze %dma_wait3A_2504 : memref<1x1x16x128xf32, #tpu.memory_space<vmem>> -> memref<16x128xf32, #tpu.memory_space<vmem>>
      %dma_wait3A_2506 = arith.constant 0 : i32
      %dma_wait3A_2507 = arith.constant 0 : i32
      %dma_wait3A_2508 = tpu.memref_slice %arg4[%dma_wait3A_2506, %dma_wait3A_2507] : memref<16x1000000xf32, #tpu.memory_space<hbm>> -> memref<16x128xf32, #tpu.memory_space<hbm>>
      %dma_wait3A_2509 = arith.constant 0 : i32
      %dma_wait3A_2510 = arith.constant 0 : i32
      %dma_wait3A_2511 = tpu.memref_slice %arg11[%dma_wait3A_2500, %dma_wait3A_2501, %dma_wait3A_2509, %dma_wait3A_2510] : memref<2x8x16x128xf32, #tpu.memory_space<vmem>> -> memref<1x1x16x128xf32, #tpu.memory_space<vmem>>
      %dma_wait3A_2512 = tpu.memref_squeeze %dma_wait3A_2511 : memref<1x1x16x128xf32, #tpu.memory_space<vmem>> -> memref<16x128xf32, #tpu.memory_space<vmem>>
      %dma_wait3A_2513 = arith.constant 0 : i32
      %dma_wait3A_2514 = arith.constant 0 : i32
      %dma_wait3A_2515 = tpu.memref_slice %arg4[%dma_wait3A_2513, %dma_wait3A_2514] : memref<16x1000000xf32, #tpu.memory_space<hbm>> -> memref<16x128xf32, #tpu.memory_space<hbm>>
      tpu.wait_dma2 semaphore(%arg16 : memref<!tpu.dma_semaphore, #tpu.memory_space<semaphore_mem>>) src(%dma_wait3A_2515 : memref<16x128xf32, #tpu.memory_space<hbm>>) dst(%dma_wait3A_2512 : memref<16x128xf32, #tpu.memory_space<vmem>>)
      %dma_wait3A_2516 = arith.constant 1 : i32
      %dma_wait3A_2517 = arith.constant 5 : i32
      %dma_wait3A_2518 = arith.constant 0 : i32
      %dma_wait3A_2519 = tpu.memref_slice %arg12[%dma_wait3A_2516, %dma_wait3A_2517, %dma_wait3A_2518] : memref<2x8x128xf32, #tpu.memory_space<vmem>> -> memref<1x1x128xf32, #tpu.memory_space<vmem>>
      %dma_wait3A_2520 = tpu.memref_squeeze %dma_wait3A_2519 : memref<1x1x128xf32, #tpu.memory_space<vmem>> -> memref<1x128xf32, #tpu.memory_space<vmem>>
      %dma_wait3A_2521 = arith.constant 0 : i32
      %dma_wait3A_2522 = arith.constant 0 : i32
      %dma_wait3A_2523 = tpu.memref_slice %arg5[%dma_wait3A_2521, %dma_wait3A_2522] : memref<1x1000000xf32, #tpu.memory_space<hbm>> -> memref<1x128xf32, #tpu.memory_space<hbm>>
      %dma_wait3A_2524 = arith.constant 5 : i32
      %dma_wait3A_2525 = arith.constant 0 : i32
      %dma_wait3A_2526 = tpu.memref_slice %arg12[%dma_wait3A_2516, %dma_wait3A_2524, %dma_wait3A_2525] : memref<2x8x128xf32, #tpu.memory_space<vmem>> -> memref<1x1x128xf32, #tpu.memory_space<vmem>>
      %dma_wait3A_2527 = tpu.memref_squeeze %dma_wait3A_2526 : memref<1x1x128xf32, #tpu.memory_space<vmem>> -> memref<1x128xf32, #tpu.memory_space<vmem>>
      %dma_wait3A_2528 = arith.constant 0 : i32
      %dma_wait3A_2529 = arith.constant 0 : i32
      %dma_wait3A_2530 = tpu.memref_slice %arg5[%dma_wait3A_2528, %dma_wait3A_2529] : memref<1x1000000xf32, #tpu.memory_space<hbm>> -> memref<1x128xf32, #tpu.memory_space<hbm>>
      tpu.wait_dma2 semaphore(%arg16 : memref<!tpu.dma_semaphore, #tpu.memory_space<semaphore_mem>>) src(%dma_wait3A_2530 : memref<1x128xf32, #tpu.memory_space<hbm>>) dst(%dma_wait3A_2527 : memref<1x128xf32, #tpu.memory_space<vmem>>)
      %dma_wait3A_2531 = arith.constant 1 : i32
      %dma_wait3A_2532 = arith.constant 5 : i32
      %dma_wait3A_2533 = arith.constant 0 : i32
      %dma_wait3A_2534 = tpu.memref_slice %arg13[%dma_wait3A_2531, %dma_wait3A_2532, %dma_wait3A_2533] : memref<2x8x128xf32, #tpu.memory_space<vmem>> -> memref<1x1x128xf32, #tpu.memory_space<vmem>>
      %dma_wait3A_2535 = tpu.memref_squeeze %dma_wait3A_2534 : memref<1x1x128xf32, #tpu.memory_space<vmem>> -> memref<1x128xf32, #tpu.memory_space<vmem>>
      %dma_wait3A_2536 = arith.constant 0 : i32
      %dma_wait3A_2537 = arith.constant 0 : i32
      %dma_wait3A_2538 = tpu.memref_slice %arg6[%dma_wait3A_2536, %dma_wait3A_2537] : memref<1x1000000xf32, #tpu.memory_space<hbm>> -> memref<1x128xf32, #tpu.memory_space<hbm>>
      %dma_wait3A_2539 = arith.constant 5 : i32
      %dma_wait3A_2540 = arith.constant 0 : i32
      %dma_wait3A_2541 = tpu.memref_slice %arg13[%dma_wait3A_2531, %dma_wait3A_2539, %dma_wait3A_2540] : memref<2x8x128xf32, #tpu.memory_space<vmem>> -> memref<1x1x128xf32, #tpu.memory_space<vmem>>
      %dma_wait3A_2542 = tpu.memref_squeeze %dma_wait3A_2541 : memref<1x1x128xf32, #tpu.memory_space<vmem>> -> memref<1x128xf32, #tpu.memory_space<vmem>>
      %dma_wait3A_2543 = arith.constant 0 : i32
      %dma_wait3A_2544 = arith.constant 0 : i32
      %dma_wait3A_2545 = tpu.memref_slice %arg6[%dma_wait3A_2543, %dma_wait3A_2544] : memref<1x1000000xf32, #tpu.memory_space<hbm>> -> memref<1x128xf32, #tpu.memory_space<hbm>>
      tpu.wait_dma2 semaphore(%arg16 : memref<!tpu.dma_semaphore, #tpu.memory_space<semaphore_mem>>) src(%dma_wait3A_2545 : memref<1x128xf32, #tpu.memory_space<hbm>>) dst(%dma_wait3A_2542 : memref<1x128xf32, #tpu.memory_space<vmem>>)
      %dma_wait3A_2546 = arith.constant 1 : i32
      %dma_wait3A_2547 = arith.constant 6 : i32
      %dma_wait3A_2548 = arith.constant 0 : i32
      %dma_wait3A_2549 = arith.constant 0 : i32
      %dma_wait3A_2550 = tpu.memref_slice %arg10[%dma_wait3A_2546, %dma_wait3A_2547, %dma_wait3A_2548, %dma_wait3A_2549] : memref<2x8x16x128xf32, #tpu.memory_space<vmem>> -> memref<1x1x16x128xf32, #tpu.memory_space<vmem>>
      %dma_wait3A_2551 = tpu.memref_squeeze %dma_wait3A_2550 : memref<1x1x16x128xf32, #tpu.memory_space<vmem>> -> memref<16x128xf32, #tpu.memory_space<vmem>>
      %dma_wait3A_2552 = arith.constant 0 : i32
      %dma_wait3A_2553 = arith.constant 0 : i32
      %dma_wait3A_2554 = tpu.memref_slice %arg3[%dma_wait3A_2552, %dma_wait3A_2553] : memref<16x1000000xf32, #tpu.memory_space<hbm>> -> memref<16x128xf32, #tpu.memory_space<hbm>>
      %dma_wait3A_2555 = arith.constant 0 : i32
      %dma_wait3A_2556 = arith.constant 0 : i32
      %dma_wait3A_2557 = tpu.memref_slice %arg10[%dma_wait3A_2546, %dma_wait3A_2547, %dma_wait3A_2555, %dma_wait3A_2556] : memref<2x8x16x128xf32, #tpu.memory_space<vmem>> -> memref<1x1x16x128xf32, #tpu.memory_space<vmem>>
      %dma_wait3A_2558 = tpu.memref_squeeze %dma_wait3A_2557 : memref<1x1x16x128xf32, #tpu.memory_space<vmem>> -> memref<16x128xf32, #tpu.memory_space<vmem>>
      %dma_wait3A_2559 = arith.constant 0 : i32
      %dma_wait3A_2560 = arith.constant 0 : i32
      %dma_wait3A_2561 = tpu.memref_slice %arg3[%dma_wait3A_2559, %dma_wait3A_2560] : memref<16x1000000xf32, #tpu.memory_space<hbm>> -> memref<16x128xf32, #tpu.memory_space<hbm>>
      tpu.wait_dma2 semaphore(%arg16 : memref<!tpu.dma_semaphore, #tpu.memory_space<semaphore_mem>>) src(%dma_wait3A_2561 : memref<16x128xf32, #tpu.memory_space<hbm>>) dst(%dma_wait3A_2558 : memref<16x128xf32, #tpu.memory_space<vmem>>)
      %dma_wait3A_2562 = arith.constant 1 : i32
      %dma_wait3A_2563 = arith.constant 6 : i32
      %dma_wait3A_2564 = arith.constant 0 : i32
      %dma_wait3A_2565 = arith.constant 0 : i32
      %dma_wait3A_2566 = tpu.memref_slice %arg11[%dma_wait3A_2562, %dma_wait3A_2563, %dma_wait3A_2564, %dma_wait3A_2565] : memref<2x8x16x128xf32, #tpu.memory_space<vmem>> -> memref<1x1x16x128xf32, #tpu.memory_space<vmem>>
      %dma_wait3A_2567 = tpu.memref_squeeze %dma_wait3A_2566 : memref<1x1x16x128xf32, #tpu.memory_space<vmem>> -> memref<16x128xf32, #tpu.memory_space<vmem>>
      %dma_wait3A_2568 = arith.constant 0 : i32
      %dma_wait3A_2569 = arith.constant 0 : i32
      %dma_wait3A_2570 = tpu.memref_slice %arg4[%dma_wait3A_2568, %dma_wait3A_2569] : memref<16x1000000xf32, #tpu.memory_space<hbm>> -> memref<16x128xf32, #tpu.memory_space<hbm>>
      %dma_wait3A_2571 = arith.constant 0 : i32
      %dma_wait3A_2572 = arith.constant 0 : i32
      %dma_wait3A_2573 = tpu.memref_slice %arg11[%dma_wait3A_2562, %dma_wait3A_2563, %dma_wait3A_2571, %dma_wait3A_2572] : memref<2x8x16x128xf32, #tpu.memory_space<vmem>> -> memref<1x1x16x128xf32, #tpu.memory_space<vmem>>
      %dma_wait3A_2574 = tpu.memref_squeeze %dma_wait3A_2573 : memref<1x1x16x128xf32, #tpu.memory_space<vmem>> -> memref<16x128xf32, #tpu.memory_space<vmem>>
      %dma_wait3A_2575 = arith.constant 0 : i32
      %dma_wait3A_2576 = arith.constant 0 : i32
      %dma_wait3A_2577 = tpu.memref_slice %arg4[%dma_wait3A_2575, %dma_wait3A_2576] : memref<16x1000000xf32, #tpu.memory_space<hbm>> -> memref<16x128xf32, #tpu.memory_space<hbm>>
      tpu.wait_dma2 semaphore(%arg16 : memref<!tpu.dma_semaphore, #tpu.memory_space<semaphore_mem>>) src(%dma_wait3A_2577 : memref<16x128xf32, #tpu.memory_space<hbm>>) dst(%dma_wait3A_2574 : memref<16x128xf32, #tpu.memory_space<vmem>>)
      %dma_wait3A_2578 = arith.constant 1 : i32
      %dma_wait3A_2579 = arith.constant 6 : i32
      %dma_wait3A_2580 = arith.constant 0 : i32
      %dma_wait3A_2581 = tpu.memref_slice %arg12[%dma_wait3A_2578, %dma_wait3A_2579, %dma_wait3A_2580] : memref<2x8x128xf32, #tpu.memory_space<vmem>> -> memref<1x1x128xf32, #tpu.memory_space<vmem>>
      %dma_wait3A_2582 = tpu.memref_squeeze %dma_wait3A_2581 : memref<1x1x128xf32, #tpu.memory_space<vmem>> -> memref<1x128xf32, #tpu.memory_space<vmem>>
      %dma_wait3A_2583 = arith.constant 0 : i32
      %dma_wait3A_2584 = arith.constant 0 : i32
      %dma_wait3A_2585 = tpu.memref_slice %arg5[%dma_wait3A_2583, %dma_wait3A_2584] : memref<1x1000000xf32, #tpu.memory_space<hbm>> -> memref<1x128xf32, #tpu.memory_space<hbm>>
      %dma_wait3A_2586 = arith.constant 6 : i32
      %dma_wait3A_2587 = arith.constant 0 : i32
      %dma_wait3A_2588 = tpu.memref_slice %arg12[%dma_wait3A_2578, %dma_wait3A_2586, %dma_wait3A_2587] : memref<2x8x128xf32, #tpu.memory_space<vmem>> -> memref<1x1x128xf32, #tpu.memory_space<vmem>>
      %dma_wait3A_2589 = tpu.memref_squeeze %dma_wait3A_2588 : memref<1x1x128xf32, #tpu.memory_space<vmem>> -> memref<1x128xf32, #tpu.memory_space<vmem>>
      %dma_wait3A_2590 = arith.constant 0 : i32
      %dma_wait3A_2591 = arith.constant 0 : i32
      %dma_wait3A_2592 = tpu.memref_slice %arg5[%dma_wait3A_2590, %dma_wait3A_2591] : memref<1x1000000xf32, #tpu.memory_space<hbm>> -> memref<1x128xf32, #tpu.memory_space<hbm>>
      tpu.wait_dma2 semaphore(%arg16 : memref<!tpu.dma_semaphore, #tpu.memory_space<semaphore_mem>>) src(%dma_wait3A_2592 : memref<1x128xf32, #tpu.memory_space<hbm>>) dst(%dma_wait3A_2589 : memref<1x128xf32, #tpu.memory_space<vmem>>)
      %dma_wait3A_2593 = arith.constant 1 : i32
      %dma_wait3A_2594 = arith.constant 6 : i32
      %dma_wait3A_2595 = arith.constant 0 : i32
      %dma_wait3A_2596 = tpu.memref_slice %arg13[%dma_wait3A_2593, %dma_wait3A_2594, %dma_wait3A_2595] : memref<2x8x128xf32, #tpu.memory_space<vmem>> -> memref<1x1x128xf32, #tpu.memory_space<vmem>>
      %dma_wait3A_2597 = tpu.memref_squeeze %dma_wait3A_2596 : memref<1x1x128xf32, #tpu.memory_space<vmem>> -> memref<1x128xf32, #tpu.memory_space<vmem>>
      %dma_wait3A_2598 = arith.constant 0 : i32
      %dma_wait3A_2599 = arith.constant 0 : i32
      %dma_wait3A_2600 = tpu.memref_slice %arg6[%dma_wait3A_2598, %dma_wait3A_2599] : memref<1x1000000xf32, #tpu.memory_space<hbm>> -> memref<1x128xf32, #tpu.memory_space<hbm>>
      %dma_wait3A_2601 = arith.constant 6 : i32
      %dma_wait3A_2602 = arith.constant 0 : i32
      %dma_wait3A_2603 = tpu.memref_slice %arg13[%dma_wait3A_2593, %dma_wait3A_2601, %dma_wait3A_2602] : memref<2x8x128xf32, #tpu.memory_space<vmem>> -> memref<1x1x128xf32, #tpu.memory_space<vmem>>
      %dma_wait3A_2604 = tpu.memref_squeeze %dma_wait3A_2603 : memref<1x1x128xf32, #tpu.memory_space<vmem>> -> memref<1x128xf32, #tpu.memory_space<vmem>>
      %dma_wait3A_2605 = arith.constant 0 : i32
      %dma_wait3A_2606 = arith.constant 0 : i32
      %dma_wait3A_2607 = tpu.memref_slice %arg6[%dma_wait3A_2605, %dma_wait3A_2606] : memref<1x1000000xf32, #tpu.memory_space<hbm>> -> memref<1x128xf32, #tpu.memory_space<hbm>>
      tpu.wait_dma2 semaphore(%arg16 : memref<!tpu.dma_semaphore, #tpu.memory_space<semaphore_mem>>) src(%dma_wait3A_2607 : memref<1x128xf32, #tpu.memory_space<hbm>>) dst(%dma_wait3A_2604 : memref<1x128xf32, #tpu.memory_space<vmem>>)
      %dma_wait3A_2608 = arith.constant 1 : i32
      %dma_wait3A_2609 = arith.constant 7 : i32
      %dma_wait3A_2610 = arith.constant 0 : i32
      %dma_wait3A_2611 = arith.constant 0 : i32
      %dma_wait3A_2612 = tpu.memref_slice %arg10[%dma_wait3A_2608, %dma_wait3A_2609, %dma_wait3A_2610, %dma_wait3A_2611] : memref<2x8x16x128xf32, #tpu.memory_space<vmem>> -> memref<1x1x16x128xf32, #tpu.memory_space<vmem>>
      %dma_wait3A_2613 = tpu.memref_squeeze %dma_wait3A_2612 : memref<1x1x16x128xf32, #tpu.memory_space<vmem>> -> memref<16x128xf32, #tpu.memory_space<vmem>>
      %dma_wait3A_2614 = arith.constant 0 : i32
      %dma_wait3A_2615 = arith.constant 0 : i32
      %dma_wait3A_2616 = tpu.memref_slice %arg3[%dma_wait3A_2614, %dma_wait3A_2615] : memref<16x1000000xf32, #tpu.memory_space<hbm>> -> memref<16x128xf32, #tpu.memory_space<hbm>>
      %dma_wait3A_2617 = arith.constant 0 : i32
      %dma_wait3A_2618 = arith.constant 0 : i32
      %dma_wait3A_2619 = tpu.memref_slice %arg10[%dma_wait3A_2608, %dma_wait3A_2609, %dma_wait3A_2617, %dma_wait3A_2618] : memref<2x8x16x128xf32, #tpu.memory_space<vmem>> -> memref<1x1x16x128xf32, #tpu.memory_space<vmem>>
      %dma_wait3A_2620 = tpu.memref_squeeze %dma_wait3A_2619 : memref<1x1x16x128xf32, #tpu.memory_space<vmem>> -> memref<16x128xf32, #tpu.memory_space<vmem>>
      %dma_wait3A_2621 = arith.constant 0 : i32
      %dma_wait3A_2622 = arith.constant 0 : i32
      %dma_wait3A_2623 = tpu.memref_slice %arg3[%dma_wait3A_2621, %dma_wait3A_2622] : memref<16x1000000xf32, #tpu.memory_space<hbm>> -> memref<16x128xf32, #tpu.memory_space<hbm>>
      tpu.wait_dma2 semaphore(%arg16 : memref<!tpu.dma_semaphore, #tpu.memory_space<semaphore_mem>>) src(%dma_wait3A_2623 : memref<16x128xf32, #tpu.memory_space<hbm>>) dst(%dma_wait3A_2620 : memref<16x128xf32, #tpu.memory_space<vmem>>)
      %dma_wait3A_2624 = arith.constant 1 : i32
      %dma_wait3A_2625 = arith.constant 7 : i32
      %dma_wait3A_2626 = arith.constant 0 : i32
      %dma_wait3A_2627 = arith.constant 0 : i32
      %dma_wait3A_2628 = tpu.memref_slice %arg11[%dma_wait3A_2624, %dma_wait3A_2625, %dma_wait3A_2626, %dma_wait3A_2627] : memref<2x8x16x128xf32, #tpu.memory_space<vmem>> -> memref<1x1x16x128xf32, #tpu.memory_space<vmem>>
      %dma_wait3A_2629 = tpu.memref_squeeze %dma_wait3A_2628 : memref<1x1x16x128xf32, #tpu.memory_space<vmem>> -> memref<16x128xf32, #tpu.memory_space<vmem>>
      %dma_wait3A_2630 = arith.constant 0 : i32
      %dma_wait3A_2631 = arith.constant 0 : i32
      %dma_wait3A_2632 = tpu.memref_slice %arg4[%dma_wait3A_2630, %dma_wait3A_2631] : memref<16x1000000xf32, #tpu.memory_space<hbm>> -> memref<16x128xf32, #tpu.memory_space<hbm>>
      %dma_wait3A_2633 = arith.constant 0 : i32
      %dma_wait3A_2634 = arith.constant 0 : i32
      %dma_wait3A_2635 = tpu.memref_slice %arg11[%dma_wait3A_2624, %dma_wait3A_2625, %dma_wait3A_2633, %dma_wait3A_2634] : memref<2x8x16x128xf32, #tpu.memory_space<vmem>> -> memref<1x1x16x128xf32, #tpu.memory_space<vmem>>
      %dma_wait3A_2636 = tpu.memref_squeeze %dma_wait3A_2635 : memref<1x1x16x128xf32, #tpu.memory_space<vmem>> -> memref<16x128xf32, #tpu.memory_space<vmem>>
      %dma_wait3A_2637 = arith.constant 0 : i32
      %dma_wait3A_2638 = arith.constant 0 : i32
      %dma_wait3A_2639 = tpu.memref_slice %arg4[%dma_wait3A_2637, %dma_wait3A_2638] : memref<16x1000000xf32, #tpu.memory_space<hbm>> -> memref<16x128xf32, #tpu.memory_space<hbm>>
      tpu.wait_dma2 semaphore(%arg16 : memref<!tpu.dma_semaphore, #tpu.memory_space<semaphore_mem>>) src(%dma_wait3A_2639 : memref<16x128xf32, #tpu.memory_space<hbm>>) dst(%dma_wait3A_2636 : memref<16x128xf32, #tpu.memory_space<vmem>>)
      %dma_wait3A_2640 = arith.constant 1 : i32
      %dma_wait3A_2641 = arith.constant 7 : i32
      %dma_wait3A_2642 = arith.constant 0 : i32
      %dma_wait3A_2643 = tpu.memref_slice %arg12[%dma_wait3A_2640, %dma_wait3A_2641, %dma_wait3A_2642] : memref<2x8x128xf32, #tpu.memory_space<vmem>> -> memref<1x1x128xf32, #tpu.memory_space<vmem>>
      %dma_wait3A_2644 = tpu.memref_squeeze %dma_wait3A_2643 : memref<1x1x128xf32, #tpu.memory_space<vmem>> -> memref<1x128xf32, #tpu.memory_space<vmem>>
      %dma_wait3A_2645 = arith.constant 0 : i32
      %dma_wait3A_2646 = arith.constant 0 : i32
      %dma_wait3A_2647 = tpu.memref_slice %arg5[%dma_wait3A_2645, %dma_wait3A_2646] : memref<1x1000000xf32, #tpu.memory_space<hbm>> -> memref<1x128xf32, #tpu.memory_space<hbm>>
      %dma_wait3A_2648 = arith.constant 7 : i32
      %dma_wait3A_2649 = arith.constant 0 : i32
      %dma_wait3A_2650 = tpu.memref_slice %arg12[%dma_wait3A_2640, %dma_wait3A_2648, %dma_wait3A_2649] : memref<2x8x128xf32, #tpu.memory_space<vmem>> -> memref<1x1x128xf32, #tpu.memory_space<vmem>>
      %dma_wait3A_2651 = tpu.memref_squeeze %dma_wait3A_2650 : memref<1x1x128xf32, #tpu.memory_space<vmem>> -> memref<1x128xf32, #tpu.memory_space<vmem>>
      %dma_wait3A_2652 = arith.constant 0 : i32
      %dma_wait3A_2653 = arith.constant 0 : i32
      %dma_wait3A_2654 = tpu.memref_slice %arg5[%dma_wait3A_2652, %dma_wait3A_2653] : memref<1x1000000xf32, #tpu.memory_space<hbm>> -> memref<1x128xf32, #tpu.memory_space<hbm>>
      tpu.wait_dma2 semaphore(%arg16 : memref<!tpu.dma_semaphore, #tpu.memory_space<semaphore_mem>>) src(%dma_wait3A_2654 : memref<1x128xf32, #tpu.memory_space<hbm>>) dst(%dma_wait3A_2651 : memref<1x128xf32, #tpu.memory_space<vmem>>)
      %dma_wait3A_2655 = arith.constant 1 : i32
      %dma_wait3A_2656 = arith.constant 7 : i32
      %dma_wait3A_2657 = arith.constant 0 : i32
      %dma_wait3A_2658 = tpu.memref_slice %arg13[%dma_wait3A_2655, %dma_wait3A_2656, %dma_wait3A_2657] : memref<2x8x128xf32, #tpu.memory_space<vmem>> -> memref<1x1x128xf32, #tpu.memory_space<vmem>>
      %dma_wait3A_2659 = tpu.memref_squeeze %dma_wait3A_2658 : memref<1x1x128xf32, #tpu.memory_space<vmem>> -> memref<1x128xf32, #tpu.memory_space<vmem>>
      %dma_wait3A_2660 = arith.constant 0 : i32
      %dma_wait3A_2661 = arith.constant 0 : i32
      %dma_wait3A_2662 = tpu.memref_slice %arg6[%dma_wait3A_2660, %dma_wait3A_2661] : memref<1x1000000xf32, #tpu.memory_space<hbm>> -> memref<1x128xf32, #tpu.memory_space<hbm>>
      %dma_wait3A_2663 = arith.constant 7 : i32
      %dma_wait3A_2664 = arith.constant 0 : i32
      %dma_wait3A_2665 = tpu.memref_slice %arg13[%dma_wait3A_2655, %dma_wait3A_2663, %dma_wait3A_2664] : memref<2x8x128xf32, #tpu.memory_space<vmem>> -> memref<1x1x128xf32, #tpu.memory_space<vmem>>
      %dma_wait3A_2666 = tpu.memref_squeeze %dma_wait3A_2665 : memref<1x1x128xf32, #tpu.memory_space<vmem>> -> memref<1x128xf32, #tpu.memory_space<vmem>>
      %dma_wait3A_2667 = arith.constant 0 : i32
      %dma_wait3A_2668 = arith.constant 0 : i32
      %dma_wait3A_2669 = tpu.memref_slice %arg6[%dma_wait3A_2667, %dma_wait3A_2668] : memref<1x1000000xf32, #tpu.memory_space<hbm>> -> memref<1x128xf32, #tpu.memory_space<hbm>>
      tpu.wait_dma2 semaphore(%arg16 : memref<!tpu.dma_semaphore, #tpu.memory_space<semaphore_mem>>) src(%dma_wait3A_2669 : memref<1x128xf32, #tpu.memory_space<hbm>>) dst(%dma_wait3A_2666 : memref<1x128xf32, #tpu.memory_space<vmem>>)
      %mul3A_2670 = arith.constant 8 : i32
      %mul3A_2671 = arith.muli %add3A_780, %mul3A_2670 : i32
      %get3A_2672 = arith.index_cast %mul3A_2671 : i32 to index
      %get3A_2673 = tpu.vector_load %arg8[%get3A_2672] {strides = array<i32>} : memref<528xi32, #tpu.memory_space<vmem>>, vector<16xi32>,
      %get3A_2674 = arith.index_cast %mul3A_2671 : i32 to index
      %get3A_2675 = tpu.vector_load %arg9[%get3A_2674] {strides = array<i32>} : memref<528xi32, #tpu.memory_space<vmem>>, vector<16xi32>,
      %and3A_2676 = arith.constant 127 : i32
      %and3A_2677 = vector.broadcast %and3A_2676 : i32 to vector<16xi32>
      %and3A_2678 = arith.andi %get3A_2673, %and3A_2677 : vector<16xi32>
      %and3A_2679 = arith.constant 127 : i32
      %and3A_2680 = vector.broadcast %and3A_2679 : i32 to vector<16xi32>
      %and3A_2681 = arith.andi %get3A_2675, %and3A_2680 : vector<16xi32>
      %broadcast_in_dim3A_2682 = arith.constant 1 : i32
      %broadcast_in_dim3A_2683 = vector.broadcast %broadcast_in_dim3A_2682 : i32 to vector<16xi32>
      %gather3A_2684 = tpu.vector_load_idx %arg12[%broadcast_in_dim3A_2683, %and3A_5, %and3A_2678] : memref<2x8x128xf32, #tpu.memory_space<vmem>>[vector<16xi32>, vector<16xi32>, vector<16xi32>], vector<16xf32>,
      %gather3A_2685 = tpu.vector_load_idx %arg13[%broadcast_in_dim3A_2683, %and3A_5, %and3A_2681] : memref<2x8x128xf32, #tpu.memory_space<vmem>>[vector<16xi32>, vector<16xi32>, vector<16xi32>], vector<16xf32>,
      %add3A_2686 = arith.addf %gather3A_2684, %gather3A_2685 : vector<16xf32>
      %add3A_2687 = arith.constant 3.500000e+00 : f32
      %add3A_2688 = vector.broadcast %add3A_2687 : f32 to vector<16xf32>
      %add3A_2689 = arith.addf %add3A_2686, %add3A_2688 : vector<16xf32>
      %broadcast_in_dim3A_2690 = arith.constant 0 : i32
      %broadcast_in_dim3A_2691 = vector.broadcast %broadcast_in_dim3A_2690 : i32 to vector<16xi32>
      %gather3A_2692 = tpu.vector_load_idx %arg10[%broadcast_in_dim3A_2683, %and3A_5, %broadcast_in_dim3A_2691, %and3A_2678] : memref<2x8x16x128xf32, #tpu.memory_space<vmem>>[vector<16xi32>, vector<16xi32>, vector<16xi32>, vector<16xi32>], vector<16xf32>,
      %gather3A_2693 = tpu.vector_load_idx %arg11[%broadcast_in_dim3A_2683, %and3A_5, %broadcast_in_dim3A_2691, %and3A_2681] : memref<2x8x16x128xf32, #tpu.memory_space<vmem>>[vector<16xi32>, vector<16xi32>, vector<16xi32>, vector<16xi32>], vector<16xf32>,
      %mul3A_2694 = arith.mulf %gather3A_2692, %gather3A_2693 : vector<16xf32>
      %add3A_2695 = arith.addf %add3A_2689, %mul3A_2694 : vector<16xf32>
      %broadcast_in_dim3A_2696 = arith.constant 1 : i32
      %broadcast_in_dim3A_2697 = vector.broadcast %broadcast_in_dim3A_2696 : i32 to vector<16xi32>
      %gather3A_2698 = tpu.vector_load_idx %arg10[%broadcast_in_dim3A_2683, %and3A_5, %broadcast_in_dim3A_2697, %and3A_2678] : memref<2x8x16x128xf32, #tpu.memory_space<vmem>>[vector<16xi32>, vector<16xi32>, vector<16xi32>, vector<16xi32>], vector<16xf32>,
      %gather3A_2699 = tpu.vector_load_idx %arg11[%broadcast_in_dim3A_2683, %and3A_5, %broadcast_in_dim3A_2697, %and3A_2681] : memref<2x8x16x128xf32, #tpu.memory_space<vmem>>[vector<16xi32>, vector<16xi32>, vector<16xi32>, vector<16xi32>], vector<16xf32>,
      %mul3A_2700 = arith.mulf %gather3A_2698, %gather3A_2699 : vector<16xf32>
      %add3A_2701 = arith.addf %add3A_2695, %mul3A_2700 : vector<16xf32>
      %broadcast_in_dim3A_2702 = arith.constant 2 : i32
      %broadcast_in_dim3A_2703 = vector.broadcast %broadcast_in_dim3A_2702 : i32 to vector<16xi32>
      %gather3A_2704 = tpu.vector_load_idx %arg10[%broadcast_in_dim3A_2683, %and3A_5, %broadcast_in_dim3A_2703, %and3A_2678] : memref<2x8x16x128xf32, #tpu.memory_space<vmem>>[vector<16xi32>, vector<16xi32>, vector<16xi32>, vector<16xi32>], vector<16xf32>,
      %gather3A_2705 = tpu.vector_load_idx %arg11[%broadcast_in_dim3A_2683, %and3A_5, %broadcast_in_dim3A_2703, %and3A_2681] : memref<2x8x16x128xf32, #tpu.memory_space<vmem>>[vector<16xi32>, vector<16xi32>, vector<16xi32>, vector<16xi32>], vector<16xf32>,
      %mul3A_2706 = arith.mulf %gather3A_2704, %gather3A_2705 : vector<16xf32>
      %add3A_2707 = arith.addf %add3A_2701, %mul3A_2706 : vector<16xf32>
      %broadcast_in_dim3A_2708 = arith.constant 3 : i32
      %broadcast_in_dim3A_2709 = vector.broadcast %broadcast_in_dim3A_2708 : i32 to vector<16xi32>
      %gather3A_2710 = tpu.vector_load_idx %arg10[%broadcast_in_dim3A_2683, %and3A_5, %broadcast_in_dim3A_2709, %and3A_2678] : memref<2x8x16x128xf32, #tpu.memory_space<vmem>>[vector<16xi32>, vector<16xi32>, vector<16xi32>, vector<16xi32>], vector<16xf32>,
      %gather3A_2711 = tpu.vector_load_idx %arg11[%broadcast_in_dim3A_2683, %and3A_5, %broadcast_in_dim3A_2709, %and3A_2681] : memref<2x8x16x128xf32, #tpu.memory_space<vmem>>[vector<16xi32>, vector<16xi32>, vector<16xi32>, vector<16xi32>], vector<16xf32>,
      %mul3A_2712 = arith.mulf %gather3A_2710, %gather3A_2711 : vector<16xf32>
      %add3A_2713 = arith.addf %add3A_2707, %mul3A_2712 : vector<16xf32>
      %broadcast_in_dim3A_2714 = arith.constant 4 : i32
      %broadcast_in_dim3A_2715 = vector.broadcast %broadcast_in_dim3A_2714 : i32 to vector<16xi32>
      %gather3A_2716 = tpu.vector_load_idx %arg10[%broadcast_in_dim3A_2683, %and3A_5, %broadcast_in_dim3A_2715, %and3A_2678] : memref<2x8x16x128xf32, #tpu.memory_space<vmem>>[vector<16xi32>, vector<16xi32>, vector<16xi32>, vector<16xi32>], vector<16xf32>,
      %gather3A_2717 = tpu.vector_load_idx %arg11[%broadcast_in_dim3A_2683, %and3A_5, %broadcast_in_dim3A_2715, %and3A_2681] : memref<2x8x16x128xf32, #tpu.memory_space<vmem>>[vector<16xi32>, vector<16xi32>, vector<16xi32>, vector<16xi32>], vector<16xf32>,
      %mul3A_2718 = arith.mulf %gather3A_2716, %gather3A_2717 : vector<16xf32>
      %add3A_2719 = arith.addf %add3A_2713, %mul3A_2718 : vector<16xf32>
      %broadcast_in_dim3A_2720 = arith.constant 5 : i32
      %broadcast_in_dim3A_2721 = vector.broadcast %broadcast_in_dim3A_2720 : i32 to vector<16xi32>
      %gather3A_2722 = tpu.vector_load_idx %arg10[%broadcast_in_dim3A_2683, %and3A_5, %broadcast_in_dim3A_2721, %and3A_2678] : memref<2x8x16x128xf32, #tpu.memory_space<vmem>>[vector<16xi32>, vector<16xi32>, vector<16xi32>, vector<16xi32>], vector<16xf32>,
      %gather3A_2723 = tpu.vector_load_idx %arg11[%broadcast_in_dim3A_2683, %and3A_5, %broadcast_in_dim3A_2721, %and3A_2681] : memref<2x8x16x128xf32, #tpu.memory_space<vmem>>[vector<16xi32>, vector<16xi32>, vector<16xi32>, vector<16xi32>], vector<16xf32>,
      %mul3A_2724 = arith.mulf %gather3A_2722, %gather3A_2723 : vector<16xf32>
      %add3A_2725 = arith.addf %add3A_2719, %mul3A_2724 : vector<16xf32>
      %broadcast_in_dim3A_2726 = arith.constant 6 : i32
      %broadcast_in_dim3A_2727 = vector.broadcast %broadcast_in_dim3A_2726 : i32 to vector<16xi32>
      %gather3A_2728 = tpu.vector_load_idx %arg10[%broadcast_in_dim3A_2683, %and3A_5, %broadcast_in_dim3A_2727, %and3A_2678] : memref<2x8x16x128xf32, #tpu.memory_space<vmem>>[vector<16xi32>, vector<16xi32>, vector<16xi32>, vector<16xi32>], vector<16xf32>,
      %gather3A_2729 = tpu.vector_load_idx %arg11[%broadcast_in_dim3A_2683, %and3A_5, %broadcast_in_dim3A_2727, %and3A_2681] : memref<2x8x16x128xf32, #tpu.memory_space<vmem>>[vector<16xi32>, vector<16xi32>, vector<16xi32>, vector<16xi32>], vector<16xf32>,
      %mul3A_2730 = arith.mulf %gather3A_2728, %gather3A_2729 : vector<16xf32>
      %add3A_2731 = arith.addf %add3A_2725, %mul3A_2730 : vector<16xf32>
      %broadcast_in_dim3A_2732 = arith.constant 7 : i32
      %broadcast_in_dim3A_2733 = vector.broadcast %broadcast_in_dim3A_2732 : i32 to vector<16xi32>
      %gather3A_2734 = tpu.vector_load_idx %arg10[%broadcast_in_dim3A_2683, %and3A_5, %broadcast_in_dim3A_2733, %and3A_2678] : memref<2x8x16x128xf32, #tpu.memory_space<vmem>>[vector<16xi32>, vector<16xi32>, vector<16xi32>, vector<16xi32>], vector<16xf32>,
      %gather3A_2735 = tpu.vector_load_idx %arg11[%broadcast_in_dim3A_2683, %and3A_5, %broadcast_in_dim3A_2733, %and3A_2681] : memref<2x8x16x128xf32, #tpu.memory_space<vmem>>[vector<16xi32>, vector<16xi32>, vector<16xi32>, vector<16xi32>], vector<16xf32>,
      %mul3A_2736 = arith.mulf %gather3A_2734, %gather3A_2735 : vector<16xf32>
      %add3A_2737 = arith.addf %add3A_2731, %mul3A_2736 : vector<16xf32>
      %broadcast_in_dim3A_2738 = arith.constant 8 : i32
      %broadcast_in_dim3A_2739 = vector.broadcast %broadcast_in_dim3A_2738 : i32 to vector<16xi32>
      %gather3A_2740 = tpu.vector_load_idx %arg10[%broadcast_in_dim3A_2683, %and3A_5, %broadcast_in_dim3A_2739, %and3A_2678] : memref<2x8x16x128xf32, #tpu.memory_space<vmem>>[vector<16xi32>, vector<16xi32>, vector<16xi32>, vector<16xi32>], vector<16xf32>,
      %gather3A_2741 = tpu.vector_load_idx %arg11[%broadcast_in_dim3A_2683, %and3A_5, %broadcast_in_dim3A_2739, %and3A_2681] : memref<2x8x16x128xf32, #tpu.memory_space<vmem>>[vector<16xi32>, vector<16xi32>, vector<16xi32>, vector<16xi32>], vector<16xf32>,
      %mul3A_2742 = arith.mulf %gather3A_2740, %gather3A_2741 : vector<16xf32>
      %add3A_2743 = arith.addf %add3A_2737, %mul3A_2742 : vector<16xf32>
      %broadcast_in_dim3A_2744 = arith.constant 9 : i32
      %broadcast_in_dim3A_2745 = vector.broadcast %broadcast_in_dim3A_2744 : i32 to vector<16xi32>
      %gather3A_2746 = tpu.vector_load_idx %arg10[%broadcast_in_dim3A_2683, %and3A_5, %broadcast_in_dim3A_2745, %and3A_2678] : memref<2x8x16x128xf32, #tpu.memory_space<vmem>>[vector<16xi32>, vector<16xi32>, vector<16xi32>, vector<16xi32>], vector<16xf32>,
      %gather3A_2747 = tpu.vector_load_idx %arg11[%broadcast_in_dim3A_2683, %and3A_5, %broadcast_in_dim3A_2745, %and3A_2681] : memref<2x8x16x128xf32, #tpu.memory_space<vmem>>[vector<16xi32>, vector<16xi32>, vector<16xi32>, vector<16xi32>], vector<16xf32>,
      %mul3A_2748 = arith.mulf %gather3A_2746, %gather3A_2747 : vector<16xf32>
      %add3A_2749 = arith.addf %add3A_2743, %mul3A_2748 : vector<16xf32>
      %broadcast_in_dim3A_2750 = arith.constant 10 : i32
      %broadcast_in_dim3A_2751 = vector.broadcast %broadcast_in_dim3A_2750 : i32 to vector<16xi32>
      %gather3A_2752 = tpu.vector_load_idx %arg10[%broadcast_in_dim3A_2683, %and3A_5, %broadcast_in_dim3A_2751, %and3A_2678] : memref<2x8x16x128xf32, #tpu.memory_space<vmem>>[vector<16xi32>, vector<16xi32>, vector<16xi32>, vector<16xi32>], vector<16xf32>,
      %gather3A_2753 = tpu.vector_load_idx %arg11[%broadcast_in_dim3A_2683, %and3A_5, %broadcast_in_dim3A_2751, %and3A_2681] : memref<2x8x16x128xf32, #tpu.memory_space<vmem>>[vector<16xi32>, vector<16xi32>, vector<16xi32>, vector<16xi32>], vector<16xf32>,
      %mul3A_2754 = arith.mulf %gather3A_2752, %gather3A_2753 : vector<16xf32>
      %add3A_2755 = arith.addf %add3A_2749, %mul3A_2754 : vector<16xf32>
      %broadcast_in_dim3A_2756 = arith.constant 11 : i32
      %broadcast_in_dim3A_2757 = vector.broadcast %broadcast_in_dim3A_2756 : i32 to vector<16xi32>
      %gather3A_2758 = tpu.vector_load_idx %arg10[%broadcast_in_dim3A_2683, %and3A_5, %broadcast_in_dim3A_2757, %and3A_2678] : memref<2x8x16x128xf32, #tpu.memory_space<vmem>>[vector<16xi32>, vector<16xi32>, vector<16xi32>, vector<16xi32>], vector<16xf32>,
      %gather3A_2759 = tpu.vector_load_idx %arg11[%broadcast_in_dim3A_2683, %and3A_5, %broadcast_in_dim3A_2757, %and3A_2681] : memref<2x8x16x128xf32, #tpu.memory_space<vmem>>[vector<16xi32>, vector<16xi32>, vector<16xi32>, vector<16xi32>], vector<16xf32>,
      %mul3A_2760 = arith.mulf %gather3A_2758, %gather3A_2759 : vector<16xf32>
      %add3A_2761 = arith.addf %add3A_2755, %mul3A_2760 : vector<16xf32>
      %broadcast_in_dim3A_2762 = arith.constant 12 : i32
      %broadcast_in_dim3A_2763 = vector.broadcast %broadcast_in_dim3A_2762 : i32 to vector<16xi32>
      %gather3A_2764 = tpu.vector_load_idx %arg10[%broadcast_in_dim3A_2683, %and3A_5, %broadcast_in_dim3A_2763, %and3A_2678] : memref<2x8x16x128xf32, #tpu.memory_space<vmem>>[vector<16xi32>, vector<16xi32>, vector<16xi32>, vector<16xi32>], vector<16xf32>,
      %gather3A_2765 = tpu.vector_load_idx %arg11[%broadcast_in_dim3A_2683, %and3A_5, %broadcast_in_dim3A_2763, %and3A_2681] : memref<2x8x16x128xf32, #tpu.memory_space<vmem>>[vector<16xi32>, vector<16xi32>, vector<16xi32>, vector<16xi32>], vector<16xf32>,
      %mul3A_2766 = arith.mulf %gather3A_2764, %gather3A_2765 : vector<16xf32>
      %add3A_2767 = arith.addf %add3A_2761, %mul3A_2766 : vector<16xf32>
      %broadcast_in_dim3A_2768 = arith.constant 13 : i32
      %broadcast_in_dim3A_2769 = vector.broadcast %broadcast_in_dim3A_2768 : i32 to vector<16xi32>
      %gather3A_2770 = tpu.vector_load_idx %arg10[%broadcast_in_dim3A_2683, %and3A_5, %broadcast_in_dim3A_2769, %and3A_2678] : memref<2x8x16x128xf32, #tpu.memory_space<vmem>>[vector<16xi32>, vector<16xi32>, vector<16xi32>, vector<16xi32>], vector<16xf32>,
      %gather3A_2771 = tpu.vector_load_idx %arg11[%broadcast_in_dim3A_2683, %and3A_5, %broadcast_in_dim3A_2769, %and3A_2681] : memref<2x8x16x128xf32, #tpu.memory_space<vmem>>[vector<16xi32>, vector<16xi32>, vector<16xi32>, vector<16xi32>], vector<16xf32>,
      %mul3A_2772 = arith.mulf %gather3A_2770, %gather3A_2771 : vector<16xf32>
      %add3A_2773 = arith.addf %add3A_2767, %mul3A_2772 : vector<16xf32>
      %broadcast_in_dim3A_2774 = arith.constant 14 : i32
      %broadcast_in_dim3A_2775 = vector.broadcast %broadcast_in_dim3A_2774 : i32 to vector<16xi32>
      %gather3A_2776 = tpu.vector_load_idx %arg10[%broadcast_in_dim3A_2683, %and3A_5, %broadcast_in_dim3A_2775, %and3A_2678] : memref<2x8x16x128xf32, #tpu.memory_space<vmem>>[vector<16xi32>, vector<16xi32>, vector<16xi32>, vector<16xi32>], vector<16xf32>,
      %gather3A_2777 = tpu.vector_load_idx %arg11[%broadcast_in_dim3A_2683, %and3A_5, %broadcast_in_dim3A_2775, %and3A_2681] : memref<2x8x16x128xf32, #tpu.memory_space<vmem>>[vector<16xi32>, vector<16xi32>, vector<16xi32>, vector<16xi32>], vector<16xf32>,
      %mul3A_2778 = arith.mulf %gather3A_2776, %gather3A_2777 : vector<16xf32>
      %add3A_2779 = arith.addf %add3A_2773, %mul3A_2778 : vector<16xf32>
      %broadcast_in_dim3A_2780 = arith.constant 15 : i32
      %broadcast_in_dim3A_2781 = vector.broadcast %broadcast_in_dim3A_2780 : i32 to vector<16xi32>
      %gather3A_2782 = tpu.vector_load_idx %arg10[%broadcast_in_dim3A_2683, %and3A_5, %broadcast_in_dim3A_2781, %and3A_2678] : memref<2x8x16x128xf32, #tpu.memory_space<vmem>>[vector<16xi32>, vector<16xi32>, vector<16xi32>, vector<16xi32>], vector<16xf32>,
      %gather3A_2783 = tpu.vector_load_idx %arg11[%broadcast_in_dim3A_2683, %and3A_5, %broadcast_in_dim3A_2781, %and3A_2681] : memref<2x8x16x128xf32, #tpu.memory_space<vmem>>[vector<16xi32>, vector<16xi32>, vector<16xi32>, vector<16xi32>], vector<16xf32>,
      %mul3A_2784 = arith.mulf %gather3A_2782, %gather3A_2783 : vector<16xf32>
      %add3A_2785 = arith.addf %add3A_2779, %mul3A_2784 : vector<16xf32>
      %neg3A_2786 = arith.constant 0.000000e+00 : f32
      %neg3A_2787 = vector.broadcast %neg3A_2786 : f32 to vector<16xf32>
      %neg3A_2788 = arith.subf %neg3A_2787, %add3A_2785 : vector<16xf32>
      %exp3A_2789 = math.exp %neg3A_2788 : vector<16xf32>
      %add3A_2790 = arith.constant 1.000000e+00 : f32
      %add3A_2791 = vector.broadcast %add3A_2790 : f32 to vector<16xf32>
      %add3A_2792 = arith.addf %add3A_2791, %exp3A_2789 : vector<16xf32>
      %div3A_2793 = arith.constant 1.000000e+00 : f32
      %div3A_2794 = vector.broadcast %div3A_2793 : f32 to vector<16xf32>
      %div3A_2795 = arith.divf %div3A_2794, %add3A_2792 : vector<16xf32>
      %swap3A_2796 = arith.index_cast %mul3A_2671 : i32 to index
      %swap3A_2797 = tpu.vector_load %arg14[%swap3A_2796] {strides = array<i32>} : memref<528xf32, #tpu.memory_space<vmem>>, vector<16xf32>,
      tpu.vector_store %arg14[%swap3A_2796], %div3A_2795 {strides = array<i32>} : memref<528xf32, #tpu.memory_space<vmem>>, vector<16xf32>,
    }
    %scan3A_775 = arith.constant 32 : i32
    "tpu.region"() ({
      %run_scoped3A_776 = tpu.sem_alloc : memref<!tpu.dma_semaphore, #tpu.memory_space<semaphore_mem>>
      %dma_start3A_777 = arith.constant 0 : i32
      %dma_start3A_778 = tpu.memref_slice %arg14[%dma_start3A_777] : memref<528xf32, #tpu.memory_space<vmem>> -> memref<512xf32, #tpu.memory_space<vmem>>
      %dma_start3A_779 = tpu.memref_slice %arg7[%mul3A_2] : memref<16384xf32, #tpu.memory_space<hbm>> -> memref<512xf32, #tpu.memory_space<hbm>>
      %dma_start3A_780 = tpu.memref_slice %arg7[%mul3A_2] : memref<16384xf32, #tpu.memory_space<hbm>> -> memref<512xf32, #tpu.memory_space<hbm>>
      %dma_start3A_781 = arith.constant 0 : i32
      %dma_start3A_782 = tpu.memref_slice %arg14[%dma_start3A_781] : memref<528xf32, #tpu.memory_space<vmem>> -> memref<512xf32, #tpu.memory_space<vmem>>
      tpu.enqueue_dma source(%dma_start3A_782 : memref<512xf32, #tpu.memory_space<vmem>>) target(%dma_start3A_780 : memref<512xf32, #tpu.memory_space<hbm>>) target_semaphore(%run_scoped3A_776 : memref<!tpu.dma_semaphore, #tpu.memory_space<semaphore_mem>>)
      %dma_wait3A = arith.constant 0 : i32
      %dma_wait3A_783 = tpu.memref_slice %arg14[%dma_wait3A] : memref<528xf32, #tpu.memory_space<vmem>> -> memref<512xf32, #tpu.memory_space<vmem>>
      %dma_wait3A_784 = tpu.memref_slice %arg7[%mul3A_2] : memref<16384xf32, #tpu.memory_space<hbm>> -> memref<512xf32, #tpu.memory_space<hbm>>
      %dma_wait3A_785 = tpu.memref_slice %arg7[%mul3A_2] : memref<16384xf32, #tpu.memory_space<hbm>> -> memref<512xf32, #tpu.memory_space<hbm>>
      %dma_wait3A_786 = arith.constant 0 : i32
      %dma_wait3A_787 = tpu.memref_slice %arg14[%dma_wait3A_786] : memref<528xf32, #tpu.memory_space<vmem>> -> memref<512xf32, #tpu.memory_space<vmem>>
      tpu.wait_dma2 semaphore(%run_scoped3A_776 : memref<!tpu.dma_semaphore, #tpu.memory_space<semaphore_mem>>) src(%dma_wait3A_787 : memref<512xf32, #tpu.memory_space<vmem>>) dst(%dma_wait3A_785 : memref<512xf32, #tpu.memory_space<hbm>>)
      tpu.yield
    }) : () -> ()
    return
  }
}

</mosaic_0001>

<sc_bundles>
// kernel: _sc_call.3.cloned.1.call-start
scs
__scs_entry_jumppad:
0x0: {  	(pc) =	sbr.rel $0x88, $3  }
0x1: {  	(tag) =	ssettag $0x0;
	lr =	simm.s32 $0x1  }
0x2: {  	[smem:$0x3F9C] =	sst lr;
	_ =	strace $0xD0000000  }
0x3: {  	_ = 	snop  }
0x4: {  	_ = 	snop  }
0x5: {  	_ = 	snop  }
0x6: {  	_ = 	snop  }
0x7: {  	_ = 	snop  }
__scs_overlays_trampoline_lowered:
0x8: {  	[smem:$0x3FAB] =	sst s0  }
0x9: {  	[smem:$0x3FAC] =	sst s1  }
0xa: {  	[smem:$0x3FAD] =	sst s2  }
0xb: {  	[smem:$0x3FAE] =	sst s3  }
0xc: {  	[smem:$0x3FAF] =	sst s4  }
0xd: {  	[smem:$0x3FB0] =	sst s5  }
0xe: {  	[smem:$0x3FB1] =	sst s6  }
0xf: {  	[smem:$0x3FB2] =	sst s7  }
0x10: {  	[smem:$0x3FB3] =	sst s8  }
0x11: {  	[smem:$0x3FB4] =	sst s9;
	s0 =	simm.s32 @!p0 $0x0  }
0x12: {  	s1 =	sld [smem:$0x3F9A];
	s0 =	simm.s32 @p0 $0x1  }
0x13: {  	[smem:$0x3FB5] =	sst s0;
	s0 =	simm.s32 @!p1 $0x0  }
0x14: {  	s2 =	sld [smem:$0x3F99];
	s0 =	simm.s32 @p1 $0x1  }
0x15: {  	[smem:$0x3FB6] =	sst s0;
	s0 =	simm.s32 @!p2 $0x0  }
0x16: {  	s3 =	sld [smem:$0x3FDB];
	s0 =	simm.s32 @p2 $0x1  }
0x17: {  	s4 =	simm.s32 $0x1BF5;
	[smem:$0x3FB8] =	sst s0  }
0x18: {  	s0 =	sld [smem:$0x3F9B];
	_ =	swait.ge [sflag:s4], $0x0  }
0x19: {  	s7 =	sld [smem:$0x3F9C]  }
0x1a: {  	s8 =	sadd.s32 $0xFFFFE003, lr  }
0x1b: {  	s9 =	sadd.s32 $0xFFFFFEF7, lr;
	s5 =	simm.s32 $0xFFFFFFFF;
	p2 =	slt.u32 s8, $0xFFFFF086  }
0x1c: {  	p1 =	slt.u32 s9, $0xF7A;
	s5 =	simm.s32 @!p2 $0x0  }
0x1d: {  	s5 =	simm.s32 @p1 $0x1;
	p0 =	seq.s32 s7, s2  }
0x1e: {  	s7 =	smul.u32 @!p0 $0xF7A, s2;
	p2 =	seq.s32 @!p0 s5, $0x0  }
0x1f: {  	s9 =	smul.u32 $0xF7A, s1;
	s8 =	simm.s32 @!p0 $0x1BF5;
	p2 =	por !p2, p0  }
0x20: {  	[sflag:s8] =	ssyncset.s32 @!p0 $0xFFFFF086;
	s6 =	sadd.s32 @!p0 s3, s7;
	s7 =	simm.s32 @!p0 $0x108  }
0x21: {  	s3 =	sadd.s32 s3, s9;
	s6 =	sadd.s32 @!p0 $0x88, s6;
	s7 =	simm.s32 @p2 $0x1082  }
0x22: {  	[simem:s7], [sflag:s8] =	dma.local @!p0 [hbm:s6], $0xF7A  }
0x23: {  	s9 =	sor.u32 $0xD0000000, s2;
	s6 =	simm.s32 $0x108;
	_ =	swait.ge @!p0 [sflag:s8], $0x0  }
0x24: {  	s3 =	sadd.s32 $0x88, s3;
	s6 =	simm.s32 @!p1 $0x1082;
	[sflag:s4] =	ssyncset.s32 $0xFFFFF086  }
0x25: {  	[simem:s6], [sflag:s4] =	dma.local [hbm:s3], $0xF7A  }
0x26: {  	[smem:$0x3F9C] =	sst s1;
	(tag) =	ssettag s2;
	_ =	strace s9  }
0x27: {  	s1 =	sld [smem:$0x3FAC]  }
0x28: {  	s2 =	sld [smem:$0x3FAD]  }
0x29: {  	s4 =	sld [smem:$0x3FAF]  }
0x2a: {  	p0 =	seq.s32 s5, $0x0;
	s5 =	sld [smem:$0x3FB0]  }
0x2b: {  	s6 =	sld [smem:$0x3FB1]  }
0x2c: {  	s7 =	sld [smem:$0x3FB2]  }
0x2d: {  	s3 =	simm.s32 $0x108;
	s8 =	sld [smem:$0x3FB3]  }
0x2e: {  	s3 =	simm.s32 @!p0 $0x1082;
	s9 =	sld [smem:$0x3FB4]  }
0x2f: {  	lr =	sadd.s32 s0, s3;
	s0 =	sld [smem:$0x3FAB]  }
0x30: {  	s3 =	sld [smem:$0x3FAE]  }
0x31: {  	[smem:$0x3FB7] =	sst s10  }
0x32: {  	s10 =	sld [smem:$0x3FB5];
	_ =	sdelay $0x3  }
0x33: {  	p0 =	seq.s32 s10, $0x1;
	s10 =	sld [smem:$0x3FB7];
	_ =	sdelay $0x3  }
0x34: {  	[smem:$0x3FB7] =	sst s10  }
0x35: {  	s10 =	sld [smem:$0x3FB6];
	_ =	sdelay $0x3  }
0x36: {  	p1 =	seq.s32 s10, $0x1;
	s10 =	sld [smem:$0x3FB7];
	_ =	sdelay $0x3  }
0x37: {  	[smem:$0x3FB7] =	sst s10  }
0x38: {  	s10 =	sld [smem:$0x3FB8]  }
0x39: {  	_ = 	snop;
	(pc) =	sbr.ind lr, $3  }
0x3a: {  	_ = 	snop  }
0x3b: {  	_ = 	snop  }
0x3c: {  	p2 =	seq.s32 s10, $0x1;
	s10 =	sld [smem:$0x3FB7]  }
0x3d: {  	_ =	shalt  }
0x3e: {  	_ =	shalt  }
0x3f: {  	_ =	shalt  }
0x40: {  	_ =	shalt  }
0x41: {  	_ =	shalt  }
0x42: {  	_ =	shalt  }
0x43: {  	_ =	shalt  }
0x44: {  	_ =	shalt  }
0x45: {  	_ =	shalt  }
0x46: {  	_ =	shalt  }
0x47: {  	_ =	shalt  }
0x48: {  	_ =	shalt  }
0x49: {  	_ =	shalt  }
0x4a: {  	_ =	shalt  }
0x4b: {  	_ =	shalt  }
0x4c: {  	_ =	shalt  }
0x4d: {  	_ =	shalt  }
0x4e: {  	_ =	shalt  }
0x4f: {  	_ =	shalt  }
0x50: {  	_ =	shalt  }
0x51: {  	_ =	shalt  }
0x52: {  	_ =	shalt  }
0x53: {  	_ =	shalt  }
0x54: {  	_ =	shalt  }
0x55: {  	_ =	shalt  }
0x56: {  	_ =	shalt  }
0x57: {  	_ =	shalt  }
0x58: {  	_ =	shalt  }
0x59: {  	_ =	shalt  }
0x5a: {  	_ =	shalt  }
0x5b: {  	_ =	shalt  }
0x5c: {  	_ =	shalt  }
0x5d: {  	_ =	shalt  }
0x5e: {  	_ =	shalt  }
0x5f: {  	_ =	shalt  }
0x60: {  	_ =	shalt  }
0x61: {  	_ =	shalt  }
0x62: {  	_ =	shalt  }
0x63: {  	_ =	shalt  }
0x64: {  	_ =	shalt  }
0x65: {  	_ =	shalt  }
0x66: {  	_ =	shalt  }
0x67: {  	_ =	shalt  }
0x68: {  	_ =	shalt  }
0x69: {  	_ =	shalt  }
0x6a: {  	_ =	shalt  }
0x6b: {  	_ =	shalt  }
0x6c: {  	_ =	shalt  }
0x6d: {  	_ =	shalt  }
0x6e: {  	_ =	shalt  }
0x6f: {  	_ =	shalt  }
0x70: {  	_ =	shalt  }
0x71: {  	_ =	shalt  }
0x72: {  	_ =	shalt  }
0x73: {  	_ =	shalt  }
0x74: {  	_ =	shalt  }
0x75: {  	_ =	shalt  }
0x76: {  	_ =	shalt  }
0x77: {  	_ =	shalt  }
0x78: {  	_ =	shalt  }
0x79: {  	_ =	shalt  }
0x7a: {  	_ =	shalt  }
0x7b: {  	_ =	shalt  }
0x7c: {  	_ =	shalt  }
0x7d: {  	_ =	shalt  }
0x7e: {  	_ =	shalt  }
0x7f: {  	_ =	shalt  }
0x80: {  	_ =	shalt  }
0x81: {  	_ =	shalt  }
0x82: {  	_ =	shalt  }
0x83: {  	_ =	shalt  }
0x84: {  	_ =	shalt  }
0x85: {  	_ =	shalt  }
0x86: {  	_ =	shalt  }
0x87: {  	_ =	shalt  }
.Lfunc_end0:
.L_simem_size_0:
called_computation_lowered:
.L_overlay_start_0:
0x88: {  	s2 =	sld [smem:$0x3FD9]  }
0x89: {  	s3 =	sld [smem:$0x3FFE];
	_ =	sdelay $0x1  }
0x8a: {  	s1 =	srdreg.scid  }
0x8b: {  	s0 =	sand.u32 $0x1, s1  }
0x8c: {  	s18 =	sshll.u32 s0, $0xA;
	s2 =	sadd.s32 s3, s2  }
0x8d: {  	s2 =	sadd.s32 s2, s18  }
0x8e: {  	[smem:$0x3FC3] =	sst s2  }
0x8f: {  	_ = 	snop  }
0x90: {  	s2 =	sld [smem:$0x3FC9]  }
0x91: {  	s19 =	sld [smem:$0x3FC8]  }
0x92: {  	s4 =	sld [smem:$0x3FC7]  }
0x93: {  	s5 =	sld [smem:$0x3FC6]  }
0x94: {  	s6 =	sld [smem:$0x3FC5]  }
0x95: {  	s7 =	sld [smem:$0x3FD0];
	(tm) =	ssettm $0x1  }
0x96: {  	s8 =	sld [smem:$0x3FFB];
	_ =	sdelay $0x3  }
0x97: {  	_ =	strace s8  }
0x98: {  	s8 =	sld [smem:$0x3FFC];
	_ =	sdelay $0x3  }
0x99: {  	_ =	strace s8  }
0x9a: {  	s8 =	sld [smem:$0x3FFD];
	_ =	sdelay $0x3  }
0x9b: {  	_ =	strace s8  }
0x9c: {  	_ =	strace $0x8FFFFFFF  }
0x9d: {  	s20 =	sld [smem:$0x3FDB];
	_ =	sdelay $0x1  }
0x9e: {  	s9 =	simm.s32 $_scs_section_size  }
0x9f: {  	s10 =	simm.s32 $_size__tile_overlayer_lowered;
	s11 =	simm.s32 $_tile_overlayer_lowered  }
0xa0: {  	s23 =	simm.s32 $0x1BFF;
	s22 =	sshll.u32 s11, $0x1;
	s8 =	sadd.s32 s9, s20  }
0xa1: {  	s12 =	simm.s32 $0x0;
	s21 =	sshll.u32 s10, $0x1;
	s10 =	sadd.s32 s22, s8  }
0xa2: {  	[timem:s12], [sflag:s23] =	dma.local [hbm:s10], s21  }
0xa3: {  	_ =	swait.ge [sflag:s23], s21  }
0xa4: {  	s9 =	ssub.s32 $0x0, s21;
	[sflag:s23] =	ssyncset.done $0x0  }
0xa5: {  	[sflag:s23] =	ssyncadd.s32 s9;
	_ =	sdelay $0x1  }
0xa6: {  	s24 =	simm.s32 $0x1B8B  }
0xa7: {  	_ =	swait.ge [sflag:s24], $0x1  }
0xa8: {  	[sflag:s24] =	ssyncset.done $0x0  }
0xa9: {  	s25 =	simm.s32 $0x1B8E;
	[sflag:s24] =	ssyncadd.s32 $0xFFFFFFFF  }
0xaa: {  	s26 =	simm.s32 $execute0_lowered;
	[smem:$0x3FD2] =	sst s25  }
0xab: {  	s9 =	sshll.u32 s26, $0x1;
	_ =	strace $0x80000046;
	[dreg:$0x1] =	wrdreg $0xFFFFFFFF  }
0xac: {  	s28 =	simm.s32 $_size_execute0_lowered;
	s8 =	sadd.s32 s8, s9;
	[dreg:$0x0] =	wrdreg $0x0  }
0xad: {  	s9 =	sshll.u32 s28, $0x1;
	[dreg:$0x2] =	wrdreg s8  }
0xae: {  	[dreg:$0x3] =	wrdreg s9  }
0xaf: {  	[dreg:$0x4] =	wrdreg $0xC0  }
0xb0: {  	_ =	task [dreg:s12], $0x5FFFF  }
0xb1: {  	[dreg:$0x1] =	wrdreg $0xFFFFFFFF  }
0xb2: {  	[dreg:$0x0] =	wrdreg $0x60  }
0xb3: {  	[dreg:$0x2] =	wrdreg s2  }
0xb4: {  	[dreg:$0x3] =	wrdreg s19  }
0xb5: {  	[dreg:$0x4] =	wrdreg s4  }
0xb6: {  	[dreg:$0x5] =	wrdreg s5  }
0xb7: {  	[dreg:$0x6] =	wrdreg s6  }
0xb8: {  	[dreg:$0x7] =	wrdreg s7  }
0xb9: {  	[dreg:$0x8] =	wrdreg $0x9  }
0xba: {  	_ =	task.clear_ibuf [dreg:s12], $0x9FFFF;
	_ =	strace $0x90000046  }
0xbb: {  	s29 =	simm.s32 $0x9;
	_ =	strace $0x80000048  }
0xbc: {  	_ =	swait.ge [sflag:s29], $0x1  }
0xbd: {  	[sflag:s29] =	ssyncadd.s32 $0xFFFFFFFF  }
0xbe: {  	_ =	strace $0x90000048  }
0xbf: {  	_ =	sfence  }
0xc0: {  	s30 =	sld [smem:$0x0];
	_ =	sdelay $0x2  }
0xc1: {  	s31 =	sshll.u32 s1, $0xD;
	s1 =	sshrl.u32 s1, $0x2  }
0xc2: {  	s3 =	sand.u32 $0x4000, s31;
	s1 =	sadd.s32 s1, s30  }
0xc3: {  	s0 =	sor.u32 s3, s0;
	s1 =	sshll.u32 s1, $0x11  }
0xc4: {  	s0 =	sor.u32 s1, s0  }
0xc5: {  	s0 =	sadd.s32 $0x8F2B, s0  }
0xc6: {  	[sflag:s0] =	ssyncadd.remote.s32 $0x1  }
0xc7: {  	_ =	sfence.sel $0xFFFF  }
0xc8: {  	[dreg:$0x0] =	wrdreg $0xFFFFFFFF;
	(pc) =	sbr.abs _section_cstart, $3  }
0xc9: {  	[dreg:$0x1] =	wrdreg $0xFFFFFFFF  }
0xca: {  	_ =	task.clear_ibuf [dreg:s12], $0x2FFFF;
	_ =	strace $0x9FFFFFFF  }
0xcb: {  	(tm) =	ssettm $0x7FFFFFFF  }
tec
execute0_lowered:
.L_overlay_start_1:
0x0: {  	(tag) =	ssettag $0x1  }
0x1: {  	s0 =	rddreg [dreg:$0x0]  }
0x2: {  	s1 =	rddreg [dreg:$0x1]  }
0x3: {  	s2 =	rddreg [dreg:$0x2]  }
0x4: {  	s3 =	rddreg [dreg:$0x3]  }
0x5: {  	s5 =	rddreg [dreg:$0x4]  }
0x6: {  	s4 =	rddreg [dreg:$0x5];
	s6 =	srdreg.scid  }
0x7: {  	s8 =	stileid.u32;
	s29 =	simm.s32 $0x3;
	s15 =	simm.s32 $0x500;
	v0 =	vlaneseq.u32  }
0x8: {  	s17 =	simm.s32 $0x8500;
	s19 =	simm.s32 $0x10500;
	s20 =	simm.s32 $0x10D00;
	v1 =	vand.u32 $0x7, v0  }
0x9: {  	s31 =	simm.s32 $0x4500;
	s14 =	simm.s32 $0x7500;
	s11 =	simm.s32 $0xF500;
	v0 =	vmul.u32 $0x800, v1  }
0xa: {  	s13 =	simm.s32 $0x7D00;
	s12 =	simm.s32 $0x8100;
	s16 =	simm.s32 $0xFD00  }
0xb: {  	s18 =	simm.s32 $0x10100;
	s21 =	simm.s32 $0x10C80;
	s22 =	simm.s32 $0x11480;
	v1 =	vmul.u32 $0x80, v1;
	v2 =	vor.u32 $0x80, v0;
	v3 =	vor.u32 $0x100, v0  }
0xc: {  	s23 =	simm.s32 $0x1;
	s24 =	simm.s32 $0x2;
	s7 =	sand.u32 $0x1, s6;
	v4 =	vor.u32 $0x180, v0;
	v5 =	vor.u32 $0x200, v0;
	v6 =	vor.u32 $0x280, v0  }
0xd: {  	s6 =	simm.s32 $0x0;
	s8 =	sshll.u32 s8, $0xA;
	s9 =	sshll.u32 s7, $0x9;
	v7 =	vor.u32 $0x300, v0;
	v8 =	vor.u32 $0x380, v0;
	v9 =	vor.u32 $0x400, v0  }
0xe: {  	[smem:$0x7FF] =	sst s6;
	s7 =	ssub.s32 $0x2, s7;
	s8 =	sor.u32 s9, s8;
	v10 =	vor.u32 $0x480, v0;
	v11 =	vor.u32 $0x500, v0;
	v12 =	vor.u32 $0x580, v0  }
0xf: {  	_ =	strace $0x80000047;
	s26 =	sshrl.u32 s7, $0x1;
	s9 =	simm.s32 $0x11400;
	v13 =	vor.u32 $0x600, v0;
	v14 =	vor.u32 $0x680, v0;
	v15 =	vor.u32 $0x700, v0  }
0x10: {  	s10 =	sshrl.u32 s8, $0x2;
	s7 =	ssub.s32 s7, s26;
	s8 =	sshrl.u32 s8, $0x3;
	v16 =	vor.u32 $0x780, v0;
	v17 =	vor.u32 $0x400, v1;
	v18 =	vor.u32 $0x4000, v0  }
.Ltmp0:
0x11: {  	v19 =	vor.u32 $0x4080, v0;
	v20 =	vor.u32 $0x4100, v0;
	v21 =	vor.u32 $0x4180, v0;
	s28 =	sadd.s32 s0, s10;
	s0 =	sadd.s32 $0x10, s0;
	(pc) =	sbr.rel .LBB2_1-.Ltmp0, $4  }
0x12: {  	v22 =	vor.u32 $0x4200, v0;
	v23 =	vor.u32 $0x4280, v0;
	v24 =	vor.u32 $0x4300, v0;
	s4 =	sadd.s32 s4, s8;
	s30 =	smax.u32 s7, $0x1;
	[dreg:$0x7] =	wrdreg s28  }
0x13: {  	v25 =	vor.u32 $0x4380, v0;
	v26 =	vor.u32 $0x4400, v0;
	v27 =	vor.u32 $0x4480, v0;
	s7 =	simm.s32 $0xF900;
	s8 =	simm.s32 $0x10C00;
	[dreg:$0x8] =	wrdreg s4  }
0x14: {  	v28 =	vor.u32 $0x4500, v0;
	v29 =	vor.u32 $0x4580, v0;
	v30 =	vor.u32 $0x4600, v0;
	[dreg:$0x9] =	wrdreg s30;
	s0 =	sadd.s32 s10, s0;
	s4 =	simm.s32 $0x11380  }
0x15: {  	v31 =	vor.u32 $0x4680, v0;
	v32 =	vor.u32 $0x4700, v0;
	v33 =	vor.u32 $0x4780, v0;
	s10 =	simm.s32 $0x7900;
	[dreg:$0xa] =	wrdreg s0;
	s0 =	simm.s32 $0x0  }
.LBB2_5:
0x16: {  	s25 =	rddreg [dreg:$0x8];
	s0 =	simm.s32 $0x11500;
	s29 =	simm.s32 $0x3  }
0x17: {  	[hbm4b:s25+s6] =	stream.linear.scatter [tilespmem:s0], [sflag:$0x3], $0x200, $0x38;
	[tilespmem:$0x11780] =	vst v63  }
0x18: {  	_ =	swait.ge [sflag:s29], $0x200  }
0x19: {  	s28 =	rddreg [dreg:$0xb]  }
0x1a: {  	s30 =	rddreg [dreg:$0x9];
	s0 =	sadd.s32 $0x1, s28  }
0x1b: {  	p0 =	sne.s32 s0, s30  }
.Ltmp1:
0x1c: {  	_ = 	snop;
	(pc) =	sbr.rel @!p0 .LBB2_6-.Ltmp1, $3  }
0x1d: {  	_ =	sdelay $0x1  }
0x1e: {  	[sflag:s29] =	ssyncset.done $0x0  }
0x1f: {  	[sflag:s29] =	ssyncadd.s32 $0xFFFFFE00  }
.LBB2_1:
0x20: {  	[dreg:$0xb] =	wrdreg s0  }
0x21: {  	s25 =	rddreg [dreg:$0x7];
	s26 =	simm.s32 $0x80;
	s28 =	simm.s32 $0x100  }
0x22: {  	[tilespmem:s6], [sflag:$0x3] =	stream.strided.gather [hbm4b:s25+s26], $0x200, s28, s26, $0x38;
	[tilespmem:$0x11780] =	vst v63  }
0x23: {  	_ =	swait.ge [sflag:s29], $0x200  }
0x24: {  	[sflag:s29] =	ssyncset.done $0x0  }
0x25: {  	s30 =	simm.s32 $0x280;
	s0 =	rddreg [dreg:$0xa];
	[sflag:s29] =	ssyncadd.s32 $0xFFFFFE00  }
0x26: {  	[tilespmem:s30], [sflag:$0x3] =	stream.strided.gather [hbm4b:s0+s26], $0x200, s28, s26, $0x38;
	[tilespmem:$0x11780] =	vst v63  }
0x27: {  	_ =	swait.ge [sflag:s29], $0x200  }
0x28: {  	[sflag:s29] =	ssyncset.done $0x0  }
0x29: {  	[sflag:s29] =	ssyncadd.s32 $0xFFFFFE00  }
0x2a: {  	v35 =	vld [tilespmem:$0x0];
	_ =	sdelay $0x1  }
0x2b: {  	v34 =	vld [tilespmem:$0x280];
	_ =	sdelay $0x2  }
0x2c: {  	(v2sf) =	vpush v35, $0x0;
	_ =	sdelay $0x1  }
0x2d: {  	(v2sf) =	vpush v34, $0x0;
	_ =	sdelay $0xc  }
0x2e: {  	s25 =	spop (v2sf);
	(v2sf) =	vpush v35, $0x1  }
0x2f: {  	s30 =	sand.u32 $0xFFFFF80, s25  }
0x30: {  	s28 =	spop (v2sf);
	(v2sf) =	vpush v34, $0x1;
	s26 =	sadd.s32 s1, s30  }
0x31: {  	[tilespmem:s15], [sflag:$0x1] =	stream.linear.gather [hbm4b:s26+s6], $0x400, $0x38;
	[tilespmem:$0x11780] =	vst v63  }
0x32: {  	s0 =	simm.s32 $0x900;
	s30 =	sand.u32 $0xFFFFF80, s28;
	s26 =	sadd.s32 $0xF4280, s26  }
0x33: {  	[tilespmem:s0], [sflag:$0x1] =	stream.linear.gather [hbm4b:s26+s6], $0x400, $0x38;
	[tilespmem:$0x11780] =	vst v63  }
0x34: {  	s25 =	sshrl.u32 s25, $0x3;
	s26 =	sadd.s32 s2, s30  }
0x35: {  	[tilespmem:s17], [sflag:$0x1] =	stream.linear.gather [hbm4b:s26+s6], $0x400, $0x38;
	[tilespmem:$0x11780] =	vst v63  }
0x36: {  	s25 =	sand.u32 $0x1FFFFFF0, s25;
	s0 =	simm.s32 $0x8900;
	s26 =	sadd.s32 $0xF4280, s26  }
0x37: {  	[tilespmem:s0], [sflag:$0x1] =	stream.linear.gather [hbm4b:s26+s6], $0x400, $0x38;
	[tilespmem:$0x11780] =	vst v63  }
0x38: {  	s28 =	sshrl.u32 s28, $0x3;
	s25 =	sadd.s32 s3, s25  }
0x39: {  	[tilespmem:s19], [sflag:$0x1] =	stream.linear.gather [hbm4b:s25+s6], $0x80, $0x38;
	[tilespmem:$0x11780] =	vst v63  }
0x3a: {  	s25 =	sand.u32 $0x1FFFFFF0, s28  }
0x3b: {  	s25 =	sadd.s32 s5, s25  }
0x3c: {  	[tilespmem:s20], [sflag:$0x1] =	stream.linear.gather [hbm4b:s25+s6], $0x80, $0x38;
	[tilespmem:$0x11780] =	vst v63  }
0x3d: {  	s25 =	spop (v2sf);
	(v2sf) =	vpush v35, $0x2  }
0x3e: {  	s29 =	sand.u32 $0xFFFFF80, s25  }
0x3f: {  	s30 =	simm.s32 $0xD00;
	s28 =	spop (v2sf);
	(v2sf) =	vpush v34, $0x2;
	s26 =	sadd.s32 s1, s29  }
0x40: {  	[tilespmem:s30], [sflag:$0x1] =	stream.linear.gather [hbm4b:s26+s6], $0x400, $0x38;
	[tilespmem:$0x11780] =	vst v63  }
0x41: {  	s0 =	simm.s32 $0x1100;
	s26 =	sadd.s32 $0xF4280, s26;
	s30 =	sand.u32 $0xFFFFF80, s28  }
0x42: {  	[tilespmem:s0], [sflag:$0x1] =	stream.linear.gather [hbm4b:s26+s6], $0x400, $0x38;
	[tilespmem:$0x11780] =	vst v63  }
0x43: {  	s25 =	sshrl.u32 s25, $0x3;
	s26 =	sadd.s32 s2, s30;
	s0 =	simm.s32 $0x8D00  }
0x44: {  	[tilespmem:s0], [sflag:$0x1] =	stream.linear.gather [hbm4b:s26+s6], $0x400, $0x38;
	[tilespmem:$0x11780] =	vst v63  }
0x45: {  	s25 =	sand.u32 $0x1FFFFFF0, s25;
	s30 =	simm.s32 $0x9100;
	s26 =	sadd.s32 $0xF4280, s26  }
0x46: {  	[tilespmem:s30], [sflag:$0x1] =	stream.linear.gather [hbm4b:s26+s6], $0x400, $0x38;
	[tilespmem:$0x11780] =	vst v63  }
0x47: {  	s25 =	sadd.s32 s3, s25;
	s0 =	simm.s32 $0x10580;
	s26 =	sshrl.u32 s28, $0x3  }
0x48: {  	[tilespmem:s0], [sflag:$0x1] =	stream.linear.gather [hbm4b:s25+s6], $0x80, $0x38;
	[tilespmem:$0x11780] =	vst v63  }
0x49: {  	s25 =	sand.u32 $0x1FFFFFF0, s26  }
0x4a: {  	s28 =	simm.s32 $0x10D80;
	s25 =	sadd.s32 s5, s25  }
0x4b: {  	[tilespmem:s28], [sflag:$0x1] =	stream.linear.gather [hbm4b:s25+s6], $0x80, $0x38;
	[tilespmem:$0x11780] =	vst v63  }
0x4c: {  	s25 =	spop (v2sf);
	(v2sf) =	vpush v35, $0x3  }
0x4d: {  	s29 =	sand.u32 $0xFFFFF80, s25  }
0x4e: {  	s30 =	simm.s32 $0x1500;
	s28 =	spop (v2sf);
	(v2sf) =	vpush v34, $0x3;
	s26 =	sadd.s32 s1, s29  }
0x4f: {  	[tilespmem:s30], [sflag:$0x1] =	stream.linear.gather [hbm4b:s26+s6], $0x400, $0x38;
	[tilespmem:$0x11780] =	vst v63  }
0x50: {  	s0 =	simm.s32 $0x1900;
	s26 =	sadd.s32 $0xF4280, s26;
	s30 =	sand.u32 $0xFFFFF80, s28  }
0x51: {  	[tilespmem:s0], [sflag:$0x1] =	stream.linear.gather [hbm4b:s26+s6], $0x400, $0x38;
	[tilespmem:$0x11780] =	vst v63  }
0x52: {  	s25 =	sshrl.u32 s25, $0x3;
	s26 =	sadd.s32 s2, s30;
	s0 =	simm.s32 $0x9500  }
0x53: {  	[tilespmem:s0], [sflag:$0x1] =	stream.linear.gather [hbm4b:s26+s6], $0x400, $0x38;
	[tilespmem:$0x11780] =	vst v63  }
0x54: {  	s25 =	sand.u32 $0x1FFFFFF0, s25;
	s30 =	simm.s32 $0x9900;
	s26 =	sadd.s32 $0xF4280, s26  }
0x55: {  	[tilespmem:s30], [sflag:$0x1] =	stream.linear.gather [hbm4b:s26+s6], $0x400, $0x38;
	[tilespmem:$0x11780] =	vst v63  }
0x56: {  	s25 =	sadd.s32 s3, s25;
	s0 =	simm.s32 $0x10600;
	s26 =	sshrl.u32 s28, $0x3  }
0x57: {  	[tilespmem:s0], [sflag:$0x1] =	stream.linear.gather [hbm4b:s25+s6], $0x80, $0x38;
	[tilespmem:$0x11780] =	vst v63  }
0x58: {  	s25 =	sand.u32 $0x1FFFFFF0, s26  }
0x59: {  	s28 =	simm.s32 $0x10E00;
	s25 =	sadd.s32 s5, s25  }
0x5a: {  	[tilespmem:s28], [sflag:$0x1] =	stream.linear.gather [hbm4b:s25+s6], $0x80, $0x38;
	[tilespmem:$0x11780] =	vst v63  }
0x5b: {  	s25 =	spop (v2sf);
	(v2sf) =	vpush v35, $0x4  }
0x5c: {  	s29 =	sand.u32 $0xFFFFF80, s25  }
0x5d: {  	s30 =	simm.s32 $0x1D00;
	s28 =	spop (v2sf);
	(v2sf) =	vpush v34, $0x4;
	s26 =	sadd.s32 s1, s29  }
0x5e: {  	[tilespmem:s30], [sflag:$0x1] =	stream.linear.gather [hbm4b:s26+s6], $0x400, $0x38;
	[tilespmem:$0x11780] =	vst v63  }
0x5f: {  	s0 =	simm.s32 $0x2100;
	s26 =	sadd.s32 $0xF4280, s26;
	s30 =	sand.u32 $0xFFFFF80, s28  }
0x60: {  	[tilespmem:s0], [sflag:$0x1] =	stream.linear.gather [hbm4b:s26+s6], $0x400, $0x38;
	[tilespmem:$0x11780] =	vst v63  }
0x61: {  	s25 =	sshrl.u32 s25, $0x3;
	s26 =	sadd.s32 s2, s30;
	s0 =	simm.s32 $0x9D00  }
0x62: {  	[tilespmem:s0], [sflag:$0x1] =	stream.linear.gather [hbm4b:s26+s6], $0x400, $0x38;
	[tilespmem:$0x11780] =	vst v63  }
0x63: {  	s25 =	sand.u32 $0x1FFFFFF0, s25;
	s30 =	simm.s32 $0xA100;
	s26 =	sadd.s32 $0xF4280, s26  }
0x64: {  	[tilespmem:s30], [sflag:$0x1] =	stream.linear.gather [hbm4b:s26+s6], $0x400, $0x38;
	[tilespmem:$0x11780] =	vst v63  }
0x65: {  	s25 =	sadd.s32 s3, s25;
	s0 =	simm.s32 $0x10680;
	s26 =	sshrl.u32 s28, $0x3  }
0x66: {  	[tilespmem:s0], [sflag:$0x1] =	stream.linear.gather [hbm4b:s25+s6], $0x80, $0x38;
	[tilespmem:$0x11780] =	vst v63  }
0x67: {  	s25 =	sand.u32 $0x1FFFFFF0, s26  }
0x68: {  	s28 =	simm.s32 $0x10E80;
	s25 =	sadd.s32 s5, s25  }
0x69: {  	[tilespmem:s28], [sflag:$0x1] =	stream.linear.gather [hbm4b:s25+s6], $0x80, $0x38;
	[tilespmem:$0x11780] =	vst v63  }
0x6a: {  	s25 =	spop (v2sf);
	(v2sf) =	vpush v35, $0x5  }
0x6b: {  	s29 =	sand.u32 $0xFFFFF80, s25  }
0x6c: {  	s30 =	simm.s32 $0x2500;
	s28 =	spop (v2sf);
	(v2sf) =	vpush v34, $0x5;
	s26 =	sadd.s32 s1, s29  }
0x6d: {  	[tilespmem:s30], [sflag:$0x1] =	stream.linear.gather [hbm4b:s26+s6], $0x400, $0x38;
	[tilespmem:$0x11780] =	vst v63  }
0x6e: {  	s0 =	simm.s32 $0x2900;
	s26 =	sadd.s32 $0xF4280, s26;
	s30 =	sand.u32 $0xFFFFF80, s28  }
0x6f: {  	[tilespmem:s0], [sflag:$0x1] =	stream.linear.gather [hbm4b:s26+s6], $0x400, $0x38;
	[tilespmem:$0x11780] =	vst v63  }
0x70: {  	s25 =	sshrl.u32 s25, $0x3;
	s26 =	sadd.s32 s2, s30;
	s0 =	simm.s32 $0xA500  }
0x71: {  	[tilespmem:s0], [sflag:$0x1] =	stream.linear.gather [hbm4b:s26+s6], $0x400, $0x38;
	[tilespmem:$0x11780] =	vst v63  }
0x72: {  	s25 =	sand.u32 $0x1FFFFFF0, s25;
	s30 =	simm.s32 $0xA900;
	s26 =	sadd.s32 $0xF4280, s26  }
0x73: {  	[tilespmem:s30], [sflag:$0x1] =	stream.linear.gather [hbm4b:s26+s6], $0x400, $0x38;
	[tilespmem:$0x11780] =	vst v63  }
0x74: {  	s25 =	sadd.s32 s3, s25;
	s0 =	simm.s32 $0x10700;
	s26 =	sshrl.u32 s28, $0x3  }
0x75: {  	[tilespmem:s0], [sflag:$0x1] =	stream.linear.gather [hbm4b:s25+s6], $0x80, $0x38;
	[tilespmem:$0x11780] =	vst v63  }
0x76: {  	s25 =	sand.u32 $0x1FFFFFF0, s26  }
0x77: {  	s28 =	simm.s32 $0x10F00;
	s25 =	sadd.s32 s5, s25  }
0x78: {  	[tilespmem:s28], [sflag:$0x1] =	stream.linear.gather [hbm4b:s25+s6], $0x80, $0x38;
	[tilespmem:$0x11780] =	vst v63  }
0x79: {  	s25 =	spop (v2sf);
	(v2sf) =	vpush v35, $0x6  }
0x7a: {  	s29 =	sand.u32 $0xFFFFF80, s25  }
0x7b: {  	s30 =	simm.s32 $0x2D00;
	s28 =	spop (v2sf);
	(v2sf) =	vpush v34, $0x6;
	s26 =	sadd.s32 s1, s29  }
0x7c: {  	[tilespmem:s30], [sflag:$0x1] =	stream.linear.gather [hbm4b:s26+s6], $0x400, $0x38;
	[tilespmem:$0x11780] =	vst v63  }
0x7d: {  	s0 =	simm.s32 $0x3100;
	s26 =	sadd.s32 $0xF4280, s26;
	s30 =	sand.u32 $0xFFFFF80, s28  }
0x7e: {  	[tilespmem:s0], [sflag:$0x1] =	stream.linear.gather [hbm4b:s26+s6], $0x400, $0x38;
	[tilespmem:$0x11780] =	vst v63  }
0x7f: {  	s25 =	sshrl.u32 s25, $0x3;
	s26 =	sadd.s32 s2, s30;
	s0 =	simm.s32 $0xAD00  }
0x80: {  	[tilespmem:s0], [sflag:$0x1] =	stream.linear.gather [hbm4b:s26+s6], $0x400, $0x38;
	[tilespmem:$0x11780] =	vst v63  }
0x81: {  	s25 =	sand.u32 $0x1FFFFFF0, s25;
	s30 =	simm.s32 $0xB100;
	s26 =	sadd.s32 $0xF4280, s26  }
0x82: {  	[tilespmem:s30], [sflag:$0x1] =	stream.linear.gather [hbm4b:s26+s6], $0x400, $0x38;
	[tilespmem:$0x11780] =	vst v63  }
0x83: {  	s25 =	sadd.s32 s3, s25;
	s0 =	simm.s32 $0x10780;
	s26 =	sshrl.u32 s28, $0x3  }
0x84: {  	[tilespmem:s0], [sflag:$0x1] =	stream.linear.gather [hbm4b:s25+s6], $0x80, $0x38;
	[tilespmem:$0x11780] =	vst v63  }
0x85: {  	s25 =	sand.u32 $0x1FFFFFF0, s26  }
0x86: {  	s28 =	simm.s32 $0x10F80;
	s25 =	sadd.s32 s5, s25  }
0x87: {  	[tilespmem:s28], [sflag:$0x1] =	stream.linear.gather [hbm4b:s25+s6], $0x80, $0x38;
	[tilespmem:$0x11780] =	vst v63  }
0x88: {  	s25 =	spop (v2sf);
	(v2sf) =	vpush v35, $0x7  }
0x89: {  	s29 =	sand.u32 $0xFFFFF80, s25  }
0x8a: {  	s30 =	simm.s32 $0x3500;
	s28 =	spop (v2sf);
	(v2sf) =	vpush v34, $0x7;
	s26 =	sadd.s32 s1, s29  }
0x8b: {  	[tilespmem:s30], [sflag:$0x1] =	stream.linear.gather [hbm4b:s26+s6], $0x400, $0x38;
	[tilespmem:$0x11780] =	vst v63  }
0x8c: {  	s0 =	simm.s32 $0x3900;
	s29 =	sand.u32 $0xFFFFF80, s28;
	s26 =	sadd.s32 $0xF4280, s26  }
0x8d: {  	[tilespmem:s0], [sflag:$0x1] =	stream.linear.gather [hbm4b:s26+s6], $0x400, $0x38;
	[tilespmem:$0x11780] =	vst v63  }
0x8e: {  	s25 =	sshrl.u32 s25, $0x3;
	s30 =	simm.s32 $0xB500;
	s26 =	sadd.s32 s2, s29  }
0x8f: {  	[tilespmem:s30], [sflag:$0x1] =	stream.linear.gather [hbm4b:s26+s6], $0x400, $0x38;
	[tilespmem:$0x11780] =	vst v63  }
0x90: {  	s25 =	sand.u32 $0x1FFFFFF0, s25;
	s0 =	simm.s32 $0xB900;
	s26 =	sadd.s32 $0xF4280, s26  }
0x91: {  	[tilespmem:s0], [sflag:$0x1] =	stream.linear.gather [hbm4b:s26+s6], $0x400, $0x38;
	[tilespmem:$0x11780] =	vst v63  }
0x92: {  	s25 =	sadd.s32 s3, s25;
	s29 =	simm.s32 $0x10800;
	s30 =	sshrl.u32 s28, $0x3  }
0x93: {  	[tilespmem:s29], [sflag:$0x1] =	stream.linear.gather [hbm4b:s25+s6], $0x80, $0x38;
	[tilespmem:$0x11780] =	vst v63  }
0x94: {  	s25 =	sand.u32 $0x1FFFFFF0, s30  }
0x95: {  	s0 =	simm.s32 $0x11000;
	s25 =	sadd.s32 s5, s25  }
0x96: {  	[tilespmem:s0], [sflag:$0x1] =	stream.linear.gather [hbm4b:s25+s6], $0x80, $0x38;
	[tilespmem:$0x11780] =	vst v63  }
0x97: {  	s26 =	spop (v2sf)  }
0x98: {  	s29 =	sand.u32 $0xFFFFF80, s26  }
0x99: {  	s30 =	simm.s32 $0x3D00;
	s28 =	spop (v2sf);
	s25 =	sadd.s32 s1, s29  }
0x9a: {  	[tilespmem:s30], [sflag:$0x1] =	stream.linear.gather [hbm4b:s25+s6], $0x400, $0x38;
	[tilespmem:$0x11780] =	vst v63  }
0x9b: {  	s0 =	simm.s32 $0x4100;
	s29 =	sand.u32 $0xFFFFF80, s28;
	s25 =	sadd.s32 $0xF4280, s25  }
0x9c: {  	[tilespmem:s0], [sflag:$0x1] =	stream.linear.gather [hbm4b:s25+s6], $0x400, $0x38;
	[tilespmem:$0x11780] =	vst v63  }
0x9d: {  	s30 =	simm.s32 $0xBD00;
	s25 =	sadd.s32 s2, s29  }
0x9e: {  	[tilespmem:s30], [sflag:$0x1] =	stream.linear.gather [hbm4b:s25+s6], $0x400, $0x38;
	[tilespmem:$0x11780] =	vst v63  }
0x9f: {  	s0 =	simm.s32 $0xC100;
	s25 =	sadd.s32 $0xF4280, s25;
	s30 =	sshrl.u32 s26, $0x3  }
0xa0: {  	[tilespmem:s0], [sflag:$0x1] =	stream.linear.gather [hbm4b:s25+s6], $0x400, $0x38;
	[tilespmem:$0x11780] =	vst v63  }
0xa1: {  	s25 =	sand.u32 $0x1FFFFFF0, s30  }
0xa2: {  	s0 =	simm.s32 $0x10880;
	s25 =	sadd.s32 s3, s25  }
0xa3: {  	[tilespmem:s0], [sflag:$0x1] =	stream.linear.gather [hbm4b:s25+s6], $0x80, $0x38;
	[tilespmem:$0x11780] =	vst v63  }
.Ltmp2:
0xa4: {  	s29 =	sshrl.u32 s28, $0x3;
	(pc) =	sbr.rel .LBB2_2-.Ltmp2, $4  }
0xa5: {  	s25 =	sand.u32 $0x1FFFFFF0, s29  }
0xa6: {  	s30 =	simm.s32 $0x11080;
	s25 =	sadd.s32 s5, s25  }
0xa7: {  	[tilespmem:s30], [sflag:$0x1] =	stream.linear.gather [hbm4b:s25+s6], $0x80, $0x38;
	[tilespmem:$0x11780] =	vst v63  }
0xa8: {  	s25 =	simm.s32 $0x0  }
.LBB2_4:
0xa9: {  	_ =	swait.ge [sflag:s24], $0x800  }
0xaa: {  	[sflag:s24] =	ssyncset.done $0x0  }
0xab: {  	[sflag:s24] =	ssyncadd.s32 $0xFFFFF800  }
0xac: {  	_ =	swait.ge [sflag:s24], $0x800  }
0xad: {  	[sflag:s24] =	ssyncset.done $0x0  }
0xae: {  	[sflag:s24] =	ssyncadd.s32 $0xFFFFF800  }
0xaf: {  	_ =	swait.ge [sflag:s24], $0x80  }
0xb0: {  	[sflag:s24] =	ssyncset.done $0x0  }
0xb1: {  	[sflag:s24] =	ssyncadd.s32 $0xFFFFFF80  }
0xb2: {  	_ =	swait.ge [sflag:s24], $0x80  }
0xb3: {  	[sflag:s24] =	ssyncset.done $0x0  }
0xb4: {  	[sflag:s24] =	ssyncadd.s32 $0xFFFFFF80  }
0xb5: {  	_ =	swait.ge [sflag:s24], $0x800  }
0xb6: {  	[sflag:s24] =	ssyncset.done $0x0  }
0xb7: {  	[sflag:s24] =	ssyncadd.s32 $0xFFFFF800  }
0xb8: {  	_ =	swait.ge [sflag:s24], $0x800  }
0xb9: {  	[sflag:s24] =	ssyncset.done $0x0  }
0xba: {  	[sflag:s24] =	ssyncadd.s32 $0xFFFFF800  }
0xbb: {  	_ =	swait.ge [sflag:s24], $0x80  }
0xbc: {  	[sflag:s24] =	ssyncset.done $0x0  }
0xbd: {  	[sflag:s24] =	ssyncadd.s32 $0xFFFFFF80  }
0xbe: {  	_ =	swait.ge [sflag:s24], $0x80  }
0xbf: {  	[sflag:s24] =	ssyncset.done $0x0  }
0xc0: {  	[sflag:s24] =	ssyncadd.s32 $0xFFFFFF80  }
0xc1: {  	_ =	swait.ge [sflag:s24], $0x800  }
0xc2: {  	[sflag:s24] =	ssyncset.done $0x0  }
0xc3: {  	[sflag:s24] =	ssyncadd.s32 $0xFFFFF800  }
0xc4: {  	_ =	swait.ge [sflag:s24], $0x800  }
0xc5: {  	[sflag:s24] =	ssyncset.done $0x0  }
0xc6: {  	[sflag:s24] =	ssyncadd.s32 $0xFFFFF800  }
0xc7: {  	_ =	swait.ge [sflag:s24], $0x80  }
0xc8: {  	[sflag:s24] =	ssyncset.done $0x0  }
0xc9: {  	[sflag:s24] =	ssyncadd.s32 $0xFFFFFF80  }
0xca: {  	_ =	swait.ge [sflag:s24], $0x80  }
0xcb: {  	[sflag:s24] =	ssyncset.done $0x0  }
0xcc: {  	[sflag:s24] =	ssyncadd.s32 $0xFFFFFF80  }
0xcd: {  	_ =	swait.ge [sflag:s24], $0x800  }
0xce: {  	[sflag:s24] =	ssyncset.done $0x0  }
0xcf: {  	[sflag:s24] =	ssyncadd.s32 $0xFFFFF800  }
0xd0: {  	_ =	swait.ge [sflag:s24], $0x800  }
0xd1: {  	[sflag:s24] =	ssyncset.done $0x0  }
0xd2: {  	[sflag:s24] =	ssyncadd.s32 $0xFFFFF800  }
0xd3: {  	_ =	swait.ge [sflag:s24], $0x80  }
0xd4: {  	[sflag:s24] =	ssyncset.done $0x0  }
0xd5: {  	[sflag:s24] =	ssyncadd.s32 $0xFFFFFF80  }
0xd6: {  	_ =	swait.ge [sflag:s24], $0x80  }
0xd7: {  	[sflag:s24] =	ssyncset.done $0x0  }
0xd8: {  	[sflag:s24] =	ssyncadd.s32 $0xFFFFFF80  }
0xd9: {  	_ =	swait.ge [sflag:s24], $0x800  }
0xda: {  	[sflag:s24] =	ssyncset.done $0x0  }
0xdb: {  	[sflag:s24] =	ssyncadd.s32 $0xFFFFF800  }
0xdc: {  	_ =	swait.ge [sflag:s24], $0x800  }
0xdd: {  	[sflag:s24] =	ssyncset.done $0x0  }
0xde: {  	[sflag:s24] =	ssyncadd.s32 $0xFFFFF800  }
0xdf: {  	_ =	swait.ge [sflag:s24], $0x80  }
0xe0: {  	[sflag:s24] =	ssyncset.done $0x0  }
0xe1: {  	[sflag:s24] =	ssyncadd.s32 $0xFFFFFF80  }
0xe2: {  	_ =	swait.ge [sflag:s24], $0x80  }
0xe3: {  	[sflag:s24] =	ssyncset.done $0x0  }
0xe4: {  	[sflag:s24] =	ssyncadd.s32 $0xFFFFFF80  }
0xe5: {  	_ =	swait.ge [sflag:s24], $0x800  }
0xe6: {  	[sflag:s24] =	ssyncset.done $0x0  }
0xe7: {  	[sflag:s24] =	ssyncadd.s32 $0xFFFFF800  }
0xe8: {  	_ =	swait.ge [sflag:s24], $0x800  }
0xe9: {  	[sflag:s24] =	ssyncset.done $0x0  }
0xea: {  	[sflag:s24] =	ssyncadd.s32 $0xFFFFF800  }
0xeb: {  	_ =	swait.ge [sflag:s24], $0x80  }
0xec: {  	[sflag:s24] =	ssyncset.done $0x0  }
0xed: {  	[sflag:s24] =	ssyncadd.s32 $0xFFFFFF80  }
0xee: {  	_ =	swait.ge [sflag:s24], $0x80  }
0xef: {  	[sflag:s24] =	ssyncset.done $0x0  }
0xf0: {  	[sflag:s24] =	ssyncadd.s32 $0xFFFFFF80  }
0xf1: {  	_ =	swait.ge [sflag:s24], $0x800  }
0xf2: {  	[sflag:s24] =	ssyncset.done $0x0  }
0xf3: {  	[sflag:s24] =	ssyncadd.s32 $0xFFFFF800  }
0xf4: {  	_ =	swait.ge [sflag:s24], $0x800  }
0xf5: {  	[sflag:s24] =	ssyncset.done $0x0  }
0xf6: {  	[sflag:s24] =	ssyncadd.s32 $0xFFFFF800  }
0xf7: {  	_ =	swait.ge [sflag:s24], $0x80  }
0xf8: {  	[sflag:s24] =	ssyncset.done $0x0  }
0xf9: {  	[sflag:s24] =	ssyncadd.s32 $0xFFFFFF80  }
0xfa: {  	_ =	swait.ge [sflag:s24], $0x80  }
0xfb: {  	[sflag:s24] =	ssyncset.done $0x0  }
0xfc: {  	[sflag:s24] =	ssyncadd.s32 $0xFFFFFF80  }
0xfd: {  	_ =	swait.ge [sflag:s24], $0x800  }
0xfe: {  	[sflag:s24] =	ssyncset.done $0x0  }
0xff: {  	[sflag:s24] =	ssyncadd.s32 $0xFFFFF800  }
0x100: {  	_ =	swait.ge [sflag:s24], $0x800  }
0x101: {  	[sflag:s24] =	ssyncset.done $0x0  }
0x102: {  	[sflag:s24] =	ssyncadd.s32 $0xFFFFF800  }
0x103: {  	_ =	swait.ge [sflag:s24], $0x80  }
0x104: {  	[sflag:s24] =	ssyncset.done $0x0  }
0x105: {  	[sflag:s24] =	ssyncadd.s32 $0xFFFFFF80  }
0x106: {  	_ =	swait.ge [sflag:s24], $0x80  }
0x107: {  	[sflag:s24] =	ssyncset.done $0x0  }
0x108: {  	[sflag:s24] =	ssyncadd.s32 $0xFFFFFF80  }
0x109: {  	v34 =	vld [tilespmem:s26+$0x8]  }
0x10a: {  	v35 =	vld [tilespmem:s26+$0x288];
	_ =	sdelay $0x3  }
0x10b: {  	v34 =	vand.u32 $0x7F, v34  }
0x10c: {  	v35 =	vand.u32 $0x7F, v35;
	v36 =	vor.u32 v17, v34  }
0x10d: {  	v37 =	vor.u32 v17, v35  }
0x10e: {  	v38 =	vor.u32 v18, v34  }
0x10f: {  	v39 =	vor.u32 v18, v35  }
0x110: {  	v40 =	vor.u32 v19, v34  }
0x111: {  	v41 =	vor.u32 v19, v35;
	v36 =	vld.idx.msk [tilespmem:v36+s19+$0x0], $0xffff  }
0x112: {  	v42 =	vor.u32 v20, v34;
	v37 =	vld.idx.msk [tilespmem:v37+s20+$0x0], $0xffff  }
0x113: {  	v43 =	vor.u32 v20, v35;
	v38 =	vld.idx.msk [tilespmem:v38+s15+$0x0], $0xffff  }
0x114: {  	v44 =	vor.u32 v21, v34;
	v39 =	vld.idx.msk [tilespmem:v39+s17+$0x0], $0xffff  }
0x115: {  	v45 =	vor.u32 v21, v35;
	v40 =	vld.idx.msk [tilespmem:v40+s15+$0x0], $0xffff  }
0x116: {  	v46 =	vor.u32 v22, v34;
	v41 =	vld.idx.msk [tilespmem:v41+s17+$0x0], $0xffff  }
0x117: {  	v59 =	vor.u32 v22, v35;
	v58 =	vld.idx.msk [tilespmem:v42+s15+$0x0], $0xffff  }
0x118: {  	v47 =	vor.u32 v23, v34;
	v43 =	vld.idx.msk [tilespmem:v43+s17+$0x0], $0xffff;
	v36 =	vadd.f32 v37, v36  }
0x119: {  	v61 =	vor.u32 v23, v35;
	v60 =	vld.idx.msk [tilespmem:v44+s15+$0x0], $0xffff  }
0x11a: {  	v45 =	vld.idx.msk [tilespmem:v45+s17+$0x0], $0xffff;
	v38 =	vmul.f32 v39, v38;
	v36 =	vadd.f32 $3.500000000e+00, v36  }
0x11b: {  	v48 =	vor.u32 v24, v34;
	v63 =	vld.idx.msk [tilespmem:v46+s15+$0x0], $0xffff  }
0x11c: {  	v51 =	vor.u32 v24, v35;
	v42 =	vld.idx.msk [tilespmem:v59+s17+$0x0], $0xffff;
	v62 =	vmul.f32 v41, v40;
	v36 =	vadd.f32 v38, v36  }
0x11d: {  	v52 =	vor.u32 v25, v34;
	v53 =	vld.idx.msk [tilespmem:v47+s15+$0x0], $0xffff  }
0x11e: {  	v54 =	vor.u32 v25, v35;
	v44 =	vld.idx.msk [tilespmem:v61+s17+$0x0], $0xffff;
	v37 =	vmul.f32 v43, v58;
	v36 =	vadd.f32 v62, v36  }
0x11f: {  	v55 =	vor.u32 v26, v34  }
0x120: {  	v57 =	vld.idx.msk [tilespmem:v48+s15+$0x0], $0xffff;
	v56 =	vmul.f32 v45, v60;
	v58 =	vor.u32 v26, v35;
	v36 =	vadd.f32 v37, v36  }
0x121: {  	v59 =	vor.u32 v27, v34;
	v41 =	vld.idx.msk [tilespmem:v51+s17+$0x0], $0xffff  }
0x122: {  	v61 =	vld.idx.msk [tilespmem:v52+s15+$0x0], $0xffff;
	v60 =	vmul.f32 v42, v63;
	v62 =	vor.u32 v27, v35;
	v36 =	vadd.f32 v56, v36  }
0x123: {  	v43 =	vld.idx.msk [tilespmem:v54+s17+$0x0], $0xffff;
	v51 =	vmul.f32 v44, v53;
	v53 =	vor.u32 v28, v35  }
0x124: {  	v52 =	vld.idx.msk [tilespmem:v55+s15+$0x0], $0xffff;
	v63 =	vor.u32 v28, v34;
	v36 =	vadd.f32 v60, v36  }
0x125: {  	v54 =	vor.u32 v29, v34;
	v45 =	vld.idx.msk [tilespmem:v58+s17+$0x0], $0xffff  }
0x126: {  	v55 =	vmul.f32 v41, v57;
	v57 =	vor.u32 v29, v35;
	v56 =	vld.idx.msk [tilespmem:v59+s15+$0x0], $0xffff;
	v36 =	vadd.f32 v51, v36  }
0x127: {  	v58 =	vor.u32 v30, v34;
	v42 =	vld.idx.msk [tilespmem:v62+s17+$0x0], $0xffff  }
0x128: {  	v44 =	vld.idx.msk [tilespmem:v53+s17+$0x0], $0xffff;
	v59 =	vmul.f32 v43, v61;
	v61 =	vor.u32 v30, v35;
	v36 =	vadd.f32 v55, v36  }
0x129: {  	v50 =	vor.u32 v31, v35;
	v60 =	vld.idx.msk [tilespmem:v63+s15+$0x0], $0xffff  }
0x12a: {  	v49 =	vld.idx.msk [tilespmem:v54+s15+$0x0], $0xffff;
	v62 =	vor.u32 v31, v34;
	v63 =	vmul.f32 v45, v52;
	v36 =	vadd.f32 v59, v36  }
0x12b: {  	v54 =	vor.u32 v32, v35;
	v41 =	vld.idx.msk [tilespmem:v57+s17+$0x0], $0xffff  }
0x12c: {  	v53 =	vld.idx.msk [tilespmem:v58+s15+$0x0], $0xffff;
	v51 =	vor.u32 v32, v34;
	v52 =	vmul.f32 v42, v56;
	v36 =	vadd.f32 v63, v36  }
0x12d: {  	v35 =	vor.u32 v33, v35;
	v43 =	vld.idx.msk [tilespmem:v61+s17+$0x0], $0xffff  }
0x12e: {  	v57 =	vld.idx.msk [tilespmem:v50+s17+$0x0], $0xffff;
	v34 =	vor.u32 v33, v34;
	v55 =	vmul.f32 v44, v60;
	v36 =	vadd.f32 v52, v36  }
0x12f: {  	v56 =	vld.idx.msk [tilespmem:v62+s15+$0x0], $0xffff  }
0x130: {  	v58 =	vmul.f32 v41, v49;
	v60 =	vld.idx.msk [tilespmem:v54+s17+$0x0], $0xffff;
	v36 =	vadd.f32 v55, v36  }
0x131: {  	v59 =	vld.idx.msk [tilespmem:v51+s15+$0x0], $0xffff  }
0x132: {  	v35 =	vld.idx.msk [tilespmem:v35+s17+$0x0], $0xffff;
	v61 =	vmul.f32 v43, v53;
	v36 =	vadd.f32 v58, v36  }
0x133: {  	v34 =	vld.idx.msk [tilespmem:v34+s15+$0x0], $0xffff  }
0x134: {  	v62 =	vmul.f32 v57, v56;
	v36 =	vadd.f32 v61, v36;
	_ =	sdelay $0x1  }
0x135: {  	v63 =	vmul.f32 v60, v59;
	v36 =	vadd.f32 v62, v36;
	_ =	sdelay $0x1  }
0x136: {  	v34 =	vmul.f32 v35, v34;
	v36 =	vadd.f32 v63, v36;
	_ =	sdelay $0x1  }
0x137: {  	v34 =	vadd.f32 v34, v36;
	_ =	sdelay $0x1  }
0x138: {  	v34 =	vsub.f32 $0.0e+00, v34;
	_ =	sdelay $0x1  }
0x139: {  	v34 =	vmul.f32 $1.442695020e+00, v34;
	_ =	sdelay $0x1  }
0x13a: {  	(erf) = vpow2.f32 v34;
	_ =	sdelay $0x8  }
0x13b: {  	v34 =	vpop (erf)  }
0x13c: {  	v34 =	vadd.f32 $1.000000000e+00, v34;
	_ =	sdelay $0x1  }
0x13d: {  	(erf) = vrcp.f32 v34;
	_ =	sdelay $0x3  }
0x13e: {  	s25 =	sadd.s32 $0x40, s25  }
0x13f: {  	p0 =	sne.s32 s25, $0x800  }
.Ltmp3:
0x140: {  	_ = 	snop;
	(pc) =	sbr.rel @!p0 .LBB2_5-.Ltmp3, $3  }
0x141: {  	_ =	sdelay $0x1  }
0x142: {  	v34 =	vpop (erf)  }
0x143: {  	[tilespmem:s26+$0x11508] =	vst v34  }
.LBB2_2:
0x144: {  	s26 =	sshra.s32 s25, $0x2  }
0x145: {  	v35 =	vld [tilespmem:s26+$0x8];
	_ =	sdelay $0x3  }
0x146: {  	v34 =	vld [tilespmem:s26+$0x288]  }
0x147: {  	(v2sf) =	vpush v35, $0x0;
	_ =	sdelay $0x3  }
0x148: {  	(v2sf) =	vpush v34, $0x0;
	_ =	sdelay $0xa  }
0x149: {  	s28 =	spop (v2sf)  }
0x14a: {  	s29 =	sand.u32 $0xFFFFF80, s28  }
0x14b: {  	(v2sf) =	vpush v35, $0x1;
	s29 =	sadd.s32 s1, s29  }
0x14c: {  	[tilespmem:s31], [sflag:$0x2] =	stream.linear.gather [hbm4b:s29+s6], $0x400, $0x38;
	[tilespmem:$0x11780] =	vst v63  }
0x14d: {  	s0 =	simm.s32 $0x4900;
	s30 =	spop (v2sf);
	s29 =	sadd.s32 $0xF4280, s29  }
0x14e: {  	[tilespmem:s0], [sflag:$0x2] =	stream.linear.gather [hbm4b:s29+s6], $0x400, $0x38;
	[tilespmem:$0x11780] =	vst v63  }
0x14f: {  	(v2sf) =	vpush v34, $0x1;
	s0 =	sand.u32 $0xFFFFF80, s30  }
0x150: {  	s28 =	sshrl.u32 s28, $0x3;
	s29 =	sadd.s32 s2, s0;
	s0 =	simm.s32 $0xC500  }
0x151: {  	[tilespmem:s0], [sflag:$0x2] =	stream.linear.gather [hbm4b:s29+s6], $0x400, $0x38;
	[tilespmem:$0x11780] =	vst v63  }
0x152: {  	s28 =	sand.u32 $0x1FFFFFF0, s28;
	s29 =	sadd.s32 $0xF4280, s29;
	s0 =	simm.s32 $0xC900  }
0x153: {  	[tilespmem:s0], [sflag:$0x2] =	stream.linear.gather [hbm4b:s29+s6], $0x400, $0x38;
	[tilespmem:$0x11780] =	vst v63  }
0x154: {  	s28 =	sadd.s32 s3, s28;
	s29 =	simm.s32 $0x10900  }
0x155: {  	[tilespmem:s29], [sflag:$0x2] =	stream.linear.gather [hbm4b:s28+s6], $0x80, $0x38;
	[tilespmem:$0x11780] =	vst v63  }
0x156: {  	s29 =	sshrl.u32 s30, $0x3  }
0x157: {  	s28 =	sand.u32 $0x1FFFFFF0, s29  }
0x158: {  	s30 =	simm.s32 $0x11100;
	s28 =	sadd.s32 s5, s28  }
0x159: {  	[tilespmem:s30], [sflag:$0x2] =	stream.linear.gather [hbm4b:s28+s6], $0x80, $0x38;
	[tilespmem:$0x11780] =	vst v63  }
0x15a: {  	s28 =	spop (v2sf)  }
0x15b: {  	s0 =	sand.u32 $0xFFFFF80, s28  }
0x15c: {  	s30 =	simm.s32 $0x4D00;
	(v2sf) =	vpush v35, $0x2;
	s29 =	sadd.s32 s1, s0  }
0x15d: {  	[tilespmem:s30], [sflag:$0x2] =	stream.linear.gather [hbm4b:s29+s6], $0x400, $0x38;
	[tilespmem:$0x11780] =	vst v63  }
0x15e: {  	s0 =	simm.s32 $0x5100;
	s30 =	spop (v2sf);
	s29 =	sadd.s32 $0xF4280, s29  }
0x15f: {  	[tilespmem:s0], [sflag:$0x2] =	stream.linear.gather [hbm4b:s29+s6], $0x400, $0x38;
	[tilespmem:$0x11780] =	vst v63  }
0x160: {  	(v2sf) =	vpush v34, $0x2;
	s0 =	sand.u32 $0xFFFFF80, s30  }
0x161: {  	s28 =	sshrl.u32 s28, $0x3;
	s29 =	sadd.s32 s2, s0;
	s0 =	simm.s32 $0xCD00  }
0x162: {  	[tilespmem:s0], [sflag:$0x2] =	stream.linear.gather [hbm4b:s29+s6], $0x400, $0x38;
	[tilespmem:$0x11780] =	vst v63  }
0x163: {  	s28 =	sand.u32 $0x1FFFFFF0, s28;
	s29 =	sadd.s32 $0xF4280, s29;
	s0 =	simm.s32 $0xD100  }
0x164: {  	[tilespmem:s0], [sflag:$0x2] =	stream.linear.gather [hbm4b:s29+s6], $0x400, $0x38;
	[tilespmem:$0x11780] =	vst v63  }
0x165: {  	s28 =	sadd.s32 s3, s28;
	s29 =	simm.s32 $0x10980  }
0x166: {  	[tilespmem:s29], [sflag:$0x2] =	stream.linear.gather [hbm4b:s28+s6], $0x80, $0x38;
	[tilespmem:$0x11780] =	vst v63  }
0x167: {  	s29 =	sshrl.u32 s30, $0x3  }
0x168: {  	s28 =	sand.u32 $0x1FFFFFF0, s29  }
0x169: {  	s30 =	simm.s32 $0x11180;
	s28 =	sadd.s32 s5, s28  }
0x16a: {  	[tilespmem:s30], [sflag:$0x2] =	stream.linear.gather [hbm4b:s28+s6], $0x80, $0x38;
	[tilespmem:$0x11780] =	vst v63  }
0x16b: {  	s28 =	spop (v2sf)  }
0x16c: {  	s0 =	sand.u32 $0xFFFFF80, s28  }
0x16d: {  	s30 =	simm.s32 $0x5500;
	(v2sf) =	vpush v35, $0x3;
	s29 =	sadd.s32 s1, s0  }
0x16e: {  	[tilespmem:s30], [sflag:$0x2] =	stream.linear.gather [hbm4b:s29+s6], $0x400, $0x38;
	[tilespmem:$0x11780] =	vst v63  }
0x16f: {  	s0 =	simm.s32 $0x5900;
	s30 =	spop (v2sf);
	s29 =	sadd.s32 $0xF4280, s29  }
0x170: {  	[tilespmem:s0], [sflag:$0x2] =	stream.linear.gather [hbm4b:s29+s6], $0x400, $0x38;
	[tilespmem:$0x11780] =	vst v63  }
0x171: {  	(v2sf) =	vpush v34, $0x3;
	s0 =	sand.u32 $0xFFFFF80, s30  }
0x172: {  	s28 =	sshrl.u32 s28, $0x3;
	s29 =	sadd.s32 s2, s0;
	s0 =	simm.s32 $0xD500  }
0x173: {  	[tilespmem:s0], [sflag:$0x2] =	stream.linear.gather [hbm4b:s29+s6], $0x400, $0x38;
	[tilespmem:$0x11780] =	vst v63  }
0x174: {  	s28 =	sand.u32 $0x1FFFFFF0, s28;
	s29 =	sadd.s32 $0xF4280, s29;
	s0 =	simm.s32 $0xD900  }
0x175: {  	[tilespmem:s0], [sflag:$0x2] =	stream.linear.gather [hbm4b:s29+s6], $0x400, $0x38;
	[tilespmem:$0x11780] =	vst v63  }
0x176: {  	s28 =	sadd.s32 s3, s28;
	s29 =	simm.s32 $0x10A00  }
0x177: {  	[tilespmem:s29], [sflag:$0x2] =	stream.linear.gather [hbm4b:s28+s6], $0x80, $0x38;
	[tilespmem:$0x11780] =	vst v63  }
0x178: {  	s29 =	sshrl.u32 s30, $0x3  }
0x179: {  	s28 =	sand.u32 $0x1FFFFFF0, s29  }
0x17a: {  	s30 =	simm.s32 $0x11200;
	s28 =	sadd.s32 s5, s28  }
0x17b: {  	[tilespmem:s30], [sflag:$0x2] =	stream.linear.gather [hbm4b:s28+s6], $0x80, $0x38;
	[tilespmem:$0x11780] =	vst v63  }
0x17c: {  	s28 =	spop (v2sf)  }
0x17d: {  	s0 =	sand.u32 $0xFFFFF80, s28  }
0x17e: {  	s30 =	simm.s32 $0x5D00;
	(v2sf) =	vpush v35, $0x4;
	s29 =	sadd.s32 s1, s0  }
0x17f: {  	[tilespmem:s30], [sflag:$0x2] =	stream.linear.gather [hbm4b:s29+s6], $0x400, $0x38;
	[tilespmem:$0x11780] =	vst v63  }
0x180: {  	s0 =	simm.s32 $0x6100;
	s30 =	spop (v2sf);
	s29 =	sadd.s32 $0xF4280, s29  }
0x181: {  	[tilespmem:s0], [sflag:$0x2] =	stream.linear.gather [hbm4b:s29+s6], $0x400, $0x38;
	[tilespmem:$0x11780] =	vst v63  }
0x182: {  	(v2sf) =	vpush v34, $0x4;
	s0 =	sand.u32 $0xFFFFF80, s30  }
0x183: {  	s28 =	sshrl.u32 s28, $0x3;
	s29 =	sadd.s32 s2, s0;
	s0 =	simm.s32 $0xDD00  }
0x184: {  	[tilespmem:s0], [sflag:$0x2] =	stream.linear.gather [hbm4b:s29+s6], $0x400, $0x38;
	[tilespmem:$0x11780] =	vst v63  }
0x185: {  	s28 =	sand.u32 $0x1FFFFFF0, s28;
	s29 =	sadd.s32 $0xF4280, s29;
	s0 =	simm.s32 $0xE100  }
0x186: {  	[tilespmem:s0], [sflag:$0x2] =	stream.linear.gather [hbm4b:s29+s6], $0x400, $0x38;
	[tilespmem:$0x11780] =	vst v63  }
0x187: {  	s28 =	sadd.s32 s3, s28;
	s29 =	simm.s32 $0x10A80  }
0x188: {  	[tilespmem:s29], [sflag:$0x2] =	stream.linear.gather [hbm4b:s28+s6], $0x80, $0x38;
	[tilespmem:$0x11780] =	vst v63  }
0x189: {  	s29 =	sshrl.u32 s30, $0x3  }
0x18a: {  	s28 =	sand.u32 $0x1FFFFFF0, s29  }
0x18b: {  	s30 =	simm.s32 $0x11280;
	s28 =	sadd.s32 s5, s28  }
0x18c: {  	[tilespmem:s30], [sflag:$0x2] =	stream.linear.gather [hbm4b:s28+s6], $0x80, $0x38;
	[tilespmem:$0x11780] =	vst v63  }
0x18d: {  	s28 =	spop (v2sf)  }
0x18e: {  	s0 =	sand.u32 $0xFFFFF80, s28  }
0x18f: {  	s30 =	simm.s32 $0x6500;
	(v2sf) =	vpush v35, $0x5;
	s29 =	sadd.s32 s1, s0  }
0x190: {  	[tilespmem:s30], [sflag:$0x2] =	stream.linear.gather [hbm4b:s29+s6], $0x400, $0x38;
	[tilespmem:$0x11780] =	vst v63  }
0x191: {  	s0 =	simm.s32 $0x6900;
	s30 =	spop (v2sf);
	s29 =	sadd.s32 $0xF4280, s29  }
0x192: {  	[tilespmem:s0], [sflag:$0x2] =	stream.linear.gather [hbm4b:s29+s6], $0x400, $0x38;
	[tilespmem:$0x11780] =	vst v63  }
0x193: {  	(v2sf) =	vpush v34, $0x5;
	s0 =	sand.u32 $0xFFFFF80, s30  }
0x194: {  	s28 =	sshrl.u32 s28, $0x3;
	s29 =	sadd.s32 s2, s0;
	s0 =	simm.s32 $0xE500  }
0x195: {  	[tilespmem:s0], [sflag:$0x2] =	stream.linear.gather [hbm4b:s29+s6], $0x400, $0x38;
	[tilespmem:$0x11780] =	vst v63  }
0x196: {  	s28 =	sand.u32 $0x1FFFFFF0, s28;
	s29 =	sadd.s32 $0xF4280, s29;
	s0 =	simm.s32 $0xE900  }
0x197: {  	[tilespmem:s0], [sflag:$0x2] =	stream.linear.gather [hbm4b:s29+s6], $0x400, $0x38;
	[tilespmem:$0x11780] =	vst v63  }
0x198: {  	s28 =	sadd.s32 s3, s28;
	s29 =	simm.s32 $0x10B00  }
0x199: {  	[tilespmem:s29], [sflag:$0x2] =	stream.linear.gather [hbm4b:s28+s6], $0x80, $0x38;
	[tilespmem:$0x11780] =	vst v63  }
0x19a: {  	s29 =	sshrl.u32 s30, $0x3  }
0x19b: {  	s28 =	sand.u32 $0x1FFFFFF0, s29  }
0x19c: {  	s30 =	simm.s32 $0x11300;
	s28 =	sadd.s32 s5, s28  }
0x19d: {  	[tilespmem:s30], [sflag:$0x2] =	stream.linear.gather [hbm4b:s28+s6], $0x80, $0x38;
	[tilespmem:$0x11780] =	vst v63  }
0x19e: {  	s28 =	spop (v2sf)  }
0x19f: {  	s0 =	sand.u32 $0xFFFFF80, s28  }
0x1a0: {  	s30 =	simm.s32 $0x6D00;
	(v2sf) =	vpush v35, $0x6;
	s29 =	sadd.s32 s1, s0  }
0x1a1: {  	[tilespmem:s30], [sflag:$0x2] =	stream.linear.gather [hbm4b:s29+s6], $0x400, $0x38;
	[tilespmem:$0x11780] =	vst v63  }
0x1a2: {  	s0 =	simm.s32 $0x7100;
	s30 =	spop (v2sf);
	s29 =	sadd.s32 $0xF4280, s29  }
0x1a3: {  	[tilespmem:s0], [sflag:$0x2] =	stream.linear.gather [hbm4b:s29+s6], $0x400, $0x38;
	[tilespmem:$0x11780] =	vst v63  }
0x1a4: {  	(v2sf) =	vpush v34, $0x6;
	s0 =	sand.u32 $0xFFFFF80, s30  }
0x1a5: {  	s28 =	sshrl.u32 s28, $0x3;
	s29 =	sadd.s32 s2, s0;
	s0 =	simm.s32 $0xED00  }
0x1a6: {  	[tilespmem:s0], [sflag:$0x2] =	stream.linear.gather [hbm4b:s29+s6], $0x400, $0x38;
	[tilespmem:$0x11780] =	vst v63  }
0x1a7: {  	s28 =	sand.u32 $0x1FFFFFF0, s28;
	s29 =	sadd.s32 $0xF4280, s29;
	s0 =	simm.s32 $0xF100  }
0x1a8: {  	[tilespmem:s0], [sflag:$0x2] =	stream.linear.gather [hbm4b:s29+s6], $0x400, $0x38;
	[tilespmem:$0x11780] =	vst v63  }
0x1a9: {  	s28 =	sadd.s32 s3, s28;
	s29 =	simm.s32 $0x10B80  }
0x1aa: {  	[tilespmem:s29], [sflag:$0x2] =	stream.linear.gather [hbm4b:s28+s6], $0x80, $0x38;
	[tilespmem:$0x11780] =	vst v63  }
0x1ab: {  	s29 =	sshrl.u32 s30, $0x3  }
0x1ac: {  	s28 =	sand.u32 $0x1FFFFFF0, s29  }
0x1ad: {  	s28 =	sadd.s32 s5, s28  }
0x1ae: {  	[tilespmem:s4], [sflag:$0x2] =	stream.linear.gather [hbm4b:s28+s6], $0x80, $0x38;
	[tilespmem:$0x11780] =	vst v63  }
0x1af: {  	s28 =	spop (v2sf)  }
0x1b0: {  	(v2sf) =	vpush v35, $0x7;
	s30 =	sand.u32 $0xFFFFF80, s28  }
0x1b1: {  	s29 =	sadd.s32 s1, s30  }
0x1b2: {  	[tilespmem:s14], [sflag:$0x2] =	stream.linear.gather [hbm4b:s29+s6], $0x400, $0x38;
	[tilespmem:$0x11780] =	vst v63  }
0x1b3: {  	s30 =	spop (v2sf)  }
0x1b4: {  	s29 =	sadd.s32 $0xF4280, s29;
	(v2sf) =	vpush v34, $0x7;
	s0 =	sand.u32 $0xFFFFF80, s30  }
0x1b5: {  	[tilespmem:s10], [sflag:$0x2] =	stream.linear.gather [hbm4b:s29+s6], $0x400, $0x38;
	[tilespmem:$0x11780] =	vst v63  }
0x1b6: {  	s28 =	sshrl.u32 s28, $0x3;
	s29 =	sadd.s32 s2, s0  }
0x1b7: {  	[tilespmem:s11], [sflag:$0x2] =	stream.linear.gather [hbm4b:s29+s6], $0x400, $0x38;
	[tilespmem:$0x11780] =	vst v63  }
0x1b8: {  	s28 =	sand.u32 $0x1FFFFFF0, s28;
	s29 =	sadd.s32 $0xF4280, s29  }
0x1b9: {  	[tilespmem:s7], [sflag:$0x2] =	stream.linear.gather [hbm4b:s29+s6], $0x400, $0x38;
	[tilespmem:$0x11780] =	vst v63  }
0x1ba: {  	s28 =	sadd.s32 s3, s28;
	s29 =	sshrl.u32 s30, $0x3  }
0x1bb: {  	[tilespmem:s8], [sflag:$0x2] =	stream.linear.gather [hbm4b:s28+s6], $0x80, $0x38;
	[tilespmem:$0x11780] =	vst v63  }
0x1bc: {  	s28 =	sand.u32 $0x1FFFFFF0, s29  }
0x1bd: {  	s28 =	sadd.s32 s5, s28  }
0x1be: {  	[tilespmem:s9], [sflag:$0x2] =	stream.linear.gather [hbm4b:s28+s6], $0x80, $0x38;
	[tilespmem:$0x11780] =	vst v63  }
0x1bf: {  	s29 =	spop (v2sf)  }
0x1c0: {  	s30 =	sand.u32 $0xFFFFF80, s29  }
0x1c1: {  	s28 =	sadd.s32 s1, s30  }
0x1c2: {  	[tilespmem:s13], [sflag:$0x2] =	stream.linear.gather [hbm4b:s28+s6], $0x400, $0x38;
	[tilespmem:$0x11780] =	vst v63  }
0x1c3: {  	s30 =	spop (v2sf)  }
0x1c4: {  	s28 =	sadd.s32 $0xF4280, s28;
	s0 =	sand.u32 $0xFFFFF80, s30  }
0x1c5: {  	[tilespmem:s12], [sflag:$0x2] =	stream.linear.gather [hbm4b:s28+s6], $0x400, $0x38;
	[tilespmem:$0x11780] =	vst v63  }
0x1c6: {  	s28 =	sadd.s32 s2, s0  }
0x1c7: {  	[tilespmem:s16], [sflag:$0x2] =	stream.linear.gather [hbm4b:s28+s6], $0x400, $0x38;
	[tilespmem:$0x11780] =	vst v63  }
0x1c8: {  	s29 =	sshrl.u32 s29, $0x3;
	s28 =	sadd.s32 $0xF4280, s28  }
0x1c9: {  	[tilespmem:s18], [sflag:$0x2] =	stream.linear.gather [hbm4b:s28+s6], $0x400, $0x38;
	[tilespmem:$0x11780] =	vst v63  }
0x1ca: {  	s28 =	sand.u32 $0x1FFFFFF0, s29  }
0x1cb: {  	s30 =	sshrl.u32 s30, $0x3;
	s28 =	sadd.s32 s3, s28  }
0x1cc: {  	[tilespmem:s21], [sflag:$0x2] =	stream.linear.gather [hbm4b:s28+s6], $0x80, $0x38;
	[tilespmem:$0x11780] =	vst v63  }
0x1cd: {  	s28 =	sand.u32 $0x1FFFFFF0, s30  }
0x1ce: {  	s28 =	sadd.s32 s5, s28  }
0x1cf: {  	[tilespmem:s22], [sflag:$0x2] =	stream.linear.gather [hbm4b:s28+s6], $0x80, $0x38;
	[tilespmem:$0x11780] =	vst v63  }
0x1d0: {  	_ =	swait.ge [sflag:s23], $0x800  }
0x1d1: {  	[sflag:s23] =	ssyncset.done $0x0  }
0x1d2: {  	[sflag:s23] =	ssyncadd.s32 $0xFFFFF800  }
0x1d3: {  	_ =	swait.ge [sflag:s23], $0x800  }
0x1d4: {  	[sflag:s23] =	ssyncset.done $0x0  }
0x1d5: {  	[sflag:s23] =	ssyncadd.s32 $0xFFFFF800  }
0x1d6: {  	_ =	swait.ge [sflag:s23], $0x80  }
0x1d7: {  	[sflag:s23] =	ssyncset.done $0x0  }
0x1d8: {  	[sflag:s23] =	ssyncadd.s32 $0xFFFFFF80  }
0x1d9: {  	_ =	swait.ge [sflag:s23], $0x80  }
0x1da: {  	[sflag:s23] =	ssyncset.done $0x0  }
0x1db: {  	[sflag:s23] =	ssyncadd.s32 $0xFFFFFF80  }
0x1dc: {  	_ =	swait.ge [sflag:s23], $0x800  }
0x1dd: {  	[sflag:s23] =	ssyncset.done $0x0  }
0x1de: {  	[sflag:s23] =	ssyncadd.s32 $0xFFFFF800  }
0x1df: {  	_ =	swait.ge [sflag:s23], $0x800  }
0x1e0: {  	[sflag:s23] =	ssyncset.done $0x0  }
0x1e1: {  	[sflag:s23] =	ssyncadd.s32 $0xFFFFF800  }
0x1e2: {  	_ =	swait.ge [sflag:s23], $0x80  }
0x1e3: {  	[sflag:s23] =	ssyncset.done $0x0  }
0x1e4: {  	[sflag:s23] =	ssyncadd.s32 $0xFFFFFF80  }
0x1e5: {  	_ =	swait.ge [sflag:s23], $0x80  }
0x1e6: {  	[sflag:s23] =	ssyncset.done $0x0  }
0x1e7: {  	[sflag:s23] =	ssyncadd.s32 $0xFFFFFF80  }
0x1e8: {  	_ =	swait.ge [sflag:s23], $0x800  }
0x1e9: {  	[sflag:s23] =	ssyncset.done $0x0  }
0x1ea: {  	[sflag:s23] =	ssyncadd.s32 $0xFFFFF800  }
0x1eb: {  	_ =	swait.ge [sflag:s23], $0x800  }
0x1ec: {  	[sflag:s23] =	ssyncset.done $0x0  }
0x1ed: {  	[sflag:s23] =	ssyncadd.s32 $0xFFFFF800  }
0x1ee: {  	_ =	swait.ge [sflag:s23], $0x80  }
0x1ef: {  	[sflag:s23] =	ssyncset.done $0x0  }
0x1f0: {  	[sflag:s23] =	ssyncadd.s32 $0xFFFFFF80  }
0x1f1: {  	_ =	swait.ge [sflag:s23], $0x80  }
0x1f2: {  	[sflag:s23] =	ssyncset.done $0x0  }
0x1f3: {  	[sflag:s23] =	ssyncadd.s32 $0xFFFFFF80  }
0x1f4: {  	_ =	swait.ge [sflag:s23], $0x800  }
0x1f5: {  	[sflag:s23] =	ssyncset.done $0x0  }
0x1f6: {  	[sflag:s23] =	ssyncadd.s32 $0xFFFFF800  }
0x1f7: {  	_ =	swait.ge [sflag:s23], $0x800  }
0x1f8: {  	[sflag:s23] =	ssyncset.done $0x0  }
0x1f9: {  	[sflag:s23] =	ssyncadd.s32 $0xFFFFF800  }
0x1fa: {  	_ =	swait.ge [sflag:s23], $0x80  }
0x1fb: {  	[sflag:s23] =	ssyncset.done $0x0  }
0x1fc: {  	[sflag:s23] =	ssyncadd.s32 $0xFFFFFF80  }
0x1fd: {  	_ =	swait.ge [sflag:s23], $0x80  }
0x1fe: {  	[sflag:s23] =	ssyncset.done $0x0  }
0x1ff: {  	[sflag:s23] =	ssyncadd.s32 $0xFFFFFF80  }
0x200: {  	_ =	swait.ge [sflag:s23], $0x800  }
0x201: {  	[sflag:s23] =	ssyncset.done $0x0  }
0x202: {  	[sflag:s23] =	ssyncadd.s32 $0xFFFFF800  }
0x203: {  	_ =	swait.ge [sflag:s23], $0x800  }
0x204: {  	[sflag:s23] =	ssyncset.done $0x0  }
0x205: {  	[sflag:s23] =	ssyncadd.s32 $0xFFFFF800  }
0x206: {  	_ =	swait.ge [sflag:s23], $0x80  }
0x207: {  	[sflag:s23] =	ssyncset.done $0x0  }
0x208: {  	[sflag:s23] =	ssyncadd.s32 $0xFFFFFF80  }
0x209: {  	_ =	swait.ge [sflag:s23], $0x80  }
0x20a: {  	[sflag:s23] =	ssyncset.done $0x0  }
0x20b: {  	[sflag:s23] =	ssyncadd.s32 $0xFFFFFF80  }
0x20c: {  	_ =	swait.ge [sflag:s23], $0x800  }
0x20d: {  	[sflag:s23] =	ssyncset.done $0x0  }
0x20e: {  	[sflag:s23] =	ssyncadd.s32 $0xFFFFF800  }
0x20f: {  	_ =	swait.ge [sflag:s23], $0x800  }
0x210: {  	[sflag:s23] =	ssyncset.done $0x0  }
0x211: {  	[sflag:s23] =	ssyncadd.s32 $0xFFFFF800  }
0x212: {  	_ =	swait.ge [sflag:s23], $0x80  }
0x213: {  	[sflag:s23] =	ssyncset.done $0x0  }
0x214: {  	[sflag:s23] =	ssyncadd.s32 $0xFFFFFF80  }
0x215: {  	_ =	swait.ge [sflag:s23], $0x80  }
0x216: {  	[sflag:s23] =	ssyncset.done $0x0  }
0x217: {  	[sflag:s23] =	ssyncadd.s32 $0xFFFFFF80  }
0x218: {  	_ =	swait.ge [sflag:s23], $0x800  }
0x219: {  	[sflag:s23] =	ssyncset.done $0x0  }
0x21a: {  	[sflag:s23] =	ssyncadd.s32 $0xFFFFF800  }
0x21b: {  	_ =	swait.ge [sflag:s23], $0x800  }
0x21c: {  	[sflag:s23] =	ssyncset.done $0x0  }
0x21d: {  	[sflag:s23] =	ssyncadd.s32 $0xFFFFF800  }
0x21e: {  	_ =	swait.ge [sflag:s23], $0x80  }
0x21f: {  	[sflag:s23] =	ssyncset.done $0x0  }
0x220: {  	[sflag:s23] =	ssyncadd.s32 $0xFFFFFF80  }
0x221: {  	_ =	swait.ge [sflag:s23], $0x80  }
0x222: {  	[sflag:s23] =	ssyncset.done $0x0  }
0x223: {  	[sflag:s23] =	ssyncadd.s32 $0xFFFFFF80  }
0x224: {  	_ =	swait.ge [sflag:s23], $0x800  }
0x225: {  	[sflag:s23] =	ssyncset.done $0x0  }
0x226: {  	[sflag:s23] =	ssyncadd.s32 $0xFFFFF800  }
0x227: {  	_ =	swait.ge [sflag:s23], $0x800  }
0x228: {  	[sflag:s23] =	ssyncset.done $0x0  }
0x229: {  	[sflag:s23] =	ssyncadd.s32 $0xFFFFF800  }
0x22a: {  	_ =	swait.ge [sflag:s23], $0x80  }
0x22b: {  	[sflag:s23] =	ssyncset.done $0x0  }
0x22c: {  	[sflag:s23] =	ssyncadd.s32 $0xFFFFFF80  }
0x22d: {  	_ =	swait.ge [sflag:s23], $0x80  }
0x22e: {  	[sflag:s23] =	ssyncset.done $0x0  }
0x22f: {  	[sflag:s23] =	ssyncadd.s32 $0xFFFFFF80  }
0x230: {  	v56 =	vld [tilespmem:s26+$0x0]  }
0x231: {  	v57 =	vld [tilespmem:s26+$0x280];
	_ =	sdelay $0x3  }
0x232: {  	v34 =	vand.u32 $0x7F, v56  }
0x233: {  	v35 =	vand.u32 $0x7F, v57;
	v36 =	vor.u32 v1, v34  }
0x234: {  	v37 =	vor.u32 v1, v35  }
0x235: {  	v38 =	vor.u32 v0, v34  }
0x236: {  	v39 =	vor.u32 v0, v35  }
0x237: {  	v40 =	vor.u32 v2, v34  }
0x238: {  	v41 =	vor.u32 v2, v35;
	v36 =	vld.idx.msk [tilespmem:v36+s19+$0x0], $0xffff  }
0x239: {  	v42 =	vor.u32 v3, v34;
	v37 =	vld.idx.msk [tilespmem:v37+s20+$0x0], $0xffff  }
0x23a: {  	v43 =	vor.u32 v3, v35;
	v38 =	vld.idx.msk [tilespmem:v38+s15+$0x0], $0xffff  }
0x23b: {  	v44 =	vor.u32 v4, v34;
	v39 =	vld.idx.msk [tilespmem:v39+s17+$0x0], $0xffff  }
0x23c: {  	v45 =	vor.u32 v4, v35;
	v40 =	vld.idx.msk [tilespmem:v40+s15+$0x0], $0xffff  }
0x23d: {  	v46 =	vor.u32 v5, v34;
	v41 =	vld.idx.msk [tilespmem:v41+s17+$0x0], $0xffff  }
0x23e: {  	v59 =	vor.u32 v5, v35;
	v58 =	vld.idx.msk [tilespmem:v42+s15+$0x0], $0xffff  }
0x23f: {  	v47 =	vor.u32 v6, v34;
	v43 =	vld.idx.msk [tilespmem:v43+s17+$0x0], $0xffff;
	v36 =	vadd.f32 v37, v36  }
0x240: {  	v61 =	vor.u32 v6, v35;
	v60 =	vld.idx.msk [tilespmem:v44+s15+$0x0], $0xffff  }
0x241: {  	v45 =	vld.idx.msk [tilespmem:v45+s17+$0x0], $0xffff;
	v38 =	vmul.f32 v39, v38;
	v36 =	vadd.f32 $3.500000000e+00, v36  }
0x242: {  	v48 =	vor.u32 v7, v34;
	v63 =	vld.idx.msk [tilespmem:v46+s15+$0x0], $0xffff  }
0x243: {  	v51 =	vor.u32 v7, v35;
	v42 =	vld.idx.msk [tilespmem:v59+s17+$0x0], $0xffff;
	v62 =	vmul.f32 v41, v40;
	v36 =	vadd.f32 v38, v36  }
0x244: {  	v52 =	vor.u32 v8, v34;
	v53 =	vld.idx.msk [tilespmem:v47+s15+$0x0], $0xffff  }
0x245: {  	v54 =	vor.u32 v8, v35;
	v44 =	vld.idx.msk [tilespmem:v61+s17+$0x0], $0xffff;
	v37 =	vmul.f32 v43, v58;
	v36 =	vadd.f32 v62, v36  }
0x246: {  	v55 =	vor.u32 v9, v34  }
0x247: {  	v57 =	vld.idx.msk [tilespmem:v48+s15+$0x0], $0xffff;
	v56 =	vmul.f32 v45, v60;
	v58 =	vor.u32 v9, v35;
	v36 =	vadd.f32 v37, v36  }
0x248: {  	v59 =	vor.u32 v10, v34;
	v41 =	vld.idx.msk [tilespmem:v51+s17+$0x0], $0xffff  }
0x249: {  	v61 =	vld.idx.msk [tilespmem:v52+s15+$0x0], $0xffff;
	v60 =	vmul.f32 v42, v63;
	v62 =	vor.u32 v10, v35;
	v36 =	vadd.f32 v56, v36  }
0x24a: {  	v43 =	vld.idx.msk [tilespmem:v54+s17+$0x0], $0xffff;
	v51 =	vmul.f32 v44, v53;
	v53 =	vor.u32 v11, v35  }
0x24b: {  	v52 =	vld.idx.msk [tilespmem:v55+s15+$0x0], $0xffff;
	v63 =	vor.u32 v11, v34;
	v36 =	vadd.f32 v60, v36  }
0x24c: {  	v54 =	vor.u32 v12, v34;
	v45 =	vld.idx.msk [tilespmem:v58+s17+$0x0], $0xffff  }
0x24d: {  	v55 =	vmul.f32 v41, v57;
	v57 =	vor.u32 v12, v35;
	v56 =	vld.idx.msk [tilespmem:v59+s15+$0x0], $0xffff;
	v36 =	vadd.f32 v51, v36  }
0x24e: {  	v58 =	vor.u32 v13, v34;
	v42 =	vld.idx.msk [tilespmem:v62+s17+$0x0], $0xffff  }
0x24f: {  	v44 =	vld.idx.msk [tilespmem:v53+s17+$0x0], $0xffff;
	v59 =	vmul.f32 v43, v61;
	v61 =	vor.u32 v13, v35;
	v36 =	vadd.f32 v55, v36  }
0x250: {  	v50 =	vor.u32 v14, v35;
	v60 =	vld.idx.msk [tilespmem:v63+s15+$0x0], $0xffff  }
0x251: {  	v49 =	vld.idx.msk [tilespmem:v54+s15+$0x0], $0xffff;
	v62 =	vor.u32 v14, v34;
	v63 =	vmul.f32 v45, v52;
	v36 =	vadd.f32 v59, v36  }
0x252: {  	v54 =	vor.u32 v15, v35;
	v41 =	vld.idx.msk [tilespmem:v57+s17+$0x0], $0xffff  }
0x253: {  	v53 =	vld.idx.msk [tilespmem:v58+s15+$0x0], $0xffff;
	v51 =	vor.u32 v15, v34;
	v52 =	vmul.f32 v42, v56;
	v36 =	vadd.f32 v63, v36  }
0x254: {  	v35 =	vor.u32 v16, v35;
	v43 =	vld.idx.msk [tilespmem:v61+s17+$0x0], $0xffff  }
0x255: {  	v57 =	vld.idx.msk [tilespmem:v50+s17+$0x0], $0xffff;
	v34 =	vor.u32 v16, v34;
	v55 =	vmul.f32 v44, v60;
	v36 =	vadd.f32 v52, v36  }
0x256: {  	v56 =	vld.idx.msk [tilespmem:v62+s15+$0x0], $0xffff  }
0x257: {  	v58 =	vmul.f32 v41, v49;
	v60 =	vld.idx.msk [tilespmem:v54+s17+$0x0], $0xffff;
	v36 =	vadd.f32 v55, v36  }
0x258: {  	v59 =	vld.idx.msk [tilespmem:v51+s15+$0x0], $0xffff  }
0x259: {  	v35 =	vld.idx.msk [tilespmem:v35+s17+$0x0], $0xffff;
	v61 =	vmul.f32 v43, v53;
	v36 =	vadd.f32 v58, v36  }
0x25a: {  	v34 =	vld.idx.msk [tilespmem:v34+s15+$0x0], $0xffff  }
0x25b: {  	v62 =	vmul.f32 v57, v56;
	v36 =	vadd.f32 v61, v36;
	_ =	sdelay $0x1  }
0x25c: {  	v63 =	vmul.f32 v60, v59;
	v36 =	vadd.f32 v62, v36;
	_ =	sdelay $0x1  }
0x25d: {  	v34 =	vmul.f32 v35, v34;
	v36 =	vadd.f32 v63, v36;
	_ =	sdelay $0x1  }
0x25e: {  	v34 =	vadd.f32 v34, v36;
	_ =	sdelay $0x1  }
0x25f: {  	v34 =	vsub.f32 $0.0e+00, v34;
	_ =	sdelay $0x1  }
0x260: {  	v34 =	vmul.f32 $1.442695020e+00, v34;
	_ =	sdelay $0x1  }
0x261: {  	(erf) = vpow2.f32 v34;
	_ =	sdelay $0x8  }
0x262: {  	v34 =	vpop (erf)  }
0x263: {  	v34 =	vadd.f32 $1.000000000e+00, v34;
	_ =	sdelay $0x1  }
0x264: {  	(erf) = vrcp.f32 v34;
	_ =	sdelay $0x4  }
0x265: {  	p0 =	seq.s32 s25, $0x7C0  }
.Ltmp4:
0x266: {  	_ = 	snop;
	(pc) =	sbr.rel @p0 .LBB2_4-.Ltmp4, $3  }
0x267: {  	_ =	sdelay $0x1  }
0x268: {  	v34 =	vpop (erf)  }
0x269: {  	[tilespmem:s26+$0x11500] =	vst v34  }
0x26a: {  	v35 =	vld [tilespmem:s26+$0x10];
	_ =	sdelay $0x1  }
0x26b: {  	v34 =	vld [tilespmem:s26+$0x290];
	_ =	sdelay $0x2  }
0x26c: {  	(v2sf) =	vpush v35, $0x0;
	_ =	sdelay $0x1  }
0x26d: {  	(v2sf) =	vpush v34, $0x0;
	_ =	sdelay $0xc  }
0x26e: {  	s28 =	spop (v2sf);
	(v2sf) =	vpush v35, $0x1  }
0x26f: {  	s29 =	sand.u32 $0xFFFFF80, s28  }
0x270: {  	s30 =	spop (v2sf);
	(v2sf) =	vpush v34, $0x1;
	s29 =	sadd.s32 s1, s29  }
0x271: {  	[tilespmem:s15], [sflag:$0x1] =	stream.linear.gather [hbm4b:s29+s6], $0x400, $0x38;
	[tilespmem:$0x11780] =	vst v63  }
0x272: {  	s31 =	simm.s32 $0x900;
	s0 =	sand.u32 $0xFFFFF80, s30;
	s29 =	sadd.s32 $0xF4280, s29  }
0x273: {  	[tilespmem:s31], [sflag:$0x1] =	stream.linear.gather [hbm4b:s29+s6], $0x400, $0x38;
	[tilespmem:$0x11780] =	vst v63  }
0x274: {  	s28 =	sshrl.u32 s28, $0x3;
	s29 =	sadd.s32 s2, s0  }
0x275: {  	[tilespmem:s17], [sflag:$0x1] =	stream.linear.gather [hbm4b:s29+s6], $0x400, $0x38;
	[tilespmem:$0x11780] =	vst v63  }
0x276: {  	s28 =	sand.u32 $0x1FFFFFF0, s28;
	s31 =	simm.s32 $0x8900;
	s29 =	sadd.s32 $0xF4280, s29  }
0x277: {  	[tilespmem:s31], [sflag:$0x1] =	stream.linear.gather [hbm4b:s29+s6], $0x400, $0x38;
	[tilespmem:$0x11780] =	vst v63  }
0x278: {  	s28 =	sadd.s32 s3, s28;
	s29 =	sshrl.u32 s30, $0x3  }
0x279: {  	[tilespmem:s19], [sflag:$0x1] =	stream.linear.gather [hbm4b:s28+s6], $0x80, $0x38;
	[tilespmem:$0x11780] =	vst v63  }
0x27a: {  	s28 =	sand.u32 $0x1FFFFFF0, s29  }
0x27b: {  	s28 =	sadd.s32 s5, s28  }
0x27c: {  	[tilespmem:s20], [sflag:$0x1] =	stream.linear.gather [hbm4b:s28+s6], $0x80, $0x38;
	[tilespmem:$0x11780] =	vst v63  }
0x27d: {  	s28 =	spop (v2sf);
	(v2sf) =	vpush v35, $0x2  }
0x27e: {  	s30 =	sand.u32 $0xFFFFF80, s28  }
0x27f: {  	s0 =	simm.s32 $0xD00;
	s29 =	sadd.s32 s1, s30;
	s30 =	spop (v2sf);
	(v2sf) =	vpush v34, $0x2  }
0x280: {  	[tilespmem:s0], [sflag:$0x1] =	stream.linear.gather [hbm4b:s29+s6], $0x400, $0x38;
	[tilespmem:$0x11780] =	vst v63  }
0x281: {  	s31 =	simm.s32 $0x1100;
	s29 =	sadd.s32 $0xF4280, s29;
	s0 =	sand.u32 $0xFFFFF80, s30  }
0x282: {  	[tilespmem:s31], [sflag:$0x1] =	stream.linear.gather [hbm4b:s29+s6], $0x400, $0x38;
	[tilespmem:$0x11780] =	vst v63  }
0x283: {  	s28 =	sshrl.u32 s28, $0x3;
	s29 =	sadd.s32 s2, s0;
	s31 =	simm.s32 $0x8D00  }
0x284: {  	[tilespmem:s31], [sflag:$0x1] =	stream.linear.gather [hbm4b:s29+s6], $0x400, $0x38;
	[tilespmem:$0x11780] =	vst v63  }
0x285: {  	s28 =	sand.u32 $0x1FFFFFF0, s28;
	s29 =	sadd.s32 $0xF4280, s29;
	s31 =	simm.s32 $0x9100  }
0x286: {  	[tilespmem:s31], [sflag:$0x1] =	stream.linear.gather [hbm4b:s29+s6], $0x400, $0x38;
	[tilespmem:$0x11780] =	vst v63  }
0x287: {  	s28 =	sadd.s32 s3, s28;
	s30 =	sshrl.u32 s30, $0x3;
	s0 =	simm.s32 $0x10580  }
0x288: {  	[tilespmem:s0], [sflag:$0x1] =	stream.linear.gather [hbm4b:s28+s6], $0x80, $0x38;
	[tilespmem:$0x11780] =	vst v63  }
0x289: {  	s28 =	sand.u32 $0x1FFFFFF0, s30  }
0x28a: {  	s0 =	simm.s32 $0x10D80;
	s28 =	sadd.s32 s5, s28  }
0x28b: {  	[tilespmem:s0], [sflag:$0x1] =	stream.linear.gather [hbm4b:s28+s6], $0x80, $0x38;
	[tilespmem:$0x11780] =	vst v63  }
0x28c: {  	s28 =	spop (v2sf);
	(v2sf) =	vpush v35, $0x3  }
0x28d: {  	s30 =	sand.u32 $0xFFFFF80, s28  }
0x28e: {  	s0 =	simm.s32 $0x1500;
	s29 =	sadd.s32 s1, s30;
	s30 =	spop (v2sf);
	(v2sf) =	vpush v34, $0x3  }
0x28f: {  	[tilespmem:s0], [sflag:$0x1] =	stream.linear.gather [hbm4b:s29+s6], $0x400, $0x38;
	[tilespmem:$0x11780] =	vst v63  }
0x290: {  	s31 =	simm.s32 $0x1900;
	s29 =	sadd.s32 $0xF4280, s29;
	s0 =	sand.u32 $0xFFFFF80, s30  }
0x291: {  	[tilespmem:s31], [sflag:$0x1] =	stream.linear.gather [hbm4b:s29+s6], $0x400, $0x38;
	[tilespmem:$0x11780] =	vst v63  }
0x292: {  	s28 =	sshrl.u32 s28, $0x3;
	s29 =	sadd.s32 s2, s0;
	s31 =	simm.s32 $0x9500  }
0x293: {  	[tilespmem:s31], [sflag:$0x1] =	stream.linear.gather [hbm4b:s29+s6], $0x400, $0x38;
	[tilespmem:$0x11780] =	vst v63  }
0x294: {  	s28 =	sand.u32 $0x1FFFFFF0, s28;
	s29 =	sadd.s32 $0xF4280, s29;
	s31 =	simm.s32 $0x9900  }
0x295: {  	[tilespmem:s31], [sflag:$0x1] =	stream.linear.gather [hbm4b:s29+s6], $0x400, $0x38;
	[tilespmem:$0x11780] =	vst v63  }
0x296: {  	s28 =	sadd.s32 s3, s28;
	s30 =	sshrl.u32 s30, $0x3;
	s0 =	simm.s32 $0x10600  }
0x297: {  	[tilespmem:s0], [sflag:$0x1] =	stream.linear.gather [hbm4b:s28+s6], $0x80, $0x38;
	[tilespmem:$0x11780] =	vst v63  }
0x298: {  	s28 =	sand.u32 $0x1FFFFFF0, s30  }
0x299: {  	s0 =	simm.s32 $0x10E00;
	s28 =	sadd.s32 s5, s28  }
0x29a: {  	[tilespmem:s0], [sflag:$0x1] =	stream.linear.gather [hbm4b:s28+s6], $0x80, $0x38;
	[tilespmem:$0x11780] =	vst v63  }
0x29b: {  	s28 =	spop (v2sf);
	(v2sf) =	vpush v35, $0x4  }
0x29c: {  	s30 =	sand.u32 $0xFFFFF80, s28  }
0x29d: {  	s0 =	simm.s32 $0x1D00;
	s29 =	sadd.s32 s1, s30;
	s30 =	spop (v2sf);
	(v2sf) =	vpush v34, $0x4  }
0x29e: {  	[tilespmem:s0], [sflag:$0x1] =	stream.linear.gather [hbm4b:s29+s6], $0x400, $0x38;
	[tilespmem:$0x11780] =	vst v63  }
0x29f: {  	s31 =	simm.s32 $0x2100;
	s29 =	sadd.s32 $0xF4280, s29;
	s0 =	sand.u32 $0xFFFFF80, s30  }
0x2a0: {  	[tilespmem:s31], [sflag:$0x1] =	stream.linear.gather [hbm4b:s29+s6], $0x400, $0x38;
	[tilespmem:$0x11780] =	vst v63  }
0x2a1: {  	s28 =	sshrl.u32 s28, $0x3;
	s29 =	sadd.s32 s2, s0;
	s31 =	simm.s32 $0x9D00  }
0x2a2: {  	[tilespmem:s31], [sflag:$0x1] =	stream.linear.gather [hbm4b:s29+s6], $0x400, $0x38;
	[tilespmem:$0x11780] =	vst v63  }
0x2a3: {  	s28 =	sand.u32 $0x1FFFFFF0, s28;
	s29 =	sadd.s32 $0xF4280, s29;
	s31 =	simm.s32 $0xA100  }
0x2a4: {  	[tilespmem:s31], [sflag:$0x1] =	stream.linear.gather [hbm4b:s29+s6], $0x400, $0x38;
	[tilespmem:$0x11780] =	vst v63  }
0x2a5: {  	s28 =	sadd.s32 s3, s28;
	s30 =	sshrl.u32 s30, $0x3;
	s0 =	simm.s32 $0x10680  }
0x2a6: {  	[tilespmem:s0], [sflag:$0x1] =	stream.linear.gather [hbm4b:s28+s6], $0x80, $0x38;
	[tilespmem:$0x11780] =	vst v63  }
0x2a7: {  	s28 =	sand.u32 $0x1FFFFFF0, s30  }
0x2a8: {  	s0 =	simm.s32 $0x10E80;
	s28 =	sadd.s32 s5, s28  }
0x2a9: {  	[tilespmem:s0], [sflag:$0x1] =	stream.linear.gather [hbm4b:s28+s6], $0x80, $0x38;
	[tilespmem:$0x11780] =	vst v63  }
0x2aa: {  	s28 =	spop (v2sf);
	(v2sf) =	vpush v35, $0x5  }
0x2ab: {  	s30 =	sand.u32 $0xFFFFF80, s28  }
0x2ac: {  	s0 =	simm.s32 $0x2500;
	s29 =	sadd.s32 s1, s30;
	s30 =	spop (v2sf);
	(v2sf) =	vpush v34, $0x5  }
0x2ad: {  	[tilespmem:s0], [sflag:$0x1] =	stream.linear.gather [hbm4b:s29+s6], $0x400, $0x38;
	[tilespmem:$0x11780] =	vst v63  }
0x2ae: {  	s31 =	simm.s32 $0x2900;
	s29 =	sadd.s32 $0xF4280, s29;
	s0 =	sand.u32 $0xFFFFF80, s30  }
0x2af: {  	[tilespmem:s31], [sflag:$0x1] =	stream.linear.gather [hbm4b:s29+s6], $0x400, $0x38;
	[tilespmem:$0x11780] =	vst v63  }
0x2b0: {  	s28 =	sshrl.u32 s28, $0x3;
	s29 =	sadd.s32 s2, s0;
	s31 =	simm.s32 $0xA500  }
0x2b1: {  	[tilespmem:s31], [sflag:$0x1] =	stream.linear.gather [hbm4b:s29+s6], $0x400, $0x38;
	[tilespmem:$0x11780] =	vst v63  }
0x2b2: {  	s28 =	sand.u32 $0x1FFFFFF0, s28;
	s29 =	sadd.s32 $0xF4280, s29;
	s31 =	simm.s32 $0xA900  }
0x2b3: {  	[tilespmem:s31], [sflag:$0x1] =	stream.linear.gather [hbm4b:s29+s6], $0x400, $0x38;
	[tilespmem:$0x11780] =	vst v63  }
0x2b4: {  	s28 =	sadd.s32 s3, s28;
	s30 =	sshrl.u32 s30, $0x3;
	s0 =	simm.s32 $0x10700  }
0x2b5: {  	[tilespmem:s0], [sflag:$0x1] =	stream.linear.gather [hbm4b:s28+s6], $0x80, $0x38;
	[tilespmem:$0x11780] =	vst v63  }
0x2b6: {  	s28 =	sand.u32 $0x1FFFFFF0, s30  }
0x2b7: {  	s0 =	simm.s32 $0x10F00;
	s28 =	sadd.s32 s5, s28  }
0x2b8: {  	[tilespmem:s0], [sflag:$0x1] =	stream.linear.gather [hbm4b:s28+s6], $0x80, $0x38;
	[tilespmem:$0x11780] =	vst v63  }
0x2b9: {  	s28 =	spop (v2sf);
	(v2sf) =	vpush v35, $0x6  }
0x2ba: {  	s30 =	sand.u32 $0xFFFFF80, s28  }
0x2bb: {  	s0 =	simm.s32 $0x2D00;
	s29 =	sadd.s32 s1, s30;
	s30 =	spop (v2sf);
	(v2sf) =	vpush v34, $0x6  }
0x2bc: {  	[tilespmem:s0], [sflag:$0x1] =	stream.linear.gather [hbm4b:s29+s6], $0x400, $0x38;
	[tilespmem:$0x11780] =	vst v63  }
0x2bd: {  	s31 =	simm.s32 $0x3100;
	s29 =	sadd.s32 $0xF4280, s29;
	s0 =	sand.u32 $0xFFFFF80, s30  }
0x2be: {  	[tilespmem:s31], [sflag:$0x1] =	stream.linear.gather [hbm4b:s29+s6], $0x400, $0x38;
	[tilespmem:$0x11780] =	vst v63  }
0x2bf: {  	s28 =	sshrl.u32 s28, $0x3;
	s29 =	sadd.s32 s2, s0;
	s31 =	simm.s32 $0xAD00  }
0x2c0: {  	[tilespmem:s31], [sflag:$0x1] =	stream.linear.gather [hbm4b:s29+s6], $0x400, $0x38;
	[tilespmem:$0x11780] =	vst v63  }
0x2c1: {  	s28 =	sand.u32 $0x1FFFFFF0, s28;
	s29 =	sadd.s32 $0xF4280, s29;
	s31 =	simm.s32 $0xB100  }
0x2c2: {  	[tilespmem:s31], [sflag:$0x1] =	stream.linear.gather [hbm4b:s29+s6], $0x400, $0x38;
	[tilespmem:$0x11780] =	vst v63  }
0x2c3: {  	s28 =	sadd.s32 s3, s28;
	s30 =	sshrl.u32 s30, $0x3;
	s0 =	simm.s32 $0x10780  }
0x2c4: {  	[tilespmem:s0], [sflag:$0x1] =	stream.linear.gather [hbm4b:s28+s6], $0x80, $0x38;
	[tilespmem:$0x11780] =	vst v63  }
0x2c5: {  	s28 =	sand.u32 $0x1FFFFFF0, s30  }
0x2c6: {  	s0 =	simm.s32 $0x10F80;
	s28 =	sadd.s32 s5, s28  }
0x2c7: {  	[tilespmem:s0], [sflag:$0x1] =	stream.linear.gather [hbm4b:s28+s6], $0x80, $0x38;
	[tilespmem:$0x11780] =	vst v63  }
0x2c8: {  	s28 =	spop (v2sf);
	(v2sf) =	vpush v35, $0x7  }
0x2c9: {  	s30 =	sand.u32 $0xFFFFF80, s28  }
0x2ca: {  	s0 =	simm.s32 $0x3500;
	s29 =	sadd.s32 s1, s30;
	s30 =	spop (v2sf);
	(v2sf) =	vpush v34, $0x7  }
0x2cb: {  	[tilespmem:s0], [sflag:$0x1] =	stream.linear.gather [hbm4b:s29+s6], $0x400, $0x38;
	[tilespmem:$0x11780] =	vst v63  }
0x2cc: {  	s31 =	simm.s32 $0x3900;
	s29 =	sadd.s32 $0xF4280, s29;
	s0 =	sand.u32 $0xFFFFF80, s30  }
0x2cd: {  	[tilespmem:s31], [sflag:$0x1] =	stream.linear.gather [hbm4b:s29+s6], $0x400, $0x38;
	[tilespmem:$0x11780] =	vst v63  }
0x2ce: {  	s28 =	sshrl.u32 s28, $0x3;
	s29 =	sadd.s32 s2, s0;
	s31 =	simm.s32 $0xB500  }
0x2cf: {  	[tilespmem:s31], [sflag:$0x1] =	stream.linear.gather [hbm4b:s29+s6], $0x400, $0x38;
	[tilespmem:$0x11780] =	vst v63  }
0x2d0: {  	s28 =	sand.u32 $0x1FFFFFF0, s28;
	s29 =	sadd.s32 $0xF4280, s29;
	s31 =	simm.s32 $0xB900  }
0x2d1: {  	[tilespmem:s31], [sflag:$0x1] =	stream.linear.gather [hbm4b:s29+s6], $0x400, $0x38;
	[tilespmem:$0x11780] =	vst v63  }
0x2d2: {  	s28 =	sadd.s32 s3, s28;
	s30 =	sshrl.u32 s30, $0x3;
	s0 =	simm.s32 $0x10800  }
0x2d3: {  	[tilespmem:s0], [sflag:$0x1] =	stream.linear.gather [hbm4b:s28+s6], $0x80, $0x38;
	[tilespmem:$0x11780] =	vst v63  }
0x2d4: {  	s28 =	sand.u32 $0x1FFFFFF0, s30  }
0x2d5: {  	s0 =	simm.s32 $0x11000;
	s28 =	sadd.s32 s5, s28  }
0x2d6: {  	[tilespmem:s0], [sflag:$0x1] =	stream.linear.gather [hbm4b:s28+s6], $0x80, $0x38;
	[tilespmem:$0x11780] =	vst v63  }
0x2d7: {  	s29 =	spop (v2sf)  }
0x2d8: {  	s30 =	sand.u32 $0xFFFFF80, s29  }
0x2d9: {  	s0 =	simm.s32 $0x3D00;
	s28 =	sadd.s32 s1, s30;
	s30 =	spop (v2sf)  }
0x2da: {  	[tilespmem:s0], [sflag:$0x1] =	stream.linear.gather [hbm4b:s28+s6], $0x400, $0x38;
	[tilespmem:$0x11780] =	vst v63  }
0x2db: {  	s31 =	simm.s32 $0x4100;
	s28 =	sadd.s32 $0xF4280, s28;
	s0 =	sand.u32 $0xFFFFF80, s30  }
0x2dc: {  	[tilespmem:s31], [sflag:$0x1] =	stream.linear.gather [hbm4b:s28+s6], $0x400, $0x38;
	[tilespmem:$0x11780] =	vst v63  }
0x2dd: {  	s28 =	sadd.s32 s2, s0;
	s31 =	simm.s32 $0xBD00  }
0x2de: {  	[tilespmem:s31], [sflag:$0x1] =	stream.linear.gather [hbm4b:s28+s6], $0x400, $0x38;
	[tilespmem:$0x11780] =	vst v63  }
0x2df: {  	s29 =	sshrl.u32 s29, $0x3;
	s28 =	sadd.s32 $0xF4280, s28;
	s31 =	simm.s32 $0xC100  }
0x2e0: {  	[tilespmem:s31], [sflag:$0x1] =	stream.linear.gather [hbm4b:s28+s6], $0x400, $0x38;
	[tilespmem:$0x11780] =	vst v63  }
0x2e1: {  	s0 =	simm.s32 $0x10880;
	s28 =	sand.u32 $0x1FFFFFF0, s29  }
.Ltmp5:
0x2e2: {  	s29 =	sshrl.u32 s30, $0x3;
	s28 =	sadd.s32 s3, s28;
	(pc) =	sbr.rel .LBB2_4-.Ltmp5, $4  }
0x2e3: {  	[tilespmem:s0], [sflag:$0x1] =	stream.linear.gather [hbm4b:s28+s6], $0x80, $0x38;
	[tilespmem:$0x11780] =	vst v63  }
0x2e4: {  	s28 =	sand.u32 $0x1FFFFFF0, s29  }
0x2e5: {  	s31 =	simm.s32 $0x4500;
	s30 =	simm.s32 $0x11080;
	s28 =	sadd.s32 s5, s28  }
0x2e6: {  	[tilespmem:s30], [sflag:$0x1] =	stream.linear.gather [hbm4b:s28+s6], $0x80, $0x38;
	[tilespmem:$0x11780] =	vst v63  }
.LBB2_6:
0x2e7: {  	_ =	sfence.sel $0x180000  }
0x2e8: {  	[bflag:$0x0] =	sbarrier.arrive $0xFFFF  }
0x2e9: {  	_ =	strace $0x90000047  }
0x2ea: {  	s0 =	stileid.u32;
	[bflag:$0x2] =	sbarrier.arrive $0xFFFF  }
0x2eb: {  	p0 =	sne.s32 s0, $0x0;
	s0 =	rddreg [dreg:$0x6]  }
0x2ec: {  	s0 =	sadd.s32 @!p0 $0x100000, s0  }
0x2ed: {  	[sflag:s0] =	ssyncadd.tile.s32 @!p0 $0x1;
	_ =	shalt  }
.Lfunc_end2:
_tile_overlayer_lowered:
.L_overlay_start_2:
0x2ee: {  	(tag) =	ssettag $0x2  }
0x2ef: {  	s0 =	rddreg [dreg:$0x0];
	s2 =	stileid.u32  }
0x2f0: {  	s1 =	rddreg [dreg:$0x1];
	p0 =	sne.s32 s2, $0x0  }
0x2f1: {  	s3 =	rddreg [dreg:$0x2];
	[bflag:$0x3] =	sbarrier.arrive $0xFFFF;
	s2 =	simm.s32 @!p0 $0x1C03  }
0x2f2: {  	[timem:s3], [sflag:s2] =	dma.local @!p0 [hbm:s0], s1  }
0x2f3: {  	s0 =	simm.s32 @!p0 $0x3  }
0x2f4: {  	_ =	swait.ge @!p0 [sflag:s0], s1  }
0x2f5: {  	s1 =	ssub.s32 @!p0 $0x0, s1;
	[sflag:s0] =	ssyncset.done @!p0 $0x0  }
0x2f6: {  	[sflag:s0] =	ssyncadd.s32 @!p0 s1  }
0x2f7: {  	[bflag:$0x3] =	sbarrier.arrive $0xFFFF  }
0x2f8: {  	_ =	shalt  }

</sc_bundles>
